<compile_context>
chip_gen: v7x
topology: tpu7x:2x2x1
jax: 0.10.2.dev20260603
libtpu: 0.0.44.dev20260713+nightly
codegen_flags: <defaults>
</compile_context>

<pallas_src>
import functools

import jax
import jax.numpy as jnp
from jax import lax
from jax.experimental import pallas as pl
from jax.experimental.pallas import tpu as pltpu
from jax.experimental.pallas import tpu_sc as plsc

N = 10000
E = 320000
D = 128
H = 128
C = 16
G = 64

NC = 2
NS = 16
NW = NC * NS
EPW = E // NW
K = 80
STEPS = EPW // K

EPWP = 10240
PAD = EPWP - EPW
SSTEPS = EPWP // K
SB = 16
NSUP = SSTEPS // SB

RPS_A = 632
RPS_B = N - 15 * RPS_A

DEGW = 128


def _sc_mesh():
    return plsc.VectorSubcoreMesh(core_axis_name="c", subcore_axis_name="s")


def _each_subcore_rows(s, fn):

    @pl.when(s < NS - 1)
    def _():
        fn(s * RPS_A, RPS_A)

    @pl.when(s == NS - 1)
    def _():
        fn((NS - 1) * RPS_A, RPS_B)



def _sc_deg(dstm, zer, ones):

    @functools.partial(
        pl.kernel,
        mesh=_sc_mesh(),
        out_type=jax.ShapeDtypeStruct((NC, N, DEGW), jnp.float32),
        scratch_types=[
            pltpu.VMEM((STEPS, K), jnp.int32),
            pltpu.VMEM((K, DEGW), jnp.float32),
            pltpu.VMEM_SHARED((N, DEGW), jnp.float32),
        ],
    )
    def deg_kernel(dst_hbm, zer_hbm, ones_hbm, out_hbm, dst_v, ones_v, acc):
        c = lax.axis_index("c")
        s = lax.axis_index("s")
        wid = s * NC + c
        pltpu.sync_copy(dst_hbm.at[wid], dst_v)
        pltpu.sync_copy(ones_hbm, ones_v)
        _each_subcore_rows(s, lambda off, ln: pltpu.sync_copy(
            zer_hbm.at[pl.ds(off, ln)], acc.at[pl.ds(off, ln)]))
        plsc.subcore_barrier()

        def body(j, carry):
            pltpu.sync_copy(ones_v, acc.at[dst_v.at[j]], add=True)
            return carry

        lax.fori_loop(0, STEPS, body, 0)
        plsc.subcore_barrier()
        _each_subcore_rows(s, lambda off, ln: pltpu.sync_copy(
            acc.at[pl.ds(off, ln)], out_hbm.at[c, pl.ds(off, ln)]))

    return deg_kernel(dstm, zer, ones)


def _sc_scatter(hp, srcp, dstp, zer):

    @functools.partial(
        pl.kernel,
        mesh=_sc_mesh(),
        out_type=jax.ShapeDtypeStruct((NC, N, H), jnp.float32),
        scratch_types=[
            pltpu.VMEM((SB, K), jnp.int32),
            pltpu.VMEM((SB, K), jnp.int32),
            pltpu.VMEM((K, H), jnp.float32),
            pltpu.VMEM((K, H), jnp.float32),
            pltpu.VMEM((K, H), jnp.float32),
            pltpu.VMEM((K, H), jnp.float32),
            pltpu.VMEM_SHARED((N + 8, H), jnp.float32),
            pltpu.SemaphoreType.DMA,
            pltpu.SemaphoreType.DMA,
            pltpu.SemaphoreType.DMA,
            pltpu.SemaphoreType.DMA,
            pltpu.SemaphoreType.DMA,
            pltpu.SemaphoreType.DMA,
        ],
    )
    def scat_kernel(hp_hbm, src_hbm, dst_hbm, zer_hbm, out_hbm,
                    sidx, didx, rows0, rows1, rows2, rows3, acc,
                    gsem0, gsem1, gsem2, gsem3, ssem0, ssem1):
        c = lax.axis_index("c")
        s = lax.axis_index("s")
        wid = s * NC + c
        rows = (rows0, rows1, rows2, rows3)
        gsems = (gsem0, gsem1, gsem2, gsem3)
        ssems = (ssem0, ssem1)

        _each_subcore_rows(s, lambda off, ln: pltpu.sync_copy(
            zer_hbm.at[pl.ds(off, ln)], acc.at[pl.ds(off, ln)]))
        plsc.subcore_barrier()

        def block(bo, carry):
            base = wid * SSTEPS + bo * SB
            pltpu.sync_copy(src_hbm.at[pl.ds(base, SB)], sidx)
            pltpu.sync_copy(dst_hbm.at[pl.ds(base, SB)], didx)
            cps = [None] * SB
            scps = [None] * SB
            for i in range(SB):
                if i == 0:
                    for a in range(3):
                        cps[a] = pltpu.make_async_copy(
                            hp_hbm.at[sidx.at[a]], rows[a % 4], gsems[a % 4])
                        cps[a].start()
                if i + 3 < SB:
                    if i >= 1:
                        scps[i - 1].wait()
                    cps[i + 3] = pltpu.make_async_copy(
                        hp_hbm.at[sidx.at[i + 3]],
                        rows[(i + 3) % 4], gsems[(i + 3) % 4])
                    cps[i + 3].start()
                cps[i].wait()
                scps[i] = pltpu.async_copy(rows[i % 4], acc.at[didx.at[i]],
                                           ssems[i % 2], add=True)
            for i in range(SB - 4, SB):
                scps[i].wait()
            return carry

        lax.fori_loop(0, NSUP, block, 0)
        plsc.subcore_barrier()
        _each_subcore_rows(s, lambda off, ln: pltpu.sync_copy(
            acc.at[pl.ds(off, ln)], out_hbm.at[c, pl.ds(off, ln)]))

    return scat_kernel(hp, srcp, dstp, zer)



def _tc_prep(x, degp, W1):

    def body(x_ref, degp_ref, w_ref, hp_ref, dinv_ref):
        deg = degp_ref[0, :, 0:1] + degp_ref[1, :, 0:1] + 1.0
        dinv = lax.rsqrt(deg)
        xc = jnp.nan_to_num(x_ref[...], nan=0.0, posinf=1e6, neginf=-1e6)
        h = jnp.dot(xc, w_ref[...], preferred_element_type=jnp.float32)
        hp_ref[...] = dinv * h
        dinv_ref[...] = dinv

    return pl.pallas_call(
        body,
        out_shape=(jax.ShapeDtypeStruct((N, H), jnp.float32),
                   jax.ShapeDtypeStruct((N, 1), jnp.float32)),
    )(x, degp, W1)


def _bn_relu(pre, g, be):
    mu = jnp.mean(pre, axis=0, keepdims=True)
    cen = pre - mu
    var = jnp.mean(cen * cen, axis=0, keepdims=True)
    return jnp.maximum(cen * lax.rsqrt(var + 1e-5) * g + be, 0.0)


def _tc_mid(a, hp, dinv, b, g, be, Wn):

    def body(a_ref, hp_ref, dinv_ref, b_ref, g_ref, be_ref, w_ref, out_ref):
        dinv = dinv_ref[...]
        pre = dinv * (a_ref[0] + a_ref[1] + hp_ref[...]) + b_ref[...]
        h = _bn_relu(pre, g_ref[...], be_ref[...])
        out_ref[...] = dinv * jnp.dot(h, w_ref[...],
                                      preferred_element_type=jnp.float32)

    return pl.pallas_call(
        body,
        out_shape=jax.ShapeDtypeStruct((N, H), jnp.float32),
    )(a, hp, dinv, b, g, be, Wn)


def _tc_final(a, hp, dinv, b, g, be, batr, fW1, fb1, fW2, fb2):

    def body(a_ref, hp_ref, dinv_ref, b_ref, g_ref, be_ref, bat_ref,
             fw1_ref, fb1_ref, fw2_ref, fb2_ref, out_ref):
        dinv = dinv_ref[...]
        pre = dinv * (a_ref[0] + a_ref[1] + hp_ref[...]) + b_ref[...]
        h = _bn_relu(pre, g_ref[...], be_ref[...])
        seg = lax.broadcasted_iota(jnp.int32, (G, 1), 0)
        oh = (seg == bat_ref[...]).astype(jnp.float32)
        sums = jnp.dot(oh, h, preferred_element_type=jnp.float32)
        cnts = jnp.sum(oh, axis=1, keepdims=True)
        pooled = sums / jnp.maximum(cnts, 1.0)
        p1 = jnp.maximum(
            jnp.dot(pooled, fw1_ref[...], preferred_element_type=jnp.float32)
            + fb1_ref[...], 0.0)
        out_ref[...] = jnp.dot(p1, fw2_ref[...],
                               preferred_element_type=jnp.float32) + fb2_ref[...]

    return pl.pallas_call(
        body,
        out_shape=jax.ShapeDtypeStruct((G, C), jnp.float32),
    )(a, hp, dinv, b, g, be, batr, fW1, fb1, fW2, fb2)



def kernel(x, edge_index, batch, W1, b1, W2, b2, W3, b3,
           g1, be1, g2, be2, g3, be3, fW1, fb1, fW2, fb2):
    pad_s = jnp.broadcast_to((jnp.arange(PAD, dtype=jnp.int32) % 8)[None],
                             (NW, PAD))
    pad_d = pad_s + N
    srcp = jnp.concatenate([edge_index[0].reshape(NW, EPW), pad_s],
                           axis=1).reshape(NW * SSTEPS, K)
    dstp = jnp.concatenate([edge_index[1].reshape(NW, EPW), pad_d],
                           axis=1).reshape(NW * SSTEPS, K)
    dstm = edge_index[1].reshape(NW, STEPS, K)
    batr = batch.reshape(1, N)
    zer_nh = jnp.zeros((N, H), jnp.float32)
    zer_nd = jnp.zeros((N, DEGW), jnp.float32)
    ones_kd = jnp.ones((K, DEGW), jnp.float32)

    degp = _sc_deg(dstm, zer_nd, ones_kd)
    hp1, dinv = _tc_prep(x, degp, W1)
    a1 = _sc_scatter(hp1, srcp, dstp, zer_nh)
    hp2 = _tc_mid(a1, hp1, dinv, b1, g1, be1, W2)
    a2 = _sc_scatter(hp2, srcp, dstp, zer_nh)
    hp3 = _tc_mid(a2, hp2, dinv, b2, g2, be2, W3)
    a3 = _sc_scatter(hp3, srcp, dstp, zer_nh)
    return _tc_final(a3, hp3, dinv, b3, g3, be3, batr, fW1, fb1, fW2, fb2)

# --- scband reference (transcript-rebuilt; emitter-appended) ---
"""Pipeline reference for scband-go-gmcmodel-51668456571193 (READ-ONLY COPY).

The authoritative reference and input builder live on the scoring server;
editing this copy changes nothing except your own understanding.
"""

import jax, jax.numpy as jnp
import numpy as np

N = 10000
E = 320000
D = 128
H = 128
C = 16
G = 64

def _lin(k, fi, fo):
    s = 1.0 / np.sqrt(fi)
    kw, kb = jax.random.split(k)
    W = jax.random.uniform(kw, (fi, fo), minval=-s, maxval=s, dtype=jnp.float32)
    b = jax.random.uniform(kb, (fo,), minval=-s, maxval=s, dtype=jnp.float32)
    return W, b

def setup_inputs(seed: int = 0):
    key = jax.random.key(seed)
    ks = jax.random.split(key, 10)
    inp = {}
    inp['x'] = jax.random.normal(ks[0], (N, D), dtype=jnp.float32)
    inp['edge_index'] = jax.random.randint(ks[1], (2, E), 0, N)
    inp['batch'] = jnp.sort(jax.random.randint(ks[2], (N,), 0, G))
    inp['W1'], inp['b1'] = _lin(ks[3], D, H)
    inp['W2'], inp['b2'] = _lin(ks[4], H, H)
    inp['W3'], inp['b3'] = _lin(ks[5], H, H)
    inp['g1'] = jnp.ones((H,), jnp.float32); inp['be1'] = jnp.zeros((H,), jnp.float32)
    inp['g2'] = jnp.ones((H,), jnp.float32); inp['be2'] = jnp.zeros((H,), jnp.float32)
    inp['g3'] = jnp.ones((H,), jnp.float32); inp['be3'] = jnp.zeros((H,), jnp.float32)
    inp['fW1'], inp['fb1'] = _lin(ks[6], H, H // 2)
    inp['fW2'], inp['fb2'] = _lin(ks[7], H // 2, C)
    return inp

def gcn_conv(x, src, dst, W, b):
    n = x.shape[0]
    loop = jnp.arange(n)
    s = jnp.concatenate([src, loop])
    d = jnp.concatenate([dst, loop])
    deg = jnp.zeros((n,), jnp.float32).at[d].add(1.0)
    dinv = jnp.where(deg > 0, jax.lax.rsqrt(jnp.maximum(deg, 1e-12)), 0.0)
    norm = dinv[s] * dinv[d]
    h = x @ W
    out = jnp.zeros((n, W.shape[1]), jnp.float32).at[d].add(norm[:, None] * h[s])
    return out + b

def batch_norm(x, g, b, eps=1e-5):
    mu = jnp.mean(x, axis=0)
    var = jnp.var(x, axis=0)
    return (x - mu) * jax.lax.rsqrt(var + eps) * g + b

def reference(x, edge_index, batch, W1, b1, W2, b2, W3, b3, g1, be1, g2, be2, g3, be3, fW1, fb1, fW2, fb2):
    x = jnp.nan_to_num(x, nan=0.0, posinf=1000000.0, neginf=-1000000.0)
    src = edge_index[0]
    dst = edge_index[1]
    h = jax.nn.relu(batch_norm(gcn_conv(x, src, dst, W1, b1), g1, be1))
    h = jax.nn.relu(batch_norm(gcn_conv(h, src, dst, W2, b2), g2, be2))
    h = jax.nn.relu(batch_norm(gcn_conv(h, src, dst, W3, b3), g3, be3))
    sums = jax.ops.segment_sum(h, batch, num_segments=G)
    cnts = jax.ops.segment_sum(jnp.ones((h.shape[0],), jnp.float32), batch, num_segments=G)
    pooled = sums / jnp.maximum(cnts, 1.0)[:, None]
    h = jax.nn.relu(pooled @ fW1 + fb1)
    return h @ fW2 + fb2

if __name__ == "__main__":
    import jax
    _d = setup_inputs()
    print(jax.jit(kernel)(*tuple(_d.values())))

</pallas_src>

<mosaic_0001>
#map = affine_map<(d0, d1) -> (0, 0)>
#map1 = affine_map<(d0, d1) -> (0, 0, 0)>
module attributes {stable_mosaic.version = 14 : i64} {
  func.func @scat_kernel(%arg0: i32, %arg1: i32, %arg2: memref<10000x128xf32, #tpu.memory_space<hbm>>, %arg3: memref<4096x80xi32, #tpu.memory_space<hbm>>, %arg4: memref<4096x80xi32, #tpu.memory_space<hbm>>, %arg5: memref<10000x128xf32, #tpu.memory_space<hbm>>, %arg6: memref<2x10000x128xf32, #tpu.memory_space<hbm>>, %arg7: memref<16x80xi32, #tpu.memory_space<vmem>>, %arg8: memref<16x80xi32, #tpu.memory_space<vmem>>, %arg9: memref<80x128xf32, #tpu.memory_space<vmem>>, %arg10: memref<80x128xf32, #tpu.memory_space<vmem>>, %arg11: memref<80x128xf32, #tpu.memory_space<vmem>>, %arg12: memref<80x128xf32, #tpu.memory_space<vmem>>, %arg13: memref<10008x128xf32, #tpu.memory_space<vmem_shared>>, %arg14: memref<!tpu.dma_semaphore, #tpu.memory_space<semaphore_mem>>, %arg15: memref<!tpu.dma_semaphore, #tpu.memory_space<semaphore_mem>>, %arg16: memref<!tpu.dma_semaphore, #tpu.memory_space<semaphore_mem>>, %arg17: memref<!tpu.dma_semaphore, #tpu.memory_space<semaphore_mem>>, %arg18: memref<!tpu.dma_semaphore, #tpu.memory_space<semaphore_mem>>, %arg19: memref<!tpu.dma_semaphore, #tpu.memory_space<semaphore_mem>>) attributes {dimension_semantics = [#tpu.dimension_semantics<core_parallel>, #tpu.dimension_semantics<subcore_parallel>], iteration_bounds = array<i64: 2, 16>, scalar_prefetch = 0 : i64, scratch_operands = 13 : i64, tpu.core_type = #tpu.core_type<sc_vector_subcore>, window_params = [{transform_indices = #map}, {transform_indices = #map}, {transform_indices = #map}, {transform_indices = #map}, {transform_indices = #map1}]} {
    %mul3A = arith.constant 2 : i32
    %mul3A_0 = arith.muli %arg1, %mul3A : i32
    %add3A = arith.addi %mul3A_0, %arg0 : i32
    %lt3A = arith.constant 15 : i32
    %lt3A_1 = arith.cmpi slt, %arg1, %lt3A : i32
    %convert_element_type3A = arith.extui %lt3A_1 : i1 to i32
    %cond3A = arith.constant 0 : i32
    %cond3A_2 = arith.cmpi ne, %convert_element_type3A, %cond3A : i32
    scf.if %cond3A_2 {
      %mul3A_23 = arith.constant 632 : i32
      %mul3A_24 = arith.muli %arg1, %mul3A_23 : i32
      "tpu.region"() ({
        %run_scoped3A = tpu.sem_alloc : memref<!tpu.dma_semaphore, #tpu.memory_space<semaphore_mem>>
        %dma_start3A = arith.constant 0 : i32
        %dma_start3A_25 = tpu.memref_slice %arg13[%mul3A_24, %dma_start3A] : memref<10008x128xf32, #tpu.memory_space<vmem_shared>> -> memref<632x128xf32, #tpu.memory_space<vmem_shared>>
        %dma_start3A_26 = arith.constant 0 : i32
        %dma_start3A_27 = tpu.memref_slice %arg5[%mul3A_24, %dma_start3A_26] : memref<10000x128xf32, #tpu.memory_space<hbm>> -> memref<632x128xf32, #tpu.memory_space<hbm>>
        tpu.enqueue_dma source(%dma_start3A_27 : memref<632x128xf32, #tpu.memory_space<hbm>>) target(%dma_start3A_25 : memref<632x128xf32, #tpu.memory_space<vmem_shared>>) target_semaphore(%run_scoped3A : memref<!tpu.dma_semaphore, #tpu.memory_space<semaphore_mem>>)
        %dma_wait3A = arith.constant 0 : i32
        %dma_wait3A_28 = tpu.memref_slice %arg13[%mul3A_24, %dma_wait3A] : memref<10008x128xf32, #tpu.memory_space<vmem_shared>> -> memref<632x128xf32, #tpu.memory_space<vmem_shared>>
        %dma_wait3A_29 = arith.constant 0 : i32
        %dma_wait3A_30 = tpu.memref_slice %arg5[%mul3A_24, %dma_wait3A_29] : memref<10000x128xf32, #tpu.memory_space<hbm>> -> memref<632x128xf32, #tpu.memory_space<hbm>>
        tpu.wait_dma2 semaphore(%run_scoped3A : memref<!tpu.dma_semaphore, #tpu.memory_space<semaphore_mem>>) src(%dma_wait3A_30 : memref<632x128xf32, #tpu.memory_space<hbm>>) dst(%dma_wait3A_28 : memref<632x128xf32, #tpu.memory_space<vmem_shared>>)
        tpu.yield
      }) : () -> ()
    } else {
    }
    %eq3A = arith.constant 15 : i32
    %eq3A_3 = arith.cmpi eq, %arg1, %eq3A : i32
    %convert_element_type3A_4 = arith.extui %eq3A_3 : i1 to i32
    %cond3A_5 = arith.constant 0 : i32
    %cond3A_6 = arith.cmpi ne, %convert_element_type3A_4, %cond3A_5 : i32
    scf.if %cond3A_6 {
      "tpu.region"() ({
        %run_scoped3A = tpu.sem_alloc : memref<!tpu.dma_semaphore, #tpu.memory_space<semaphore_mem>>
        %dma_start3A = arith.constant 9480 : i32
        %dma_start3A_23 = arith.constant 0 : i32
        %dma_start3A_24 = tpu.memref_slice %arg13[%dma_start3A, %dma_start3A_23] : memref<10008x128xf32, #tpu.memory_space<vmem_shared>> -> memref<520x128xf32, #tpu.memory_space<vmem_shared>>
        %dma_start3A_25 = arith.constant 9480 : i32
        %dma_start3A_26 = arith.constant 0 : i32
        %dma_start3A_27 = tpu.memref_slice %arg5[%dma_start3A_25, %dma_start3A_26] : memref<10000x128xf32, #tpu.memory_space<hbm>> -> memref<520x128xf32, #tpu.memory_space<hbm>>
        tpu.enqueue_dma source(%dma_start3A_27 : memref<520x128xf32, #tpu.memory_space<hbm>>) target(%dma_start3A_24 : memref<520x128xf32, #tpu.memory_space<vmem_shared>>) target_semaphore(%run_scoped3A : memref<!tpu.dma_semaphore, #tpu.memory_space<semaphore_mem>>)
        %dma_wait3A = arith.constant 9480 : i32
        %dma_wait3A_28 = arith.constant 0 : i32
        %dma_wait3A_29 = tpu.memref_slice %arg13[%dma_wait3A, %dma_wait3A_28] : memref<10008x128xf32, #tpu.memory_space<vmem_shared>> -> memref<520x128xf32, #tpu.memory_space<vmem_shared>>
        %dma_wait3A_30 = arith.constant 9480 : i32
        %dma_wait3A_31 = arith.constant 0 : i32
        %dma_wait3A_32 = tpu.memref_slice %arg5[%dma_wait3A_30, %dma_wait3A_31] : memref<10000x128xf32, #tpu.memory_space<hbm>> -> memref<520x128xf32, #tpu.memory_space<hbm>>
        tpu.wait_dma2 semaphore(%run_scoped3A : memref<!tpu.dma_semaphore, #tpu.memory_space<semaphore_mem>>) src(%dma_wait3A_32 : memref<520x128xf32, #tpu.memory_space<hbm>>) dst(%dma_wait3A_29 : memref<520x128xf32, #tpu.memory_space<vmem_shared>>)
        tpu.yield
      }) : () -> ()
    } else {
    }
    %barrier3A = arith.constant 0 : index
    tpu.barrier barrier_id(%barrier3A)
    %scan3A = arith.constant 0 : i32
    %scan3A_7 = arith.constant 0 : i32
    %scan3A_8 = arith.constant 8 : i32
    %scan3A_9 = arith.addi %scan3A_7, %scan3A_8 : i32
    %scan3A_10 = arith.constant 1 : i32
    scf.for %scan3A_23 = %scan3A_7 to %scan3A_9 step %scan3A_10  : i32 {
      %mul3A_24 = arith.constant 128 : i32
      %mul3A_25 = arith.muli %add3A, %mul3A_24 : i32
      %mul3A_26 = arith.constant 16 : i32
      %mul3A_27 = arith.muli %scan3A_23, %mul3A_26 : i32
      %add3A_28 = arith.addi %mul3A_25, %mul3A_27 : i32
      "tpu.region"() ({
        %run_scoped3A = tpu.sem_alloc : memref<!tpu.dma_semaphore, #tpu.memory_space<semaphore_mem>>
        %dma_start3A_475 = arith.constant 0 : i32
        %dma_start3A_476 = tpu.memref_slice %arg3[%add3A_28, %dma_start3A_475] : memref<4096x80xi32, #tpu.memory_space<hbm>> -> memref<16x80xi32, #tpu.memory_space<hbm>>
        %dma_start3A_477 = arith.constant 0 : i32
        %dma_start3A_478 = tpu.memref_slice %arg3[%add3A_28, %dma_start3A_477] : memref<4096x80xi32, #tpu.memory_space<hbm>> -> memref<16x80xi32, #tpu.memory_space<hbm>>
        tpu.enqueue_dma source(%dma_start3A_478 : memref<16x80xi32, #tpu.memory_space<hbm>>) target(%arg7 : memref<16x80xi32, #tpu.memory_space<vmem>>) target_semaphore(%run_scoped3A : memref<!tpu.dma_semaphore, #tpu.memory_space<semaphore_mem>>)
        %dma_wait3A_479 = arith.constant 0 : i32
        %dma_wait3A_480 = tpu.memref_slice %arg3[%add3A_28, %dma_wait3A_479] : memref<4096x80xi32, #tpu.memory_space<hbm>> -> memref<16x80xi32, #tpu.memory_space<hbm>>
        %dma_wait3A_481 = arith.constant 0 : i32
        %dma_wait3A_482 = tpu.memref_slice %arg3[%add3A_28, %dma_wait3A_481] : memref<4096x80xi32, #tpu.memory_space<hbm>> -> memref<16x80xi32, #tpu.memory_space<hbm>>
        tpu.wait_dma2 semaphore(%run_scoped3A : memref<!tpu.dma_semaphore, #tpu.memory_space<semaphore_mem>>) src(%dma_wait3A_482 : memref<16x80xi32, #tpu.memory_space<hbm>>) dst(%arg7 : memref<16x80xi32, #tpu.memory_space<vmem>>)
        tpu.yield
      }) : () -> ()
      "tpu.region"() ({
        %run_scoped3A = tpu.sem_alloc : memref<!tpu.dma_semaphore, #tpu.memory_space<semaphore_mem>>
        %dma_start3A_475 = arith.constant 0 : i32
        %dma_start3A_476 = tpu.memref_slice %arg4[%add3A_28, %dma_start3A_475] : memref<4096x80xi32, #tpu.memory_space<hbm>> -> memref<16x80xi32, #tpu.memory_space<hbm>>
        %dma_start3A_477 = arith.constant 0 : i32
        %dma_start3A_478 = tpu.memref_slice %arg4[%add3A_28, %dma_start3A_477] : memref<4096x80xi32, #tpu.memory_space<hbm>> -> memref<16x80xi32, #tpu.memory_space<hbm>>
        tpu.enqueue_dma source(%dma_start3A_478 : memref<16x80xi32, #tpu.memory_space<hbm>>) target(%arg8 : memref<16x80xi32, #tpu.memory_space<vmem>>) target_semaphore(%run_scoped3A : memref<!tpu.dma_semaphore, #tpu.memory_space<semaphore_mem>>)
        %dma_wait3A_479 = arith.constant 0 : i32
        %dma_wait3A_480 = tpu.memref_slice %arg4[%add3A_28, %dma_wait3A_479] : memref<4096x80xi32, #tpu.memory_space<hbm>> -> memref<16x80xi32, #tpu.memory_space<hbm>>
        %dma_wait3A_481 = arith.constant 0 : i32
        %dma_wait3A_482 = tpu.memref_slice %arg4[%add3A_28, %dma_wait3A_481] : memref<4096x80xi32, #tpu.memory_space<hbm>> -> memref<16x80xi32, #tpu.memory_space<hbm>>
        tpu.wait_dma2 semaphore(%run_scoped3A : memref<!tpu.dma_semaphore, #tpu.memory_space<semaphore_mem>>) src(%dma_wait3A_482 : memref<16x80xi32, #tpu.memory_space<hbm>>) dst(%arg8 : memref<16x80xi32, #tpu.memory_space<vmem>>)
        tpu.yield
      }) : () -> ()
      %dma_start3A = arith.constant 0 : i32
      %dma_start3A_29 = arith.constant 0 : i32
      %dma_start3A_30 = tpu.memref_slice %arg7[%dma_start3A, %dma_start3A_29] : memref<16x80xi32, #tpu.memory_space<vmem>> -> memref<1x80xi32, #tpu.memory_space<vmem>>
      %dma_start3A_31 = tpu.memref_squeeze %dma_start3A_30 : memref<1x80xi32, #tpu.memory_space<vmem>> -> memref<80xi32, #tpu.memory_space<vmem>>
      %dma_start3A_32 = arith.constant 0 : i32
      %dma_start3A_33 = arith.constant 0 : i32
      %dma_start3A_34 = tpu.memref_slice %arg2[%dma_start3A_32, %dma_start3A_33] : memref<10000x128xf32, #tpu.memory_space<hbm>> -> memref<10000x128xf32, #tpu.memory_space<hbm>>
      tpu.enqueue_indirect_dma source(%dma_start3A_34 : memref<10000x128xf32, #tpu.memory_space<hbm>>) target(%arg9 : memref<80x128xf32, #tpu.memory_space<vmem>>) offsets(%dma_start3A_31 : memref<80xi32, #tpu.memory_space<vmem>>) semaphore(%arg14 : memref<!tpu.dma_semaphore, #tpu.memory_space<semaphore_mem>>)
      %dma_start3A_35 = arith.constant 1 : i32
      %dma_start3A_36 = arith.constant 0 : i32
      %dma_start3A_37 = tpu.memref_slice %arg7[%dma_start3A_35, %dma_start3A_36] : memref<16x80xi32, #tpu.memory_space<vmem>> -> memref<1x80xi32, #tpu.memory_space<vmem>>
      %dma_start3A_38 = tpu.memref_squeeze %dma_start3A_37 : memref<1x80xi32, #tpu.memory_space<vmem>> -> memref<80xi32, #tpu.memory_space<vmem>>
      %dma_start3A_39 = arith.constant 0 : i32
      %dma_start3A_40 = arith.constant 0 : i32
      %dma_start3A_41 = tpu.memref_slice %arg2[%dma_start3A_39, %dma_start3A_40] : memref<10000x128xf32, #tpu.memory_space<hbm>> -> memref<10000x128xf32, #tpu.memory_space<hbm>>
      tpu.enqueue_indirect_dma source(%dma_start3A_41 : memref<10000x128xf32, #tpu.memory_space<hbm>>) target(%arg10 : memref<80x128xf32, #tpu.memory_space<vmem>>) offsets(%dma_start3A_38 : memref<80xi32, #tpu.memory_space<vmem>>) semaphore(%arg15 : memref<!tpu.dma_semaphore, #tpu.memory_space<semaphore_mem>>)
      %dma_start3A_42 = arith.constant 2 : i32
      %dma_start3A_43 = arith.constant 0 : i32
      %dma_start3A_44 = tpu.memref_slice %arg7[%dma_start3A_42, %dma_start3A_43] : memref<16x80xi32, #tpu.memory_space<vmem>> -> memref<1x80xi32, #tpu.memory_space<vmem>>
      %dma_start3A_45 = tpu.memref_squeeze %dma_start3A_44 : memref<1x80xi32, #tpu.memory_space<vmem>> -> memref<80xi32, #tpu.memory_space<vmem>>
      %dma_start3A_46 = arith.constant 0 : i32
      %dma_start3A_47 = arith.constant 0 : i32
      %dma_start3A_48 = tpu.memref_slice %arg2[%dma_start3A_46, %dma_start3A_47] : memref<10000x128xf32, #tpu.memory_space<hbm>> -> memref<10000x128xf32, #tpu.memory_space<hbm>>
      tpu.enqueue_indirect_dma source(%dma_start3A_48 : memref<10000x128xf32, #tpu.memory_space<hbm>>) target(%arg11 : memref<80x128xf32, #tpu.memory_space<vmem>>) offsets(%dma_start3A_45 : memref<80xi32, #tpu.memory_space<vmem>>) semaphore(%arg16 : memref<!tpu.dma_semaphore, #tpu.memory_space<semaphore_mem>>)
      %dma_start3A_49 = arith.constant 3 : i32
      %dma_start3A_50 = arith.constant 0 : i32
      %dma_start3A_51 = tpu.memref_slice %arg7[%dma_start3A_49, %dma_start3A_50] : memref<16x80xi32, #tpu.memory_space<vmem>> -> memref<1x80xi32, #tpu.memory_space<vmem>>
      %dma_start3A_52 = tpu.memref_squeeze %dma_start3A_51 : memref<1x80xi32, #tpu.memory_space<vmem>> -> memref<80xi32, #tpu.memory_space<vmem>>
      %dma_start3A_53 = arith.constant 0 : i32
      %dma_start3A_54 = arith.constant 0 : i32
      %dma_start3A_55 = tpu.memref_slice %arg2[%dma_start3A_53, %dma_start3A_54] : memref<10000x128xf32, #tpu.memory_space<hbm>> -> memref<10000x128xf32, #tpu.memory_space<hbm>>
      tpu.enqueue_indirect_dma source(%dma_start3A_55 : memref<10000x128xf32, #tpu.memory_space<hbm>>) target(%arg12 : memref<80x128xf32, #tpu.memory_space<vmem>>) offsets(%dma_start3A_52 : memref<80xi32, #tpu.memory_space<vmem>>) semaphore(%arg17 : memref<!tpu.dma_semaphore, #tpu.memory_space<semaphore_mem>>)
      %dma_wait3A = arith.constant 0 : i32
      %dma_wait3A_56 = arith.constant 0 : i32
      %dma_wait3A_57 = tpu.memref_slice %arg7[%dma_wait3A, %dma_wait3A_56] : memref<16x80xi32, #tpu.memory_space<vmem>> -> memref<1x80xi32, #tpu.memory_space<vmem>>
      %dma_wait3A_58 = tpu.memref_squeeze %dma_wait3A_57 : memref<1x80xi32, #tpu.memory_space<vmem>> -> memref<80xi32, #tpu.memory_space<vmem>>
      %dma_wait3A_59 = arith.constant 0 : i32
      %dma_wait3A_60 = arith.constant 0 : i32
      %dma_wait3A_61 = tpu.memref_slice %arg2[%dma_wait3A_59, %dma_wait3A_60] : memref<10000x128xf32, #tpu.memory_space<hbm>> -> memref<10000x128xf32, #tpu.memory_space<hbm>>
      tpu.wait_indirect_dma semaphore(%arg14 : memref<!tpu.dma_semaphore, #tpu.memory_space<semaphore_mem>>) src(%dma_wait3A_61 : memref<10000x128xf32, #tpu.memory_space<hbm>>) dst(%arg9 : memref<80x128xf32, #tpu.memory_space<vmem>>)
      %dma_start3A_62 = arith.constant 0 : i32
      %dma_start3A_63 = arith.constant 0 : i32
      %dma_start3A_64 = tpu.memref_slice %arg8[%dma_start3A_62, %dma_start3A_63] : memref<16x80xi32, #tpu.memory_space<vmem>> -> memref<1x80xi32, #tpu.memory_space<vmem>>
      %dma_start3A_65 = tpu.memref_squeeze %dma_start3A_64 : memref<1x80xi32, #tpu.memory_space<vmem>> -> memref<80xi32, #tpu.memory_space<vmem>>
      %dma_start3A_66 = arith.constant 0 : i32
      %dma_start3A_67 = arith.constant 0 : i32
      %dma_start3A_68 = tpu.memref_slice %arg13[%dma_start3A_66, %dma_start3A_67] : memref<10008x128xf32, #tpu.memory_space<vmem_shared>> -> memref<10008x128xf32, #tpu.memory_space<vmem_shared>>
      tpu.enqueue_indirect_dma source(%arg9 : memref<80x128xf32, #tpu.memory_space<vmem>>) target(%dma_start3A_68 : memref<10008x128xf32, #tpu.memory_space<vmem_shared>>) offsets(%dma_start3A_65 : memref<80xi32, #tpu.memory_space<vmem>>) semaphore(%arg18 : memref<!tpu.dma_semaphore, #tpu.memory_space<semaphore_mem>>) {add = true}
      %dma_wait3A_69 = arith.constant 0 : i32
      %dma_wait3A_70 = arith.constant 0 : i32
      %dma_wait3A_71 = tpu.memref_slice %arg8[%dma_wait3A_69, %dma_wait3A_70] : memref<16x80xi32, #tpu.memory_space<vmem>> -> memref<1x80xi32, #tpu.memory_space<vmem>>
      %dma_wait3A_72 = tpu.memref_squeeze %dma_wait3A_71 : memref<1x80xi32, #tpu.memory_space<vmem>> -> memref<80xi32, #tpu.memory_space<vmem>>
      %dma_wait3A_73 = arith.constant 0 : i32
      %dma_wait3A_74 = arith.constant 0 : i32
      %dma_wait3A_75 = tpu.memref_slice %arg13[%dma_wait3A_73, %dma_wait3A_74] : memref<10008x128xf32, #tpu.memory_space<vmem_shared>> -> memref<10008x128xf32, #tpu.memory_space<vmem_shared>>
      tpu.wait_indirect_dma semaphore(%arg18 : memref<!tpu.dma_semaphore, #tpu.memory_space<semaphore_mem>>) src(%arg9 : memref<80x128xf32, #tpu.memory_space<vmem>>) dst(%dma_wait3A_75 : memref<10008x128xf32, #tpu.memory_space<vmem_shared>>)
      %dma_start3A_76 = arith.constant 4 : i32
      %dma_start3A_77 = arith.constant 0 : i32
      %dma_start3A_78 = tpu.memref_slice %arg7[%dma_start3A_76, %dma_start3A_77] : memref<16x80xi32, #tpu.memory_space<vmem>> -> memref<1x80xi32, #tpu.memory_space<vmem>>
      %dma_start3A_79 = tpu.memref_squeeze %dma_start3A_78 : memref<1x80xi32, #tpu.memory_space<vmem>> -> memref<80xi32, #tpu.memory_space<vmem>>
      %dma_start3A_80 = arith.constant 0 : i32
      %dma_start3A_81 = arith.constant 0 : i32
      %dma_start3A_82 = tpu.memref_slice %arg2[%dma_start3A_80, %dma_start3A_81] : memref<10000x128xf32, #tpu.memory_space<hbm>> -> memref<10000x128xf32, #tpu.memory_space<hbm>>
      tpu.enqueue_indirect_dma source(%dma_start3A_82 : memref<10000x128xf32, #tpu.memory_space<hbm>>) target(%arg9 : memref<80x128xf32, #tpu.memory_space<vmem>>) offsets(%dma_start3A_79 : memref<80xi32, #tpu.memory_space<vmem>>) semaphore(%arg14 : memref<!tpu.dma_semaphore, #tpu.memory_space<semaphore_mem>>)
      %dma_wait3A_83 = arith.constant 1 : i32
      %dma_wait3A_84 = arith.constant 0 : i32
      %dma_wait3A_85 = tpu.memref_slice %arg7[%dma_wait3A_83, %dma_wait3A_84] : memref<16x80xi32, #tpu.memory_space<vmem>> -> memref<1x80xi32, #tpu.memory_space<vmem>>
      %dma_wait3A_86 = tpu.memref_squeeze %dma_wait3A_85 : memref<1x80xi32, #tpu.memory_space<vmem>> -> memref<80xi32, #tpu.memory_space<vmem>>
      %dma_wait3A_87 = arith.constant 0 : i32
      %dma_wait3A_88 = arith.constant 0 : i32
      %dma_wait3A_89 = tpu.memref_slice %arg2[%dma_wait3A_87, %dma_wait3A_88] : memref<10000x128xf32, #tpu.memory_space<hbm>> -> memref<10000x128xf32, #tpu.memory_space<hbm>>
      tpu.wait_indirect_dma semaphore(%arg15 : memref<!tpu.dma_semaphore, #tpu.memory_space<semaphore_mem>>) src(%dma_wait3A_89 : memref<10000x128xf32, #tpu.memory_space<hbm>>) dst(%arg10 : memref<80x128xf32, #tpu.memory_space<vmem>>)
      %dma_start3A_90 = arith.constant 1 : i32
      %dma_start3A_91 = arith.constant 0 : i32
      %dma_start3A_92 = tpu.memref_slice %arg8[%dma_start3A_90, %dma_start3A_91] : memref<16x80xi32, #tpu.memory_space<vmem>> -> memref<1x80xi32, #tpu.memory_space<vmem>>
      %dma_start3A_93 = tpu.memref_squeeze %dma_start3A_92 : memref<1x80xi32, #tpu.memory_space<vmem>> -> memref<80xi32, #tpu.memory_space<vmem>>
      %dma_start3A_94 = arith.constant 0 : i32
      %dma_start3A_95 = arith.constant 0 : i32
      %dma_start3A_96 = tpu.memref_slice %arg13[%dma_start3A_94, %dma_start3A_95] : memref<10008x128xf32, #tpu.memory_space<vmem_shared>> -> memref<10008x128xf32, #tpu.memory_space<vmem_shared>>
      tpu.enqueue_indirect_dma source(%arg10 : memref<80x128xf32, #tpu.memory_space<vmem>>) target(%dma_start3A_96 : memref<10008x128xf32, #tpu.memory_space<vmem_shared>>) offsets(%dma_start3A_93 : memref<80xi32, #tpu.memory_space<vmem>>) semaphore(%arg19 : memref<!tpu.dma_semaphore, #tpu.memory_space<semaphore_mem>>) {add = true}
      %dma_wait3A_97 = arith.constant 1 : i32
      %dma_wait3A_98 = arith.constant 0 : i32
      %dma_wait3A_99 = tpu.memref_slice %arg8[%dma_wait3A_97, %dma_wait3A_98] : memref<16x80xi32, #tpu.memory_space<vmem>> -> memref<1x80xi32, #tpu.memory_space<vmem>>
      %dma_wait3A_100 = tpu.memref_squeeze %dma_wait3A_99 : memref<1x80xi32, #tpu.memory_space<vmem>> -> memref<80xi32, #tpu.memory_space<vmem>>
      %dma_wait3A_101 = arith.constant 0 : i32
      %dma_wait3A_102 = arith.constant 0 : i32
      %dma_wait3A_103 = tpu.memref_slice %arg13[%dma_wait3A_101, %dma_wait3A_102] : memref<10008x128xf32, #tpu.memory_space<vmem_shared>> -> memref<10008x128xf32, #tpu.memory_space<vmem_shared>>
      tpu.wait_indirect_dma semaphore(%arg19 : memref<!tpu.dma_semaphore, #tpu.memory_space<semaphore_mem>>) src(%arg10 : memref<80x128xf32, #tpu.memory_space<vmem>>) dst(%dma_wait3A_103 : memref<10008x128xf32, #tpu.memory_space<vmem_shared>>)
      %dma_start3A_104 = arith.constant 5 : i32
      %dma_start3A_105 = arith.constant 0 : i32
      %dma_start3A_106 = tpu.memref_slice %arg7[%dma_start3A_104, %dma_start3A_105] : memref<16x80xi32, #tpu.memory_space<vmem>> -> memref<1x80xi32, #tpu.memory_space<vmem>>
      %dma_start3A_107 = tpu.memref_squeeze %dma_start3A_106 : memref<1x80xi32, #tpu.memory_space<vmem>> -> memref<80xi32, #tpu.memory_space<vmem>>
      %dma_start3A_108 = arith.constant 0 : i32
      %dma_start3A_109 = arith.constant 0 : i32
      %dma_start3A_110 = tpu.memref_slice %arg2[%dma_start3A_108, %dma_start3A_109] : memref<10000x128xf32, #tpu.memory_space<hbm>> -> memref<10000x128xf32, #tpu.memory_space<hbm>>
      tpu.enqueue_indirect_dma source(%dma_start3A_110 : memref<10000x128xf32, #tpu.memory_space<hbm>>) target(%arg10 : memref<80x128xf32, #tpu.memory_space<vmem>>) offsets(%dma_start3A_107 : memref<80xi32, #tpu.memory_space<vmem>>) semaphore(%arg15 : memref<!tpu.dma_semaphore, #tpu.memory_space<semaphore_mem>>)
      %dma_wait3A_111 = arith.constant 2 : i32
      %dma_wait3A_112 = arith.constant 0 : i32
      %dma_wait3A_113 = tpu.memref_slice %arg7[%dma_wait3A_111, %dma_wait3A_112] : memref<16x80xi32, #tpu.memory_space<vmem>> -> memref<1x80xi32, #tpu.memory_space<vmem>>
      %dma_wait3A_114 = tpu.memref_squeeze %dma_wait3A_113 : memref<1x80xi32, #tpu.memory_space<vmem>> -> memref<80xi32, #tpu.memory_space<vmem>>
      %dma_wait3A_115 = arith.constant 0 : i32
      %dma_wait3A_116 = arith.constant 0 : i32
      %dma_wait3A_117 = tpu.memref_slice %arg2[%dma_wait3A_115, %dma_wait3A_116] : memref<10000x128xf32, #tpu.memory_space<hbm>> -> memref<10000x128xf32, #tpu.memory_space<hbm>>
      tpu.wait_indirect_dma semaphore(%arg16 : memref<!tpu.dma_semaphore, #tpu.memory_space<semaphore_mem>>) src(%dma_wait3A_117 : memref<10000x128xf32, #tpu.memory_space<hbm>>) dst(%arg11 : memref<80x128xf32, #tpu.memory_space<vmem>>)
      %dma_start3A_118 = arith.constant 2 : i32
      %dma_start3A_119 = arith.constant 0 : i32
      %dma_start3A_120 = tpu.memref_slice %arg8[%dma_start3A_118, %dma_start3A_119] : memref<16x80xi32, #tpu.memory_space<vmem>> -> memref<1x80xi32, #tpu.memory_space<vmem>>
      %dma_start3A_121 = tpu.memref_squeeze %dma_start3A_120 : memref<1x80xi32, #tpu.memory_space<vmem>> -> memref<80xi32, #tpu.memory_space<vmem>>
      %dma_start3A_122 = arith.constant 0 : i32
      %dma_start3A_123 = arith.constant 0 : i32
      %dma_start3A_124 = tpu.memref_slice %arg13[%dma_start3A_122, %dma_start3A_123] : memref<10008x128xf32, #tpu.memory_space<vmem_shared>> -> memref<10008x128xf32, #tpu.memory_space<vmem_shared>>
      tpu.enqueue_indirect_dma source(%arg11 : memref<80x128xf32, #tpu.memory_space<vmem>>) target(%dma_start3A_124 : memref<10008x128xf32, #tpu.memory_space<vmem_shared>>) offsets(%dma_start3A_121 : memref<80xi32, #tpu.memory_space<vmem>>) semaphore(%arg18 : memref<!tpu.dma_semaphore, #tpu.memory_space<semaphore_mem>>) {add = true}
      %dma_wait3A_125 = arith.constant 2 : i32
      %dma_wait3A_126 = arith.constant 0 : i32
      %dma_wait3A_127 = tpu.memref_slice %arg8[%dma_wait3A_125, %dma_wait3A_126] : memref<16x80xi32, #tpu.memory_space<vmem>> -> memref<1x80xi32, #tpu.memory_space<vmem>>
      %dma_wait3A_128 = tpu.memref_squeeze %dma_wait3A_127 : memref<1x80xi32, #tpu.memory_space<vmem>> -> memref<80xi32, #tpu.memory_space<vmem>>
      %dma_wait3A_129 = arith.constant 0 : i32
      %dma_wait3A_130 = arith.constant 0 : i32
      %dma_wait3A_131 = tpu.memref_slice %arg13[%dma_wait3A_129, %dma_wait3A_130] : memref<10008x128xf32, #tpu.memory_space<vmem_shared>> -> memref<10008x128xf32, #tpu.memory_space<vmem_shared>>
      tpu.wait_indirect_dma semaphore(%arg18 : memref<!tpu.dma_semaphore, #tpu.memory_space<semaphore_mem>>) src(%arg11 : memref<80x128xf32, #tpu.memory_space<vmem>>) dst(%dma_wait3A_131 : memref<10008x128xf32, #tpu.memory_space<vmem_shared>>)
      %dma_start3A_132 = arith.constant 6 : i32
      %dma_start3A_133 = arith.constant 0 : i32
      %dma_start3A_134 = tpu.memref_slice %arg7[%dma_start3A_132, %dma_start3A_133] : memref<16x80xi32, #tpu.memory_space<vmem>> -> memref<1x80xi32, #tpu.memory_space<vmem>>
      %dma_start3A_135 = tpu.memref_squeeze %dma_start3A_134 : memref<1x80xi32, #tpu.memory_space<vmem>> -> memref<80xi32, #tpu.memory_space<vmem>>
      %dma_start3A_136 = arith.constant 0 : i32
      %dma_start3A_137 = arith.constant 0 : i32
      %dma_start3A_138 = tpu.memref_slice %arg2[%dma_start3A_136, %dma_start3A_137] : memref<10000x128xf32, #tpu.memory_space<hbm>> -> memref<10000x128xf32, #tpu.memory_space<hbm>>
      tpu.enqueue_indirect_dma source(%dma_start3A_138 : memref<10000x128xf32, #tpu.memory_space<hbm>>) target(%arg11 : memref<80x128xf32, #tpu.memory_space<vmem>>) offsets(%dma_start3A_135 : memref<80xi32, #tpu.memory_space<vmem>>) semaphore(%arg16 : memref<!tpu.dma_semaphore, #tpu.memory_space<semaphore_mem>>)
      %dma_wait3A_139 = arith.constant 3 : i32
      %dma_wait3A_140 = arith.constant 0 : i32
      %dma_wait3A_141 = tpu.memref_slice %arg7[%dma_wait3A_139, %dma_wait3A_140] : memref<16x80xi32, #tpu.memory_space<vmem>> -> memref<1x80xi32, #tpu.memory_space<vmem>>
      %dma_wait3A_142 = tpu.memref_squeeze %dma_wait3A_141 : memref<1x80xi32, #tpu.memory_space<vmem>> -> memref<80xi32, #tpu.memory_space<vmem>>
      %dma_wait3A_143 = arith.constant 0 : i32
      %dma_wait3A_144 = arith.constant 0 : i32
      %dma_wait3A_145 = tpu.memref_slice %arg2[%dma_wait3A_143, %dma_wait3A_144] : memref<10000x128xf32, #tpu.memory_space<hbm>> -> memref<10000x128xf32, #tpu.memory_space<hbm>>
      tpu.wait_indirect_dma semaphore(%arg17 : memref<!tpu.dma_semaphore, #tpu.memory_space<semaphore_mem>>) src(%dma_wait3A_145 : memref<10000x128xf32, #tpu.memory_space<hbm>>) dst(%arg12 : memref<80x128xf32, #tpu.memory_space<vmem>>)
      %dma_start3A_146 = arith.constant 3 : i32
      %dma_start3A_147 = arith.constant 0 : i32
      %dma_start3A_148 = tpu.memref_slice %arg8[%dma_start3A_146, %dma_start3A_147] : memref<16x80xi32, #tpu.memory_space<vmem>> -> memref<1x80xi32, #tpu.memory_space<vmem>>
      %dma_start3A_149 = tpu.memref_squeeze %dma_start3A_148 : memref<1x80xi32, #tpu.memory_space<vmem>> -> memref<80xi32, #tpu.memory_space<vmem>>
      %dma_start3A_150 = arith.constant 0 : i32
      %dma_start3A_151 = arith.constant 0 : i32
      %dma_start3A_152 = tpu.memref_slice %arg13[%dma_start3A_150, %dma_start3A_151] : memref<10008x128xf32, #tpu.memory_space<vmem_shared>> -> memref<10008x128xf32, #tpu.memory_space<vmem_shared>>
      tpu.enqueue_indirect_dma source(%arg12 : memref<80x128xf32, #tpu.memory_space<vmem>>) target(%dma_start3A_152 : memref<10008x128xf32, #tpu.memory_space<vmem_shared>>) offsets(%dma_start3A_149 : memref<80xi32, #tpu.memory_space<vmem>>) semaphore(%arg19 : memref<!tpu.dma_semaphore, #tpu.memory_space<semaphore_mem>>) {add = true}
      %dma_wait3A_153 = arith.constant 3 : i32
      %dma_wait3A_154 = arith.constant 0 : i32
      %dma_wait3A_155 = tpu.memref_slice %arg8[%dma_wait3A_153, %dma_wait3A_154] : memref<16x80xi32, #tpu.memory_space<vmem>> -> memref<1x80xi32, #tpu.memory_space<vmem>>
      %dma_wait3A_156 = tpu.memref_squeeze %dma_wait3A_155 : memref<1x80xi32, #tpu.memory_space<vmem>> -> memref<80xi32, #tpu.memory_space<vmem>>
      %dma_wait3A_157 = arith.constant 0 : i32
      %dma_wait3A_158 = arith.constant 0 : i32
      %dma_wait3A_159 = tpu.memref_slice %arg13[%dma_wait3A_157, %dma_wait3A_158] : memref<10008x128xf32, #tpu.memory_space<vmem_shared>> -> memref<10008x128xf32, #tpu.memory_space<vmem_shared>>
      tpu.wait_indirect_dma semaphore(%arg19 : memref<!tpu.dma_semaphore, #tpu.memory_space<semaphore_mem>>) src(%arg12 : memref<80x128xf32, #tpu.memory_space<vmem>>) dst(%dma_wait3A_159 : memref<10008x128xf32, #tpu.memory_space<vmem_shared>>)
      %dma_start3A_160 = arith.constant 7 : i32
      %dma_start3A_161 = arith.constant 0 : i32
      %dma_start3A_162 = tpu.memref_slice %arg7[%dma_start3A_160, %dma_start3A_161] : memref<16x80xi32, #tpu.memory_space<vmem>> -> memref<1x80xi32, #tpu.memory_space<vmem>>
      %dma_start3A_163 = tpu.memref_squeeze %dma_start3A_162 : memref<1x80xi32, #tpu.memory_space<vmem>> -> memref<80xi32, #tpu.memory_space<vmem>>
      %dma_start3A_164 = arith.constant 0 : i32
      %dma_start3A_165 = arith.constant 0 : i32
      %dma_start3A_166 = tpu.memref_slice %arg2[%dma_start3A_164, %dma_start3A_165] : memref<10000x128xf32, #tpu.memory_space<hbm>> -> memref<10000x128xf32, #tpu.memory_space<hbm>>
      tpu.enqueue_indirect_dma source(%dma_start3A_166 : memref<10000x128xf32, #tpu.memory_space<hbm>>) target(%arg12 : memref<80x128xf32, #tpu.memory_space<vmem>>) offsets(%dma_start3A_163 : memref<80xi32, #tpu.memory_space<vmem>>) semaphore(%arg17 : memref<!tpu.dma_semaphore, #tpu.memory_space<semaphore_mem>>)
      %dma_wait3A_167 = arith.constant 4 : i32
      %dma_wait3A_168 = arith.constant 0 : i32
      %dma_wait3A_169 = tpu.memref_slice %arg7[%dma_wait3A_167, %dma_wait3A_168] : memref<16x80xi32, #tpu.memory_space<vmem>> -> memref<1x80xi32, #tpu.memory_space<vmem>>
      %dma_wait3A_170 = tpu.memref_squeeze %dma_wait3A_169 : memref<1x80xi32, #tpu.memory_space<vmem>> -> memref<80xi32, #tpu.memory_space<vmem>>
      %dma_wait3A_171 = arith.constant 0 : i32
      %dma_wait3A_172 = arith.constant 0 : i32
      %dma_wait3A_173 = tpu.memref_slice %arg2[%dma_wait3A_171, %dma_wait3A_172] : memref<10000x128xf32, #tpu.memory_space<hbm>> -> memref<10000x128xf32, #tpu.memory_space<hbm>>
      tpu.wait_indirect_dma semaphore(%arg14 : memref<!tpu.dma_semaphore, #tpu.memory_space<semaphore_mem>>) src(%dma_wait3A_173 : memref<10000x128xf32, #tpu.memory_space<hbm>>) dst(%arg9 : memref<80x128xf32, #tpu.memory_space<vmem>>)
      %dma_start3A_174 = arith.constant 4 : i32
      %dma_start3A_175 = arith.constant 0 : i32
      %dma_start3A_176 = tpu.memref_slice %arg8[%dma_start3A_174, %dma_start3A_175] : memref<16x80xi32, #tpu.memory_space<vmem>> -> memref<1x80xi32, #tpu.memory_space<vmem>>
      %dma_start3A_177 = tpu.memref_squeeze %dma_start3A_176 : memref<1x80xi32, #tpu.memory_space<vmem>> -> memref<80xi32, #tpu.memory_space<vmem>>
      %dma_start3A_178 = arith.constant 0 : i32
      %dma_start3A_179 = arith.constant 0 : i32
      %dma_start3A_180 = tpu.memref_slice %arg13[%dma_start3A_178, %dma_start3A_179] : memref<10008x128xf32, #tpu.memory_space<vmem_shared>> -> memref<10008x128xf32, #tpu.memory_space<vmem_shared>>
      tpu.enqueue_indirect_dma source(%arg9 : memref<80x128xf32, #tpu.memory_space<vmem>>) target(%dma_start3A_180 : memref<10008x128xf32, #tpu.memory_space<vmem_shared>>) offsets(%dma_start3A_177 : memref<80xi32, #tpu.memory_space<vmem>>) semaphore(%arg18 : memref<!tpu.dma_semaphore, #tpu.memory_space<semaphore_mem>>) {add = true}
      %dma_wait3A_181 = arith.constant 4 : i32
      %dma_wait3A_182 = arith.constant 0 : i32
      %dma_wait3A_183 = tpu.memref_slice %arg8[%dma_wait3A_181, %dma_wait3A_182] : memref<16x80xi32, #tpu.memory_space<vmem>> -> memref<1x80xi32, #tpu.memory_space<vmem>>
      %dma_wait3A_184 = tpu.memref_squeeze %dma_wait3A_183 : memref<1x80xi32, #tpu.memory_space<vmem>> -> memref<80xi32, #tpu.memory_space<vmem>>
      %dma_wait3A_185 = arith.constant 0 : i32
      %dma_wait3A_186 = arith.constant 0 : i32
      %dma_wait3A_187 = tpu.memref_slice %arg13[%dma_wait3A_185, %dma_wait3A_186] : memref<10008x128xf32, #tpu.memory_space<vmem_shared>> -> memref<10008x128xf32, #tpu.memory_space<vmem_shared>>
      tpu.wait_indirect_dma semaphore(%arg18 : memref<!tpu.dma_semaphore, #tpu.memory_space<semaphore_mem>>) src(%arg9 : memref<80x128xf32, #tpu.memory_space<vmem>>) dst(%dma_wait3A_187 : memref<10008x128xf32, #tpu.memory_space<vmem_shared>>)
      %dma_start3A_188 = arith.constant 8 : i32
      %dma_start3A_189 = arith.constant 0 : i32
      %dma_start3A_190 = tpu.memref_slice %arg7[%dma_start3A_188, %dma_start3A_189] : memref<16x80xi32, #tpu.memory_space<vmem>> -> memref<1x80xi32, #tpu.memory_space<vmem>>
      %dma_start3A_191 = tpu.memref_squeeze %dma_start3A_190 : memref<1x80xi32, #tpu.memory_space<vmem>> -> memref<80xi32, #tpu.memory_space<vmem>>
      %dma_start3A_192 = arith.constant 0 : i32
      %dma_start3A_193 = arith.constant 0 : i32
      %dma_start3A_194 = tpu.memref_slice %arg2[%dma_start3A_192, %dma_start3A_193] : memref<10000x128xf32, #tpu.memory_space<hbm>> -> memref<10000x128xf32, #tpu.memory_space<hbm>>
      tpu.enqueue_indirect_dma source(%dma_start3A_194 : memref<10000x128xf32, #tpu.memory_space<hbm>>) target(%arg9 : memref<80x128xf32, #tpu.memory_space<vmem>>) offsets(%dma_start3A_191 : memref<80xi32, #tpu.memory_space<vmem>>) semaphore(%arg14 : memref<!tpu.dma_semaphore, #tpu.memory_space<semaphore_mem>>)
      %dma_wait3A_195 = arith.constant 5 : i32
      %dma_wait3A_196 = arith.constant 0 : i32
      %dma_wait3A_197 = tpu.memref_slice %arg7[%dma_wait3A_195, %dma_wait3A_196] : memref<16x80xi32, #tpu.memory_space<vmem>> -> memref<1x80xi32, #tpu.memory_space<vmem>>
      %dma_wait3A_198 = tpu.memref_squeeze %dma_wait3A_197 : memref<1x80xi32, #tpu.memory_space<vmem>> -> memref<80xi32, #tpu.memory_space<vmem>>
      %dma_wait3A_199 = arith.constant 0 : i32
      %dma_wait3A_200 = arith.constant 0 : i32
      %dma_wait3A_201 = tpu.memref_slice %arg2[%dma_wait3A_199, %dma_wait3A_200] : memref<10000x128xf32, #tpu.memory_space<hbm>> -> memref<10000x128xf32, #tpu.memory_space<hbm>>
      tpu.wait_indirect_dma semaphore(%arg15 : memref<!tpu.dma_semaphore, #tpu.memory_space<semaphore_mem>>) src(%dma_wait3A_201 : memref<10000x128xf32, #tpu.memory_space<hbm>>) dst(%arg10 : memref<80x128xf32, #tpu.memory_space<vmem>>)
      %dma_start3A_202 = arith.constant 5 : i32
      %dma_start3A_203 = arith.constant 0 : i32
      %dma_start3A_204 = tpu.memref_slice %arg8[%dma_start3A_202, %dma_start3A_203] : memref<16x80xi32, #tpu.memory_space<vmem>> -> memref<1x80xi32, #tpu.memory_space<vmem>>
      %dma_start3A_205 = tpu.memref_squeeze %dma_start3A_204 : memref<1x80xi32, #tpu.memory_space<vmem>> -> memref<80xi32, #tpu.memory_space<vmem>>
      %dma_start3A_206 = arith.constant 0 : i32
      %dma_start3A_207 = arith.constant 0 : i32
      %dma_start3A_208 = tpu.memref_slice %arg13[%dma_start3A_206, %dma_start3A_207] : memref<10008x128xf32, #tpu.memory_space<vmem_shared>> -> memref<10008x128xf32, #tpu.memory_space<vmem_shared>>
      tpu.enqueue_indirect_dma source(%arg10 : memref<80x128xf32, #tpu.memory_space<vmem>>) target(%dma_start3A_208 : memref<10008x128xf32, #tpu.memory_space<vmem_shared>>) offsets(%dma_start3A_205 : memref<80xi32, #tpu.memory_space<vmem>>) semaphore(%arg19 : memref<!tpu.dma_semaphore, #tpu.memory_space<semaphore_mem>>) {add = true}
      %dma_wait3A_209 = arith.constant 5 : i32
      %dma_wait3A_210 = arith.constant 0 : i32
      %dma_wait3A_211 = tpu.memref_slice %arg8[%dma_wait3A_209, %dma_wait3A_210] : memref<16x80xi32, #tpu.memory_space<vmem>> -> memref<1x80xi32, #tpu.memory_space<vmem>>
      %dma_wait3A_212 = tpu.memref_squeeze %dma_wait3A_211 : memref<1x80xi32, #tpu.memory_space<vmem>> -> memref<80xi32, #tpu.memory_space<vmem>>
      %dma_wait3A_213 = arith.constant 0 : i32
      %dma_wait3A_214 = arith.constant 0 : i32
      %dma_wait3A_215 = tpu.memref_slice %arg13[%dma_wait3A_213, %dma_wait3A_214] : memref<10008x128xf32, #tpu.memory_space<vmem_shared>> -> memref<10008x128xf32, #tpu.memory_space<vmem_shared>>
      tpu.wait_indirect_dma semaphore(%arg19 : memref<!tpu.dma_semaphore, #tpu.memory_space<semaphore_mem>>) src(%arg10 : memref<80x128xf32, #tpu.memory_space<vmem>>) dst(%dma_wait3A_215 : memref<10008x128xf32, #tpu.memory_space<vmem_shared>>)
      %dma_start3A_216 = arith.constant 9 : i32
      %dma_start3A_217 = arith.constant 0 : i32
      %dma_start3A_218 = tpu.memref_slice %arg7[%dma_start3A_216, %dma_start3A_217] : memref<16x80xi32, #tpu.memory_space<vmem>> -> memref<1x80xi32, #tpu.memory_space<vmem>>
      %dma_start3A_219 = tpu.memref_squeeze %dma_start3A_218 : memref<1x80xi32, #tpu.memory_space<vmem>> -> memref<80xi32, #tpu.memory_space<vmem>>
      %dma_start3A_220 = arith.constant 0 : i32
      %dma_start3A_221 = arith.constant 0 : i32
      %dma_start3A_222 = tpu.memref_slice %arg2[%dma_start3A_220, %dma_start3A_221] : memref<10000x128xf32, #tpu.memory_space<hbm>> -> memref<10000x128xf32, #tpu.memory_space<hbm>>
      tpu.enqueue_indirect_dma source(%dma_start3A_222 : memref<10000x128xf32, #tpu.memory_space<hbm>>) target(%arg10 : memref<80x128xf32, #tpu.memory_space<vmem>>) offsets(%dma_start3A_219 : memref<80xi32, #tpu.memory_space<vmem>>) semaphore(%arg15 : memref<!tpu.dma_semaphore, #tpu.memory_space<semaphore_mem>>)
      %dma_wait3A_223 = arith.constant 6 : i32
      %dma_wait3A_224 = arith.constant 0 : i32
      %dma_wait3A_225 = tpu.memref_slice %arg7[%dma_wait3A_223, %dma_wait3A_224] : memref<16x80xi32, #tpu.memory_space<vmem>> -> memref<1x80xi32, #tpu.memory_space<vmem>>
      %dma_wait3A_226 = tpu.memref_squeeze %dma_wait3A_225 : memref<1x80xi32, #tpu.memory_space<vmem>> -> memref<80xi32, #tpu.memory_space<vmem>>
      %dma_wait3A_227 = arith.constant 0 : i32
      %dma_wait3A_228 = arith.constant 0 : i32
      %dma_wait3A_229 = tpu.memref_slice %arg2[%dma_wait3A_227, %dma_wait3A_228] : memref<10000x128xf32, #tpu.memory_space<hbm>> -> memref<10000x128xf32, #tpu.memory_space<hbm>>
      tpu.wait_indirect_dma semaphore(%arg16 : memref<!tpu.dma_semaphore, #tpu.memory_space<semaphore_mem>>) src(%dma_wait3A_229 : memref<10000x128xf32, #tpu.memory_space<hbm>>) dst(%arg11 : memref<80x128xf32, #tpu.memory_space<vmem>>)
      %dma_start3A_230 = arith.constant 6 : i32
      %dma_start3A_231 = arith.constant 0 : i32
      %dma_start3A_232 = tpu.memref_slice %arg8[%dma_start3A_230, %dma_start3A_231] : memref<16x80xi32, #tpu.memory_space<vmem>> -> memref<1x80xi32, #tpu.memory_space<vmem>>
      %dma_start3A_233 = tpu.memref_squeeze %dma_start3A_232 : memref<1x80xi32, #tpu.memory_space<vmem>> -> memref<80xi32, #tpu.memory_space<vmem>>
      %dma_start3A_234 = arith.constant 0 : i32
      %dma_start3A_235 = arith.constant 0 : i32
      %dma_start3A_236 = tpu.memref_slice %arg13[%dma_start3A_234, %dma_start3A_235] : memref<10008x128xf32, #tpu.memory_space<vmem_shared>> -> memref<10008x128xf32, #tpu.memory_space<vmem_shared>>
      tpu.enqueue_indirect_dma source(%arg11 : memref<80x128xf32, #tpu.memory_space<vmem>>) target(%dma_start3A_236 : memref<10008x128xf32, #tpu.memory_space<vmem_shared>>) offsets(%dma_start3A_233 : memref<80xi32, #tpu.memory_space<vmem>>) semaphore(%arg18 : memref<!tpu.dma_semaphore, #tpu.memory_space<semaphore_mem>>) {add = true}
      %dma_wait3A_237 = arith.constant 6 : i32
      %dma_wait3A_238 = arith.constant 0 : i32
      %dma_wait3A_239 = tpu.memref_slice %arg8[%dma_wait3A_237, %dma_wait3A_238] : memref<16x80xi32, #tpu.memory_space<vmem>> -> memref<1x80xi32, #tpu.memory_space<vmem>>
      %dma_wait3A_240 = tpu.memref_squeeze %dma_wait3A_239 : memref<1x80xi32, #tpu.memory_space<vmem>> -> memref<80xi32, #tpu.memory_space<vmem>>
      %dma_wait3A_241 = arith.constant 0 : i32
      %dma_wait3A_242 = arith.constant 0 : i32
      %dma_wait3A_243 = tpu.memref_slice %arg13[%dma_wait3A_241, %dma_wait3A_242] : memref<10008x128xf32, #tpu.memory_space<vmem_shared>> -> memref<10008x128xf32, #tpu.memory_space<vmem_shared>>
      tpu.wait_indirect_dma semaphore(%arg18 : memref<!tpu.dma_semaphore, #tpu.memory_space<semaphore_mem>>) src(%arg11 : memref<80x128xf32, #tpu.memory_space<vmem>>) dst(%dma_wait3A_243 : memref<10008x128xf32, #tpu.memory_space<vmem_shared>>)
      %dma_start3A_244 = arith.constant 10 : i32
      %dma_start3A_245 = arith.constant 0 : i32
      %dma_start3A_246 = tpu.memref_slice %arg7[%dma_start3A_244, %dma_start3A_245] : memref<16x80xi32, #tpu.memory_space<vmem>> -> memref<1x80xi32, #tpu.memory_space<vmem>>
      %dma_start3A_247 = tpu.memref_squeeze %dma_start3A_246 : memref<1x80xi32, #tpu.memory_space<vmem>> -> memref<80xi32, #tpu.memory_space<vmem>>
      %dma_start3A_248 = arith.constant 0 : i32
      %dma_start3A_249 = arith.constant 0 : i32
      %dma_start3A_250 = tpu.memref_slice %arg2[%dma_start3A_248, %dma_start3A_249] : memref<10000x128xf32, #tpu.memory_space<hbm>> -> memref<10000x128xf32, #tpu.memory_space<hbm>>
      tpu.enqueue_indirect_dma source(%dma_start3A_250 : memref<10000x128xf32, #tpu.memory_space<hbm>>) target(%arg11 : memref<80x128xf32, #tpu.memory_space<vmem>>) offsets(%dma_start3A_247 : memref<80xi32, #tpu.memory_space<vmem>>) semaphore(%arg16 : memref<!tpu.dma_semaphore, #tpu.memory_space<semaphore_mem>>)
      %dma_wait3A_251 = arith.constant 7 : i32
      %dma_wait3A_252 = arith.constant 0 : i32
      %dma_wait3A_253 = tpu.memref_slice %arg7[%dma_wait3A_251, %dma_wait3A_252] : memref<16x80xi32, #tpu.memory_space<vmem>> -> memref<1x80xi32, #tpu.memory_space<vmem>>
      %dma_wait3A_254 = tpu.memref_squeeze %dma_wait3A_253 : memref<1x80xi32, #tpu.memory_space<vmem>> -> memref<80xi32, #tpu.memory_space<vmem>>
      %dma_wait3A_255 = arith.constant 0 : i32
      %dma_wait3A_256 = arith.constant 0 : i32
      %dma_wait3A_257 = tpu.memref_slice %arg2[%dma_wait3A_255, %dma_wait3A_256] : memref<10000x128xf32, #tpu.memory_space<hbm>> -> memref<10000x128xf32, #tpu.memory_space<hbm>>
      tpu.wait_indirect_dma semaphore(%arg17 : memref<!tpu.dma_semaphore, #tpu.memory_space<semaphore_mem>>) src(%dma_wait3A_257 : memref<10000x128xf32, #tpu.memory_space<hbm>>) dst(%arg12 : memref<80x128xf32, #tpu.memory_space<vmem>>)
      %dma_start3A_258 = arith.constant 7 : i32
      %dma_start3A_259 = arith.constant 0 : i32
      %dma_start3A_260 = tpu.memref_slice %arg8[%dma_start3A_258, %dma_start3A_259] : memref<16x80xi32, #tpu.memory_space<vmem>> -> memref<1x80xi32, #tpu.memory_space<vmem>>
      %dma_start3A_261 = tpu.memref_squeeze %dma_start3A_260 : memref<1x80xi32, #tpu.memory_space<vmem>> -> memref<80xi32, #tpu.memory_space<vmem>>
      %dma_start3A_262 = arith.constant 0 : i32
      %dma_start3A_263 = arith.constant 0 : i32
      %dma_start3A_264 = tpu.memref_slice %arg13[%dma_start3A_262, %dma_start3A_263] : memref<10008x128xf32, #tpu.memory_space<vmem_shared>> -> memref<10008x128xf32, #tpu.memory_space<vmem_shared>>
      tpu.enqueue_indirect_dma source(%arg12 : memref<80x128xf32, #tpu.memory_space<vmem>>) target(%dma_start3A_264 : memref<10008x128xf32, #tpu.memory_space<vmem_shared>>) offsets(%dma_start3A_261 : memref<80xi32, #tpu.memory_space<vmem>>) semaphore(%arg19 : memref<!tpu.dma_semaphore, #tpu.memory_space<semaphore_mem>>) {add = true}
      %dma_wait3A_265 = arith.constant 7 : i32
      %dma_wait3A_266 = arith.constant 0 : i32
      %dma_wait3A_267 = tpu.memref_slice %arg8[%dma_wait3A_265, %dma_wait3A_266] : memref<16x80xi32, #tpu.memory_space<vmem>> -> memref<1x80xi32, #tpu.memory_space<vmem>>
      %dma_wait3A_268 = tpu.memref_squeeze %dma_wait3A_267 : memref<1x80xi32, #tpu.memory_space<vmem>> -> memref<80xi32, #tpu.memory_space<vmem>>
      %dma_wait3A_269 = arith.constant 0 : i32
      %dma_wait3A_270 = arith.constant 0 : i32
      %dma_wait3A_271 = tpu.memref_slice %arg13[%dma_wait3A_269, %dma_wait3A_270] : memref<10008x128xf32, #tpu.memory_space<vmem_shared>> -> memref<10008x128xf32, #tpu.memory_space<vmem_shared>>
      tpu.wait_indirect_dma semaphore(%arg19 : memref<!tpu.dma_semaphore, #tpu.memory_space<semaphore_mem>>) src(%arg12 : memref<80x128xf32, #tpu.memory_space<vmem>>) dst(%dma_wait3A_271 : memref<10008x128xf32, #tpu.memory_space<vmem_shared>>)
      %dma_start3A_272 = arith.constant 11 : i32
      %dma_start3A_273 = arith.constant 0 : i32
      %dma_start3A_274 = tpu.memref_slice %arg7[%dma_start3A_272, %dma_start3A_273] : memref<16x80xi32, #tpu.memory_space<vmem>> -> memref<1x80xi32, #tpu.memory_space<vmem>>
      %dma_start3A_275 = tpu.memref_squeeze %dma_start3A_274 : memref<1x80xi32, #tpu.memory_space<vmem>> -> memref<80xi32, #tpu.memory_space<vmem>>
      %dma_start3A_276 = arith.constant 0 : i32
      %dma_start3A_277 = arith.constant 0 : i32
      %dma_start3A_278 = tpu.memref_slice %arg2[%dma_start3A_276, %dma_start3A_277] : memref<10000x128xf32, #tpu.memory_space<hbm>> -> memref<10000x128xf32, #tpu.memory_space<hbm>>
      tpu.enqueue_indirect_dma source(%dma_start3A_278 : memref<10000x128xf32, #tpu.memory_space<hbm>>) target(%arg12 : memref<80x128xf32, #tpu.memory_space<vmem>>) offsets(%dma_start3A_275 : memref<80xi32, #tpu.memory_space<vmem>>) semaphore(%arg17 : memref<!tpu.dma_semaphore, #tpu.memory_space<semaphore_mem>>)
      %dma_wait3A_279 = arith.constant 8 : i32
      %dma_wait3A_280 = arith.constant 0 : i32
      %dma_wait3A_281 = tpu.memref_slice %arg7[%dma_wait3A_279, %dma_wait3A_280] : memref<16x80xi32, #tpu.memory_space<vmem>> -> memref<1x80xi32, #tpu.memory_space<vmem>>
      %dma_wait3A_282 = tpu.memref_squeeze %dma_wait3A_281 : memref<1x80xi32, #tpu.memory_space<vmem>> -> memref<80xi32, #tpu.memory_space<vmem>>
      %dma_wait3A_283 = arith.constant 0 : i32
      %dma_wait3A_284 = arith.constant 0 : i32
      %dma_wait3A_285 = tpu.memref_slice %arg2[%dma_wait3A_283, %dma_wait3A_284] : memref<10000x128xf32, #tpu.memory_space<hbm>> -> memref<10000x128xf32, #tpu.memory_space<hbm>>
      tpu.wait_indirect_dma semaphore(%arg14 : memref<!tpu.dma_semaphore, #tpu.memory_space<semaphore_mem>>) src(%dma_wait3A_285 : memref<10000x128xf32, #tpu.memory_space<hbm>>) dst(%arg9 : memref<80x128xf32, #tpu.memory_space<vmem>>)
      %dma_start3A_286 = arith.constant 8 : i32
      %dma_start3A_287 = arith.constant 0 : i32
      %dma_start3A_288 = tpu.memref_slice %arg8[%dma_start3A_286, %dma_start3A_287] : memref<16x80xi32, #tpu.memory_space<vmem>> -> memref<1x80xi32, #tpu.memory_space<vmem>>
      %dma_start3A_289 = tpu.memref_squeeze %dma_start3A_288 : memref<1x80xi32, #tpu.memory_space<vmem>> -> memref<80xi32, #tpu.memory_space<vmem>>
      %dma_start3A_290 = arith.constant 0 : i32
      %dma_start3A_291 = arith.constant 0 : i32
      %dma_start3A_292 = tpu.memref_slice %arg13[%dma_start3A_290, %dma_start3A_291] : memref<10008x128xf32, #tpu.memory_space<vmem_shared>> -> memref<10008x128xf32, #tpu.memory_space<vmem_shared>>
      tpu.enqueue_indirect_dma source(%arg9 : memref<80x128xf32, #tpu.memory_space<vmem>>) target(%dma_start3A_292 : memref<10008x128xf32, #tpu.memory_space<vmem_shared>>) offsets(%dma_start3A_289 : memref<80xi32, #tpu.memory_space<vmem>>) semaphore(%arg18 : memref<!tpu.dma_semaphore, #tpu.memory_space<semaphore_mem>>) {add = true}
      %dma_wait3A_293 = arith.constant 8 : i32
      %dma_wait3A_294 = arith.constant 0 : i32
      %dma_wait3A_295 = tpu.memref_slice %arg8[%dma_wait3A_293, %dma_wait3A_294] : memref<16x80xi32, #tpu.memory_space<vmem>> -> memref<1x80xi32, #tpu.memory_space<vmem>>
      %dma_wait3A_296 = tpu.memref_squeeze %dma_wait3A_295 : memref<1x80xi32, #tpu.memory_space<vmem>> -> memref<80xi32, #tpu.memory_space<vmem>>
      %dma_wait3A_297 = arith.constant 0 : i32
      %dma_wait3A_298 = arith.constant 0 : i32
      %dma_wait3A_299 = tpu.memref_slice %arg13[%dma_wait3A_297, %dma_wait3A_298] : memref<10008x128xf32, #tpu.memory_space<vmem_shared>> -> memref<10008x128xf32, #tpu.memory_space<vmem_shared>>
      tpu.wait_indirect_dma semaphore(%arg18 : memref<!tpu.dma_semaphore, #tpu.memory_space<semaphore_mem>>) src(%arg9 : memref<80x128xf32, #tpu.memory_space<vmem>>) dst(%dma_wait3A_299 : memref<10008x128xf32, #tpu.memory_space<vmem_shared>>)
      %dma_start3A_300 = arith.constant 12 : i32
      %dma_start3A_301 = arith.constant 0 : i32
      %dma_start3A_302 = tpu.memref_slice %arg7[%dma_start3A_300, %dma_start3A_301] : memref<16x80xi32, #tpu.memory_space<vmem>> -> memref<1x80xi32, #tpu.memory_space<vmem>>
      %dma_start3A_303 = tpu.memref_squeeze %dma_start3A_302 : memref<1x80xi32, #tpu.memory_space<vmem>> -> memref<80xi32, #tpu.memory_space<vmem>>
      %dma_start3A_304 = arith.constant 0 : i32
      %dma_start3A_305 = arith.constant 0 : i32
      %dma_start3A_306 = tpu.memref_slice %arg2[%dma_start3A_304, %dma_start3A_305] : memref<10000x128xf32, #tpu.memory_space<hbm>> -> memref<10000x128xf32, #tpu.memory_space<hbm>>
      tpu.enqueue_indirect_dma source(%dma_start3A_306 : memref<10000x128xf32, #tpu.memory_space<hbm>>) target(%arg9 : memref<80x128xf32, #tpu.memory_space<vmem>>) offsets(%dma_start3A_303 : memref<80xi32, #tpu.memory_space<vmem>>) semaphore(%arg14 : memref<!tpu.dma_semaphore, #tpu.memory_space<semaphore_mem>>)
      %dma_wait3A_307 = arith.constant 9 : i32
      %dma_wait3A_308 = arith.constant 0 : i32
      %dma_wait3A_309 = tpu.memref_slice %arg7[%dma_wait3A_307, %dma_wait3A_308] : memref<16x80xi32, #tpu.memory_space<vmem>> -> memref<1x80xi32, #tpu.memory_space<vmem>>
      %dma_wait3A_310 = tpu.memref_squeeze %dma_wait3A_309 : memref<1x80xi32, #tpu.memory_space<vmem>> -> memref<80xi32, #tpu.memory_space<vmem>>
      %dma_wait3A_311 = arith.constant 0 : i32
      %dma_wait3A_312 = arith.constant 0 : i32
      %dma_wait3A_313 = tpu.memref_slice %arg2[%dma_wait3A_311, %dma_wait3A_312] : memref<10000x128xf32, #tpu.memory_space<hbm>> -> memref<10000x128xf32, #tpu.memory_space<hbm>>
      tpu.wait_indirect_dma semaphore(%arg15 : memref<!tpu.dma_semaphore, #tpu.memory_space<semaphore_mem>>) src(%dma_wait3A_313 : memref<10000x128xf32, #tpu.memory_space<hbm>>) dst(%arg10 : memref<80x128xf32, #tpu.memory_space<vmem>>)
      %dma_start3A_314 = arith.constant 9 : i32
      %dma_start3A_315 = arith.constant 0 : i32
      %dma_start3A_316 = tpu.memref_slice %arg8[%dma_start3A_314, %dma_start3A_315] : memref<16x80xi32, #tpu.memory_space<vmem>> -> memref<1x80xi32, #tpu.memory_space<vmem>>
      %dma_start3A_317 = tpu.memref_squeeze %dma_start3A_316 : memref<1x80xi32, #tpu.memory_space<vmem>> -> memref<80xi32, #tpu.memory_space<vmem>>
      %dma_start3A_318 = arith.constant 0 : i32
      %dma_start3A_319 = arith.constant 0 : i32
      %dma_start3A_320 = tpu.memref_slice %arg13[%dma_start3A_318, %dma_start3A_319] : memref<10008x128xf32, #tpu.memory_space<vmem_shared>> -> memref<10008x128xf32, #tpu.memory_space<vmem_shared>>
      tpu.enqueue_indirect_dma source(%arg10 : memref<80x128xf32, #tpu.memory_space<vmem>>) target(%dma_start3A_320 : memref<10008x128xf32, #tpu.memory_space<vmem_shared>>) offsets(%dma_start3A_317 : memref<80xi32, #tpu.memory_space<vmem>>) semaphore(%arg19 : memref<!tpu.dma_semaphore, #tpu.memory_space<semaphore_mem>>) {add = true}
      %dma_wait3A_321 = arith.constant 9 : i32
      %dma_wait3A_322 = arith.constant 0 : i32
      %dma_wait3A_323 = tpu.memref_slice %arg8[%dma_wait3A_321, %dma_wait3A_322] : memref<16x80xi32, #tpu.memory_space<vmem>> -> memref<1x80xi32, #tpu.memory_space<vmem>>
      %dma_wait3A_324 = tpu.memref_squeeze %dma_wait3A_323 : memref<1x80xi32, #tpu.memory_space<vmem>> -> memref<80xi32, #tpu.memory_space<vmem>>
      %dma_wait3A_325 = arith.constant 0 : i32
      %dma_wait3A_326 = arith.constant 0 : i32
      %dma_wait3A_327 = tpu.memref_slice %arg13[%dma_wait3A_325, %dma_wait3A_326] : memref<10008x128xf32, #tpu.memory_space<vmem_shared>> -> memref<10008x128xf32, #tpu.memory_space<vmem_shared>>
      tpu.wait_indirect_dma semaphore(%arg19 : memref<!tpu.dma_semaphore, #tpu.memory_space<semaphore_mem>>) src(%arg10 : memref<80x128xf32, #tpu.memory_space<vmem>>) dst(%dma_wait3A_327 : memref<10008x128xf32, #tpu.memory_space<vmem_shared>>)
      %dma_start3A_328 = arith.constant 13 : i32
      %dma_start3A_329 = arith.constant 0 : i32
      %dma_start3A_330 = tpu.memref_slice %arg7[%dma_start3A_328, %dma_start3A_329] : memref<16x80xi32, #tpu.memory_space<vmem>> -> memref<1x80xi32, #tpu.memory_space<vmem>>
      %dma_start3A_331 = tpu.memref_squeeze %dma_start3A_330 : memref<1x80xi32, #tpu.memory_space<vmem>> -> memref<80xi32, #tpu.memory_space<vmem>>
      %dma_start3A_332 = arith.constant 0 : i32
      %dma_start3A_333 = arith.constant 0 : i32
      %dma_start3A_334 = tpu.memref_slice %arg2[%dma_start3A_332, %dma_start3A_333] : memref<10000x128xf32, #tpu.memory_space<hbm>> -> memref<10000x128xf32, #tpu.memory_space<hbm>>
      tpu.enqueue_indirect_dma source(%dma_start3A_334 : memref<10000x128xf32, #tpu.memory_space<hbm>>) target(%arg10 : memref<80x128xf32, #tpu.memory_space<vmem>>) offsets(%dma_start3A_331 : memref<80xi32, #tpu.memory_space<vmem>>) semaphore(%arg15 : memref<!tpu.dma_semaphore, #tpu.memory_space<semaphore_mem>>)
      %dma_wait3A_335 = arith.constant 10 : i32
      %dma_wait3A_336 = arith.constant 0 : i32
      %dma_wait3A_337 = tpu.memref_slice %arg7[%dma_wait3A_335, %dma_wait3A_336] : memref<16x80xi32, #tpu.memory_space<vmem>> -> memref<1x80xi32, #tpu.memory_space<vmem>>
      %dma_wait3A_338 = tpu.memref_squeeze %dma_wait3A_337 : memref<1x80xi32, #tpu.memory_space<vmem>> -> memref<80xi32, #tpu.memory_space<vmem>>
      %dma_wait3A_339 = arith.constant 0 : i32
      %dma_wait3A_340 = arith.constant 0 : i32
      %dma_wait3A_341 = tpu.memref_slice %arg2[%dma_wait3A_339, %dma_wait3A_340] : memref<10000x128xf32, #tpu.memory_space<hbm>> -> memref<10000x128xf32, #tpu.memory_space<hbm>>
      tpu.wait_indirect_dma semaphore(%arg16 : memref<!tpu.dma_semaphore, #tpu.memory_space<semaphore_mem>>) src(%dma_wait3A_341 : memref<10000x128xf32, #tpu.memory_space<hbm>>) dst(%arg11 : memref<80x128xf32, #tpu.memory_space<vmem>>)
      %dma_start3A_342 = arith.constant 10 : i32
      %dma_start3A_343 = arith.constant 0 : i32
      %dma_start3A_344 = tpu.memref_slice %arg8[%dma_start3A_342, %dma_start3A_343] : memref<16x80xi32, #tpu.memory_space<vmem>> -> memref<1x80xi32, #tpu.memory_space<vmem>>
      %dma_start3A_345 = tpu.memref_squeeze %dma_start3A_344 : memref<1x80xi32, #tpu.memory_space<vmem>> -> memref<80xi32, #tpu.memory_space<vmem>>
      %dma_start3A_346 = arith.constant 0 : i32
      %dma_start3A_347 = arith.constant 0 : i32
      %dma_start3A_348 = tpu.memref_slice %arg13[%dma_start3A_346, %dma_start3A_347] : memref<10008x128xf32, #tpu.memory_space<vmem_shared>> -> memref<10008x128xf32, #tpu.memory_space<vmem_shared>>
      tpu.enqueue_indirect_dma source(%arg11 : memref<80x128xf32, #tpu.memory_space<vmem>>) target(%dma_start3A_348 : memref<10008x128xf32, #tpu.memory_space<vmem_shared>>) offsets(%dma_start3A_345 : memref<80xi32, #tpu.memory_space<vmem>>) semaphore(%arg18 : memref<!tpu.dma_semaphore, #tpu.memory_space<semaphore_mem>>) {add = true}
      %dma_wait3A_349 = arith.constant 10 : i32
      %dma_wait3A_350 = arith.constant 0 : i32
      %dma_wait3A_351 = tpu.memref_slice %arg8[%dma_wait3A_349, %dma_wait3A_350] : memref<16x80xi32, #tpu.memory_space<vmem>> -> memref<1x80xi32, #tpu.memory_space<vmem>>
      %dma_wait3A_352 = tpu.memref_squeeze %dma_wait3A_351 : memref<1x80xi32, #tpu.memory_space<vmem>> -> memref<80xi32, #tpu.memory_space<vmem>>
      %dma_wait3A_353 = arith.constant 0 : i32
      %dma_wait3A_354 = arith.constant 0 : i32
      %dma_wait3A_355 = tpu.memref_slice %arg13[%dma_wait3A_353, %dma_wait3A_354] : memref<10008x128xf32, #tpu.memory_space<vmem_shared>> -> memref<10008x128xf32, #tpu.memory_space<vmem_shared>>
      tpu.wait_indirect_dma semaphore(%arg18 : memref<!tpu.dma_semaphore, #tpu.memory_space<semaphore_mem>>) src(%arg11 : memref<80x128xf32, #tpu.memory_space<vmem>>) dst(%dma_wait3A_355 : memref<10008x128xf32, #tpu.memory_space<vmem_shared>>)
      %dma_start3A_356 = arith.constant 14 : i32
      %dma_start3A_357 = arith.constant 0 : i32
      %dma_start3A_358 = tpu.memref_slice %arg7[%dma_start3A_356, %dma_start3A_357] : memref<16x80xi32, #tpu.memory_space<vmem>> -> memref<1x80xi32, #tpu.memory_space<vmem>>
      %dma_start3A_359 = tpu.memref_squeeze %dma_start3A_358 : memref<1x80xi32, #tpu.memory_space<vmem>> -> memref<80xi32, #tpu.memory_space<vmem>>
      %dma_start3A_360 = arith.constant 0 : i32
      %dma_start3A_361 = arith.constant 0 : i32
      %dma_start3A_362 = tpu.memref_slice %arg2[%dma_start3A_360, %dma_start3A_361] : memref<10000x128xf32, #tpu.memory_space<hbm>> -> memref<10000x128xf32, #tpu.memory_space<hbm>>
      tpu.enqueue_indirect_dma source(%dma_start3A_362 : memref<10000x128xf32, #tpu.memory_space<hbm>>) target(%arg11 : memref<80x128xf32, #tpu.memory_space<vmem>>) offsets(%dma_start3A_359 : memref<80xi32, #tpu.memory_space<vmem>>) semaphore(%arg16 : memref<!tpu.dma_semaphore, #tpu.memory_space<semaphore_mem>>)
      %dma_wait3A_363 = arith.constant 11 : i32
      %dma_wait3A_364 = arith.constant 0 : i32
      %dma_wait3A_365 = tpu.memref_slice %arg7[%dma_wait3A_363, %dma_wait3A_364] : memref<16x80xi32, #tpu.memory_space<vmem>> -> memref<1x80xi32, #tpu.memory_space<vmem>>
      %dma_wait3A_366 = tpu.memref_squeeze %dma_wait3A_365 : memref<1x80xi32, #tpu.memory_space<vmem>> -> memref<80xi32, #tpu.memory_space<vmem>>
      %dma_wait3A_367 = arith.constant 0 : i32
      %dma_wait3A_368 = arith.constant 0 : i32
      %dma_wait3A_369 = tpu.memref_slice %arg2[%dma_wait3A_367, %dma_wait3A_368] : memref<10000x128xf32, #tpu.memory_space<hbm>> -> memref<10000x128xf32, #tpu.memory_space<hbm>>
      tpu.wait_indirect_dma semaphore(%arg17 : memref<!tpu.dma_semaphore, #tpu.memory_space<semaphore_mem>>) src(%dma_wait3A_369 : memref<10000x128xf32, #tpu.memory_space<hbm>>) dst(%arg12 : memref<80x128xf32, #tpu.memory_space<vmem>>)
      %dma_start3A_370 = arith.constant 11 : i32
      %dma_start3A_371 = arith.constant 0 : i32
      %dma_start3A_372 = tpu.memref_slice %arg8[%dma_start3A_370, %dma_start3A_371] : memref<16x80xi32, #tpu.memory_space<vmem>> -> memref<1x80xi32, #tpu.memory_space<vmem>>
      %dma_start3A_373 = tpu.memref_squeeze %dma_start3A_372 : memref<1x80xi32, #tpu.memory_space<vmem>> -> memref<80xi32, #tpu.memory_space<vmem>>
      %dma_start3A_374 = arith.constant 0 : i32
      %dma_start3A_375 = arith.constant 0 : i32
      %dma_start3A_376 = tpu.memref_slice %arg13[%dma_start3A_374, %dma_start3A_375] : memref<10008x128xf32, #tpu.memory_space<vmem_shared>> -> memref<10008x128xf32, #tpu.memory_space<vmem_shared>>
      tpu.enqueue_indirect_dma source(%arg12 : memref<80x128xf32, #tpu.memory_space<vmem>>) target(%dma_start3A_376 : memref<10008x128xf32, #tpu.memory_space<vmem_shared>>) offsets(%dma_start3A_373 : memref<80xi32, #tpu.memory_space<vmem>>) semaphore(%arg19 : memref<!tpu.dma_semaphore, #tpu.memory_space<semaphore_mem>>) {add = true}
      %dma_wait3A_377 = arith.constant 11 : i32
      %dma_wait3A_378 = arith.constant 0 : i32
      %dma_wait3A_379 = tpu.memref_slice %arg8[%dma_wait3A_377, %dma_wait3A_378] : memref<16x80xi32, #tpu.memory_space<vmem>> -> memref<1x80xi32, #tpu.memory_space<vmem>>
      %dma_wait3A_380 = tpu.memref_squeeze %dma_wait3A_379 : memref<1x80xi32, #tpu.memory_space<vmem>> -> memref<80xi32, #tpu.memory_space<vmem>>
      %dma_wait3A_381 = arith.constant 0 : i32
      %dma_wait3A_382 = arith.constant 0 : i32
      %dma_wait3A_383 = tpu.memref_slice %arg13[%dma_wait3A_381, %dma_wait3A_382] : memref<10008x128xf32, #tpu.memory_space<vmem_shared>> -> memref<10008x128xf32, #tpu.memory_space<vmem_shared>>
      tpu.wait_indirect_dma semaphore(%arg19 : memref<!tpu.dma_semaphore, #tpu.memory_space<semaphore_mem>>) src(%arg12 : memref<80x128xf32, #tpu.memory_space<vmem>>) dst(%dma_wait3A_383 : memref<10008x128xf32, #tpu.memory_space<vmem_shared>>)
      %dma_start3A_384 = arith.constant 15 : i32
      %dma_start3A_385 = arith.constant 0 : i32
      %dma_start3A_386 = tpu.memref_slice %arg7[%dma_start3A_384, %dma_start3A_385] : memref<16x80xi32, #tpu.memory_space<vmem>> -> memref<1x80xi32, #tpu.memory_space<vmem>>
      %dma_start3A_387 = tpu.memref_squeeze %dma_start3A_386 : memref<1x80xi32, #tpu.memory_space<vmem>> -> memref<80xi32, #tpu.memory_space<vmem>>
      %dma_start3A_388 = arith.constant 0 : i32
      %dma_start3A_389 = arith.constant 0 : i32
      %dma_start3A_390 = tpu.memref_slice %arg2[%dma_start3A_388, %dma_start3A_389] : memref<10000x128xf32, #tpu.memory_space<hbm>> -> memref<10000x128xf32, #tpu.memory_space<hbm>>
      tpu.enqueue_indirect_dma source(%dma_start3A_390 : memref<10000x128xf32, #tpu.memory_space<hbm>>) target(%arg12 : memref<80x128xf32, #tpu.memory_space<vmem>>) offsets(%dma_start3A_387 : memref<80xi32, #tpu.memory_space<vmem>>) semaphore(%arg17 : memref<!tpu.dma_semaphore, #tpu.memory_space<semaphore_mem>>)
      %dma_wait3A_391 = arith.constant 12 : i32
      %dma_wait3A_392 = arith.constant 0 : i32
      %dma_wait3A_393 = tpu.memref_slice %arg7[%dma_wait3A_391, %dma_wait3A_392] : memref<16x80xi32, #tpu.memory_space<vmem>> -> memref<1x80xi32, #tpu.memory_space<vmem>>
      %dma_wait3A_394 = tpu.memref_squeeze %dma_wait3A_393 : memref<1x80xi32, #tpu.memory_space<vmem>> -> memref<80xi32, #tpu.memory_space<vmem>>
      %dma_wait3A_395 = arith.constant 0 : i32
      %dma_wait3A_396 = arith.constant 0 : i32
      %dma_wait3A_397 = tpu.memref_slice %arg2[%dma_wait3A_395, %dma_wait3A_396] : memref<10000x128xf32, #tpu.memory_space<hbm>> -> memref<10000x128xf32, #tpu.memory_space<hbm>>
      tpu.wait_indirect_dma semaphore(%arg14 : memref<!tpu.dma_semaphore, #tpu.memory_space<semaphore_mem>>) src(%dma_wait3A_397 : memref<10000x128xf32, #tpu.memory_space<hbm>>) dst(%arg9 : memref<80x128xf32, #tpu.memory_space<vmem>>)
      %dma_start3A_398 = arith.constant 12 : i32
      %dma_start3A_399 = arith.constant 0 : i32
      %dma_start3A_400 = tpu.memref_slice %arg8[%dma_start3A_398, %dma_start3A_399] : memref<16x80xi32, #tpu.memory_space<vmem>> -> memref<1x80xi32, #tpu.memory_space<vmem>>
      %dma_start3A_401 = tpu.memref_squeeze %dma_start3A_400 : memref<1x80xi32, #tpu.memory_space<vmem>> -> memref<80xi32, #tpu.memory_space<vmem>>
      %dma_start3A_402 = arith.constant 0 : i32
      %dma_start3A_403 = arith.constant 0 : i32
      %dma_start3A_404 = tpu.memref_slice %arg13[%dma_start3A_402, %dma_start3A_403] : memref<10008x128xf32, #tpu.memory_space<vmem_shared>> -> memref<10008x128xf32, #tpu.memory_space<vmem_shared>>
      tpu.enqueue_indirect_dma source(%arg9 : memref<80x128xf32, #tpu.memory_space<vmem>>) target(%dma_start3A_404 : memref<10008x128xf32, #tpu.memory_space<vmem_shared>>) offsets(%dma_start3A_401 : memref<80xi32, #tpu.memory_space<vmem>>) semaphore(%arg18 : memref<!tpu.dma_semaphore, #tpu.memory_space<semaphore_mem>>) {add = true}
      %dma_wait3A_405 = arith.constant 13 : i32
      %dma_wait3A_406 = arith.constant 0 : i32
      %dma_wait3A_407 = tpu.memref_slice %arg7[%dma_wait3A_405, %dma_wait3A_406] : memref<16x80xi32, #tpu.memory_space<vmem>> -> memref<1x80xi32, #tpu.memory_space<vmem>>
      %dma_wait3A_408 = tpu.memref_squeeze %dma_wait3A_407 : memref<1x80xi32, #tpu.memory_space<vmem>> -> memref<80xi32, #tpu.memory_space<vmem>>
      %dma_wait3A_409 = arith.constant 0 : i32
      %dma_wait3A_410 = arith.constant 0 : i32
      %dma_wait3A_411 = tpu.memref_slice %arg2[%dma_wait3A_409, %dma_wait3A_410] : memref<10000x128xf32, #tpu.memory_space<hbm>> -> memref<10000x128xf32, #tpu.memory_space<hbm>>
      tpu.wait_indirect_dma semaphore(%arg15 : memref<!tpu.dma_semaphore, #tpu.memory_space<semaphore_mem>>) src(%dma_wait3A_411 : memref<10000x128xf32, #tpu.memory_space<hbm>>) dst(%arg10 : memref<80x128xf32, #tpu.memory_space<vmem>>)
      %dma_start3A_412 = arith.constant 13 : i32
      %dma_start3A_413 = arith.constant 0 : i32
      %dma_start3A_414 = tpu.memref_slice %arg8[%dma_start3A_412, %dma_start3A_413] : memref<16x80xi32, #tpu.memory_space<vmem>> -> memref<1x80xi32, #tpu.memory_space<vmem>>
      %dma_start3A_415 = tpu.memref_squeeze %dma_start3A_414 : memref<1x80xi32, #tpu.memory_space<vmem>> -> memref<80xi32, #tpu.memory_space<vmem>>
      %dma_start3A_416 = arith.constant 0 : i32
      %dma_start3A_417 = arith.constant 0 : i32
      %dma_start3A_418 = tpu.memref_slice %arg13[%dma_start3A_416, %dma_start3A_417] : memref<10008x128xf32, #tpu.memory_space<vmem_shared>> -> memref<10008x128xf32, #tpu.memory_space<vmem_shared>>
      tpu.enqueue_indirect_dma source(%arg10 : memref<80x128xf32, #tpu.memory_space<vmem>>) target(%dma_start3A_418 : memref<10008x128xf32, #tpu.memory_space<vmem_shared>>) offsets(%dma_start3A_415 : memref<80xi32, #tpu.memory_space<vmem>>) semaphore(%arg19 : memref<!tpu.dma_semaphore, #tpu.memory_space<semaphore_mem>>) {add = true}
      %dma_wait3A_419 = arith.constant 14 : i32
      %dma_wait3A_420 = arith.constant 0 : i32
      %dma_wait3A_421 = tpu.memref_slice %arg7[%dma_wait3A_419, %dma_wait3A_420] : memref<16x80xi32, #tpu.memory_space<vmem>> -> memref<1x80xi32, #tpu.memory_space<vmem>>
      %dma_wait3A_422 = tpu.memref_squeeze %dma_wait3A_421 : memref<1x80xi32, #tpu.memory_space<vmem>> -> memref<80xi32, #tpu.memory_space<vmem>>
      %dma_wait3A_423 = arith.constant 0 : i32
      %dma_wait3A_424 = arith.constant 0 : i32
      %dma_wait3A_425 = tpu.memref_slice %arg2[%dma_wait3A_423, %dma_wait3A_424] : memref<10000x128xf32, #tpu.memory_space<hbm>> -> memref<10000x128xf32, #tpu.memory_space<hbm>>
      tpu.wait_indirect_dma semaphore(%arg16 : memref<!tpu.dma_semaphore, #tpu.memory_space<semaphore_mem>>) src(%dma_wait3A_425 : memref<10000x128xf32, #tpu.memory_space<hbm>>) dst(%arg11 : memref<80x128xf32, #tpu.memory_space<vmem>>)
      %dma_start3A_426 = arith.constant 14 : i32
      %dma_start3A_427 = arith.constant 0 : i32
      %dma_start3A_428 = tpu.memref_slice %arg8[%dma_start3A_426, %dma_start3A_427] : memref<16x80xi32, #tpu.memory_space<vmem>> -> memref<1x80xi32, #tpu.memory_space<vmem>>
      %dma_start3A_429 = tpu.memref_squeeze %dma_start3A_428 : memref<1x80xi32, #tpu.memory_space<vmem>> -> memref<80xi32, #tpu.memory_space<vmem>>
      %dma_start3A_430 = arith.constant 0 : i32
      %dma_start3A_431 = arith.constant 0 : i32
      %dma_start3A_432 = tpu.memref_slice %arg13[%dma_start3A_430, %dma_start3A_431] : memref<10008x128xf32, #tpu.memory_space<vmem_shared>> -> memref<10008x128xf32, #tpu.memory_space<vmem_shared>>
      tpu.enqueue_indirect_dma source(%arg11 : memref<80x128xf32, #tpu.memory_space<vmem>>) target(%dma_start3A_432 : memref<10008x128xf32, #tpu.memory_space<vmem_shared>>) offsets(%dma_start3A_429 : memref<80xi32, #tpu.memory_space<vmem>>) semaphore(%arg18 : memref<!tpu.dma_semaphore, #tpu.memory_space<semaphore_mem>>) {add = true}
      %dma_wait3A_433 = arith.constant 15 : i32
      %dma_wait3A_434 = arith.constant 0 : i32
      %dma_wait3A_435 = tpu.memref_slice %arg7[%dma_wait3A_433, %dma_wait3A_434] : memref<16x80xi32, #tpu.memory_space<vmem>> -> memref<1x80xi32, #tpu.memory_space<vmem>>
      %dma_wait3A_436 = tpu.memref_squeeze %dma_wait3A_435 : memref<1x80xi32, #tpu.memory_space<vmem>> -> memref<80xi32, #tpu.memory_space<vmem>>
      %dma_wait3A_437 = arith.constant 0 : i32
      %dma_wait3A_438 = arith.constant 0 : i32
      %dma_wait3A_439 = tpu.memref_slice %arg2[%dma_wait3A_437, %dma_wait3A_438] : memref<10000x128xf32, #tpu.memory_space<hbm>> -> memref<10000x128xf32, #tpu.memory_space<hbm>>
      tpu.wait_indirect_dma semaphore(%arg17 : memref<!tpu.dma_semaphore, #tpu.memory_space<semaphore_mem>>) src(%dma_wait3A_439 : memref<10000x128xf32, #tpu.memory_space<hbm>>) dst(%arg12 : memref<80x128xf32, #tpu.memory_space<vmem>>)
      %dma_start3A_440 = arith.constant 15 : i32
      %dma_start3A_441 = arith.constant 0 : i32
      %dma_start3A_442 = tpu.memref_slice %arg8[%dma_start3A_440, %dma_start3A_441] : memref<16x80xi32, #tpu.memory_space<vmem>> -> memref<1x80xi32, #tpu.memory_space<vmem>>
      %dma_start3A_443 = tpu.memref_squeeze %dma_start3A_442 : memref<1x80xi32, #tpu.memory_space<vmem>> -> memref<80xi32, #tpu.memory_space<vmem>>
      %dma_start3A_444 = arith.constant 0 : i32
      %dma_start3A_445 = arith.constant 0 : i32
      %dma_start3A_446 = tpu.memref_slice %arg13[%dma_start3A_444, %dma_start3A_445] : memref<10008x128xf32, #tpu.memory_space<vmem_shared>> -> memref<10008x128xf32, #tpu.memory_space<vmem_shared>>
      tpu.enqueue_indirect_dma source(%arg12 : memref<80x128xf32, #tpu.memory_space<vmem>>) target(%dma_start3A_446 : memref<10008x128xf32, #tpu.memory_space<vmem_shared>>) offsets(%dma_start3A_443 : memref<80xi32, #tpu.memory_space<vmem>>) semaphore(%arg19 : memref<!tpu.dma_semaphore, #tpu.memory_space<semaphore_mem>>) {add = true}
      %dma_wait3A_447 = arith.constant 12 : i32
      %dma_wait3A_448 = arith.constant 0 : i32
      %dma_wait3A_449 = tpu.memref_slice %arg8[%dma_wait3A_447, %dma_wait3A_448] : memref<16x80xi32, #tpu.memory_space<vmem>> -> memref<1x80xi32, #tpu.memory_space<vmem>>
      %dma_wait3A_450 = tpu.memref_squeeze %dma_wait3A_449 : memref<1x80xi32, #tpu.memory_space<vmem>> -> memref<80xi32, #tpu.memory_space<vmem>>
      %dma_wait3A_451 = arith.constant 0 : i32
      %dma_wait3A_452 = arith.constant 0 : i32
      %dma_wait3A_453 = tpu.memref_slice %arg13[%dma_wait3A_451, %dma_wait3A_452] : memref<10008x128xf32, #tpu.memory_space<vmem_shared>> -> memref<10008x128xf32, #tpu.memory_space<vmem_shared>>
      tpu.wait_indirect_dma semaphore(%arg18 : memref<!tpu.dma_semaphore, #tpu.memory_space<semaphore_mem>>) src(%arg9 : memref<80x128xf32, #tpu.memory_space<vmem>>) dst(%dma_wait3A_453 : memref<10008x128xf32, #tpu.memory_space<vmem_shared>>)
      %dma_wait3A_454 = arith.constant 13 : i32
      %dma_wait3A_455 = arith.constant 0 : i32
      %dma_wait3A_456 = tpu.memref_slice %arg8[%dma_wait3A_454, %dma_wait3A_455] : memref<16x80xi32, #tpu.memory_space<vmem>> -> memref<1x80xi32, #tpu.memory_space<vmem>>
      %dma_wait3A_457 = tpu.memref_squeeze %dma_wait3A_456 : memref<1x80xi32, #tpu.memory_space<vmem>> -> memref<80xi32, #tpu.memory_space<vmem>>
      %dma_wait3A_458 = arith.constant 0 : i32
      %dma_wait3A_459 = arith.constant 0 : i32
      %dma_wait3A_460 = tpu.memref_slice %arg13[%dma_wait3A_458, %dma_wait3A_459] : memref<10008x128xf32, #tpu.memory_space<vmem_shared>> -> memref<10008x128xf32, #tpu.memory_space<vmem_shared>>
      tpu.wait_indirect_dma semaphore(%arg19 : memref<!tpu.dma_semaphore, #tpu.memory_space<semaphore_mem>>) src(%arg10 : memref<80x128xf32, #tpu.memory_space<vmem>>) dst(%dma_wait3A_460 : memref<10008x128xf32, #tpu.memory_space<vmem_shared>>)
      %dma_wait3A_461 = arith.constant 14 : i32
      %dma_wait3A_462 = arith.constant 0 : i32
      %dma_wait3A_463 = tpu.memref_slice %arg8[%dma_wait3A_461, %dma_wait3A_462] : memref<16x80xi32, #tpu.memory_space<vmem>> -> memref<1x80xi32, #tpu.memory_space<vmem>>
      %dma_wait3A_464 = tpu.memref_squeeze %dma_wait3A_463 : memref<1x80xi32, #tpu.memory_space<vmem>> -> memref<80xi32, #tpu.memory_space<vmem>>
      %dma_wait3A_465 = arith.constant 0 : i32
      %dma_wait3A_466 = arith.constant 0 : i32
      %dma_wait3A_467 = tpu.memref_slice %arg13[%dma_wait3A_465, %dma_wait3A_466] : memref<10008x128xf32, #tpu.memory_space<vmem_shared>> -> memref<10008x128xf32, #tpu.memory_space<vmem_shared>>
      tpu.wait_indirect_dma semaphore(%arg18 : memref<!tpu.dma_semaphore, #tpu.memory_space<semaphore_mem>>) src(%arg11 : memref<80x128xf32, #tpu.memory_space<vmem>>) dst(%dma_wait3A_467 : memref<10008x128xf32, #tpu.memory_space<vmem_shared>>)
      %dma_wait3A_468 = arith.constant 15 : i32
      %dma_wait3A_469 = arith.constant 0 : i32
      %dma_wait3A_470 = tpu.memref_slice %arg8[%dma_wait3A_468, %dma_wait3A_469] : memref<16x80xi32, #tpu.memory_space<vmem>> -> memref<1x80xi32, #tpu.memory_space<vmem>>
      %dma_wait3A_471 = tpu.memref_squeeze %dma_wait3A_470 : memref<1x80xi32, #tpu.memory_space<vmem>> -> memref<80xi32, #tpu.memory_space<vmem>>
      %dma_wait3A_472 = arith.constant 0 : i32
      %dma_wait3A_473 = arith.constant 0 : i32
      %dma_wait3A_474 = tpu.memref_slice %arg13[%dma_wait3A_472, %dma_wait3A_473] : memref<10008x128xf32, #tpu.memory_space<vmem_shared>> -> memref<10008x128xf32, #tpu.memory_space<vmem_shared>>
      tpu.wait_indirect_dma semaphore(%arg19 : memref<!tpu.dma_semaphore, #tpu.memory_space<semaphore_mem>>) src(%arg12 : memref<80x128xf32, #tpu.memory_space<vmem>>) dst(%dma_wait3A_474 : memref<10008x128xf32, #tpu.memory_space<vmem_shared>>)
    }
    %scan3A_11 = arith.constant 8 : i32
    %barrier3A_12 = arith.constant 0 : index
    tpu.barrier barrier_id(%barrier3A_12)
    %lt3A_13 = arith.constant 15 : i32
    %lt3A_14 = arith.cmpi slt, %arg1, %lt3A_13 : i32
    %convert_element_type3A_15 = arith.extui %lt3A_14 : i1 to i32
    %cond3A_16 = arith.constant 0 : i32
    %cond3A_17 = arith.cmpi ne, %convert_element_type3A_15, %cond3A_16 : i32
    scf.if %cond3A_17 {
      %mul3A_23 = arith.constant 632 : i32
      %mul3A_24 = arith.muli %arg1, %mul3A_23 : i32
      "tpu.region"() ({
        %run_scoped3A = tpu.sem_alloc : memref<!tpu.dma_semaphore, #tpu.memory_space<semaphore_mem>>
        %dma_start3A = arith.constant 0 : i32
        %dma_start3A_25 = tpu.memref_slice %arg6[%arg0, %mul3A_24, %dma_start3A] : memref<2x10000x128xf32, #tpu.memory_space<hbm>> -> memref<1x632x128xf32, #tpu.memory_space<hbm>>
        %dma_start3A_26 = tpu.memref_squeeze %dma_start3A_25 : memref<1x632x128xf32, #tpu.memory_space<hbm>> -> memref<632x128xf32, #tpu.memory_space<hbm>>
        %dma_start3A_27 = arith.constant 0 : i32
        %dma_start3A_28 = tpu.memref_slice %arg13[%mul3A_24, %dma_start3A_27] : memref<10008x128xf32, #tpu.memory_space<vmem_shared>> -> memref<632x128xf32, #tpu.memory_space<vmem_shared>>
        tpu.enqueue_dma source(%dma_start3A_28 : memref<632x128xf32, #tpu.memory_space<vmem_shared>>) target(%dma_start3A_26 : memref<632x128xf32, #tpu.memory_space<hbm>>) target_semaphore(%run_scoped3A : memref<!tpu.dma_semaphore, #tpu.memory_space<semaphore_mem>>)
        %dma_wait3A = arith.constant 0 : i32
        %dma_wait3A_29 = tpu.memref_slice %arg6[%arg0, %mul3A_24, %dma_wait3A] : memref<2x10000x128xf32, #tpu.memory_space<hbm>> -> memref<1x632x128xf32, #tpu.memory_space<hbm>>
        %dma_wait3A_30 = tpu.memref_squeeze %dma_wait3A_29 : memref<1x632x128xf32, #tpu.memory_space<hbm>> -> memref<632x128xf32, #tpu.memory_space<hbm>>
        %dma_wait3A_31 = arith.constant 0 : i32
        %dma_wait3A_32 = tpu.memref_slice %arg13[%mul3A_24, %dma_wait3A_31] : memref<10008x128xf32, #tpu.memory_space<vmem_shared>> -> memref<632x128xf32, #tpu.memory_space<vmem_shared>>
        tpu.wait_dma2 semaphore(%run_scoped3A : memref<!tpu.dma_semaphore, #tpu.memory_space<semaphore_mem>>) src(%dma_wait3A_32 : memref<632x128xf32, #tpu.memory_space<vmem_shared>>) dst(%dma_wait3A_30 : memref<632x128xf32, #tpu.memory_space<hbm>>)
        tpu.yield
      }) : () -> ()
    } else {
    }
    %eq3A_18 = arith.constant 15 : i32
    %eq3A_19 = arith.cmpi eq, %arg1, %eq3A_18 : i32
    %convert_element_type3A_20 = arith.extui %eq3A_19 : i1 to i32
    %cond3A_21 = arith.constant 0 : i32
    %cond3A_22 = arith.cmpi ne, %convert_element_type3A_20, %cond3A_21 : i32
    scf.if %cond3A_22 {
      "tpu.region"() ({
        %run_scoped3A = tpu.sem_alloc : memref<!tpu.dma_semaphore, #tpu.memory_space<semaphore_mem>>
        %dma_start3A = arith.constant 9480 : i32
        %dma_start3A_23 = arith.constant 0 : i32
        %dma_start3A_24 = tpu.memref_slice %arg6[%arg0, %dma_start3A, %dma_start3A_23] : memref<2x10000x128xf32, #tpu.memory_space<hbm>> -> memref<1x520x128xf32, #tpu.memory_space<hbm>>
        %dma_start3A_25 = tpu.memref_squeeze %dma_start3A_24 : memref<1x520x128xf32, #tpu.memory_space<hbm>> -> memref<520x128xf32, #tpu.memory_space<hbm>>
        %dma_start3A_26 = arith.constant 9480 : i32
        %dma_start3A_27 = arith.constant 0 : i32
        %dma_start3A_28 = tpu.memref_slice %arg13[%dma_start3A_26, %dma_start3A_27] : memref<10008x128xf32, #tpu.memory_space<vmem_shared>> -> memref<520x128xf32, #tpu.memory_space<vmem_shared>>
        tpu.enqueue_dma source(%dma_start3A_28 : memref<520x128xf32, #tpu.memory_space<vmem_shared>>) target(%dma_start3A_25 : memref<520x128xf32, #tpu.memory_space<hbm>>) target_semaphore(%run_scoped3A : memref<!tpu.dma_semaphore, #tpu.memory_space<semaphore_mem>>)
        %dma_wait3A = arith.constant 9480 : i32
        %dma_wait3A_29 = arith.constant 0 : i32
        %dma_wait3A_30 = tpu.memref_slice %arg6[%arg0, %dma_wait3A, %dma_wait3A_29] : memref<2x10000x128xf32, #tpu.memory_space<hbm>> -> memref<1x520x128xf32, #tpu.memory_space<hbm>>
        %dma_wait3A_31 = tpu.memref_squeeze %dma_wait3A_30 : memref<1x520x128xf32, #tpu.memory_space<hbm>> -> memref<520x128xf32, #tpu.memory_space<hbm>>
        %dma_wait3A_32 = arith.constant 9480 : i32
        %dma_wait3A_33 = arith.constant 0 : i32
        %dma_wait3A_34 = tpu.memref_slice %arg13[%dma_wait3A_32, %dma_wait3A_33] : memref<10008x128xf32, #tpu.memory_space<vmem_shared>> -> memref<520x128xf32, #tpu.memory_space<vmem_shared>>
        tpu.wait_dma2 semaphore(%run_scoped3A : memref<!tpu.dma_semaphore, #tpu.memory_space<semaphore_mem>>) src(%dma_wait3A_34 : memref<520x128xf32, #tpu.memory_space<vmem_shared>>) dst(%dma_wait3A_31 : memref<520x128xf32, #tpu.memory_space<hbm>>)
        tpu.yield
      }) : () -> ()
    } else {
    }
    return
  }
}

#map = affine_map<(d0, d1) -> (0, 0, 0)>
#map1 = affine_map<(d0, d1) -> (0, 0)>
module attributes {stable_mosaic.version = 14 : i64} {
  func.func @deg_kernel(%arg0: i32, %arg1: i32, %arg2: memref<32x125x80xi32, #tpu.memory_space<hbm>>, %arg3: memref<10000x128xf32, #tpu.memory_space<hbm>>, %arg4: memref<80x128xf32, #tpu.memory_space<hbm>>, %arg5: memref<2x10000x128xf32, #tpu.memory_space<hbm>>, %arg6: memref<125x80xi32, #tpu.memory_space<vmem>>, %arg7: memref<80x128xf32, #tpu.memory_space<vmem>>, %arg8: memref<10000x128xf32, #tpu.memory_space<vmem_shared>>) attributes {dimension_semantics = [#tpu.dimension_semantics<core_parallel>, #tpu.dimension_semantics<subcore_parallel>], iteration_bounds = array<i64: 2, 16>, scalar_prefetch = 0 : i64, scratch_operands = 3 : i64, tpu.core_type = #tpu.core_type<sc_vector_subcore>, window_params = [{transform_indices = #map}, {transform_indices = #map1}, {transform_indices = #map1}, {transform_indices = #map}]} {
    %mul3A = arith.constant 2 : i32
    %mul3A_0 = arith.muli %arg1, %mul3A : i32
    %add3A = arith.addi %mul3A_0, %arg0 : i32
    "tpu.region"() ({
      %run_scoped3A = tpu.sem_alloc : memref<!tpu.dma_semaphore, #tpu.memory_space<semaphore_mem>>
      %dma_start3A = arith.constant 0 : i32
      %dma_start3A_23 = arith.constant 0 : i32
      %dma_start3A_24 = tpu.memref_slice %arg2[%add3A, %dma_start3A, %dma_start3A_23] : memref<32x125x80xi32, #tpu.memory_space<hbm>> -> memref<1x125x80xi32, #tpu.memory_space<hbm>>
      %dma_start3A_25 = tpu.memref_squeeze %dma_start3A_24 : memref<1x125x80xi32, #tpu.memory_space<hbm>> -> memref<125x80xi32, #tpu.memory_space<hbm>>
      %dma_start3A_26 = arith.constant 0 : i32
      %dma_start3A_27 = arith.constant 0 : i32
      %dma_start3A_28 = tpu.memref_slice %arg2[%add3A, %dma_start3A_26, %dma_start3A_27] : memref<32x125x80xi32, #tpu.memory_space<hbm>> -> memref<1x125x80xi32, #tpu.memory_space<hbm>>
      %dma_start3A_29 = tpu.memref_squeeze %dma_start3A_28 : memref<1x125x80xi32, #tpu.memory_space<hbm>> -> memref<125x80xi32, #tpu.memory_space<hbm>>
      tpu.enqueue_dma source(%dma_start3A_29 : memref<125x80xi32, #tpu.memory_space<hbm>>) target(%arg6 : memref<125x80xi32, #tpu.memory_space<vmem>>) target_semaphore(%run_scoped3A : memref<!tpu.dma_semaphore, #tpu.memory_space<semaphore_mem>>)
      %dma_wait3A = arith.constant 0 : i32
      %dma_wait3A_30 = arith.constant 0 : i32
      %dma_wait3A_31 = tpu.memref_slice %arg2[%add3A, %dma_wait3A, %dma_wait3A_30] : memref<32x125x80xi32, #tpu.memory_space<hbm>> -> memref<1x125x80xi32, #tpu.memory_space<hbm>>
      %dma_wait3A_32 = tpu.memref_squeeze %dma_wait3A_31 : memref<1x125x80xi32, #tpu.memory_space<hbm>> -> memref<125x80xi32, #tpu.memory_space<hbm>>
      %dma_wait3A_33 = arith.constant 0 : i32
      %dma_wait3A_34 = arith.constant 0 : i32
      %dma_wait3A_35 = tpu.memref_slice %arg2[%add3A, %dma_wait3A_33, %dma_wait3A_34] : memref<32x125x80xi32, #tpu.memory_space<hbm>> -> memref<1x125x80xi32, #tpu.memory_space<hbm>>
      %dma_wait3A_36 = tpu.memref_squeeze %dma_wait3A_35 : memref<1x125x80xi32, #tpu.memory_space<hbm>> -> memref<125x80xi32, #tpu.memory_space<hbm>>
      tpu.wait_dma2 semaphore(%run_scoped3A : memref<!tpu.dma_semaphore, #tpu.memory_space<semaphore_mem>>) src(%dma_wait3A_36 : memref<125x80xi32, #tpu.memory_space<hbm>>) dst(%arg6 : memref<125x80xi32, #tpu.memory_space<vmem>>)
      tpu.yield
    }) : () -> ()
    "tpu.region"() ({
      %run_scoped3A = tpu.sem_alloc : memref<!tpu.dma_semaphore, #tpu.memory_space<semaphore_mem>>
      tpu.enqueue_dma source(%arg4 : memref<80x128xf32, #tpu.memory_space<hbm>>) target(%arg7 : memref<80x128xf32, #tpu.memory_space<vmem>>) target_semaphore(%run_scoped3A : memref<!tpu.dma_semaphore, #tpu.memory_space<semaphore_mem>>)
      tpu.wait_dma2 semaphore(%run_scoped3A : memref<!tpu.dma_semaphore, #tpu.memory_space<semaphore_mem>>) src(%arg4 : memref<80x128xf32, #tpu.memory_space<hbm>>) dst(%arg7 : memref<80x128xf32, #tpu.memory_space<vmem>>)
      tpu.yield
    }) : () -> ()
    %lt3A = arith.constant 15 : i32
    %lt3A_1 = arith.cmpi slt, %arg1, %lt3A : i32
    %convert_element_type3A = arith.extui %lt3A_1 : i1 to i32
    %cond3A = arith.constant 0 : i32
    %cond3A_2 = arith.cmpi ne, %convert_element_type3A, %cond3A : i32
    scf.if %cond3A_2 {
      %mul3A_23 = arith.constant 632 : i32
      %mul3A_24 = arith.muli %arg1, %mul3A_23 : i32
      "tpu.region"() ({
        %run_scoped3A = tpu.sem_alloc : memref<!tpu.dma_semaphore, #tpu.memory_space<semaphore_mem>>
        %dma_start3A = arith.constant 0 : i32
        %dma_start3A_25 = tpu.memref_slice %arg8[%mul3A_24, %dma_start3A] : memref<10000x128xf32, #tpu.memory_space<vmem_shared>> -> memref<632x128xf32, #tpu.memory_space<vmem_shared>>
        %dma_start3A_26 = arith.constant 0 : i32
        %dma_start3A_27 = tpu.memref_slice %arg3[%mul3A_24, %dma_start3A_26] : memref<10000x128xf32, #tpu.memory_space<hbm>> -> memref<632x128xf32, #tpu.memory_space<hbm>>
        tpu.enqueue_dma source(%dma_start3A_27 : memref<632x128xf32, #tpu.memory_space<hbm>>) target(%dma_start3A_25 : memref<632x128xf32, #tpu.memory_space<vmem_shared>>) target_semaphore(%run_scoped3A : memref<!tpu.dma_semaphore, #tpu.memory_space<semaphore_mem>>)
        %dma_wait3A = arith.constant 0 : i32
        %dma_wait3A_28 = tpu.memref_slice %arg8[%mul3A_24, %dma_wait3A] : memref<10000x128xf32, #tpu.memory_space<vmem_shared>> -> memref<632x128xf32, #tpu.memory_space<vmem_shared>>
        %dma_wait3A_29 = arith.constant 0 : i32
        %dma_wait3A_30 = tpu.memref_slice %arg3[%mul3A_24, %dma_wait3A_29] : memref<10000x128xf32, #tpu.memory_space<hbm>> -> memref<632x128xf32, #tpu.memory_space<hbm>>
        tpu.wait_dma2 semaphore(%run_scoped3A : memref<!tpu.dma_semaphore, #tpu.memory_space<semaphore_mem>>) src(%dma_wait3A_30 : memref<632x128xf32, #tpu.memory_space<hbm>>) dst(%dma_wait3A_28 : memref<632x128xf32, #tpu.memory_space<vmem_shared>>)
        tpu.yield
      }) : () -> ()
    } else {
    }
    %eq3A = arith.constant 15 : i32
    %eq3A_3 = arith.cmpi eq, %arg1, %eq3A : i32
    %convert_element_type3A_4 = arith.extui %eq3A_3 : i1 to i32
    %cond3A_5 = arith.constant 0 : i32
    %cond3A_6 = arith.cmpi ne, %convert_element_type3A_4, %cond3A_5 : i32
    scf.if %cond3A_6 {
      "tpu.region"() ({
        %run_scoped3A = tpu.sem_alloc : memref<!tpu.dma_semaphore, #tpu.memory_space<semaphore_mem>>
        %dma_start3A = arith.constant 9480 : i32
        %dma_start3A_23 = arith.constant 0 : i32
        %dma_start3A_24 = tpu.memref_slice %arg8[%dma_start3A, %dma_start3A_23] : memref<10000x128xf32, #tpu.memory_space<vmem_shared>> -> memref<520x128xf32, #tpu.memory_space<vmem_shared>>
        %dma_start3A_25 = arith.constant 9480 : i32
        %dma_start3A_26 = arith.constant 0 : i32
        %dma_start3A_27 = tpu.memref_slice %arg3[%dma_start3A_25, %dma_start3A_26] : memref<10000x128xf32, #tpu.memory_space<hbm>> -> memref<520x128xf32, #tpu.memory_space<hbm>>
        tpu.enqueue_dma source(%dma_start3A_27 : memref<520x128xf32, #tpu.memory_space<hbm>>) target(%dma_start3A_24 : memref<520x128xf32, #tpu.memory_space<vmem_shared>>) target_semaphore(%run_scoped3A : memref<!tpu.dma_semaphore, #tpu.memory_space<semaphore_mem>>)
        %dma_wait3A = arith.constant 9480 : i32
        %dma_wait3A_28 = arith.constant 0 : i32
        %dma_wait3A_29 = tpu.memref_slice %arg8[%dma_wait3A, %dma_wait3A_28] : memref<10000x128xf32, #tpu.memory_space<vmem_shared>> -> memref<520x128xf32, #tpu.memory_space<vmem_shared>>
        %dma_wait3A_30 = arith.constant 9480 : i32
        %dma_wait3A_31 = arith.constant 0 : i32
        %dma_wait3A_32 = tpu.memref_slice %arg3[%dma_wait3A_30, %dma_wait3A_31] : memref<10000x128xf32, #tpu.memory_space<hbm>> -> memref<520x128xf32, #tpu.memory_space<hbm>>
        tpu.wait_dma2 semaphore(%run_scoped3A : memref<!tpu.dma_semaphore, #tpu.memory_space<semaphore_mem>>) src(%dma_wait3A_32 : memref<520x128xf32, #tpu.memory_space<hbm>>) dst(%dma_wait3A_29 : memref<520x128xf32, #tpu.memory_space<vmem_shared>>)
        tpu.yield
      }) : () -> ()
    } else {
    }
    %barrier3A = arith.constant 0 : index
    tpu.barrier barrier_id(%barrier3A)
    %scan3A = arith.constant 0 : i32
    %scan3A_7 = arith.constant 0 : i32
    %scan3A_8 = arith.constant 125 : i32
    %scan3A_9 = arith.addi %scan3A_7, %scan3A_8 : i32
    %scan3A_10 = arith.constant 1 : i32
    scf.for %scan3A_23 = %scan3A_7 to %scan3A_9 step %scan3A_10  : i32 {
      "tpu.region"() ({
        %run_scoped3A = tpu.sem_alloc : memref<!tpu.dma_semaphore, #tpu.memory_space<semaphore_mem>>
        %dma_start3A = arith.constant 0 : i32
        %dma_start3A_24 = tpu.memref_slice %arg6[%scan3A_23, %dma_start3A] : memref<125x80xi32, #tpu.memory_space<vmem>> -> memref<1x80xi32, #tpu.memory_space<vmem>>
        %dma_start3A_25 = tpu.memref_squeeze %dma_start3A_24 : memref<1x80xi32, #tpu.memory_space<vmem>> -> memref<80xi32, #tpu.memory_space<vmem>>
        %dma_start3A_26 = arith.constant 0 : i32
        %dma_start3A_27 = arith.constant 0 : i32
        %dma_start3A_28 = tpu.memref_slice %arg8[%dma_start3A_26, %dma_start3A_27] : memref<10000x128xf32, #tpu.memory_space<vmem_shared>> -> memref<10000x128xf32, #tpu.memory_space<vmem_shared>>
        tpu.enqueue_indirect_dma source(%arg7 : memref<80x128xf32, #tpu.memory_space<vmem>>) target(%dma_start3A_28 : memref<10000x128xf32, #tpu.memory_space<vmem_shared>>) offsets(%dma_start3A_25 : memref<80xi32, #tpu.memory_space<vmem>>) semaphore(%run_scoped3A : memref<!tpu.dma_semaphore, #tpu.memory_space<semaphore_mem>>) {add = true}
        %dma_wait3A = arith.constant 0 : i32
        %dma_wait3A_29 = tpu.memref_slice %arg6[%scan3A_23, %dma_wait3A] : memref<125x80xi32, #tpu.memory_space<vmem>> -> memref<1x80xi32, #tpu.memory_space<vmem>>
        %dma_wait3A_30 = tpu.memref_squeeze %dma_wait3A_29 : memref<1x80xi32, #tpu.memory_space<vmem>> -> memref<80xi32, #tpu.memory_space<vmem>>
        %dma_wait3A_31 = arith.constant 0 : i32
        %dma_wait3A_32 = arith.constant 0 : i32
        %dma_wait3A_33 = tpu.memref_slice %arg8[%dma_wait3A_31, %dma_wait3A_32] : memref<10000x128xf32, #tpu.memory_space<vmem_shared>> -> memref<10000x128xf32, #tpu.memory_space<vmem_shared>>
        tpu.wait_indirect_dma semaphore(%run_scoped3A : memref<!tpu.dma_semaphore, #tpu.memory_space<semaphore_mem>>) src(%arg7 : memref<80x128xf32, #tpu.memory_space<vmem>>) dst(%dma_wait3A_33 : memref<10000x128xf32, #tpu.memory_space<vmem_shared>>)
        tpu.yield
      }) : () -> ()
    }
    %scan3A_11 = arith.constant 125 : i32
    %barrier3A_12 = arith.constant 0 : index
    tpu.barrier barrier_id(%barrier3A_12)
    %lt3A_13 = arith.constant 15 : i32
    %lt3A_14 = arith.cmpi slt, %arg1, %lt3A_13 : i32
    %convert_element_type3A_15 = arith.extui %lt3A_14 : i1 to i32
    %cond3A_16 = arith.constant 0 : i32
    %cond3A_17 = arith.cmpi ne, %convert_element_type3A_15, %cond3A_16 : i32
    scf.if %cond3A_17 {
      %mul3A_23 = arith.constant 632 : i32
      %mul3A_24 = arith.muli %arg1, %mul3A_23 : i32
      "tpu.region"() ({
        %run_scoped3A = tpu.sem_alloc : memref<!tpu.dma_semaphore, #tpu.memory_space<semaphore_mem>>
        %dma_start3A = arith.constant 0 : i32
        %dma_start3A_25 = tpu.memref_slice %arg5[%arg0, %mul3A_24, %dma_start3A] : memref<2x10000x128xf32, #tpu.memory_space<hbm>> -> memref<1x632x128xf32, #tpu.memory_space<hbm>>
        %dma_start3A_26 = tpu.memref_squeeze %dma_start3A_25 : memref<1x632x128xf32, #tpu.memory_space<hbm>> -> memref<632x128xf32, #tpu.memory_space<hbm>>
        %dma_start3A_27 = arith.constant 0 : i32
        %dma_start3A_28 = tpu.memref_slice %arg8[%mul3A_24, %dma_start3A_27] : memref<10000x128xf32, #tpu.memory_space<vmem_shared>> -> memref<632x128xf32, #tpu.memory_space<vmem_shared>>
        tpu.enqueue_dma source(%dma_start3A_28 : memref<632x128xf32, #tpu.memory_space<vmem_shared>>) target(%dma_start3A_26 : memref<632x128xf32, #tpu.memory_space<hbm>>) target_semaphore(%run_scoped3A : memref<!tpu.dma_semaphore, #tpu.memory_space<semaphore_mem>>)
        %dma_wait3A = arith.constant 0 : i32
        %dma_wait3A_29 = tpu.memref_slice %arg5[%arg0, %mul3A_24, %dma_wait3A] : memref<2x10000x128xf32, #tpu.memory_space<hbm>> -> memref<1x632x128xf32, #tpu.memory_space<hbm>>
        %dma_wait3A_30 = tpu.memref_squeeze %dma_wait3A_29 : memref<1x632x128xf32, #tpu.memory_space<hbm>> -> memref<632x128xf32, #tpu.memory_space<hbm>>
        %dma_wait3A_31 = arith.constant 0 : i32
        %dma_wait3A_32 = tpu.memref_slice %arg8[%mul3A_24, %dma_wait3A_31] : memref<10000x128xf32, #tpu.memory_space<vmem_shared>> -> memref<632x128xf32, #tpu.memory_space<vmem_shared>>
        tpu.wait_dma2 semaphore(%run_scoped3A : memref<!tpu.dma_semaphore, #tpu.memory_space<semaphore_mem>>) src(%dma_wait3A_32 : memref<632x128xf32, #tpu.memory_space<vmem_shared>>) dst(%dma_wait3A_30 : memref<632x128xf32, #tpu.memory_space<hbm>>)
        tpu.yield
      }) : () -> ()
    } else {
    }
    %eq3A_18 = arith.constant 15 : i32
    %eq3A_19 = arith.cmpi eq, %arg1, %eq3A_18 : i32
    %convert_element_type3A_20 = arith.extui %eq3A_19 : i1 to i32
    %cond3A_21 = arith.constant 0 : i32
    %cond3A_22 = arith.cmpi ne, %convert_element_type3A_20, %cond3A_21 : i32
    scf.if %cond3A_22 {
      "tpu.region"() ({
        %run_scoped3A = tpu.sem_alloc : memref<!tpu.dma_semaphore, #tpu.memory_space<semaphore_mem>>
        %dma_start3A = arith.constant 9480 : i32
        %dma_start3A_23 = arith.constant 0 : i32
        %dma_start3A_24 = tpu.memref_slice %arg5[%arg0, %dma_start3A, %dma_start3A_23] : memref<2x10000x128xf32, #tpu.memory_space<hbm>> -> memref<1x520x128xf32, #tpu.memory_space<hbm>>
        %dma_start3A_25 = tpu.memref_squeeze %dma_start3A_24 : memref<1x520x128xf32, #tpu.memory_space<hbm>> -> memref<520x128xf32, #tpu.memory_space<hbm>>
        %dma_start3A_26 = arith.constant 9480 : i32
        %dma_start3A_27 = arith.constant 0 : i32
        %dma_start3A_28 = tpu.memref_slice %arg8[%dma_start3A_26, %dma_start3A_27] : memref<10000x128xf32, #tpu.memory_space<vmem_shared>> -> memref<520x128xf32, #tpu.memory_space<vmem_shared>>
        tpu.enqueue_dma source(%dma_start3A_28 : memref<520x128xf32, #tpu.memory_space<vmem_shared>>) target(%dma_start3A_25 : memref<520x128xf32, #tpu.memory_space<hbm>>) target_semaphore(%run_scoped3A : memref<!tpu.dma_semaphore, #tpu.memory_space<semaphore_mem>>)
        %dma_wait3A = arith.constant 9480 : i32
        %dma_wait3A_29 = arith.constant 0 : i32
        %dma_wait3A_30 = tpu.memref_slice %arg5[%arg0, %dma_wait3A, %dma_wait3A_29] : memref<2x10000x128xf32, #tpu.memory_space<hbm>> -> memref<1x520x128xf32, #tpu.memory_space<hbm>>
        %dma_wait3A_31 = tpu.memref_squeeze %dma_wait3A_30 : memref<1x520x128xf32, #tpu.memory_space<hbm>> -> memref<520x128xf32, #tpu.memory_space<hbm>>
        %dma_wait3A_32 = arith.constant 9480 : i32
        %dma_wait3A_33 = arith.constant 0 : i32
        %dma_wait3A_34 = tpu.memref_slice %arg8[%dma_wait3A_32, %dma_wait3A_33] : memref<10000x128xf32, #tpu.memory_space<vmem_shared>> -> memref<520x128xf32, #tpu.memory_space<vmem_shared>>
        tpu.wait_dma2 semaphore(%run_scoped3A : memref<!tpu.dma_semaphore, #tpu.memory_space<semaphore_mem>>) src(%dma_wait3A_34 : memref<520x128xf32, #tpu.memory_space<vmem_shared>>) dst(%dma_wait3A_31 : memref<520x128xf32, #tpu.memory_space<hbm>>)
        tpu.yield
      }) : () -> ()
    } else {
    }
    return
  }
}

#map = affine_map<(d0, d1) -> (0, 0)>
#map1 = affine_map<(d0, d1) -> (0, 0, 0)>
module attributes {stable_mosaic.version = 14 : i64} {
  func.func @scat_kernel(%arg0: i32, %arg1: i32, %arg2: memref<10000x128xf32, #tpu.memory_space<hbm>>, %arg3: memref<4096x80xi32, #tpu.memory_space<hbm>>, %arg4: memref<4096x80xi32, #tpu.memory_space<hbm>>, %arg5: memref<10000x128xf32, #tpu.memory_space<hbm>>, %arg6: memref<2x10000x128xf32, #tpu.memory_space<hbm>>, %arg7: memref<16x80xi32, #tpu.memory_space<vmem>>, %arg8: memref<16x80xi32, #tpu.memory_space<vmem>>, %arg9: memref<80x128xf32, #tpu.memory_space<vmem>>, %arg10: memref<80x128xf32, #tpu.memory_space<vmem>>, %arg11: memref<80x128xf32, #tpu.memory_space<vmem>>, %arg12: memref<80x128xf32, #tpu.memory_space<vmem>>, %arg13: memref<10008x128xf32, #tpu.memory_space<vmem_shared>>, %arg14: memref<!tpu.dma_semaphore, #tpu.memory_space<semaphore_mem>>, %arg15: memref<!tpu.dma_semaphore, #tpu.memory_space<semaphore_mem>>, %arg16: memref<!tpu.dma_semaphore, #tpu.memory_space<semaphore_mem>>, %arg17: memref<!tpu.dma_semaphore, #tpu.memory_space<semaphore_mem>>, %arg18: memref<!tpu.dma_semaphore, #tpu.memory_space<semaphore_mem>>, %arg19: memref<!tpu.dma_semaphore, #tpu.memory_space<semaphore_mem>>) attributes {dimension_semantics = [#tpu.dimension_semantics<core_parallel>, #tpu.dimension_semantics<subcore_parallel>], iteration_bounds = array<i64: 2, 16>, scalar_prefetch = 0 : i64, scratch_operands = 13 : i64, tpu.core_type = #tpu.core_type<sc_vector_subcore>, window_params = [{transform_indices = #map}, {transform_indices = #map}, {transform_indices = #map}, {transform_indices = #map}, {transform_indices = #map1}]} {
    %mul3A = arith.constant 2 : i32
    %mul3A_0 = arith.muli %arg1, %mul3A : i32
    %add3A = arith.addi %mul3A_0, %arg0 : i32
    %lt3A = arith.constant 15 : i32
    %lt3A_1 = arith.cmpi slt, %arg1, %lt3A : i32
    %convert_element_type3A = arith.extui %lt3A_1 : i1 to i32
    %cond3A = arith.constant 0 : i32
    %cond3A_2 = arith.cmpi ne, %convert_element_type3A, %cond3A : i32
    scf.if %cond3A_2 {
      %mul3A_23 = arith.constant 632 : i32
      %mul3A_24 = arith.muli %arg1, %mul3A_23 : i32
      "tpu.region"() ({
        %run_scoped3A = tpu.sem_alloc : memref<!tpu.dma_semaphore, #tpu.memory_space<semaphore_mem>>
        %dma_start3A = arith.constant 0 : i32
        %dma_start3A_25 = tpu.memref_slice %arg13[%mul3A_24, %dma_start3A] : memref<10008x128xf32, #tpu.memory_space<vmem_shared>> -> memref<632x128xf32, #tpu.memory_space<vmem_shared>>
        %dma_start3A_26 = arith.constant 0 : i32
        %dma_start3A_27 = tpu.memref_slice %arg5[%mul3A_24, %dma_start3A_26] : memref<10000x128xf32, #tpu.memory_space<hbm>> -> memref<632x128xf32, #tpu.memory_space<hbm>>
        tpu.enqueue_dma source(%dma_start3A_27 : memref<632x128xf32, #tpu.memory_space<hbm>>) target(%dma_start3A_25 : memref<632x128xf32, #tpu.memory_space<vmem_shared>>) target_semaphore(%run_scoped3A : memref<!tpu.dma_semaphore, #tpu.memory_space<semaphore_mem>>)
        %dma_wait3A = arith.constant 0 : i32
        %dma_wait3A_28 = tpu.memref_slice %arg13[%mul3A_24, %dma_wait3A] : memref<10008x128xf32, #tpu.memory_space<vmem_shared>> -> memref<632x128xf32, #tpu.memory_space<vmem_shared>>
        %dma_wait3A_29 = arith.constant 0 : i32
        %dma_wait3A_30 = tpu.memref_slice %arg5[%mul3A_24, %dma_wait3A_29] : memref<10000x128xf32, #tpu.memory_space<hbm>> -> memref<632x128xf32, #tpu.memory_space<hbm>>
        tpu.wait_dma2 semaphore(%run_scoped3A : memref<!tpu.dma_semaphore, #tpu.memory_space<semaphore_mem>>) src(%dma_wait3A_30 : memref<632x128xf32, #tpu.memory_space<hbm>>) dst(%dma_wait3A_28 : memref<632x128xf32, #tpu.memory_space<vmem_shared>>)
        tpu.yield
      }) : () -> ()
    } else {
    }
    %eq3A = arith.constant 15 : i32
    %eq3A_3 = arith.cmpi eq, %arg1, %eq3A : i32
    %convert_element_type3A_4 = arith.extui %eq3A_3 : i1 to i32
    %cond3A_5 = arith.constant 0 : i32
    %cond3A_6 = arith.cmpi ne, %convert_element_type3A_4, %cond3A_5 : i32
    scf.if %cond3A_6 {
      "tpu.region"() ({
        %run_scoped3A = tpu.sem_alloc : memref<!tpu.dma_semaphore, #tpu.memory_space<semaphore_mem>>
        %dma_start3A = arith.constant 9480 : i32
        %dma_start3A_23 = arith.constant 0 : i32
        %dma_start3A_24 = tpu.memref_slice %arg13[%dma_start3A, %dma_start3A_23] : memref<10008x128xf32, #tpu.memory_space<vmem_shared>> -> memref<520x128xf32, #tpu.memory_space<vmem_shared>>
        %dma_start3A_25 = arith.constant 9480 : i32
        %dma_start3A_26 = arith.constant 0 : i32
        %dma_start3A_27 = tpu.memref_slice %arg5[%dma_start3A_25, %dma_start3A_26] : memref<10000x128xf32, #tpu.memory_space<hbm>> -> memref<520x128xf32, #tpu.memory_space<hbm>>
        tpu.enqueue_dma source(%dma_start3A_27 : memref<520x128xf32, #tpu.memory_space<hbm>>) target(%dma_start3A_24 : memref<520x128xf32, #tpu.memory_space<vmem_shared>>) target_semaphore(%run_scoped3A : memref<!tpu.dma_semaphore, #tpu.memory_space<semaphore_mem>>)
        %dma_wait3A = arith.constant 9480 : i32
        %dma_wait3A_28 = arith.constant 0 : i32
        %dma_wait3A_29 = tpu.memref_slice %arg13[%dma_wait3A, %dma_wait3A_28] : memref<10008x128xf32, #tpu.memory_space<vmem_shared>> -> memref<520x128xf32, #tpu.memory_space<vmem_shared>>
        %dma_wait3A_30 = arith.constant 9480 : i32
        %dma_wait3A_31 = arith.constant 0 : i32
        %dma_wait3A_32 = tpu.memref_slice %arg5[%dma_wait3A_30, %dma_wait3A_31] : memref<10000x128xf32, #tpu.memory_space<hbm>> -> memref<520x128xf32, #tpu.memory_space<hbm>>
        tpu.wait_dma2 semaphore(%run_scoped3A : memref<!tpu.dma_semaphore, #tpu.memory_space<semaphore_mem>>) src(%dma_wait3A_32 : memref<520x128xf32, #tpu.memory_space<hbm>>) dst(%dma_wait3A_29 : memref<520x128xf32, #tpu.memory_space<vmem_shared>>)
        tpu.yield
      }) : () -> ()
    } else {
    }
    %barrier3A = arith.constant 0 : index
    tpu.barrier barrier_id(%barrier3A)
    %scan3A = arith.constant 0 : i32
    %scan3A_7 = arith.constant 0 : i32
    %scan3A_8 = arith.constant 8 : i32
    %scan3A_9 = arith.addi %scan3A_7, %scan3A_8 : i32
    %scan3A_10 = arith.constant 1 : i32
    scf.for %scan3A_23 = %scan3A_7 to %scan3A_9 step %scan3A_10  : i32 {
      %mul3A_24 = arith.constant 128 : i32
      %mul3A_25 = arith.muli %add3A, %mul3A_24 : i32
      %mul3A_26 = arith.constant 16 : i32
      %mul3A_27 = arith.muli %scan3A_23, %mul3A_26 : i32
      %add3A_28 = arith.addi %mul3A_25, %mul3A_27 : i32
      "tpu.region"() ({
        %run_scoped3A = tpu.sem_alloc : memref<!tpu.dma_semaphore, #tpu.memory_space<semaphore_mem>>
        %dma_start3A_475 = arith.constant 0 : i32
        %dma_start3A_476 = tpu.memref_slice %arg3[%add3A_28, %dma_start3A_475] : memref<4096x80xi32, #tpu.memory_space<hbm>> -> memref<16x80xi32, #tpu.memory_space<hbm>>
        %dma_start3A_477 = arith.constant 0 : i32
        %dma_start3A_478 = tpu.memref_slice %arg3[%add3A_28, %dma_start3A_477] : memref<4096x80xi32, #tpu.memory_space<hbm>> -> memref<16x80xi32, #tpu.memory_space<hbm>>
        tpu.enqueue_dma source(%dma_start3A_478 : memref<16x80xi32, #tpu.memory_space<hbm>>) target(%arg7 : memref<16x80xi32, #tpu.memory_space<vmem>>) target_semaphore(%run_scoped3A : memref<!tpu.dma_semaphore, #tpu.memory_space<semaphore_mem>>)
        %dma_wait3A_479 = arith.constant 0 : i32
        %dma_wait3A_480 = tpu.memref_slice %arg3[%add3A_28, %dma_wait3A_479] : memref<4096x80xi32, #tpu.memory_space<hbm>> -> memref<16x80xi32, #tpu.memory_space<hbm>>
        %dma_wait3A_481 = arith.constant 0 : i32
        %dma_wait3A_482 = tpu.memref_slice %arg3[%add3A_28, %dma_wait3A_481] : memref<4096x80xi32, #tpu.memory_space<hbm>> -> memref<16x80xi32, #tpu.memory_space<hbm>>
        tpu.wait_dma2 semaphore(%run_scoped3A : memref<!tpu.dma_semaphore, #tpu.memory_space<semaphore_mem>>) src(%dma_wait3A_482 : memref<16x80xi32, #tpu.memory_space<hbm>>) dst(%arg7 : memref<16x80xi32, #tpu.memory_space<vmem>>)
        tpu.yield
      }) : () -> ()
      "tpu.region"() ({
        %run_scoped3A = tpu.sem_alloc : memref<!tpu.dma_semaphore, #tpu.memory_space<semaphore_mem>>
        %dma_start3A_475 = arith.constant 0 : i32
        %dma_start3A_476 = tpu.memref_slice %arg4[%add3A_28, %dma_start3A_475] : memref<4096x80xi32, #tpu.memory_space<hbm>> -> memref<16x80xi32, #tpu.memory_space<hbm>>
        %dma_start3A_477 = arith.constant 0 : i32
        %dma_start3A_478 = tpu.memref_slice %arg4[%add3A_28, %dma_start3A_477] : memref<4096x80xi32, #tpu.memory_space<hbm>> -> memref<16x80xi32, #tpu.memory_space<hbm>>
        tpu.enqueue_dma source(%dma_start3A_478 : memref<16x80xi32, #tpu.memory_space<hbm>>) target(%arg8 : memref<16x80xi32, #tpu.memory_space<vmem>>) target_semaphore(%run_scoped3A : memref<!tpu.dma_semaphore, #tpu.memory_space<semaphore_mem>>)
        %dma_wait3A_479 = arith.constant 0 : i32
        %dma_wait3A_480 = tpu.memref_slice %arg4[%add3A_28, %dma_wait3A_479] : memref<4096x80xi32, #tpu.memory_space<hbm>> -> memref<16x80xi32, #tpu.memory_space<hbm>>
        %dma_wait3A_481 = arith.constant 0 : i32
        %dma_wait3A_482 = tpu.memref_slice %arg4[%add3A_28, %dma_wait3A_481] : memref<4096x80xi32, #tpu.memory_space<hbm>> -> memref<16x80xi32, #tpu.memory_space<hbm>>
        tpu.wait_dma2 semaphore(%run_scoped3A : memref<!tpu.dma_semaphore, #tpu.memory_space<semaphore_mem>>) src(%dma_wait3A_482 : memref<16x80xi32, #tpu.memory_space<hbm>>) dst(%arg8 : memref<16x80xi32, #tpu.memory_space<vmem>>)
        tpu.yield
      }) : () -> ()
      %dma_start3A = arith.constant 0 : i32
      %dma_start3A_29 = arith.constant 0 : i32
      %dma_start3A_30 = tpu.memref_slice %arg7[%dma_start3A, %dma_start3A_29] : memref<16x80xi32, #tpu.memory_space<vmem>> -> memref<1x80xi32, #tpu.memory_space<vmem>>
      %dma_start3A_31 = tpu.memref_squeeze %dma_start3A_30 : memref<1x80xi32, #tpu.memory_space<vmem>> -> memref<80xi32, #tpu.memory_space<vmem>>
      %dma_start3A_32 = arith.constant 0 : i32
      %dma_start3A_33 = arith.constant 0 : i32
      %dma_start3A_34 = tpu.memref_slice %arg2[%dma_start3A_32, %dma_start3A_33] : memref<10000x128xf32, #tpu.memory_space<hbm>> -> memref<10000x128xf32, #tpu.memory_space<hbm>>
      tpu.enqueue_indirect_dma source(%dma_start3A_34 : memref<10000x128xf32, #tpu.memory_space<hbm>>) target(%arg9 : memref<80x128xf32, #tpu.memory_space<vmem>>) offsets(%dma_start3A_31 : memref<80xi32, #tpu.memory_space<vmem>>) semaphore(%arg14 : memref<!tpu.dma_semaphore, #tpu.memory_space<semaphore_mem>>)
      %dma_start3A_35 = arith.constant 1 : i32
      %dma_start3A_36 = arith.constant 0 : i32
      %dma_start3A_37 = tpu.memref_slice %arg7[%dma_start3A_35, %dma_start3A_36] : memref<16x80xi32, #tpu.memory_space<vmem>> -> memref<1x80xi32, #tpu.memory_space<vmem>>
      %dma_start3A_38 = tpu.memref_squeeze %dma_start3A_37 : memref<1x80xi32, #tpu.memory_space<vmem>> -> memref<80xi32, #tpu.memory_space<vmem>>
      %dma_start3A_39 = arith.constant 0 : i32
      %dma_start3A_40 = arith.constant 0 : i32
      %dma_start3A_41 = tpu.memref_slice %arg2[%dma_start3A_39, %dma_start3A_40] : memref<10000x128xf32, #tpu.memory_space<hbm>> -> memref<10000x128xf32, #tpu.memory_space<hbm>>
      tpu.enqueue_indirect_dma source(%dma_start3A_41 : memref<10000x128xf32, #tpu.memory_space<hbm>>) target(%arg10 : memref<80x128xf32, #tpu.memory_space<vmem>>) offsets(%dma_start3A_38 : memref<80xi32, #tpu.memory_space<vmem>>) semaphore(%arg15 : memref<!tpu.dma_semaphore, #tpu.memory_space<semaphore_mem>>)
      %dma_start3A_42 = arith.constant 2 : i32
      %dma_start3A_43 = arith.constant 0 : i32
      %dma_start3A_44 = tpu.memref_slice %arg7[%dma_start3A_42, %dma_start3A_43] : memref<16x80xi32, #tpu.memory_space<vmem>> -> memref<1x80xi32, #tpu.memory_space<vmem>>
      %dma_start3A_45 = tpu.memref_squeeze %dma_start3A_44 : memref<1x80xi32, #tpu.memory_space<vmem>> -> memref<80xi32, #tpu.memory_space<vmem>>
      %dma_start3A_46 = arith.constant 0 : i32
      %dma_start3A_47 = arith.constant 0 : i32
      %dma_start3A_48 = tpu.memref_slice %arg2[%dma_start3A_46, %dma_start3A_47] : memref<10000x128xf32, #tpu.memory_space<hbm>> -> memref<10000x128xf32, #tpu.memory_space<hbm>>
      tpu.enqueue_indirect_dma source(%dma_start3A_48 : memref<10000x128xf32, #tpu.memory_space<hbm>>) target(%arg11 : memref<80x128xf32, #tpu.memory_space<vmem>>) offsets(%dma_start3A_45 : memref<80xi32, #tpu.memory_space<vmem>>) semaphore(%arg16 : memref<!tpu.dma_semaphore, #tpu.memory_space<semaphore_mem>>)
      %dma_start3A_49 = arith.constant 3 : i32
      %dma_start3A_50 = arith.constant 0 : i32
      %dma_start3A_51 = tpu.memref_slice %arg7[%dma_start3A_49, %dma_start3A_50] : memref<16x80xi32, #tpu.memory_space<vmem>> -> memref<1x80xi32, #tpu.memory_space<vmem>>
      %dma_start3A_52 = tpu.memref_squeeze %dma_start3A_51 : memref<1x80xi32, #tpu.memory_space<vmem>> -> memref<80xi32, #tpu.memory_space<vmem>>
      %dma_start3A_53 = arith.constant 0 : i32
      %dma_start3A_54 = arith.constant 0 : i32
      %dma_start3A_55 = tpu.memref_slice %arg2[%dma_start3A_53, %dma_start3A_54] : memref<10000x128xf32, #tpu.memory_space<hbm>> -> memref<10000x128xf32, #tpu.memory_space<hbm>>
      tpu.enqueue_indirect_dma source(%dma_start3A_55 : memref<10000x128xf32, #tpu.memory_space<hbm>>) target(%arg12 : memref<80x128xf32, #tpu.memory_space<vmem>>) offsets(%dma_start3A_52 : memref<80xi32, #tpu.memory_space<vmem>>) semaphore(%arg17 : memref<!tpu.dma_semaphore, #tpu.memory_space<semaphore_mem>>)
      %dma_wait3A = arith.constant 0 : i32
      %dma_wait3A_56 = arith.constant 0 : i32
      %dma_wait3A_57 = tpu.memref_slice %arg7[%dma_wait3A, %dma_wait3A_56] : memref<16x80xi32, #tpu.memory_space<vmem>> -> memref<1x80xi32, #tpu.memory_space<vmem>>
      %dma_wait3A_58 = tpu.memref_squeeze %dma_wait3A_57 : memref<1x80xi32, #tpu.memory_space<vmem>> -> memref<80xi32, #tpu.memory_space<vmem>>
      %dma_wait3A_59 = arith.constant 0 : i32
      %dma_wait3A_60 = arith.constant 0 : i32
      %dma_wait3A_61 = tpu.memref_slice %arg2[%dma_wait3A_59, %dma_wait3A_60] : memref<10000x128xf32, #tpu.memory_space<hbm>> -> memref<10000x128xf32, #tpu.memory_space<hbm>>
      tpu.wait_indirect_dma semaphore(%arg14 : memref<!tpu.dma_semaphore, #tpu.memory_space<semaphore_mem>>) src(%dma_wait3A_61 : memref<10000x128xf32, #tpu.memory_space<hbm>>) dst(%arg9 : memref<80x128xf32, #tpu.memory_space<vmem>>)
      %dma_start3A_62 = arith.constant 0 : i32
      %dma_start3A_63 = arith.constant 0 : i32
      %dma_start3A_64 = tpu.memref_slice %arg8[%dma_start3A_62, %dma_start3A_63] : memref<16x80xi32, #tpu.memory_space<vmem>> -> memref<1x80xi32, #tpu.memory_space<vmem>>
      %dma_start3A_65 = tpu.memref_squeeze %dma_start3A_64 : memref<1x80xi32, #tpu.memory_space<vmem>> -> memref<80xi32, #tpu.memory_space<vmem>>
      %dma_start3A_66 = arith.constant 0 : i32
      %dma_start3A_67 = arith.constant 0 : i32
      %dma_start3A_68 = tpu.memref_slice %arg13[%dma_start3A_66, %dma_start3A_67] : memref<10008x128xf32, #tpu.memory_space<vmem_shared>> -> memref<10008x128xf32, #tpu.memory_space<vmem_shared>>
      tpu.enqueue_indirect_dma source(%arg9 : memref<80x128xf32, #tpu.memory_space<vmem>>) target(%dma_start3A_68 : memref<10008x128xf32, #tpu.memory_space<vmem_shared>>) offsets(%dma_start3A_65 : memref<80xi32, #tpu.memory_space<vmem>>) semaphore(%arg18 : memref<!tpu.dma_semaphore, #tpu.memory_space<semaphore_mem>>) {add = true}
      %dma_wait3A_69 = arith.constant 0 : i32
      %dma_wait3A_70 = arith.constant 0 : i32
      %dma_wait3A_71 = tpu.memref_slice %arg8[%dma_wait3A_69, %dma_wait3A_70] : memref<16x80xi32, #tpu.memory_space<vmem>> -> memref<1x80xi32, #tpu.memory_space<vmem>>
      %dma_wait3A_72 = tpu.memref_squeeze %dma_wait3A_71 : memref<1x80xi32, #tpu.memory_space<vmem>> -> memref<80xi32, #tpu.memory_space<vmem>>
      %dma_wait3A_73 = arith.constant 0 : i32
      %dma_wait3A_74 = arith.constant 0 : i32
      %dma_wait3A_75 = tpu.memref_slice %arg13[%dma_wait3A_73, %dma_wait3A_74] : memref<10008x128xf32, #tpu.memory_space<vmem_shared>> -> memref<10008x128xf32, #tpu.memory_space<vmem_shared>>
      tpu.wait_indirect_dma semaphore(%arg18 : memref<!tpu.dma_semaphore, #tpu.memory_space<semaphore_mem>>) src(%arg9 : memref<80x128xf32, #tpu.memory_space<vmem>>) dst(%dma_wait3A_75 : memref<10008x128xf32, #tpu.memory_space<vmem_shared>>)
      %dma_start3A_76 = arith.constant 4 : i32
      %dma_start3A_77 = arith.constant 0 : i32
      %dma_start3A_78 = tpu.memref_slice %arg7[%dma_start3A_76, %dma_start3A_77] : memref<16x80xi32, #tpu.memory_space<vmem>> -> memref<1x80xi32, #tpu.memory_space<vmem>>
      %dma_start3A_79 = tpu.memref_squeeze %dma_start3A_78 : memref<1x80xi32, #tpu.memory_space<vmem>> -> memref<80xi32, #tpu.memory_space<vmem>>
      %dma_start3A_80 = arith.constant 0 : i32
      %dma_start3A_81 = arith.constant 0 : i32
      %dma_start3A_82 = tpu.memref_slice %arg2[%dma_start3A_80, %dma_start3A_81] : memref<10000x128xf32, #tpu.memory_space<hbm>> -> memref<10000x128xf32, #tpu.memory_space<hbm>>
      tpu.enqueue_indirect_dma source(%dma_start3A_82 : memref<10000x128xf32, #tpu.memory_space<hbm>>) target(%arg9 : memref<80x128xf32, #tpu.memory_space<vmem>>) offsets(%dma_start3A_79 : memref<80xi32, #tpu.memory_space<vmem>>) semaphore(%arg14 : memref<!tpu.dma_semaphore, #tpu.memory_space<semaphore_mem>>)
      %dma_wait3A_83 = arith.constant 1 : i32
      %dma_wait3A_84 = arith.constant 0 : i32
      %dma_wait3A_85 = tpu.memref_slice %arg7[%dma_wait3A_83, %dma_wait3A_84] : memref<16x80xi32, #tpu.memory_space<vmem>> -> memref<1x80xi32, #tpu.memory_space<vmem>>
      %dma_wait3A_86 = tpu.memref_squeeze %dma_wait3A_85 : memref<1x80xi32, #tpu.memory_space<vmem>> -> memref<80xi32, #tpu.memory_space<vmem>>
      %dma_wait3A_87 = arith.constant 0 : i32
      %dma_wait3A_88 = arith.constant 0 : i32
      %dma_wait3A_89 = tpu.memref_slice %arg2[%dma_wait3A_87, %dma_wait3A_88] : memref<10000x128xf32, #tpu.memory_space<hbm>> -> memref<10000x128xf32, #tpu.memory_space<hbm>>
      tpu.wait_indirect_dma semaphore(%arg15 : memref<!tpu.dma_semaphore, #tpu.memory_space<semaphore_mem>>) src(%dma_wait3A_89 : memref<10000x128xf32, #tpu.memory_space<hbm>>) dst(%arg10 : memref<80x128xf32, #tpu.memory_space<vmem>>)
      %dma_start3A_90 = arith.constant 1 : i32
      %dma_start3A_91 = arith.constant 0 : i32
      %dma_start3A_92 = tpu.memref_slice %arg8[%dma_start3A_90, %dma_start3A_91] : memref<16x80xi32, #tpu.memory_space<vmem>> -> memref<1x80xi32, #tpu.memory_space<vmem>>
      %dma_start3A_93 = tpu.memref_squeeze %dma_start3A_92 : memref<1x80xi32, #tpu.memory_space<vmem>> -> memref<80xi32, #tpu.memory_space<vmem>>
      %dma_start3A_94 = arith.constant 0 : i32
      %dma_start3A_95 = arith.constant 0 : i32
      %dma_start3A_96 = tpu.memref_slice %arg13[%dma_start3A_94, %dma_start3A_95] : memref<10008x128xf32, #tpu.memory_space<vmem_shared>> -> memref<10008x128xf32, #tpu.memory_space<vmem_shared>>
      tpu.enqueue_indirect_dma source(%arg10 : memref<80x128xf32, #tpu.memory_space<vmem>>) target(%dma_start3A_96 : memref<10008x128xf32, #tpu.memory_space<vmem_shared>>) offsets(%dma_start3A_93 : memref<80xi32, #tpu.memory_space<vmem>>) semaphore(%arg19 : memref<!tpu.dma_semaphore, #tpu.memory_space<semaphore_mem>>) {add = true}
      %dma_wait3A_97 = arith.constant 1 : i32
      %dma_wait3A_98 = arith.constant 0 : i32
      %dma_wait3A_99 = tpu.memref_slice %arg8[%dma_wait3A_97, %dma_wait3A_98] : memref<16x80xi32, #tpu.memory_space<vmem>> -> memref<1x80xi32, #tpu.memory_space<vmem>>
      %dma_wait3A_100 = tpu.memref_squeeze %dma_wait3A_99 : memref<1x80xi32, #tpu.memory_space<vmem>> -> memref<80xi32, #tpu.memory_space<vmem>>
      %dma_wait3A_101 = arith.constant 0 : i32
      %dma_wait3A_102 = arith.constant 0 : i32
      %dma_wait3A_103 = tpu.memref_slice %arg13[%dma_wait3A_101, %dma_wait3A_102] : memref<10008x128xf32, #tpu.memory_space<vmem_shared>> -> memref<10008x128xf32, #tpu.memory_space<vmem_shared>>
      tpu.wait_indirect_dma semaphore(%arg19 : memref<!tpu.dma_semaphore, #tpu.memory_space<semaphore_mem>>) src(%arg10 : memref<80x128xf32, #tpu.memory_space<vmem>>) dst(%dma_wait3A_103 : memref<10008x128xf32, #tpu.memory_space<vmem_shared>>)
      %dma_start3A_104 = arith.constant 5 : i32
      %dma_start3A_105 = arith.constant 0 : i32
      %dma_start3A_106 = tpu.memref_slice %arg7[%dma_start3A_104, %dma_start3A_105] : memref<16x80xi32, #tpu.memory_space<vmem>> -> memref<1x80xi32, #tpu.memory_space<vmem>>
      %dma_start3A_107 = tpu.memref_squeeze %dma_start3A_106 : memref<1x80xi32, #tpu.memory_space<vmem>> -> memref<80xi32, #tpu.memory_space<vmem>>
      %dma_start3A_108 = arith.constant 0 : i32
      %dma_start3A_109 = arith.constant 0 : i32
      %dma_start3A_110 = tpu.memref_slice %arg2[%dma_start3A_108, %dma_start3A_109] : memref<10000x128xf32, #tpu.memory_space<hbm>> -> memref<10000x128xf32, #tpu.memory_space<hbm>>
      tpu.enqueue_indirect_dma source(%dma_start3A_110 : memref<10000x128xf32, #tpu.memory_space<hbm>>) target(%arg10 : memref<80x128xf32, #tpu.memory_space<vmem>>) offsets(%dma_start3A_107 : memref<80xi32, #tpu.memory_space<vmem>>) semaphore(%arg15 : memref<!tpu.dma_semaphore, #tpu.memory_space<semaphore_mem>>)
      %dma_wait3A_111 = arith.constant 2 : i32
      %dma_wait3A_112 = arith.constant 0 : i32
      %dma_wait3A_113 = tpu.memref_slice %arg7[%dma_wait3A_111, %dma_wait3A_112] : memref<16x80xi32, #tpu.memory_space<vmem>> -> memref<1x80xi32, #tpu.memory_space<vmem>>
      %dma_wait3A_114 = tpu.memref_squeeze %dma_wait3A_113 : memref<1x80xi32, #tpu.memory_space<vmem>> -> memref<80xi32, #tpu.memory_space<vmem>>
      %dma_wait3A_115 = arith.constant 0 : i32
      %dma_wait3A_116 = arith.constant 0 : i32
      %dma_wait3A_117 = tpu.memref_slice %arg2[%dma_wait3A_115, %dma_wait3A_116] : memref<10000x128xf32, #tpu.memory_space<hbm>> -> memref<10000x128xf32, #tpu.memory_space<hbm>>
      tpu.wait_indirect_dma semaphore(%arg16 : memref<!tpu.dma_semaphore, #tpu.memory_space<semaphore_mem>>) src(%dma_wait3A_117 : memref<10000x128xf32, #tpu.memory_space<hbm>>) dst(%arg11 : memref<80x128xf32, #tpu.memory_space<vmem>>)
      %dma_start3A_118 = arith.constant 2 : i32
      %dma_start3A_119 = arith.constant 0 : i32
      %dma_start3A_120 = tpu.memref_slice %arg8[%dma_start3A_118, %dma_start3A_119] : memref<16x80xi32, #tpu.memory_space<vmem>> -> memref<1x80xi32, #tpu.memory_space<vmem>>
      %dma_start3A_121 = tpu.memref_squeeze %dma_start3A_120 : memref<1x80xi32, #tpu.memory_space<vmem>> -> memref<80xi32, #tpu.memory_space<vmem>>
      %dma_start3A_122 = arith.constant 0 : i32
      %dma_start3A_123 = arith.constant 0 : i32
      %dma_start3A_124 = tpu.memref_slice %arg13[%dma_start3A_122, %dma_start3A_123] : memref<10008x128xf32, #tpu.memory_space<vmem_shared>> -> memref<10008x128xf32, #tpu.memory_space<vmem_shared>>
      tpu.enqueue_indirect_dma source(%arg11 : memref<80x128xf32, #tpu.memory_space<vmem>>) target(%dma_start3A_124 : memref<10008x128xf32, #tpu.memory_space<vmem_shared>>) offsets(%dma_start3A_121 : memref<80xi32, #tpu.memory_space<vmem>>) semaphore(%arg18 : memref<!tpu.dma_semaphore, #tpu.memory_space<semaphore_mem>>) {add = true}
      %dma_wait3A_125 = arith.constant 2 : i32
      %dma_wait3A_126 = arith.constant 0 : i32
      %dma_wait3A_127 = tpu.memref_slice %arg8[%dma_wait3A_125, %dma_wait3A_126] : memref<16x80xi32, #tpu.memory_space<vmem>> -> memref<1x80xi32, #tpu.memory_space<vmem>>
      %dma_wait3A_128 = tpu.memref_squeeze %dma_wait3A_127 : memref<1x80xi32, #tpu.memory_space<vmem>> -> memref<80xi32, #tpu.memory_space<vmem>>
      %dma_wait3A_129 = arith.constant 0 : i32
      %dma_wait3A_130 = arith.constant 0 : i32
      %dma_wait3A_131 = tpu.memref_slice %arg13[%dma_wait3A_129, %dma_wait3A_130] : memref<10008x128xf32, #tpu.memory_space<vmem_shared>> -> memref<10008x128xf32, #tpu.memory_space<vmem_shared>>
      tpu.wait_indirect_dma semaphore(%arg18 : memref<!tpu.dma_semaphore, #tpu.memory_space<semaphore_mem>>) src(%arg11 : memref<80x128xf32, #tpu.memory_space<vmem>>) dst(%dma_wait3A_131 : memref<10008x128xf32, #tpu.memory_space<vmem_shared>>)
      %dma_start3A_132 = arith.constant 6 : i32
      %dma_start3A_133 = arith.constant 0 : i32
      %dma_start3A_134 = tpu.memref_slice %arg7[%dma_start3A_132, %dma_start3A_133] : memref<16x80xi32, #tpu.memory_space<vmem>> -> memref<1x80xi32, #tpu.memory_space<vmem>>
      %dma_start3A_135 = tpu.memref_squeeze %dma_start3A_134 : memref<1x80xi32, #tpu.memory_space<vmem>> -> memref<80xi32, #tpu.memory_space<vmem>>
      %dma_start3A_136 = arith.constant 0 : i32
      %dma_start3A_137 = arith.constant 0 : i32
      %dma_start3A_138 = tpu.memref_slice %arg2[%dma_start3A_136, %dma_start3A_137] : memref<10000x128xf32, #tpu.memory_space<hbm>> -> memref<10000x128xf32, #tpu.memory_space<hbm>>
      tpu.enqueue_indirect_dma source(%dma_start3A_138 : memref<10000x128xf32, #tpu.memory_space<hbm>>) target(%arg11 : memref<80x128xf32, #tpu.memory_space<vmem>>) offsets(%dma_start3A_135 : memref<80xi32, #tpu.memory_space<vmem>>) semaphore(%arg16 : memref<!tpu.dma_semaphore, #tpu.memory_space<semaphore_mem>>)
      %dma_wait3A_139 = arith.constant 3 : i32
      %dma_wait3A_140 = arith.constant 0 : i32
      %dma_wait3A_141 = tpu.memref_slice %arg7[%dma_wait3A_139, %dma_wait3A_140] : memref<16x80xi32, #tpu.memory_space<vmem>> -> memref<1x80xi32, #tpu.memory_space<vmem>>
      %dma_wait3A_142 = tpu.memref_squeeze %dma_wait3A_141 : memref<1x80xi32, #tpu.memory_space<vmem>> -> memref<80xi32, #tpu.memory_space<vmem>>
      %dma_wait3A_143 = arith.constant 0 : i32
      %dma_wait3A_144 = arith.constant 0 : i32
      %dma_wait3A_145 = tpu.memref_slice %arg2[%dma_wait3A_143, %dma_wait3A_144] : memref<10000x128xf32, #tpu.memory_space<hbm>> -> memref<10000x128xf32, #tpu.memory_space<hbm>>
      tpu.wait_indirect_dma semaphore(%arg17 : memref<!tpu.dma_semaphore, #tpu.memory_space<semaphore_mem>>) src(%dma_wait3A_145 : memref<10000x128xf32, #tpu.memory_space<hbm>>) dst(%arg12 : memref<80x128xf32, #tpu.memory_space<vmem>>)
      %dma_start3A_146 = arith.constant 3 : i32
      %dma_start3A_147 = arith.constant 0 : i32
      %dma_start3A_148 = tpu.memref_slice %arg8[%dma_start3A_146, %dma_start3A_147] : memref<16x80xi32, #tpu.memory_space<vmem>> -> memref<1x80xi32, #tpu.memory_space<vmem>>
      %dma_start3A_149 = tpu.memref_squeeze %dma_start3A_148 : memref<1x80xi32, #tpu.memory_space<vmem>> -> memref<80xi32, #tpu.memory_space<vmem>>
      %dma_start3A_150 = arith.constant 0 : i32
      %dma_start3A_151 = arith.constant 0 : i32
      %dma_start3A_152 = tpu.memref_slice %arg13[%dma_start3A_150, %dma_start3A_151] : memref<10008x128xf32, #tpu.memory_space<vmem_shared>> -> memref<10008x128xf32, #tpu.memory_space<vmem_shared>>
      tpu.enqueue_indirect_dma source(%arg12 : memref<80x128xf32, #tpu.memory_space<vmem>>) target(%dma_start3A_152 : memref<10008x128xf32, #tpu.memory_space<vmem_shared>>) offsets(%dma_start3A_149 : memref<80xi32, #tpu.memory_space<vmem>>) semaphore(%arg19 : memref<!tpu.dma_semaphore, #tpu.memory_space<semaphore_mem>>) {add = true}
      %dma_wait3A_153 = arith.constant 3 : i32
      %dma_wait3A_154 = arith.constant 0 : i32
      %dma_wait3A_155 = tpu.memref_slice %arg8[%dma_wait3A_153, %dma_wait3A_154] : memref<16x80xi32, #tpu.memory_space<vmem>> -> memref<1x80xi32, #tpu.memory_space<vmem>>
      %dma_wait3A_156 = tpu.memref_squeeze %dma_wait3A_155 : memref<1x80xi32, #tpu.memory_space<vmem>> -> memref<80xi32, #tpu.memory_space<vmem>>
      %dma_wait3A_157 = arith.constant 0 : i32
      %dma_wait3A_158 = arith.constant 0 : i32
      %dma_wait3A_159 = tpu.memref_slice %arg13[%dma_wait3A_157, %dma_wait3A_158] : memref<10008x128xf32, #tpu.memory_space<vmem_shared>> -> memref<10008x128xf32, #tpu.memory_space<vmem_shared>>
      tpu.wait_indirect_dma semaphore(%arg19 : memref<!tpu.dma_semaphore, #tpu.memory_space<semaphore_mem>>) src(%arg12 : memref<80x128xf32, #tpu.memory_space<vmem>>) dst(%dma_wait3A_159 : memref<10008x128xf32, #tpu.memory_space<vmem_shared>>)
      %dma_start3A_160 = arith.constant 7 : i32
      %dma_start3A_161 = arith.constant 0 : i32
      %dma_start3A_162 = tpu.memref_slice %arg7[%dma_start3A_160, %dma_start3A_161] : memref<16x80xi32, #tpu.memory_space<vmem>> -> memref<1x80xi32, #tpu.memory_space<vmem>>
      %dma_start3A_163 = tpu.memref_squeeze %dma_start3A_162 : memref<1x80xi32, #tpu.memory_space<vmem>> -> memref<80xi32, #tpu.memory_space<vmem>>
      %dma_start3A_164 = arith.constant 0 : i32
      %dma_start3A_165 = arith.constant 0 : i32
      %dma_start3A_166 = tpu.memref_slice %arg2[%dma_start3A_164, %dma_start3A_165] : memref<10000x128xf32, #tpu.memory_space<hbm>> -> memref<10000x128xf32, #tpu.memory_space<hbm>>
      tpu.enqueue_indirect_dma source(%dma_start3A_166 : memref<10000x128xf32, #tpu.memory_space<hbm>>) target(%arg12 : memref<80x128xf32, #tpu.memory_space<vmem>>) offsets(%dma_start3A_163 : memref<80xi32, #tpu.memory_space<vmem>>) semaphore(%arg17 : memref<!tpu.dma_semaphore, #tpu.memory_space<semaphore_mem>>)
      %dma_wait3A_167 = arith.constant 4 : i32
      %dma_wait3A_168 = arith.constant 0 : i32
      %dma_wait3A_169 = tpu.memref_slice %arg7[%dma_wait3A_167, %dma_wait3A_168] : memref<16x80xi32, #tpu.memory_space<vmem>> -> memref<1x80xi32, #tpu.memory_space<vmem>>
      %dma_wait3A_170 = tpu.memref_squeeze %dma_wait3A_169 : memref<1x80xi32, #tpu.memory_space<vmem>> -> memref<80xi32, #tpu.memory_space<vmem>>
      %dma_wait3A_171 = arith.constant 0 : i32
      %dma_wait3A_172 = arith.constant 0 : i32
      %dma_wait3A_173 = tpu.memref_slice %arg2[%dma_wait3A_171, %dma_wait3A_172] : memref<10000x128xf32, #tpu.memory_space<hbm>> -> memref<10000x128xf32, #tpu.memory_space<hbm>>
      tpu.wait_indirect_dma semaphore(%arg14 : memref<!tpu.dma_semaphore, #tpu.memory_space<semaphore_mem>>) src(%dma_wait3A_173 : memref<10000x128xf32, #tpu.memory_space<hbm>>) dst(%arg9 : memref<80x128xf32, #tpu.memory_space<vmem>>)
      %dma_start3A_174 = arith.constant 4 : i32
      %dma_start3A_175 = arith.constant 0 : i32
      %dma_start3A_176 = tpu.memref_slice %arg8[%dma_start3A_174, %dma_start3A_175] : memref<16x80xi32, #tpu.memory_space<vmem>> -> memref<1x80xi32, #tpu.memory_space<vmem>>
      %dma_start3A_177 = tpu.memref_squeeze %dma_start3A_176 : memref<1x80xi32, #tpu.memory_space<vmem>> -> memref<80xi32, #tpu.memory_space<vmem>>
      %dma_start3A_178 = arith.constant 0 : i32
      %dma_start3A_179 = arith.constant 0 : i32
      %dma_start3A_180 = tpu.memref_slice %arg13[%dma_start3A_178, %dma_start3A_179] : memref<10008x128xf32, #tpu.memory_space<vmem_shared>> -> memref<10008x128xf32, #tpu.memory_space<vmem_shared>>
      tpu.enqueue_indirect_dma source(%arg9 : memref<80x128xf32, #tpu.memory_space<vmem>>) target(%dma_start3A_180 : memref<10008x128xf32, #tpu.memory_space<vmem_shared>>) offsets(%dma_start3A_177 : memref<80xi32, #tpu.memory_space<vmem>>) semaphore(%arg18 : memref<!tpu.dma_semaphore, #tpu.memory_space<semaphore_mem>>) {add = true}
      %dma_wait3A_181 = arith.constant 4 : i32
      %dma_wait3A_182 = arith.constant 0 : i32
      %dma_wait3A_183 = tpu.memref_slice %arg8[%dma_wait3A_181, %dma_wait3A_182] : memref<16x80xi32, #tpu.memory_space<vmem>> -> memref<1x80xi32, #tpu.memory_space<vmem>>
      %dma_wait3A_184 = tpu.memref_squeeze %dma_wait3A_183 : memref<1x80xi32, #tpu.memory_space<vmem>> -> memref<80xi32, #tpu.memory_space<vmem>>
      %dma_wait3A_185 = arith.constant 0 : i32
      %dma_wait3A_186 = arith.constant 0 : i32
      %dma_wait3A_187 = tpu.memref_slice %arg13[%dma_wait3A_185, %dma_wait3A_186] : memref<10008x128xf32, #tpu.memory_space<vmem_shared>> -> memref<10008x128xf32, #tpu.memory_space<vmem_shared>>
      tpu.wait_indirect_dma semaphore(%arg18 : memref<!tpu.dma_semaphore, #tpu.memory_space<semaphore_mem>>) src(%arg9 : memref<80x128xf32, #tpu.memory_space<vmem>>) dst(%dma_wait3A_187 : memref<10008x128xf32, #tpu.memory_space<vmem_shared>>)
      %dma_start3A_188 = arith.constant 8 : i32
      %dma_start3A_189 = arith.constant 0 : i32
      %dma_start3A_190 = tpu.memref_slice %arg7[%dma_start3A_188, %dma_start3A_189] : memref<16x80xi32, #tpu.memory_space<vmem>> -> memref<1x80xi32, #tpu.memory_space<vmem>>
      %dma_start3A_191 = tpu.memref_squeeze %dma_start3A_190 : memref<1x80xi32, #tpu.memory_space<vmem>> -> memref<80xi32, #tpu.memory_space<vmem>>
      %dma_start3A_192 = arith.constant 0 : i32
      %dma_start3A_193 = arith.constant 0 : i32
      %dma_start3A_194 = tpu.memref_slice %arg2[%dma_start3A_192, %dma_start3A_193] : memref<10000x128xf32, #tpu.memory_space<hbm>> -> memref<10000x128xf32, #tpu.memory_space<hbm>>
      tpu.enqueue_indirect_dma source(%dma_start3A_194 : memref<10000x128xf32, #tpu.memory_space<hbm>>) target(%arg9 : memref<80x128xf32, #tpu.memory_space<vmem>>) offsets(%dma_start3A_191 : memref<80xi32, #tpu.memory_space<vmem>>) semaphore(%arg14 : memref<!tpu.dma_semaphore, #tpu.memory_space<semaphore_mem>>)
      %dma_wait3A_195 = arith.constant 5 : i32
      %dma_wait3A_196 = arith.constant 0 : i32
      %dma_wait3A_197 = tpu.memref_slice %arg7[%dma_wait3A_195, %dma_wait3A_196] : memref<16x80xi32, #tpu.memory_space<vmem>> -> memref<1x80xi32, #tpu.memory_space<vmem>>
      %dma_wait3A_198 = tpu.memref_squeeze %dma_wait3A_197 : memref<1x80xi32, #tpu.memory_space<vmem>> -> memref<80xi32, #tpu.memory_space<vmem>>
      %dma_wait3A_199 = arith.constant 0 : i32
      %dma_wait3A_200 = arith.constant 0 : i32
      %dma_wait3A_201 = tpu.memref_slice %arg2[%dma_wait3A_199, %dma_wait3A_200] : memref<10000x128xf32, #tpu.memory_space<hbm>> -> memref<10000x128xf32, #tpu.memory_space<hbm>>
      tpu.wait_indirect_dma semaphore(%arg15 : memref<!tpu.dma_semaphore, #tpu.memory_space<semaphore_mem>>) src(%dma_wait3A_201 : memref<10000x128xf32, #tpu.memory_space<hbm>>) dst(%arg10 : memref<80x128xf32, #tpu.memory_space<vmem>>)
      %dma_start3A_202 = arith.constant 5 : i32
      %dma_start3A_203 = arith.constant 0 : i32
      %dma_start3A_204 = tpu.memref_slice %arg8[%dma_start3A_202, %dma_start3A_203] : memref<16x80xi32, #tpu.memory_space<vmem>> -> memref<1x80xi32, #tpu.memory_space<vmem>>
      %dma_start3A_205 = tpu.memref_squeeze %dma_start3A_204 : memref<1x80xi32, #tpu.memory_space<vmem>> -> memref<80xi32, #tpu.memory_space<vmem>>
      %dma_start3A_206 = arith.constant 0 : i32
      %dma_start3A_207 = arith.constant 0 : i32
      %dma_start3A_208 = tpu.memref_slice %arg13[%dma_start3A_206, %dma_start3A_207] : memref<10008x128xf32, #tpu.memory_space<vmem_shared>> -> memref<10008x128xf32, #tpu.memory_space<vmem_shared>>
      tpu.enqueue_indirect_dma source(%arg10 : memref<80x128xf32, #tpu.memory_space<vmem>>) target(%dma_start3A_208 : memref<10008x128xf32, #tpu.memory_space<vmem_shared>>) offsets(%dma_start3A_205 : memref<80xi32, #tpu.memory_space<vmem>>) semaphore(%arg19 : memref<!tpu.dma_semaphore, #tpu.memory_space<semaphore_mem>>) {add = true}
      %dma_wait3A_209 = arith.constant 5 : i32
      %dma_wait3A_210 = arith.constant 0 : i32
      %dma_wait3A_211 = tpu.memref_slice %arg8[%dma_wait3A_209, %dma_wait3A_210] : memref<16x80xi32, #tpu.memory_space<vmem>> -> memref<1x80xi32, #tpu.memory_space<vmem>>
      %dma_wait3A_212 = tpu.memref_squeeze %dma_wait3A_211 : memref<1x80xi32, #tpu.memory_space<vmem>> -> memref<80xi32, #tpu.memory_space<vmem>>
      %dma_wait3A_213 = arith.constant 0 : i32
      %dma_wait3A_214 = arith.constant 0 : i32
      %dma_wait3A_215 = tpu.memref_slice %arg13[%dma_wait3A_213, %dma_wait3A_214] : memref<10008x128xf32, #tpu.memory_space<vmem_shared>> -> memref<10008x128xf32, #tpu.memory_space<vmem_shared>>
      tpu.wait_indirect_dma semaphore(%arg19 : memref<!tpu.dma_semaphore, #tpu.memory_space<semaphore_mem>>) src(%arg10 : memref<80x128xf32, #tpu.memory_space<vmem>>) dst(%dma_wait3A_215 : memref<10008x128xf32, #tpu.memory_space<vmem_shared>>)
      %dma_start3A_216 = arith.constant 9 : i32
      %dma_start3A_217 = arith.constant 0 : i32
      %dma_start3A_218 = tpu.memref_slice %arg7[%dma_start3A_216, %dma_start3A_217] : memref<16x80xi32, #tpu.memory_space<vmem>> -> memref<1x80xi32, #tpu.memory_space<vmem>>
      %dma_start3A_219 = tpu.memref_squeeze %dma_start3A_218 : memref<1x80xi32, #tpu.memory_space<vmem>> -> memref<80xi32, #tpu.memory_space<vmem>>
      %dma_start3A_220 = arith.constant 0 : i32
      %dma_start3A_221 = arith.constant 0 : i32
      %dma_start3A_222 = tpu.memref_slice %arg2[%dma_start3A_220, %dma_start3A_221] : memref<10000x128xf32, #tpu.memory_space<hbm>> -> memref<10000x128xf32, #tpu.memory_space<hbm>>
      tpu.enqueue_indirect_dma source(%dma_start3A_222 : memref<10000x128xf32, #tpu.memory_space<hbm>>) target(%arg10 : memref<80x128xf32, #tpu.memory_space<vmem>>) offsets(%dma_start3A_219 : memref<80xi32, #tpu.memory_space<vmem>>) semaphore(%arg15 : memref<!tpu.dma_semaphore, #tpu.memory_space<semaphore_mem>>)
      %dma_wait3A_223 = arith.constant 6 : i32
      %dma_wait3A_224 = arith.constant 0 : i32
      %dma_wait3A_225 = tpu.memref_slice %arg7[%dma_wait3A_223, %dma_wait3A_224] : memref<16x80xi32, #tpu.memory_space<vmem>> -> memref<1x80xi32, #tpu.memory_space<vmem>>
      %dma_wait3A_226 = tpu.memref_squeeze %dma_wait3A_225 : memref<1x80xi32, #tpu.memory_space<vmem>> -> memref<80xi32, #tpu.memory_space<vmem>>
      %dma_wait3A_227 = arith.constant 0 : i32
      %dma_wait3A_228 = arith.constant 0 : i32
      %dma_wait3A_229 = tpu.memref_slice %arg2[%dma_wait3A_227, %dma_wait3A_228] : memref<10000x128xf32, #tpu.memory_space<hbm>> -> memref<10000x128xf32, #tpu.memory_space<hbm>>
      tpu.wait_indirect_dma semaphore(%arg16 : memref<!tpu.dma_semaphore, #tpu.memory_space<semaphore_mem>>) src(%dma_wait3A_229 : memref<10000x128xf32, #tpu.memory_space<hbm>>) dst(%arg11 : memref<80x128xf32, #tpu.memory_space<vmem>>)
      %dma_start3A_230 = arith.constant 6 : i32
      %dma_start3A_231 = arith.constant 0 : i32
      %dma_start3A_232 = tpu.memref_slice %arg8[%dma_start3A_230, %dma_start3A_231] : memref<16x80xi32, #tpu.memory_space<vmem>> -> memref<1x80xi32, #tpu.memory_space<vmem>>
      %dma_start3A_233 = tpu.memref_squeeze %dma_start3A_232 : memref<1x80xi32, #tpu.memory_space<vmem>> -> memref<80xi32, #tpu.memory_space<vmem>>
      %dma_start3A_234 = arith.constant 0 : i32
      %dma_start3A_235 = arith.constant 0 : i32
      %dma_start3A_236 = tpu.memref_slice %arg13[%dma_start3A_234, %dma_start3A_235] : memref<10008x128xf32, #tpu.memory_space<vmem_shared>> -> memref<10008x128xf32, #tpu.memory_space<vmem_shared>>
      tpu.enqueue_indirect_dma source(%arg11 : memref<80x128xf32, #tpu.memory_space<vmem>>) target(%dma_start3A_236 : memref<10008x128xf32, #tpu.memory_space<vmem_shared>>) offsets(%dma_start3A_233 : memref<80xi32, #tpu.memory_space<vmem>>) semaphore(%arg18 : memref<!tpu.dma_semaphore, #tpu.memory_space<semaphore_mem>>) {add = true}
      %dma_wait3A_237 = arith.constant 6 : i32
      %dma_wait3A_238 = arith.constant 0 : i32
      %dma_wait3A_239 = tpu.memref_slice %arg8[%dma_wait3A_237, %dma_wait3A_238] : memref<16x80xi32, #tpu.memory_space<vmem>> -> memref<1x80xi32, #tpu.memory_space<vmem>>
      %dma_wait3A_240 = tpu.memref_squeeze %dma_wait3A_239 : memref<1x80xi32, #tpu.memory_space<vmem>> -> memref<80xi32, #tpu.memory_space<vmem>>
      %dma_wait3A_241 = arith.constant 0 : i32
      %dma_wait3A_242 = arith.constant 0 : i32
      %dma_wait3A_243 = tpu.memref_slice %arg13[%dma_wait3A_241, %dma_wait3A_242] : memref<10008x128xf32, #tpu.memory_space<vmem_shared>> -> memref<10008x128xf32, #tpu.memory_space<vmem_shared>>
      tpu.wait_indirect_dma semaphore(%arg18 : memref<!tpu.dma_semaphore, #tpu.memory_space<semaphore_mem>>) src(%arg11 : memref<80x128xf32, #tpu.memory_space<vmem>>) dst(%dma_wait3A_243 : memref<10008x128xf32, #tpu.memory_space<vmem_shared>>)
      %dma_start3A_244 = arith.constant 10 : i32
      %dma_start3A_245 = arith.constant 0 : i32
      %dma_start3A_246 = tpu.memref_slice %arg7[%dma_start3A_244, %dma_start3A_245] : memref<16x80xi32, #tpu.memory_space<vmem>> -> memref<1x80xi32, #tpu.memory_space<vmem>>
      %dma_start3A_247 = tpu.memref_squeeze %dma_start3A_246 : memref<1x80xi32, #tpu.memory_space<vmem>> -> memref<80xi32, #tpu.memory_space<vmem>>
      %dma_start3A_248 = arith.constant 0 : i32
      %dma_start3A_249 = arith.constant 0 : i32
      %dma_start3A_250 = tpu.memref_slice %arg2[%dma_start3A_248, %dma_start3A_249] : memref<10000x128xf32, #tpu.memory_space<hbm>> -> memref<10000x128xf32, #tpu.memory_space<hbm>>
      tpu.enqueue_indirect_dma source(%dma_start3A_250 : memref<10000x128xf32, #tpu.memory_space<hbm>>) target(%arg11 : memref<80x128xf32, #tpu.memory_space<vmem>>) offsets(%dma_start3A_247 : memref<80xi32, #tpu.memory_space<vmem>>) semaphore(%arg16 : memref<!tpu.dma_semaphore, #tpu.memory_space<semaphore_mem>>)
      %dma_wait3A_251 = arith.constant 7 : i32
      %dma_wait3A_252 = arith.constant 0 : i32
      %dma_wait3A_253 = tpu.memref_slice %arg7[%dma_wait3A_251, %dma_wait3A_252] : memref<16x80xi32, #tpu.memory_space<vmem>> -> memref<1x80xi32, #tpu.memory_space<vmem>>
      %dma_wait3A_254 = tpu.memref_squeeze %dma_wait3A_253 : memref<1x80xi32, #tpu.memory_space<vmem>> -> memref<80xi32, #tpu.memory_space<vmem>>
      %dma_wait3A_255 = arith.constant 0 : i32
      %dma_wait3A_256 = arith.constant 0 : i32
      %dma_wait3A_257 = tpu.memref_slice %arg2[%dma_wait3A_255, %dma_wait3A_256] : memref<10000x128xf32, #tpu.memory_space<hbm>> -> memref<10000x128xf32, #tpu.memory_space<hbm>>
      tpu.wait_indirect_dma semaphore(%arg17 : memref<!tpu.dma_semaphore, #tpu.memory_space<semaphore_mem>>) src(%dma_wait3A_257 : memref<10000x128xf32, #tpu.memory_space<hbm>>) dst(%arg12 : memref<80x128xf32, #tpu.memory_space<vmem>>)
      %dma_start3A_258 = arith.constant 7 : i32
      %dma_start3A_259 = arith.constant 0 : i32
      %dma_start3A_260 = tpu.memref_slice %arg8[%dma_start3A_258, %dma_start3A_259] : memref<16x80xi32, #tpu.memory_space<vmem>> -> memref<1x80xi32, #tpu.memory_space<vmem>>
      %dma_start3A_261 = tpu.memref_squeeze %dma_start3A_260 : memref<1x80xi32, #tpu.memory_space<vmem>> -> memref<80xi32, #tpu.memory_space<vmem>>
      %dma_start3A_262 = arith.constant 0 : i32
      %dma_start3A_263 = arith.constant 0 : i32
      %dma_start3A_264 = tpu.memref_slice %arg13[%dma_start3A_262, %dma_start3A_263] : memref<10008x128xf32, #tpu.memory_space<vmem_shared>> -> memref<10008x128xf32, #tpu.memory_space<vmem_shared>>
      tpu.enqueue_indirect_dma source(%arg12 : memref<80x128xf32, #tpu.memory_space<vmem>>) target(%dma_start3A_264 : memref<10008x128xf32, #tpu.memory_space<vmem_shared>>) offsets(%dma_start3A_261 : memref<80xi32, #tpu.memory_space<vmem>>) semaphore(%arg19 : memref<!tpu.dma_semaphore, #tpu.memory_space<semaphore_mem>>) {add = true}
      %dma_wait3A_265 = arith.constant 7 : i32
      %dma_wait3A_266 = arith.constant 0 : i32
      %dma_wait3A_267 = tpu.memref_slice %arg8[%dma_wait3A_265, %dma_wait3A_266] : memref<16x80xi32, #tpu.memory_space<vmem>> -> memref<1x80xi32, #tpu.memory_space<vmem>>
      %dma_wait3A_268 = tpu.memref_squeeze %dma_wait3A_267 : memref<1x80xi32, #tpu.memory_space<vmem>> -> memref<80xi32, #tpu.memory_space<vmem>>
      %dma_wait3A_269 = arith.constant 0 : i32
      %dma_wait3A_270 = arith.constant 0 : i32
      %dma_wait3A_271 = tpu.memref_slice %arg13[%dma_wait3A_269, %dma_wait3A_270] : memref<10008x128xf32, #tpu.memory_space<vmem_shared>> -> memref<10008x128xf32, #tpu.memory_space<vmem_shared>>
      tpu.wait_indirect_dma semaphore(%arg19 : memref<!tpu.dma_semaphore, #tpu.memory_space<semaphore_mem>>) src(%arg12 : memref<80x128xf32, #tpu.memory_space<vmem>>) dst(%dma_wait3A_271 : memref<10008x128xf32, #tpu.memory_space<vmem_shared>>)
      %dma_start3A_272 = arith.constant 11 : i32
      %dma_start3A_273 = arith.constant 0 : i32
      %dma_start3A_274 = tpu.memref_slice %arg7[%dma_start3A_272, %dma_start3A_273] : memref<16x80xi32, #tpu.memory_space<vmem>> -> memref<1x80xi32, #tpu.memory_space<vmem>>
      %dma_start3A_275 = tpu.memref_squeeze %dma_start3A_274 : memref<1x80xi32, #tpu.memory_space<vmem>> -> memref<80xi32, #tpu.memory_space<vmem>>
      %dma_start3A_276 = arith.constant 0 : i32
      %dma_start3A_277 = arith.constant 0 : i32
      %dma_start3A_278 = tpu.memref_slice %arg2[%dma_start3A_276, %dma_start3A_277] : memref<10000x128xf32, #tpu.memory_space<hbm>> -> memref<10000x128xf32, #tpu.memory_space<hbm>>
      tpu.enqueue_indirect_dma source(%dma_start3A_278 : memref<10000x128xf32, #tpu.memory_space<hbm>>) target(%arg12 : memref<80x128xf32, #tpu.memory_space<vmem>>) offsets(%dma_start3A_275 : memref<80xi32, #tpu.memory_space<vmem>>) semaphore(%arg17 : memref<!tpu.dma_semaphore, #tpu.memory_space<semaphore_mem>>)
      %dma_wait3A_279 = arith.constant 8 : i32
      %dma_wait3A_280 = arith.constant 0 : i32
      %dma_wait3A_281 = tpu.memref_slice %arg7[%dma_wait3A_279, %dma_wait3A_280] : memref<16x80xi32, #tpu.memory_space<vmem>> -> memref<1x80xi32, #tpu.memory_space<vmem>>
      %dma_wait3A_282 = tpu.memref_squeeze %dma_wait3A_281 : memref<1x80xi32, #tpu.memory_space<vmem>> -> memref<80xi32, #tpu.memory_space<vmem>>
      %dma_wait3A_283 = arith.constant 0 : i32
      %dma_wait3A_284 = arith.constant 0 : i32
      %dma_wait3A_285 = tpu.memref_slice %arg2[%dma_wait3A_283, %dma_wait3A_284] : memref<10000x128xf32, #tpu.memory_space<hbm>> -> memref<10000x128xf32, #tpu.memory_space<hbm>>
      tpu.wait_indirect_dma semaphore(%arg14 : memref<!tpu.dma_semaphore, #tpu.memory_space<semaphore_mem>>) src(%dma_wait3A_285 : memref<10000x128xf32, #tpu.memory_space<hbm>>) dst(%arg9 : memref<80x128xf32, #tpu.memory_space<vmem>>)
      %dma_start3A_286 = arith.constant 8 : i32
      %dma_start3A_287 = arith.constant 0 : i32
      %dma_start3A_288 = tpu.memref_slice %arg8[%dma_start3A_286, %dma_start3A_287] : memref<16x80xi32, #tpu.memory_space<vmem>> -> memref<1x80xi32, #tpu.memory_space<vmem>>
      %dma_start3A_289 = tpu.memref_squeeze %dma_start3A_288 : memref<1x80xi32, #tpu.memory_space<vmem>> -> memref<80xi32, #tpu.memory_space<vmem>>
      %dma_start3A_290 = arith.constant 0 : i32
      %dma_start3A_291 = arith.constant 0 : i32
      %dma_start3A_292 = tpu.memref_slice %arg13[%dma_start3A_290, %dma_start3A_291] : memref<10008x128xf32, #tpu.memory_space<vmem_shared>> -> memref<10008x128xf32, #tpu.memory_space<vmem_shared>>
      tpu.enqueue_indirect_dma source(%arg9 : memref<80x128xf32, #tpu.memory_space<vmem>>) target(%dma_start3A_292 : memref<10008x128xf32, #tpu.memory_space<vmem_shared>>) offsets(%dma_start3A_289 : memref<80xi32, #tpu.memory_space<vmem>>) semaphore(%arg18 : memref<!tpu.dma_semaphore, #tpu.memory_space<semaphore_mem>>) {add = true}
      %dma_wait3A_293 = arith.constant 8 : i32
      %dma_wait3A_294 = arith.constant 0 : i32
      %dma_wait3A_295 = tpu.memref_slice %arg8[%dma_wait3A_293, %dma_wait3A_294] : memref<16x80xi32, #tpu.memory_space<vmem>> -> memref<1x80xi32, #tpu.memory_space<vmem>>
      %dma_wait3A_296 = tpu.memref_squeeze %dma_wait3A_295 : memref<1x80xi32, #tpu.memory_space<vmem>> -> memref<80xi32, #tpu.memory_space<vmem>>
      %dma_wait3A_297 = arith.constant 0 : i32
      %dma_wait3A_298 = arith.constant 0 : i32
      %dma_wait3A_299 = tpu.memref_slice %arg13[%dma_wait3A_297, %dma_wait3A_298] : memref<10008x128xf32, #tpu.memory_space<vmem_shared>> -> memref<10008x128xf32, #tpu.memory_space<vmem_shared>>
      tpu.wait_indirect_dma semaphore(%arg18 : memref<!tpu.dma_semaphore, #tpu.memory_space<semaphore_mem>>) src(%arg9 : memref<80x128xf32, #tpu.memory_space<vmem>>) dst(%dma_wait3A_299 : memref<10008x128xf32, #tpu.memory_space<vmem_shared>>)
      %dma_start3A_300 = arith.constant 12 : i32
      %dma_start3A_301 = arith.constant 0 : i32
      %dma_start3A_302 = tpu.memref_slice %arg7[%dma_start3A_300, %dma_start3A_301] : memref<16x80xi32, #tpu.memory_space<vmem>> -> memref<1x80xi32, #tpu.memory_space<vmem>>
      %dma_start3A_303 = tpu.memref_squeeze %dma_start3A_302 : memref<1x80xi32, #tpu.memory_space<vmem>> -> memref<80xi32, #tpu.memory_space<vmem>>
      %dma_start3A_304 = arith.constant 0 : i32
      %dma_start3A_305 = arith.constant 0 : i32
      %dma_start3A_306 = tpu.memref_slice %arg2[%dma_start3A_304, %dma_start3A_305] : memref<10000x128xf32, #tpu.memory_space<hbm>> -> memref<10000x128xf32, #tpu.memory_space<hbm>>
      tpu.enqueue_indirect_dma source(%dma_start3A_306 : memref<10000x128xf32, #tpu.memory_space<hbm>>) target(%arg9 : memref<80x128xf32, #tpu.memory_space<vmem>>) offsets(%dma_start3A_303 : memref<80xi32, #tpu.memory_space<vmem>>) semaphore(%arg14 : memref<!tpu.dma_semaphore, #tpu.memory_space<semaphore_mem>>)
      %dma_wait3A_307 = arith.constant 9 : i32
      %dma_wait3A_308 = arith.constant 0 : i32
      %dma_wait3A_309 = tpu.memref_slice %arg7[%dma_wait3A_307, %dma_wait3A_308] : memref<16x80xi32, #tpu.memory_space<vmem>> -> memref<1x80xi32, #tpu.memory_space<vmem>>
      %dma_wait3A_310 = tpu.memref_squeeze %dma_wait3A_309 : memref<1x80xi32, #tpu.memory_space<vmem>> -> memref<80xi32, #tpu.memory_space<vmem>>
      %dma_wait3A_311 = arith.constant 0 : i32
      %dma_wait3A_312 = arith.constant 0 : i32
      %dma_wait3A_313 = tpu.memref_slice %arg2[%dma_wait3A_311, %dma_wait3A_312] : memref<10000x128xf32, #tpu.memory_space<hbm>> -> memref<10000x128xf32, #tpu.memory_space<hbm>>
      tpu.wait_indirect_dma semaphore(%arg15 : memref<!tpu.dma_semaphore, #tpu.memory_space<semaphore_mem>>) src(%dma_wait3A_313 : memref<10000x128xf32, #tpu.memory_space<hbm>>) dst(%arg10 : memref<80x128xf32, #tpu.memory_space<vmem>>)
      %dma_start3A_314 = arith.constant 9 : i32
      %dma_start3A_315 = arith.constant 0 : i32
      %dma_start3A_316 = tpu.memref_slice %arg8[%dma_start3A_314, %dma_start3A_315] : memref<16x80xi32, #tpu.memory_space<vmem>> -> memref<1x80xi32, #tpu.memory_space<vmem>>
      %dma_start3A_317 = tpu.memref_squeeze %dma_start3A_316 : memref<1x80xi32, #tpu.memory_space<vmem>> -> memref<80xi32, #tpu.memory_space<vmem>>
      %dma_start3A_318 = arith.constant 0 : i32
      %dma_start3A_319 = arith.constant 0 : i32
      %dma_start3A_320 = tpu.memref_slice %arg13[%dma_start3A_318, %dma_start3A_319] : memref<10008x128xf32, #tpu.memory_space<vmem_shared>> -> memref<10008x128xf32, #tpu.memory_space<vmem_shared>>
      tpu.enqueue_indirect_dma source(%arg10 : memref<80x128xf32, #tpu.memory_space<vmem>>) target(%dma_start3A_320 : memref<10008x128xf32, #tpu.memory_space<vmem_shared>>) offsets(%dma_start3A_317 : memref<80xi32, #tpu.memory_space<vmem>>) semaphore(%arg19 : memref<!tpu.dma_semaphore, #tpu.memory_space<semaphore_mem>>) {add = true}
      %dma_wait3A_321 = arith.constant 9 : i32
      %dma_wait3A_322 = arith.constant 0 : i32
      %dma_wait3A_323 = tpu.memref_slice %arg8[%dma_wait3A_321, %dma_wait3A_322] : memref<16x80xi32, #tpu.memory_space<vmem>> -> memref<1x80xi32, #tpu.memory_space<vmem>>
      %dma_wait3A_324 = tpu.memref_squeeze %dma_wait3A_323 : memref<1x80xi32, #tpu.memory_space<vmem>> -> memref<80xi32, #tpu.memory_space<vmem>>
      %dma_wait3A_325 = arith.constant 0 : i32
      %dma_wait3A_326 = arith.constant 0 : i32
      %dma_wait3A_327 = tpu.memref_slice %arg13[%dma_wait3A_325, %dma_wait3A_326] : memref<10008x128xf32, #tpu.memory_space<vmem_shared>> -> memref<10008x128xf32, #tpu.memory_space<vmem_shared>>
      tpu.wait_indirect_dma semaphore(%arg19 : memref<!tpu.dma_semaphore, #tpu.memory_space<semaphore_mem>>) src(%arg10 : memref<80x128xf32, #tpu.memory_space<vmem>>) dst(%dma_wait3A_327 : memref<10008x128xf32, #tpu.memory_space<vmem_shared>>)
      %dma_start3A_328 = arith.constant 13 : i32
      %dma_start3A_329 = arith.constant 0 : i32
      %dma_start3A_330 = tpu.memref_slice %arg7[%dma_start3A_328, %dma_start3A_329] : memref<16x80xi32, #tpu.memory_space<vmem>> -> memref<1x80xi32, #tpu.memory_space<vmem>>
      %dma_start3A_331 = tpu.memref_squeeze %dma_start3A_330 : memref<1x80xi32, #tpu.memory_space<vmem>> -> memref<80xi32, #tpu.memory_space<vmem>>
      %dma_start3A_332 = arith.constant 0 : i32
      %dma_start3A_333 = arith.constant 0 : i32
      %dma_start3A_334 = tpu.memref_slice %arg2[%dma_start3A_332, %dma_start3A_333] : memref<10000x128xf32, #tpu.memory_space<hbm>> -> memref<10000x128xf32, #tpu.memory_space<hbm>>
      tpu.enqueue_indirect_dma source(%dma_start3A_334 : memref<10000x128xf32, #tpu.memory_space<hbm>>) target(%arg10 : memref<80x128xf32, #tpu.memory_space<vmem>>) offsets(%dma_start3A_331 : memref<80xi32, #tpu.memory_space<vmem>>) semaphore(%arg15 : memref<!tpu.dma_semaphore, #tpu.memory_space<semaphore_mem>>)
      %dma_wait3A_335 = arith.constant 10 : i32
      %dma_wait3A_336 = arith.constant 0 : i32
      %dma_wait3A_337 = tpu.memref_slice %arg7[%dma_wait3A_335, %dma_wait3A_336] : memref<16x80xi32, #tpu.memory_space<vmem>> -> memref<1x80xi32, #tpu.memory_space<vmem>>
      %dma_wait3A_338 = tpu.memref_squeeze %dma_wait3A_337 : memref<1x80xi32, #tpu.memory_space<vmem>> -> memref<80xi32, #tpu.memory_space<vmem>>
      %dma_wait3A_339 = arith.constant 0 : i32
      %dma_wait3A_340 = arith.constant 0 : i32
      %dma_wait3A_341 = tpu.memref_slice %arg2[%dma_wait3A_339, %dma_wait3A_340] : memref<10000x128xf32, #tpu.memory_space<hbm>> -> memref<10000x128xf32, #tpu.memory_space<hbm>>
      tpu.wait_indirect_dma semaphore(%arg16 : memref<!tpu.dma_semaphore, #tpu.memory_space<semaphore_mem>>) src(%dma_wait3A_341 : memref<10000x128xf32, #tpu.memory_space<hbm>>) dst(%arg11 : memref<80x128xf32, #tpu.memory_space<vmem>>)
      %dma_start3A_342 = arith.constant 10 : i32
      %dma_start3A_343 = arith.constant 0 : i32
      %dma_start3A_344 = tpu.memref_slice %arg8[%dma_start3A_342, %dma_start3A_343] : memref<16x80xi32, #tpu.memory_space<vmem>> -> memref<1x80xi32, #tpu.memory_space<vmem>>
      %dma_start3A_345 = tpu.memref_squeeze %dma_start3A_344 : memref<1x80xi32, #tpu.memory_space<vmem>> -> memref<80xi32, #tpu.memory_space<vmem>>
      %dma_start3A_346 = arith.constant 0 : i32
      %dma_start3A_347 = arith.constant 0 : i32
      %dma_start3A_348 = tpu.memref_slice %arg13[%dma_start3A_346, %dma_start3A_347] : memref<10008x128xf32, #tpu.memory_space<vmem_shared>> -> memref<10008x128xf32, #tpu.memory_space<vmem_shared>>
      tpu.enqueue_indirect_dma source(%arg11 : memref<80x128xf32, #tpu.memory_space<vmem>>) target(%dma_start3A_348 : memref<10008x128xf32, #tpu.memory_space<vmem_shared>>) offsets(%dma_start3A_345 : memref<80xi32, #tpu.memory_space<vmem>>) semaphore(%arg18 : memref<!tpu.dma_semaphore, #tpu.memory_space<semaphore_mem>>) {add = true}
      %dma_wait3A_349 = arith.constant 10 : i32
      %dma_wait3A_350 = arith.constant 0 : i32
      %dma_wait3A_351 = tpu.memref_slice %arg8[%dma_wait3A_349, %dma_wait3A_350] : memref<16x80xi32, #tpu.memory_space<vmem>> -> memref<1x80xi32, #tpu.memory_space<vmem>>
      %dma_wait3A_352 = tpu.memref_squeeze %dma_wait3A_351 : memref<1x80xi32, #tpu.memory_space<vmem>> -> memref<80xi32, #tpu.memory_space<vmem>>
      %dma_wait3A_353 = arith.constant 0 : i32
      %dma_wait3A_354 = arith.constant 0 : i32
      %dma_wait3A_355 = tpu.memref_slice %arg13[%dma_wait3A_353, %dma_wait3A_354] : memref<10008x128xf32, #tpu.memory_space<vmem_shared>> -> memref<10008x128xf32, #tpu.memory_space<vmem_shared>>
      tpu.wait_indirect_dma semaphore(%arg18 : memref<!tpu.dma_semaphore, #tpu.memory_space<semaphore_mem>>) src(%arg11 : memref<80x128xf32, #tpu.memory_space<vmem>>) dst(%dma_wait3A_355 : memref<10008x128xf32, #tpu.memory_space<vmem_shared>>)
      %dma_start3A_356 = arith.constant 14 : i32
      %dma_start3A_357 = arith.constant 0 : i32
      %dma_start3A_358 = tpu.memref_slice %arg7[%dma_start3A_356, %dma_start3A_357] : memref<16x80xi32, #tpu.memory_space<vmem>> -> memref<1x80xi32, #tpu.memory_space<vmem>>
      %dma_start3A_359 = tpu.memref_squeeze %dma_start3A_358 : memref<1x80xi32, #tpu.memory_space<vmem>> -> memref<80xi32, #tpu.memory_space<vmem>>
      %dma_start3A_360 = arith.constant 0 : i32
      %dma_start3A_361 = arith.constant 0 : i32
      %dma_start3A_362 = tpu.memref_slice %arg2[%dma_start3A_360, %dma_start3A_361] : memref<10000x128xf32, #tpu.memory_space<hbm>> -> memref<10000x128xf32, #tpu.memory_space<hbm>>
      tpu.enqueue_indirect_dma source(%dma_start3A_362 : memref<10000x128xf32, #tpu.memory_space<hbm>>) target(%arg11 : memref<80x128xf32, #tpu.memory_space<vmem>>) offsets(%dma_start3A_359 : memref<80xi32, #tpu.memory_space<vmem>>) semaphore(%arg16 : memref<!tpu.dma_semaphore, #tpu.memory_space<semaphore_mem>>)
      %dma_wait3A_363 = arith.constant 11 : i32
      %dma_wait3A_364 = arith.constant 0 : i32
      %dma_wait3A_365 = tpu.memref_slice %arg7[%dma_wait3A_363, %dma_wait3A_364] : memref<16x80xi32, #tpu.memory_space<vmem>> -> memref<1x80xi32, #tpu.memory_space<vmem>>
      %dma_wait3A_366 = tpu.memref_squeeze %dma_wait3A_365 : memref<1x80xi32, #tpu.memory_space<vmem>> -> memref<80xi32, #tpu.memory_space<vmem>>
      %dma_wait3A_367 = arith.constant 0 : i32
      %dma_wait3A_368 = arith.constant 0 : i32
      %dma_wait3A_369 = tpu.memref_slice %arg2[%dma_wait3A_367, %dma_wait3A_368] : memref<10000x128xf32, #tpu.memory_space<hbm>> -> memref<10000x128xf32, #tpu.memory_space<hbm>>
      tpu.wait_indirect_dma semaphore(%arg17 : memref<!tpu.dma_semaphore, #tpu.memory_space<semaphore_mem>>) src(%dma_wait3A_369 : memref<10000x128xf32, #tpu.memory_space<hbm>>) dst(%arg12 : memref<80x128xf32, #tpu.memory_space<vmem>>)
      %dma_start3A_370 = arith.constant 11 : i32
      %dma_start3A_371 = arith.constant 0 : i32
      %dma_start3A_372 = tpu.memref_slice %arg8[%dma_start3A_370, %dma_start3A_371] : memref<16x80xi32, #tpu.memory_space<vmem>> -> memref<1x80xi32, #tpu.memory_space<vmem>>
      %dma_start3A_373 = tpu.memref_squeeze %dma_start3A_372 : memref<1x80xi32, #tpu.memory_space<vmem>> -> memref<80xi32, #tpu.memory_space<vmem>>
      %dma_start3A_374 = arith.constant 0 : i32
      %dma_start3A_375 = arith.constant 0 : i32
      %dma_start3A_376 = tpu.memref_slice %arg13[%dma_start3A_374, %dma_start3A_375] : memref<10008x128xf32, #tpu.memory_space<vmem_shared>> -> memref<10008x128xf32, #tpu.memory_space<vmem_shared>>
      tpu.enqueue_indirect_dma source(%arg12 : memref<80x128xf32, #tpu.memory_space<vmem>>) target(%dma_start3A_376 : memref<10008x128xf32, #tpu.memory_space<vmem_shared>>) offsets(%dma_start3A_373 : memref<80xi32, #tpu.memory_space<vmem>>) semaphore(%arg19 : memref<!tpu.dma_semaphore, #tpu.memory_space<semaphore_mem>>) {add = true}
      %dma_wait3A_377 = arith.constant 11 : i32
      %dma_wait3A_378 = arith.constant 0 : i32
      %dma_wait3A_379 = tpu.memref_slice %arg8[%dma_wait3A_377, %dma_wait3A_378] : memref<16x80xi32, #tpu.memory_space<vmem>> -> memref<1x80xi32, #tpu.memory_space<vmem>>
      %dma_wait3A_380 = tpu.memref_squeeze %dma_wait3A_379 : memref<1x80xi32, #tpu.memory_space<vmem>> -> memref<80xi32, #tpu.memory_space<vmem>>
      %dma_wait3A_381 = arith.constant 0 : i32
      %dma_wait3A_382 = arith.constant 0 : i32
      %dma_wait3A_383 = tpu.memref_slice %arg13[%dma_wait3A_381, %dma_wait3A_382] : memref<10008x128xf32, #tpu.memory_space<vmem_shared>> -> memref<10008x128xf32, #tpu.memory_space<vmem_shared>>
      tpu.wait_indirect_dma semaphore(%arg19 : memref<!tpu.dma_semaphore, #tpu.memory_space<semaphore_mem>>) src(%arg12 : memref<80x128xf32, #tpu.memory_space<vmem>>) dst(%dma_wait3A_383 : memref<10008x128xf32, #tpu.memory_space<vmem_shared>>)
      %dma_start3A_384 = arith.constant 15 : i32
      %dma_start3A_385 = arith.constant 0 : i32
      %dma_start3A_386 = tpu.memref_slice %arg7[%dma_start3A_384, %dma_start3A_385] : memref<16x80xi32, #tpu.memory_space<vmem>> -> memref<1x80xi32, #tpu.memory_space<vmem>>
      %dma_start3A_387 = tpu.memref_squeeze %dma_start3A_386 : memref<1x80xi32, #tpu.memory_space<vmem>> -> memref<80xi32, #tpu.memory_space<vmem>>
      %dma_start3A_388 = arith.constant 0 : i32
      %dma_start3A_389 = arith.constant 0 : i32
      %dma_start3A_390 = tpu.memref_slice %arg2[%dma_start3A_388, %dma_start3A_389] : memref<10000x128xf32, #tpu.memory_space<hbm>> -> memref<10000x128xf32, #tpu.memory_space<hbm>>
      tpu.enqueue_indirect_dma source(%dma_start3A_390 : memref<10000x128xf32, #tpu.memory_space<hbm>>) target(%arg12 : memref<80x128xf32, #tpu.memory_space<vmem>>) offsets(%dma_start3A_387 : memref<80xi32, #tpu.memory_space<vmem>>) semaphore(%arg17 : memref<!tpu.dma_semaphore, #tpu.memory_space<semaphore_mem>>)
      %dma_wait3A_391 = arith.constant 12 : i32
      %dma_wait3A_392 = arith.constant 0 : i32
      %dma_wait3A_393 = tpu.memref_slice %arg7[%dma_wait3A_391, %dma_wait3A_392] : memref<16x80xi32, #tpu.memory_space<vmem>> -> memref<1x80xi32, #tpu.memory_space<vmem>>
      %dma_wait3A_394 = tpu.memref_squeeze %dma_wait3A_393 : memref<1x80xi32, #tpu.memory_space<vmem>> -> memref<80xi32, #tpu.memory_space<vmem>>
      %dma_wait3A_395 = arith.constant 0 : i32
      %dma_wait3A_396 = arith.constant 0 : i32
      %dma_wait3A_397 = tpu.memref_slice %arg2[%dma_wait3A_395, %dma_wait3A_396] : memref<10000x128xf32, #tpu.memory_space<hbm>> -> memref<10000x128xf32, #tpu.memory_space<hbm>>
      tpu.wait_indirect_dma semaphore(%arg14 : memref<!tpu.dma_semaphore, #tpu.memory_space<semaphore_mem>>) src(%dma_wait3A_397 : memref<10000x128xf32, #tpu.memory_space<hbm>>) dst(%arg9 : memref<80x128xf32, #tpu.memory_space<vmem>>)
      %dma_start3A_398 = arith.constant 12 : i32
      %dma_start3A_399 = arith.constant 0 : i32
      %dma_start3A_400 = tpu.memref_slice %arg8[%dma_start3A_398, %dma_start3A_399] : memref<16x80xi32, #tpu.memory_space<vmem>> -> memref<1x80xi32, #tpu.memory_space<vmem>>
      %dma_start3A_401 = tpu.memref_squeeze %dma_start3A_400 : memref<1x80xi32, #tpu.memory_space<vmem>> -> memref<80xi32, #tpu.memory_space<vmem>>
      %dma_start3A_402 = arith.constant 0 : i32
      %dma_start3A_403 = arith.constant 0 : i32
      %dma_start3A_404 = tpu.memref_slice %arg13[%dma_start3A_402, %dma_start3A_403] : memref<10008x128xf32, #tpu.memory_space<vmem_shared>> -> memref<10008x128xf32, #tpu.memory_space<vmem_shared>>
      tpu.enqueue_indirect_dma source(%arg9 : memref<80x128xf32, #tpu.memory_space<vmem>>) target(%dma_start3A_404 : memref<10008x128xf32, #tpu.memory_space<vmem_shared>>) offsets(%dma_start3A_401 : memref<80xi32, #tpu.memory_space<vmem>>) semaphore(%arg18 : memref<!tpu.dma_semaphore, #tpu.memory_space<semaphore_mem>>) {add = true}
      %dma_wait3A_405 = arith.constant 13 : i32
      %dma_wait3A_406 = arith.constant 0 : i32
      %dma_wait3A_407 = tpu.memref_slice %arg7[%dma_wait3A_405, %dma_wait3A_406] : memref<16x80xi32, #tpu.memory_space<vmem>> -> memref<1x80xi32, #tpu.memory_space<vmem>>
      %dma_wait3A_408 = tpu.memref_squeeze %dma_wait3A_407 : memref<1x80xi32, #tpu.memory_space<vmem>> -> memref<80xi32, #tpu.memory_space<vmem>>
      %dma_wait3A_409 = arith.constant 0 : i32
      %dma_wait3A_410 = arith.constant 0 : i32
      %dma_wait3A_411 = tpu.memref_slice %arg2[%dma_wait3A_409, %dma_wait3A_410] : memref<10000x128xf32, #tpu.memory_space<hbm>> -> memref<10000x128xf32, #tpu.memory_space<hbm>>
      tpu.wait_indirect_dma semaphore(%arg15 : memref<!tpu.dma_semaphore, #tpu.memory_space<semaphore_mem>>) src(%dma_wait3A_411 : memref<10000x128xf32, #tpu.memory_space<hbm>>) dst(%arg10 : memref<80x128xf32, #tpu.memory_space<vmem>>)
      %dma_start3A_412 = arith.constant 13 : i32
      %dma_start3A_413 = arith.constant 0 : i32
      %dma_start3A_414 = tpu.memref_slice %arg8[%dma_start3A_412, %dma_start3A_413] : memref<16x80xi32, #tpu.memory_space<vmem>> -> memref<1x80xi32, #tpu.memory_space<vmem>>
      %dma_start3A_415 = tpu.memref_squeeze %dma_start3A_414 : memref<1x80xi32, #tpu.memory_space<vmem>> -> memref<80xi32, #tpu.memory_space<vmem>>
      %dma_start3A_416 = arith.constant 0 : i32
      %dma_start3A_417 = arith.constant 0 : i32
      %dma_start3A_418 = tpu.memref_slice %arg13[%dma_start3A_416, %dma_start3A_417] : memref<10008x128xf32, #tpu.memory_space<vmem_shared>> -> memref<10008x128xf32, #tpu.memory_space<vmem_shared>>
      tpu.enqueue_indirect_dma source(%arg10 : memref<80x128xf32, #tpu.memory_space<vmem>>) target(%dma_start3A_418 : memref<10008x128xf32, #tpu.memory_space<vmem_shared>>) offsets(%dma_start3A_415 : memref<80xi32, #tpu.memory_space<vmem>>) semaphore(%arg19 : memref<!tpu.dma_semaphore, #tpu.memory_space<semaphore_mem>>) {add = true}
      %dma_wait3A_419 = arith.constant 14 : i32
      %dma_wait3A_420 = arith.constant 0 : i32
      %dma_wait3A_421 = tpu.memref_slice %arg7[%dma_wait3A_419, %dma_wait3A_420] : memref<16x80xi32, #tpu.memory_space<vmem>> -> memref<1x80xi32, #tpu.memory_space<vmem>>
      %dma_wait3A_422 = tpu.memref_squeeze %dma_wait3A_421 : memref<1x80xi32, #tpu.memory_space<vmem>> -> memref<80xi32, #tpu.memory_space<vmem>>
      %dma_wait3A_423 = arith.constant 0 : i32
      %dma_wait3A_424 = arith.constant 0 : i32
      %dma_wait3A_425 = tpu.memref_slice %arg2[%dma_wait3A_423, %dma_wait3A_424] : memref<10000x128xf32, #tpu.memory_space<hbm>> -> memref<10000x128xf32, #tpu.memory_space<hbm>>
      tpu.wait_indirect_dma semaphore(%arg16 : memref<!tpu.dma_semaphore, #tpu.memory_space<semaphore_mem>>) src(%dma_wait3A_425 : memref<10000x128xf32, #tpu.memory_space<hbm>>) dst(%arg11 : memref<80x128xf32, #tpu.memory_space<vmem>>)
      %dma_start3A_426 = arith.constant 14 : i32
      %dma_start3A_427 = arith.constant 0 : i32
      %dma_start3A_428 = tpu.memref_slice %arg8[%dma_start3A_426, %dma_start3A_427] : memref<16x80xi32, #tpu.memory_space<vmem>> -> memref<1x80xi32, #tpu.memory_space<vmem>>
      %dma_start3A_429 = tpu.memref_squeeze %dma_start3A_428 : memref<1x80xi32, #tpu.memory_space<vmem>> -> memref<80xi32, #tpu.memory_space<vmem>>
      %dma_start3A_430 = arith.constant 0 : i32
      %dma_start3A_431 = arith.constant 0 : i32
      %dma_start3A_432 = tpu.memref_slice %arg13[%dma_start3A_430, %dma_start3A_431] : memref<10008x128xf32, #tpu.memory_space<vmem_shared>> -> memref<10008x128xf32, #tpu.memory_space<vmem_shared>>
      tpu.enqueue_indirect_dma source(%arg11 : memref<80x128xf32, #tpu.memory_space<vmem>>) target(%dma_start3A_432 : memref<10008x128xf32, #tpu.memory_space<vmem_shared>>) offsets(%dma_start3A_429 : memref<80xi32, #tpu.memory_space<vmem>>) semaphore(%arg18 : memref<!tpu.dma_semaphore, #tpu.memory_space<semaphore_mem>>) {add = true}
      %dma_wait3A_433 = arith.constant 15 : i32
      %dma_wait3A_434 = arith.constant 0 : i32
      %dma_wait3A_435 = tpu.memref_slice %arg7[%dma_wait3A_433, %dma_wait3A_434] : memref<16x80xi32, #tpu.memory_space<vmem>> -> memref<1x80xi32, #tpu.memory_space<vmem>>
      %dma_wait3A_436 = tpu.memref_squeeze %dma_wait3A_435 : memref<1x80xi32, #tpu.memory_space<vmem>> -> memref<80xi32, #tpu.memory_space<vmem>>
      %dma_wait3A_437 = arith.constant 0 : i32
      %dma_wait3A_438 = arith.constant 0 : i32
      %dma_wait3A_439 = tpu.memref_slice %arg2[%dma_wait3A_437, %dma_wait3A_438] : memref<10000x128xf32, #tpu.memory_space<hbm>> -> memref<10000x128xf32, #tpu.memory_space<hbm>>
      tpu.wait_indirect_dma semaphore(%arg17 : memref<!tpu.dma_semaphore, #tpu.memory_space<semaphore_mem>>) src(%dma_wait3A_439 : memref<10000x128xf32, #tpu.memory_space<hbm>>) dst(%arg12 : memref<80x128xf32, #tpu.memory_space<vmem>>)
      %dma_start3A_440 = arith.constant 15 : i32
      %dma_start3A_441 = arith.constant 0 : i32
      %dma_start3A_442 = tpu.memref_slice %arg8[%dma_start3A_440, %dma_start3A_441] : memref<16x80xi32, #tpu.memory_space<vmem>> -> memref<1x80xi32, #tpu.memory_space<vmem>>
      %dma_start3A_443 = tpu.memref_squeeze %dma_start3A_442 : memref<1x80xi32, #tpu.memory_space<vmem>> -> memref<80xi32, #tpu.memory_space<vmem>>
      %dma_start3A_444 = arith.constant 0 : i32
      %dma_start3A_445 = arith.constant 0 : i32
      %dma_start3A_446 = tpu.memref_slice %arg13[%dma_start3A_444, %dma_start3A_445] : memref<10008x128xf32, #tpu.memory_space<vmem_shared>> -> memref<10008x128xf32, #tpu.memory_space<vmem_shared>>
      tpu.enqueue_indirect_dma source(%arg12 : memref<80x128xf32, #tpu.memory_space<vmem>>) target(%dma_start3A_446 : memref<10008x128xf32, #tpu.memory_space<vmem_shared>>) offsets(%dma_start3A_443 : memref<80xi32, #tpu.memory_space<vmem>>) semaphore(%arg19 : memref<!tpu.dma_semaphore, #tpu.memory_space<semaphore_mem>>) {add = true}
      %dma_wait3A_447 = arith.constant 12 : i32
      %dma_wait3A_448 = arith.constant 0 : i32
      %dma_wait3A_449 = tpu.memref_slice %arg8[%dma_wait3A_447, %dma_wait3A_448] : memref<16x80xi32, #tpu.memory_space<vmem>> -> memref<1x80xi32, #tpu.memory_space<vmem>>
      %dma_wait3A_450 = tpu.memref_squeeze %dma_wait3A_449 : memref<1x80xi32, #tpu.memory_space<vmem>> -> memref<80xi32, #tpu.memory_space<vmem>>
      %dma_wait3A_451 = arith.constant 0 : i32
      %dma_wait3A_452 = arith.constant 0 : i32
      %dma_wait3A_453 = tpu.memref_slice %arg13[%dma_wait3A_451, %dma_wait3A_452] : memref<10008x128xf32, #tpu.memory_space<vmem_shared>> -> memref<10008x128xf32, #tpu.memory_space<vmem_shared>>
      tpu.wait_indirect_dma semaphore(%arg18 : memref<!tpu.dma_semaphore, #tpu.memory_space<semaphore_mem>>) src(%arg9 : memref<80x128xf32, #tpu.memory_space<vmem>>) dst(%dma_wait3A_453 : memref<10008x128xf32, #tpu.memory_space<vmem_shared>>)
      %dma_wait3A_454 = arith.constant 13 : i32
      %dma_wait3A_455 = arith.constant 0 : i32
      %dma_wait3A_456 = tpu.memref_slice %arg8[%dma_wait3A_454, %dma_wait3A_455] : memref<16x80xi32, #tpu.memory_space<vmem>> -> memref<1x80xi32, #tpu.memory_space<vmem>>
      %dma_wait3A_457 = tpu.memref_squeeze %dma_wait3A_456 : memref<1x80xi32, #tpu.memory_space<vmem>> -> memref<80xi32, #tpu.memory_space<vmem>>
      %dma_wait3A_458 = arith.constant 0 : i32
      %dma_wait3A_459 = arith.constant 0 : i32
      %dma_wait3A_460 = tpu.memref_slice %arg13[%dma_wait3A_458, %dma_wait3A_459] : memref<10008x128xf32, #tpu.memory_space<vmem_shared>> -> memref<10008x128xf32, #tpu.memory_space<vmem_shared>>
      tpu.wait_indirect_dma semaphore(%arg19 : memref<!tpu.dma_semaphore, #tpu.memory_space<semaphore_mem>>) src(%arg10 : memref<80x128xf32, #tpu.memory_space<vmem>>) dst(%dma_wait3A_460 : memref<10008x128xf32, #tpu.memory_space<vmem_shared>>)
      %dma_wait3A_461 = arith.constant 14 : i32
      %dma_wait3A_462 = arith.constant 0 : i32
      %dma_wait3A_463 = tpu.memref_slice %arg8[%dma_wait3A_461, %dma_wait3A_462] : memref<16x80xi32, #tpu.memory_space<vmem>> -> memref<1x80xi32, #tpu.memory_space<vmem>>
      %dma_wait3A_464 = tpu.memref_squeeze %dma_wait3A_463 : memref<1x80xi32, #tpu.memory_space<vmem>> -> memref<80xi32, #tpu.memory_space<vmem>>
      %dma_wait3A_465 = arith.constant 0 : i32
      %dma_wait3A_466 = arith.constant 0 : i32
      %dma_wait3A_467 = tpu.memref_slice %arg13[%dma_wait3A_465, %dma_wait3A_466] : memref<10008x128xf32, #tpu.memory_space<vmem_shared>> -> memref<10008x128xf32, #tpu.memory_space<vmem_shared>>
      tpu.wait_indirect_dma semaphore(%arg18 : memref<!tpu.dma_semaphore, #tpu.memory_space<semaphore_mem>>) src(%arg11 : memref<80x128xf32, #tpu.memory_space<vmem>>) dst(%dma_wait3A_467 : memref<10008x128xf32, #tpu.memory_space<vmem_shared>>)
      %dma_wait3A_468 = arith.constant 15 : i32
      %dma_wait3A_469 = arith.constant 0 : i32
      %dma_wait3A_470 = tpu.memref_slice %arg8[%dma_wait3A_468, %dma_wait3A_469] : memref<16x80xi32, #tpu.memory_space<vmem>> -> memref<1x80xi32, #tpu.memory_space<vmem>>
      %dma_wait3A_471 = tpu.memref_squeeze %dma_wait3A_470 : memref<1x80xi32, #tpu.memory_space<vmem>> -> memref<80xi32, #tpu.memory_space<vmem>>
      %dma_wait3A_472 = arith.constant 0 : i32
      %dma_wait3A_473 = arith.constant 0 : i32
      %dma_wait3A_474 = tpu.memref_slice %arg13[%dma_wait3A_472, %dma_wait3A_473] : memref<10008x128xf32, #tpu.memory_space<vmem_shared>> -> memref<10008x128xf32, #tpu.memory_space<vmem_shared>>
      tpu.wait_indirect_dma semaphore(%arg19 : memref<!tpu.dma_semaphore, #tpu.memory_space<semaphore_mem>>) src(%arg12 : memref<80x128xf32, #tpu.memory_space<vmem>>) dst(%dma_wait3A_474 : memref<10008x128xf32, #tpu.memory_space<vmem_shared>>)
    }
    %scan3A_11 = arith.constant 8 : i32
    %barrier3A_12 = arith.constant 0 : index
    tpu.barrier barrier_id(%barrier3A_12)
    %lt3A_13 = arith.constant 15 : i32
    %lt3A_14 = arith.cmpi slt, %arg1, %lt3A_13 : i32
    %convert_element_type3A_15 = arith.extui %lt3A_14 : i1 to i32
    %cond3A_16 = arith.constant 0 : i32
    %cond3A_17 = arith.cmpi ne, %convert_element_type3A_15, %cond3A_16 : i32
    scf.if %cond3A_17 {
      %mul3A_23 = arith.constant 632 : i32
      %mul3A_24 = arith.muli %arg1, %mul3A_23 : i32
      "tpu.region"() ({
        %run_scoped3A = tpu.sem_alloc : memref<!tpu.dma_semaphore, #tpu.memory_space<semaphore_mem>>
        %dma_start3A = arith.constant 0 : i32
        %dma_start3A_25 = tpu.memref_slice %arg6[%arg0, %mul3A_24, %dma_start3A] : memref<2x10000x128xf32, #tpu.memory_space<hbm>> -> memref<1x632x128xf32, #tpu.memory_space<hbm>>
        %dma_start3A_26 = tpu.memref_squeeze %dma_start3A_25 : memref<1x632x128xf32, #tpu.memory_space<hbm>> -> memref<632x128xf32, #tpu.memory_space<hbm>>
        %dma_start3A_27 = arith.constant 0 : i32
        %dma_start3A_28 = tpu.memref_slice %arg13[%mul3A_24, %dma_start3A_27] : memref<10008x128xf32, #tpu.memory_space<vmem_shared>> -> memref<632x128xf32, #tpu.memory_space<vmem_shared>>
        tpu.enqueue_dma source(%dma_start3A_28 : memref<632x128xf32, #tpu.memory_space<vmem_shared>>) target(%dma_start3A_26 : memref<632x128xf32, #tpu.memory_space<hbm>>) target_semaphore(%run_scoped3A : memref<!tpu.dma_semaphore, #tpu.memory_space<semaphore_mem>>)
        %dma_wait3A = arith.constant 0 : i32
        %dma_wait3A_29 = tpu.memref_slice %arg6[%arg0, %mul3A_24, %dma_wait3A] : memref<2x10000x128xf32, #tpu.memory_space<hbm>> -> memref<1x632x128xf32, #tpu.memory_space<hbm>>
        %dma_wait3A_30 = tpu.memref_squeeze %dma_wait3A_29 : memref<1x632x128xf32, #tpu.memory_space<hbm>> -> memref<632x128xf32, #tpu.memory_space<hbm>>
        %dma_wait3A_31 = arith.constant 0 : i32
        %dma_wait3A_32 = tpu.memref_slice %arg13[%mul3A_24, %dma_wait3A_31] : memref<10008x128xf32, #tpu.memory_space<vmem_shared>> -> memref<632x128xf32, #tpu.memory_space<vmem_shared>>
        tpu.wait_dma2 semaphore(%run_scoped3A : memref<!tpu.dma_semaphore, #tpu.memory_space<semaphore_mem>>) src(%dma_wait3A_32 : memref<632x128xf32, #tpu.memory_space<vmem_shared>>) dst(%dma_wait3A_30 : memref<632x128xf32, #tpu.memory_space<hbm>>)
        tpu.yield
      }) : () -> ()
    } else {
    }
    %eq3A_18 = arith.constant 15 : i32
    %eq3A_19 = arith.cmpi eq, %arg1, %eq3A_18 : i32
    %convert_element_type3A_20 = arith.extui %eq3A_19 : i1 to i32
    %cond3A_21 = arith.constant 0 : i32
    %cond3A_22 = arith.cmpi ne, %convert_element_type3A_20, %cond3A_21 : i32
    scf.if %cond3A_22 {
      "tpu.region"() ({
        %run_scoped3A = tpu.sem_alloc : memref<!tpu.dma_semaphore, #tpu.memory_space<semaphore_mem>>
        %dma_start3A = arith.constant 9480 : i32
        %dma_start3A_23 = arith.constant 0 : i32
        %dma_start3A_24 = tpu.memref_slice %arg6[%arg0, %dma_start3A, %dma_start3A_23] : memref<2x10000x128xf32, #tpu.memory_space<hbm>> -> memref<1x520x128xf32, #tpu.memory_space<hbm>>
        %dma_start3A_25 = tpu.memref_squeeze %dma_start3A_24 : memref<1x520x128xf32, #tpu.memory_space<hbm>> -> memref<520x128xf32, #tpu.memory_space<hbm>>
        %dma_start3A_26 = arith.constant 9480 : i32
        %dma_start3A_27 = arith.constant 0 : i32
        %dma_start3A_28 = tpu.memref_slice %arg13[%dma_start3A_26, %dma_start3A_27] : memref<10008x128xf32, #tpu.memory_space<vmem_shared>> -> memref<520x128xf32, #tpu.memory_space<vmem_shared>>
        tpu.enqueue_dma source(%dma_start3A_28 : memref<520x128xf32, #tpu.memory_space<vmem_shared>>) target(%dma_start3A_25 : memref<520x128xf32, #tpu.memory_space<hbm>>) target_semaphore(%run_scoped3A : memref<!tpu.dma_semaphore, #tpu.memory_space<semaphore_mem>>)
        %dma_wait3A = arith.constant 9480 : i32
        %dma_wait3A_29 = arith.constant 0 : i32
        %dma_wait3A_30 = tpu.memref_slice %arg6[%arg0, %dma_wait3A, %dma_wait3A_29] : memref<2x10000x128xf32, #tpu.memory_space<hbm>> -> memref<1x520x128xf32, #tpu.memory_space<hbm>>
        %dma_wait3A_31 = tpu.memref_squeeze %dma_wait3A_30 : memref<1x520x128xf32, #tpu.memory_space<hbm>> -> memref<520x128xf32, #tpu.memory_space<hbm>>
        %dma_wait3A_32 = arith.constant 9480 : i32
        %dma_wait3A_33 = arith.constant 0 : i32
        %dma_wait3A_34 = tpu.memref_slice %arg13[%dma_wait3A_32, %dma_wait3A_33] : memref<10008x128xf32, #tpu.memory_space<vmem_shared>> -> memref<520x128xf32, #tpu.memory_space<vmem_shared>>
        tpu.wait_dma2 semaphore(%run_scoped3A : memref<!tpu.dma_semaphore, #tpu.memory_space<semaphore_mem>>) src(%dma_wait3A_34 : memref<520x128xf32, #tpu.memory_space<vmem_shared>>) dst(%dma_wait3A_31 : memref<520x128xf32, #tpu.memory_space<hbm>>)
        tpu.yield
      }) : () -> ()
    } else {
    }
    return
  }
}

#map = affine_map<(d0, d1) -> (0, 0)>
#map1 = affine_map<(d0, d1) -> (0, 0, 0)>
module attributes {stable_mosaic.version = 14 : i64} {
  func.func @scat_kernel(%arg0: i32, %arg1: i32, %arg2: memref<10000x128xf32, #tpu.memory_space<hbm>>, %arg3: memref<4096x80xi32, #tpu.memory_space<hbm>>, %arg4: memref<4096x80xi32, #tpu.memory_space<hbm>>, %arg5: memref<10000x128xf32, #tpu.memory_space<hbm>>, %arg6: memref<2x10000x128xf32, #tpu.memory_space<hbm>>, %arg7: memref<16x80xi32, #tpu.memory_space<vmem>>, %arg8: memref<16x80xi32, #tpu.memory_space<vmem>>, %arg9: memref<80x128xf32, #tpu.memory_space<vmem>>, %arg10: memref<80x128xf32, #tpu.memory_space<vmem>>, %arg11: memref<80x128xf32, #tpu.memory_space<vmem>>, %arg12: memref<80x128xf32, #tpu.memory_space<vmem>>, %arg13: memref<10008x128xf32, #tpu.memory_space<vmem_shared>>, %arg14: memref<!tpu.dma_semaphore, #tpu.memory_space<semaphore_mem>>, %arg15: memref<!tpu.dma_semaphore, #tpu.memory_space<semaphore_mem>>, %arg16: memref<!tpu.dma_semaphore, #tpu.memory_space<semaphore_mem>>, %arg17: memref<!tpu.dma_semaphore, #tpu.memory_space<semaphore_mem>>, %arg18: memref<!tpu.dma_semaphore, #tpu.memory_space<semaphore_mem>>, %arg19: memref<!tpu.dma_semaphore, #tpu.memory_space<semaphore_mem>>) attributes {dimension_semantics = [#tpu.dimension_semantics<core_parallel>, #tpu.dimension_semantics<subcore_parallel>], iteration_bounds = array<i64: 2, 16>, scalar_prefetch = 0 : i64, scratch_operands = 13 : i64, tpu.core_type = #tpu.core_type<sc_vector_subcore>, window_params = [{transform_indices = #map}, {transform_indices = #map}, {transform_indices = #map}, {transform_indices = #map}, {transform_indices = #map1}]} {
    %mul3A = arith.constant 2 : i32
    %mul3A_0 = arith.muli %arg1, %mul3A : i32
    %add3A = arith.addi %mul3A_0, %arg0 : i32
    %lt3A = arith.constant 15 : i32
    %lt3A_1 = arith.cmpi slt, %arg1, %lt3A : i32
    %convert_element_type3A = arith.extui %lt3A_1 : i1 to i32
    %cond3A = arith.constant 0 : i32
    %cond3A_2 = arith.cmpi ne, %convert_element_type3A, %cond3A : i32
    scf.if %cond3A_2 {
      %mul3A_23 = arith.constant 632 : i32
      %mul3A_24 = arith.muli %arg1, %mul3A_23 : i32
      "tpu.region"() ({
        %run_scoped3A = tpu.sem_alloc : memref<!tpu.dma_semaphore, #tpu.memory_space<semaphore_mem>>
        %dma_start3A = arith.constant 0 : i32
        %dma_start3A_25 = tpu.memref_slice %arg13[%mul3A_24, %dma_start3A] : memref<10008x128xf32, #tpu.memory_space<vmem_shared>> -> memref<632x128xf32, #tpu.memory_space<vmem_shared>>
        %dma_start3A_26 = arith.constant 0 : i32
        %dma_start3A_27 = tpu.memref_slice %arg5[%mul3A_24, %dma_start3A_26] : memref<10000x128xf32, #tpu.memory_space<hbm>> -> memref<632x128xf32, #tpu.memory_space<hbm>>
        tpu.enqueue_dma source(%dma_start3A_27 : memref<632x128xf32, #tpu.memory_space<hbm>>) target(%dma_start3A_25 : memref<632x128xf32, #tpu.memory_space<vmem_shared>>) target_semaphore(%run_scoped3A : memref<!tpu.dma_semaphore, #tpu.memory_space<semaphore_mem>>)
        %dma_wait3A = arith.constant 0 : i32
        %dma_wait3A_28 = tpu.memref_slice %arg13[%mul3A_24, %dma_wait3A] : memref<10008x128xf32, #tpu.memory_space<vmem_shared>> -> memref<632x128xf32, #tpu.memory_space<vmem_shared>>
        %dma_wait3A_29 = arith.constant 0 : i32
        %dma_wait3A_30 = tpu.memref_slice %arg5[%mul3A_24, %dma_wait3A_29] : memref<10000x128xf32, #tpu.memory_space<hbm>> -> memref<632x128xf32, #tpu.memory_space<hbm>>
        tpu.wait_dma2 semaphore(%run_scoped3A : memref<!tpu.dma_semaphore, #tpu.memory_space<semaphore_mem>>) src(%dma_wait3A_30 : memref<632x128xf32, #tpu.memory_space<hbm>>) dst(%dma_wait3A_28 : memref<632x128xf32, #tpu.memory_space<vmem_shared>>)
        tpu.yield
      }) : () -> ()
    } else {
    }
    %eq3A = arith.constant 15 : i32
    %eq3A_3 = arith.cmpi eq, %arg1, %eq3A : i32
    %convert_element_type3A_4 = arith.extui %eq3A_3 : i1 to i32
    %cond3A_5 = arith.constant 0 : i32
    %cond3A_6 = arith.cmpi ne, %convert_element_type3A_4, %cond3A_5 : i32
    scf.if %cond3A_6 {
      "tpu.region"() ({
        %run_scoped3A = tpu.sem_alloc : memref<!tpu.dma_semaphore, #tpu.memory_space<semaphore_mem>>
        %dma_start3A = arith.constant 9480 : i32
        %dma_start3A_23 = arith.constant 0 : i32
        %dma_start3A_24 = tpu.memref_slice %arg13[%dma_start3A, %dma_start3A_23] : memref<10008x128xf32, #tpu.memory_space<vmem_shared>> -> memref<520x128xf32, #tpu.memory_space<vmem_shared>>
        %dma_start3A_25 = arith.constant 9480 : i32
        %dma_start3A_26 = arith.constant 0 : i32
        %dma_start3A_27 = tpu.memref_slice %arg5[%dma_start3A_25, %dma_start3A_26] : memref<10000x128xf32, #tpu.memory_space<hbm>> -> memref<520x128xf32, #tpu.memory_space<hbm>>
        tpu.enqueue_dma source(%dma_start3A_27 : memref<520x128xf32, #tpu.memory_space<hbm>>) target(%dma_start3A_24 : memref<520x128xf32, #tpu.memory_space<vmem_shared>>) target_semaphore(%run_scoped3A : memref<!tpu.dma_semaphore, #tpu.memory_space<semaphore_mem>>)
        %dma_wait3A = arith.constant 9480 : i32
        %dma_wait3A_28 = arith.constant 0 : i32
        %dma_wait3A_29 = tpu.memref_slice %arg13[%dma_wait3A, %dma_wait3A_28] : memref<10008x128xf32, #tpu.memory_space<vmem_shared>> -> memref<520x128xf32, #tpu.memory_space<vmem_shared>>
        %dma_wait3A_30 = arith.constant 9480 : i32
        %dma_wait3A_31 = arith.constant 0 : i32
        %dma_wait3A_32 = tpu.memref_slice %arg5[%dma_wait3A_30, %dma_wait3A_31] : memref<10000x128xf32, #tpu.memory_space<hbm>> -> memref<520x128xf32, #tpu.memory_space<hbm>>
        tpu.wait_dma2 semaphore(%run_scoped3A : memref<!tpu.dma_semaphore, #tpu.memory_space<semaphore_mem>>) src(%dma_wait3A_32 : memref<520x128xf32, #tpu.memory_space<hbm>>) dst(%dma_wait3A_29 : memref<520x128xf32, #tpu.memory_space<vmem_shared>>)
        tpu.yield
      }) : () -> ()
    } else {
    }
    %barrier3A = arith.constant 0 : index
    tpu.barrier barrier_id(%barrier3A)
    %scan3A = arith.constant 0 : i32
    %scan3A_7 = arith.constant 0 : i32
    %scan3A_8 = arith.constant 8 : i32
    %scan3A_9 = arith.addi %scan3A_7, %scan3A_8 : i32
    %scan3A_10 = arith.constant 1 : i32
    scf.for %scan3A_23 = %scan3A_7 to %scan3A_9 step %scan3A_10  : i32 {
      %mul3A_24 = arith.constant 128 : i32
      %mul3A_25 = arith.muli %add3A, %mul3A_24 : i32
      %mul3A_26 = arith.constant 16 : i32
      %mul3A_27 = arith.muli %scan3A_23, %mul3A_26 : i32
      %add3A_28 = arith.addi %mul3A_25, %mul3A_27 : i32
      "tpu.region"() ({
        %run_scoped3A = tpu.sem_alloc : memref<!tpu.dma_semaphore, #tpu.memory_space<semaphore_mem>>
        %dma_start3A_475 = arith.constant 0 : i32
        %dma_start3A_476 = tpu.memref_slice %arg3[%add3A_28, %dma_start3A_475] : memref<4096x80xi32, #tpu.memory_space<hbm>> -> memref<16x80xi32, #tpu.memory_space<hbm>>
        %dma_start3A_477 = arith.constant 0 : i32
        %dma_start3A_478 = tpu.memref_slice %arg3[%add3A_28, %dma_start3A_477] : memref<4096x80xi32, #tpu.memory_space<hbm>> -> memref<16x80xi32, #tpu.memory_space<hbm>>
        tpu.enqueue_dma source(%dma_start3A_478 : memref<16x80xi32, #tpu.memory_space<hbm>>) target(%arg7 : memref<16x80xi32, #tpu.memory_space<vmem>>) target_semaphore(%run_scoped3A : memref<!tpu.dma_semaphore, #tpu.memory_space<semaphore_mem>>)
        %dma_wait3A_479 = arith.constant 0 : i32
        %dma_wait3A_480 = tpu.memref_slice %arg3[%add3A_28, %dma_wait3A_479] : memref<4096x80xi32, #tpu.memory_space<hbm>> -> memref<16x80xi32, #tpu.memory_space<hbm>>
        %dma_wait3A_481 = arith.constant 0 : i32
        %dma_wait3A_482 = tpu.memref_slice %arg3[%add3A_28, %dma_wait3A_481] : memref<4096x80xi32, #tpu.memory_space<hbm>> -> memref<16x80xi32, #tpu.memory_space<hbm>>
        tpu.wait_dma2 semaphore(%run_scoped3A : memref<!tpu.dma_semaphore, #tpu.memory_space<semaphore_mem>>) src(%dma_wait3A_482 : memref<16x80xi32, #tpu.memory_space<hbm>>) dst(%arg7 : memref<16x80xi32, #tpu.memory_space<vmem>>)
        tpu.yield
      }) : () -> ()
      "tpu.region"() ({
        %run_scoped3A = tpu.sem_alloc : memref<!tpu.dma_semaphore, #tpu.memory_space<semaphore_mem>>
        %dma_start3A_475 = arith.constant 0 : i32
        %dma_start3A_476 = tpu.memref_slice %arg4[%add3A_28, %dma_start3A_475] : memref<4096x80xi32, #tpu.memory_space<hbm>> -> memref<16x80xi32, #tpu.memory_space<hbm>>
        %dma_start3A_477 = arith.constant 0 : i32
        %dma_start3A_478 = tpu.memref_slice %arg4[%add3A_28, %dma_start3A_477] : memref<4096x80xi32, #tpu.memory_space<hbm>> -> memref<16x80xi32, #tpu.memory_space<hbm>>
        tpu.enqueue_dma source(%dma_start3A_478 : memref<16x80xi32, #tpu.memory_space<hbm>>) target(%arg8 : memref<16x80xi32, #tpu.memory_space<vmem>>) target_semaphore(%run_scoped3A : memref<!tpu.dma_semaphore, #tpu.memory_space<semaphore_mem>>)
        %dma_wait3A_479 = arith.constant 0 : i32
        %dma_wait3A_480 = tpu.memref_slice %arg4[%add3A_28, %dma_wait3A_479] : memref<4096x80xi32, #tpu.memory_space<hbm>> -> memref<16x80xi32, #tpu.memory_space<hbm>>
        %dma_wait3A_481 = arith.constant 0 : i32
        %dma_wait3A_482 = tpu.memref_slice %arg4[%add3A_28, %dma_wait3A_481] : memref<4096x80xi32, #tpu.memory_space<hbm>> -> memref<16x80xi32, #tpu.memory_space<hbm>>
        tpu.wait_dma2 semaphore(%run_scoped3A : memref<!tpu.dma_semaphore, #tpu.memory_space<semaphore_mem>>) src(%dma_wait3A_482 : memref<16x80xi32, #tpu.memory_space<hbm>>) dst(%arg8 : memref<16x80xi32, #tpu.memory_space<vmem>>)
        tpu.yield
      }) : () -> ()
      %dma_start3A = arith.constant 0 : i32
      %dma_start3A_29 = arith.constant 0 : i32
      %dma_start3A_30 = tpu.memref_slice %arg7[%dma_start3A, %dma_start3A_29] : memref<16x80xi32, #tpu.memory_space<vmem>> -> memref<1x80xi32, #tpu.memory_space<vmem>>
      %dma_start3A_31 = tpu.memref_squeeze %dma_start3A_30 : memref<1x80xi32, #tpu.memory_space<vmem>> -> memref<80xi32, #tpu.memory_space<vmem>>
      %dma_start3A_32 = arith.constant 0 : i32
      %dma_start3A_33 = arith.constant 0 : i32
      %dma_start3A_34 = tpu.memref_slice %arg2[%dma_start3A_32, %dma_start3A_33] : memref<10000x128xf32, #tpu.memory_space<hbm>> -> memref<10000x128xf32, #tpu.memory_space<hbm>>
      tpu.enqueue_indirect_dma source(%dma_start3A_34 : memref<10000x128xf32, #tpu.memory_space<hbm>>) target(%arg9 : memref<80x128xf32, #tpu.memory_space<vmem>>) offsets(%dma_start3A_31 : memref<80xi32, #tpu.memory_space<vmem>>) semaphore(%arg14 : memref<!tpu.dma_semaphore, #tpu.memory_space<semaphore_mem>>)
      %dma_start3A_35 = arith.constant 1 : i32
      %dma_start3A_36 = arith.constant 0 : i32
      %dma_start3A_37 = tpu.memref_slice %arg7[%dma_start3A_35, %dma_start3A_36] : memref<16x80xi32, #tpu.memory_space<vmem>> -> memref<1x80xi32, #tpu.memory_space<vmem>>
      %dma_start3A_38 = tpu.memref_squeeze %dma_start3A_37 : memref<1x80xi32, #tpu.memory_space<vmem>> -> memref<80xi32, #tpu.memory_space<vmem>>
      %dma_start3A_39 = arith.constant 0 : i32
      %dma_start3A_40 = arith.constant 0 : i32
      %dma_start3A_41 = tpu.memref_slice %arg2[%dma_start3A_39, %dma_start3A_40] : memref<10000x128xf32, #tpu.memory_space<hbm>> -> memref<10000x128xf32, #tpu.memory_space<hbm>>
      tpu.enqueue_indirect_dma source(%dma_start3A_41 : memref<10000x128xf32, #tpu.memory_space<hbm>>) target(%arg10 : memref<80x128xf32, #tpu.memory_space<vmem>>) offsets(%dma_start3A_38 : memref<80xi32, #tpu.memory_space<vmem>>) semaphore(%arg15 : memref<!tpu.dma_semaphore, #tpu.memory_space<semaphore_mem>>)
      %dma_start3A_42 = arith.constant 2 : i32
      %dma_start3A_43 = arith.constant 0 : i32
      %dma_start3A_44 = tpu.memref_slice %arg7[%dma_start3A_42, %dma_start3A_43] : memref<16x80xi32, #tpu.memory_space<vmem>> -> memref<1x80xi32, #tpu.memory_space<vmem>>
      %dma_start3A_45 = tpu.memref_squeeze %dma_start3A_44 : memref<1x80xi32, #tpu.memory_space<vmem>> -> memref<80xi32, #tpu.memory_space<vmem>>
      %dma_start3A_46 = arith.constant 0 : i32
      %dma_start3A_47 = arith.constant 0 : i32
      %dma_start3A_48 = tpu.memref_slice %arg2[%dma_start3A_46, %dma_start3A_47] : memref<10000x128xf32, #tpu.memory_space<hbm>> -> memref<10000x128xf32, #tpu.memory_space<hbm>>
      tpu.enqueue_indirect_dma source(%dma_start3A_48 : memref<10000x128xf32, #tpu.memory_space<hbm>>) target(%arg11 : memref<80x128xf32, #tpu.memory_space<vmem>>) offsets(%dma_start3A_45 : memref<80xi32, #tpu.memory_space<vmem>>) semaphore(%arg16 : memref<!tpu.dma_semaphore, #tpu.memory_space<semaphore_mem>>)
      %dma_start3A_49 = arith.constant 3 : i32
      %dma_start3A_50 = arith.constant 0 : i32
      %dma_start3A_51 = tpu.memref_slice %arg7[%dma_start3A_49, %dma_start3A_50] : memref<16x80xi32, #tpu.memory_space<vmem>> -> memref<1x80xi32, #tpu.memory_space<vmem>>
      %dma_start3A_52 = tpu.memref_squeeze %dma_start3A_51 : memref<1x80xi32, #tpu.memory_space<vmem>> -> memref<80xi32, #tpu.memory_space<vmem>>
      %dma_start3A_53 = arith.constant 0 : i32
      %dma_start3A_54 = arith.constant 0 : i32
      %dma_start3A_55 = tpu.memref_slice %arg2[%dma_start3A_53, %dma_start3A_54] : memref<10000x128xf32, #tpu.memory_space<hbm>> -> memref<10000x128xf32, #tpu.memory_space<hbm>>
      tpu.enqueue_indirect_dma source(%dma_start3A_55 : memref<10000x128xf32, #tpu.memory_space<hbm>>) target(%arg12 : memref<80x128xf32, #tpu.memory_space<vmem>>) offsets(%dma_start3A_52 : memref<80xi32, #tpu.memory_space<vmem>>) semaphore(%arg17 : memref<!tpu.dma_semaphore, #tpu.memory_space<semaphore_mem>>)
      %dma_wait3A = arith.constant 0 : i32
      %dma_wait3A_56 = arith.constant 0 : i32
      %dma_wait3A_57 = tpu.memref_slice %arg7[%dma_wait3A, %dma_wait3A_56] : memref<16x80xi32, #tpu.memory_space<vmem>> -> memref<1x80xi32, #tpu.memory_space<vmem>>
      %dma_wait3A_58 = tpu.memref_squeeze %dma_wait3A_57 : memref<1x80xi32, #tpu.memory_space<vmem>> -> memref<80xi32, #tpu.memory_space<vmem>>
      %dma_wait3A_59 = arith.constant 0 : i32
      %dma_wait3A_60 = arith.constant 0 : i32
      %dma_wait3A_61 = tpu.memref_slice %arg2[%dma_wait3A_59, %dma_wait3A_60] : memref<10000x128xf32, #tpu.memory_space<hbm>> -> memref<10000x128xf32, #tpu.memory_space<hbm>>
      tpu.wait_indirect_dma semaphore(%arg14 : memref<!tpu.dma_semaphore, #tpu.memory_space<semaphore_mem>>) src(%dma_wait3A_61 : memref<10000x128xf32, #tpu.memory_space<hbm>>) dst(%arg9 : memref<80x128xf32, #tpu.memory_space<vmem>>)
      %dma_start3A_62 = arith.constant 0 : i32
      %dma_start3A_63 = arith.constant 0 : i32
      %dma_start3A_64 = tpu.memref_slice %arg8[%dma_start3A_62, %dma_start3A_63] : memref<16x80xi32, #tpu.memory_space<vmem>> -> memref<1x80xi32, #tpu.memory_space<vmem>>
      %dma_start3A_65 = tpu.memref_squeeze %dma_start3A_64 : memref<1x80xi32, #tpu.memory_space<vmem>> -> memref<80xi32, #tpu.memory_space<vmem>>
      %dma_start3A_66 = arith.constant 0 : i32
      %dma_start3A_67 = arith.constant 0 : i32
      %dma_start3A_68 = tpu.memref_slice %arg13[%dma_start3A_66, %dma_start3A_67] : memref<10008x128xf32, #tpu.memory_space<vmem_shared>> -> memref<10008x128xf32, #tpu.memory_space<vmem_shared>>
      tpu.enqueue_indirect_dma source(%arg9 : memref<80x128xf32, #tpu.memory_space<vmem>>) target(%dma_start3A_68 : memref<10008x128xf32, #tpu.memory_space<vmem_shared>>) offsets(%dma_start3A_65 : memref<80xi32, #tpu.memory_space<vmem>>) semaphore(%arg18 : memref<!tpu.dma_semaphore, #tpu.memory_space<semaphore_mem>>) {add = true}
      %dma_wait3A_69 = arith.constant 0 : i32
      %dma_wait3A_70 = arith.constant 0 : i32
      %dma_wait3A_71 = tpu.memref_slice %arg8[%dma_wait3A_69, %dma_wait3A_70] : memref<16x80xi32, #tpu.memory_space<vmem>> -> memref<1x80xi32, #tpu.memory_space<vmem>>
      %dma_wait3A_72 = tpu.memref_squeeze %dma_wait3A_71 : memref<1x80xi32, #tpu.memory_space<vmem>> -> memref<80xi32, #tpu.memory_space<vmem>>
      %dma_wait3A_73 = arith.constant 0 : i32
      %dma_wait3A_74 = arith.constant 0 : i32
      %dma_wait3A_75 = tpu.memref_slice %arg13[%dma_wait3A_73, %dma_wait3A_74] : memref<10008x128xf32, #tpu.memory_space<vmem_shared>> -> memref<10008x128xf32, #tpu.memory_space<vmem_shared>>
      tpu.wait_indirect_dma semaphore(%arg18 : memref<!tpu.dma_semaphore, #tpu.memory_space<semaphore_mem>>) src(%arg9 : memref<80x128xf32, #tpu.memory_space<vmem>>) dst(%dma_wait3A_75 : memref<10008x128xf32, #tpu.memory_space<vmem_shared>>)
      %dma_start3A_76 = arith.constant 4 : i32
      %dma_start3A_77 = arith.constant 0 : i32
      %dma_start3A_78 = tpu.memref_slice %arg7[%dma_start3A_76, %dma_start3A_77] : memref<16x80xi32, #tpu.memory_space<vmem>> -> memref<1x80xi32, #tpu.memory_space<vmem>>
      %dma_start3A_79 = tpu.memref_squeeze %dma_start3A_78 : memref<1x80xi32, #tpu.memory_space<vmem>> -> memref<80xi32, #tpu.memory_space<vmem>>
      %dma_start3A_80 = arith.constant 0 : i32
      %dma_start3A_81 = arith.constant 0 : i32
      %dma_start3A_82 = tpu.memref_slice %arg2[%dma_start3A_80, %dma_start3A_81] : memref<10000x128xf32, #tpu.memory_space<hbm>> -> memref<10000x128xf32, #tpu.memory_space<hbm>>
      tpu.enqueue_indirect_dma source(%dma_start3A_82 : memref<10000x128xf32, #tpu.memory_space<hbm>>) target(%arg9 : memref<80x128xf32, #tpu.memory_space<vmem>>) offsets(%dma_start3A_79 : memref<80xi32, #tpu.memory_space<vmem>>) semaphore(%arg14 : memref<!tpu.dma_semaphore, #tpu.memory_space<semaphore_mem>>)
      %dma_wait3A_83 = arith.constant 1 : i32
      %dma_wait3A_84 = arith.constant 0 : i32
      %dma_wait3A_85 = tpu.memref_slice %arg7[%dma_wait3A_83, %dma_wait3A_84] : memref<16x80xi32, #tpu.memory_space<vmem>> -> memref<1x80xi32, #tpu.memory_space<vmem>>
      %dma_wait3A_86 = tpu.memref_squeeze %dma_wait3A_85 : memref<1x80xi32, #tpu.memory_space<vmem>> -> memref<80xi32, #tpu.memory_space<vmem>>
      %dma_wait3A_87 = arith.constant 0 : i32
      %dma_wait3A_88 = arith.constant 0 : i32
      %dma_wait3A_89 = tpu.memref_slice %arg2[%dma_wait3A_87, %dma_wait3A_88] : memref<10000x128xf32, #tpu.memory_space<hbm>> -> memref<10000x128xf32, #tpu.memory_space<hbm>>
      tpu.wait_indirect_dma semaphore(%arg15 : memref<!tpu.dma_semaphore, #tpu.memory_space<semaphore_mem>>) src(%dma_wait3A_89 : memref<10000x128xf32, #tpu.memory_space<hbm>>) dst(%arg10 : memref<80x128xf32, #tpu.memory_space<vmem>>)
      %dma_start3A_90 = arith.constant 1 : i32
      %dma_start3A_91 = arith.constant 0 : i32
      %dma_start3A_92 = tpu.memref_slice %arg8[%dma_start3A_90, %dma_start3A_91] : memref<16x80xi32, #tpu.memory_space<vmem>> -> memref<1x80xi32, #tpu.memory_space<vmem>>
      %dma_start3A_93 = tpu.memref_squeeze %dma_start3A_92 : memref<1x80xi32, #tpu.memory_space<vmem>> -> memref<80xi32, #tpu.memory_space<vmem>>
      %dma_start3A_94 = arith.constant 0 : i32
      %dma_start3A_95 = arith.constant 0 : i32
      %dma_start3A_96 = tpu.memref_slice %arg13[%dma_start3A_94, %dma_start3A_95] : memref<10008x128xf32, #tpu.memory_space<vmem_shared>> -> memref<10008x128xf32, #tpu.memory_space<vmem_shared>>
      tpu.enqueue_indirect_dma source(%arg10 : memref<80x128xf32, #tpu.memory_space<vmem>>) target(%dma_start3A_96 : memref<10008x128xf32, #tpu.memory_space<vmem_shared>>) offsets(%dma_start3A_93 : memref<80xi32, #tpu.memory_space<vmem>>) semaphore(%arg19 : memref<!tpu.dma_semaphore, #tpu.memory_space<semaphore_mem>>) {add = true}
      %dma_wait3A_97 = arith.constant 1 : i32
      %dma_wait3A_98 = arith.constant 0 : i32
      %dma_wait3A_99 = tpu.memref_slice %arg8[%dma_wait3A_97, %dma_wait3A_98] : memref<16x80xi32, #tpu.memory_space<vmem>> -> memref<1x80xi32, #tpu.memory_space<vmem>>
      %dma_wait3A_100 = tpu.memref_squeeze %dma_wait3A_99 : memref<1x80xi32, #tpu.memory_space<vmem>> -> memref<80xi32, #tpu.memory_space<vmem>>
      %dma_wait3A_101 = arith.constant 0 : i32
      %dma_wait3A_102 = arith.constant 0 : i32
      %dma_wait3A_103 = tpu.memref_slice %arg13[%dma_wait3A_101, %dma_wait3A_102] : memref<10008x128xf32, #tpu.memory_space<vmem_shared>> -> memref<10008x128xf32, #tpu.memory_space<vmem_shared>>
      tpu.wait_indirect_dma semaphore(%arg19 : memref<!tpu.dma_semaphore, #tpu.memory_space<semaphore_mem>>) src(%arg10 : memref<80x128xf32, #tpu.memory_space<vmem>>) dst(%dma_wait3A_103 : memref<10008x128xf32, #tpu.memory_space<vmem_shared>>)
      %dma_start3A_104 = arith.constant 5 : i32
      %dma_start3A_105 = arith.constant 0 : i32
      %dma_start3A_106 = tpu.memref_slice %arg7[%dma_start3A_104, %dma_start3A_105] : memref<16x80xi32, #tpu.memory_space<vmem>> -> memref<1x80xi32, #tpu.memory_space<vmem>>
      %dma_start3A_107 = tpu.memref_squeeze %dma_start3A_106 : memref<1x80xi32, #tpu.memory_space<vmem>> -> memref<80xi32, #tpu.memory_space<vmem>>
      %dma_start3A_108 = arith.constant 0 : i32
      %dma_start3A_109 = arith.constant 0 : i32
      %dma_start3A_110 = tpu.memref_slice %arg2[%dma_start3A_108, %dma_start3A_109] : memref<10000x128xf32, #tpu.memory_space<hbm>> -> memref<10000x128xf32, #tpu.memory_space<hbm>>
      tpu.enqueue_indirect_dma source(%dma_start3A_110 : memref<10000x128xf32, #tpu.memory_space<hbm>>) target(%arg10 : memref<80x128xf32, #tpu.memory_space<vmem>>) offsets(%dma_start3A_107 : memref<80xi32, #tpu.memory_space<vmem>>) semaphore(%arg15 : memref<!tpu.dma_semaphore, #tpu.memory_space<semaphore_mem>>)
      %dma_wait3A_111 = arith.constant 2 : i32
      %dma_wait3A_112 = arith.constant 0 : i32
      %dma_wait3A_113 = tpu.memref_slice %arg7[%dma_wait3A_111, %dma_wait3A_112] : memref<16x80xi32, #tpu.memory_space<vmem>> -> memref<1x80xi32, #tpu.memory_space<vmem>>
      %dma_wait3A_114 = tpu.memref_squeeze %dma_wait3A_113 : memref<1x80xi32, #tpu.memory_space<vmem>> -> memref<80xi32, #tpu.memory_space<vmem>>
      %dma_wait3A_115 = arith.constant 0 : i32
      %dma_wait3A_116 = arith.constant 0 : i32
      %dma_wait3A_117 = tpu.memref_slice %arg2[%dma_wait3A_115, %dma_wait3A_116] : memref<10000x128xf32, #tpu.memory_space<hbm>> -> memref<10000x128xf32, #tpu.memory_space<hbm>>
      tpu.wait_indirect_dma semaphore(%arg16 : memref<!tpu.dma_semaphore, #tpu.memory_space<semaphore_mem>>) src(%dma_wait3A_117 : memref<10000x128xf32, #tpu.memory_space<hbm>>) dst(%arg11 : memref<80x128xf32, #tpu.memory_space<vmem>>)
      %dma_start3A_118 = arith.constant 2 : i32
      %dma_start3A_119 = arith.constant 0 : i32
      %dma_start3A_120 = tpu.memref_slice %arg8[%dma_start3A_118, %dma_start3A_119] : memref<16x80xi32, #tpu.memory_space<vmem>> -> memref<1x80xi32, #tpu.memory_space<vmem>>
      %dma_start3A_121 = tpu.memref_squeeze %dma_start3A_120 : memref<1x80xi32, #tpu.memory_space<vmem>> -> memref<80xi32, #tpu.memory_space<vmem>>
      %dma_start3A_122 = arith.constant 0 : i32
      %dma_start3A_123 = arith.constant 0 : i32
      %dma_start3A_124 = tpu.memref_slice %arg13[%dma_start3A_122, %dma_start3A_123] : memref<10008x128xf32, #tpu.memory_space<vmem_shared>> -> memref<10008x128xf32, #tpu.memory_space<vmem_shared>>
      tpu.enqueue_indirect_dma source(%arg11 : memref<80x128xf32, #tpu.memory_space<vmem>>) target(%dma_start3A_124 : memref<10008x128xf32, #tpu.memory_space<vmem_shared>>) offsets(%dma_start3A_121 : memref<80xi32, #tpu.memory_space<vmem>>) semaphore(%arg18 : memref<!tpu.dma_semaphore, #tpu.memory_space<semaphore_mem>>) {add = true}
      %dma_wait3A_125 = arith.constant 2 : i32
      %dma_wait3A_126 = arith.constant 0 : i32
      %dma_wait3A_127 = tpu.memref_slice %arg8[%dma_wait3A_125, %dma_wait3A_126] : memref<16x80xi32, #tpu.memory_space<vmem>> -> memref<1x80xi32, #tpu.memory_space<vmem>>
      %dma_wait3A_128 = tpu.memref_squeeze %dma_wait3A_127 : memref<1x80xi32, #tpu.memory_space<vmem>> -> memref<80xi32, #tpu.memory_space<vmem>>
      %dma_wait3A_129 = arith.constant 0 : i32
      %dma_wait3A_130 = arith.constant 0 : i32
      %dma_wait3A_131 = tpu.memref_slice %arg13[%dma_wait3A_129, %dma_wait3A_130] : memref<10008x128xf32, #tpu.memory_space<vmem_shared>> -> memref<10008x128xf32, #tpu.memory_space<vmem_shared>>
      tpu.wait_indirect_dma semaphore(%arg18 : memref<!tpu.dma_semaphore, #tpu.memory_space<semaphore_mem>>) src(%arg11 : memref<80x128xf32, #tpu.memory_space<vmem>>) dst(%dma_wait3A_131 : memref<10008x128xf32, #tpu.memory_space<vmem_shared>>)
      %dma_start3A_132 = arith.constant 6 : i32
      %dma_start3A_133 = arith.constant 0 : i32
      %dma_start3A_134 = tpu.memref_slice %arg7[%dma_start3A_132, %dma_start3A_133] : memref<16x80xi32, #tpu.memory_space<vmem>> -> memref<1x80xi32, #tpu.memory_space<vmem>>
      %dma_start3A_135 = tpu.memref_squeeze %dma_start3A_134 : memref<1x80xi32, #tpu.memory_space<vmem>> -> memref<80xi32, #tpu.memory_space<vmem>>
      %dma_start3A_136 = arith.constant 0 : i32
      %dma_start3A_137 = arith.constant 0 : i32
      %dma_start3A_138 = tpu.memref_slice %arg2[%dma_start3A_136, %dma_start3A_137] : memref<10000x128xf32, #tpu.memory_space<hbm>> -> memref<10000x128xf32, #tpu.memory_space<hbm>>
      tpu.enqueue_indirect_dma source(%dma_start3A_138 : memref<10000x128xf32, #tpu.memory_space<hbm>>) target(%arg11 : memref<80x128xf32, #tpu.memory_space<vmem>>) offsets(%dma_start3A_135 : memref<80xi32, #tpu.memory_space<vmem>>) semaphore(%arg16 : memref<!tpu.dma_semaphore, #tpu.memory_space<semaphore_mem>>)
      %dma_wait3A_139 = arith.constant 3 : i32
      %dma_wait3A_140 = arith.constant 0 : i32
      %dma_wait3A_141 = tpu.memref_slice %arg7[%dma_wait3A_139, %dma_wait3A_140] : memref<16x80xi32, #tpu.memory_space<vmem>> -> memref<1x80xi32, #tpu.memory_space<vmem>>
      %dma_wait3A_142 = tpu.memref_squeeze %dma_wait3A_141 : memref<1x80xi32, #tpu.memory_space<vmem>> -> memref<80xi32, #tpu.memory_space<vmem>>
      %dma_wait3A_143 = arith.constant 0 : i32
      %dma_wait3A_144 = arith.constant 0 : i32
      %dma_wait3A_145 = tpu.memref_slice %arg2[%dma_wait3A_143, %dma_wait3A_144] : memref<10000x128xf32, #tpu.memory_space<hbm>> -> memref<10000x128xf32, #tpu.memory_space<hbm>>
      tpu.wait_indirect_dma semaphore(%arg17 : memref<!tpu.dma_semaphore, #tpu.memory_space<semaphore_mem>>) src(%dma_wait3A_145 : memref<10000x128xf32, #tpu.memory_space<hbm>>) dst(%arg12 : memref<80x128xf32, #tpu.memory_space<vmem>>)
      %dma_start3A_146 = arith.constant 3 : i32
      %dma_start3A_147 = arith.constant 0 : i32
      %dma_start3A_148 = tpu.memref_slice %arg8[%dma_start3A_146, %dma_start3A_147] : memref<16x80xi32, #tpu.memory_space<vmem>> -> memref<1x80xi32, #tpu.memory_space<vmem>>
      %dma_start3A_149 = tpu.memref_squeeze %dma_start3A_148 : memref<1x80xi32, #tpu.memory_space<vmem>> -> memref<80xi32, #tpu.memory_space<vmem>>
      %dma_start3A_150 = arith.constant 0 : i32
      %dma_start3A_151 = arith.constant 0 : i32
      %dma_start3A_152 = tpu.memref_slice %arg13[%dma_start3A_150, %dma_start3A_151] : memref<10008x128xf32, #tpu.memory_space<vmem_shared>> -> memref<10008x128xf32, #tpu.memory_space<vmem_shared>>
      tpu.enqueue_indirect_dma source(%arg12 : memref<80x128xf32, #tpu.memory_space<vmem>>) target(%dma_start3A_152 : memref<10008x128xf32, #tpu.memory_space<vmem_shared>>) offsets(%dma_start3A_149 : memref<80xi32, #tpu.memory_space<vmem>>) semaphore(%arg19 : memref<!tpu.dma_semaphore, #tpu.memory_space<semaphore_mem>>) {add = true}
      %dma_wait3A_153 = arith.constant 3 : i32
      %dma_wait3A_154 = arith.constant 0 : i32
      %dma_wait3A_155 = tpu.memref_slice %arg8[%dma_wait3A_153, %dma_wait3A_154] : memref<16x80xi32, #tpu.memory_space<vmem>> -> memref<1x80xi32, #tpu.memory_space<vmem>>
      %dma_wait3A_156 = tpu.memref_squeeze %dma_wait3A_155 : memref<1x80xi32, #tpu.memory_space<vmem>> -> memref<80xi32, #tpu.memory_space<vmem>>
      %dma_wait3A_157 = arith.constant 0 : i32
      %dma_wait3A_158 = arith.constant 0 : i32
      %dma_wait3A_159 = tpu.memref_slice %arg13[%dma_wait3A_157, %dma_wait3A_158] : memref<10008x128xf32, #tpu.memory_space<vmem_shared>> -> memref<10008x128xf32, #tpu.memory_space<vmem_shared>>
      tpu.wait_indirect_dma semaphore(%arg19 : memref<!tpu.dma_semaphore, #tpu.memory_space<semaphore_mem>>) src(%arg12 : memref<80x128xf32, #tpu.memory_space<vmem>>) dst(%dma_wait3A_159 : memref<10008x128xf32, #tpu.memory_space<vmem_shared>>)
      %dma_start3A_160 = arith.constant 7 : i32
      %dma_start3A_161 = arith.constant 0 : i32
      %dma_start3A_162 = tpu.memref_slice %arg7[%dma_start3A_160, %dma_start3A_161] : memref<16x80xi32, #tpu.memory_space<vmem>> -> memref<1x80xi32, #tpu.memory_space<vmem>>
      %dma_start3A_163 = tpu.memref_squeeze %dma_start3A_162 : memref<1x80xi32, #tpu.memory_space<vmem>> -> memref<80xi32, #tpu.memory_space<vmem>>
      %dma_start3A_164 = arith.constant 0 : i32
      %dma_start3A_165 = arith.constant 0 : i32
      %dma_start3A_166 = tpu.memref_slice %arg2[%dma_start3A_164, %dma_start3A_165] : memref<10000x128xf32, #tpu.memory_space<hbm>> -> memref<10000x128xf32, #tpu.memory_space<hbm>>
      tpu.enqueue_indirect_dma source(%dma_start3A_166 : memref<10000x128xf32, #tpu.memory_space<hbm>>) target(%arg12 : memref<80x128xf32, #tpu.memory_space<vmem>>) offsets(%dma_start3A_163 : memref<80xi32, #tpu.memory_space<vmem>>) semaphore(%arg17 : memref<!tpu.dma_semaphore, #tpu.memory_space<semaphore_mem>>)
      %dma_wait3A_167 = arith.constant 4 : i32
      %dma_wait3A_168 = arith.constant 0 : i32
      %dma_wait3A_169 = tpu.memref_slice %arg7[%dma_wait3A_167, %dma_wait3A_168] : memref<16x80xi32, #tpu.memory_space<vmem>> -> memref<1x80xi32, #tpu.memory_space<vmem>>
      %dma_wait3A_170 = tpu.memref_squeeze %dma_wait3A_169 : memref<1x80xi32, #tpu.memory_space<vmem>> -> memref<80xi32, #tpu.memory_space<vmem>>
      %dma_wait3A_171 = arith.constant 0 : i32
      %dma_wait3A_172 = arith.constant 0 : i32
      %dma_wait3A_173 = tpu.memref_slice %arg2[%dma_wait3A_171, %dma_wait3A_172] : memref<10000x128xf32, #tpu.memory_space<hbm>> -> memref<10000x128xf32, #tpu.memory_space<hbm>>
      tpu.wait_indirect_dma semaphore(%arg14 : memref<!tpu.dma_semaphore, #tpu.memory_space<semaphore_mem>>) src(%dma_wait3A_173 : memref<10000x128xf32, #tpu.memory_space<hbm>>) dst(%arg9 : memref<80x128xf32, #tpu.memory_space<vmem>>)
      %dma_start3A_174 = arith.constant 4 : i32
      %dma_start3A_175 = arith.constant 0 : i32
      %dma_start3A_176 = tpu.memref_slice %arg8[%dma_start3A_174, %dma_start3A_175] : memref<16x80xi32, #tpu.memory_space<vmem>> -> memref<1x80xi32, #tpu.memory_space<vmem>>
      %dma_start3A_177 = tpu.memref_squeeze %dma_start3A_176 : memref<1x80xi32, #tpu.memory_space<vmem>> -> memref<80xi32, #tpu.memory_space<vmem>>
      %dma_start3A_178 = arith.constant 0 : i32
      %dma_start3A_179 = arith.constant 0 : i32
      %dma_start3A_180 = tpu.memref_slice %arg13[%dma_start3A_178, %dma_start3A_179] : memref<10008x128xf32, #tpu.memory_space<vmem_shared>> -> memref<10008x128xf32, #tpu.memory_space<vmem_shared>>
      tpu.enqueue_indirect_dma source(%arg9 : memref<80x128xf32, #tpu.memory_space<vmem>>) target(%dma_start3A_180 : memref<10008x128xf32, #tpu.memory_space<vmem_shared>>) offsets(%dma_start3A_177 : memref<80xi32, #tpu.memory_space<vmem>>) semaphore(%arg18 : memref<!tpu.dma_semaphore, #tpu.memory_space<semaphore_mem>>) {add = true}
      %dma_wait3A_181 = arith.constant 4 : i32
      %dma_wait3A_182 = arith.constant 0 : i32
      %dma_wait3A_183 = tpu.memref_slice %arg8[%dma_wait3A_181, %dma_wait3A_182] : memref<16x80xi32, #tpu.memory_space<vmem>> -> memref<1x80xi32, #tpu.memory_space<vmem>>
      %dma_wait3A_184 = tpu.memref_squeeze %dma_wait3A_183 : memref<1x80xi32, #tpu.memory_space<vmem>> -> memref<80xi32, #tpu.memory_space<vmem>>
      %dma_wait3A_185 = arith.constant 0 : i32
      %dma_wait3A_186 = arith.constant 0 : i32
      %dma_wait3A_187 = tpu.memref_slice %arg13[%dma_wait3A_185, %dma_wait3A_186] : memref<10008x128xf32, #tpu.memory_space<vmem_shared>> -> memref<10008x128xf32, #tpu.memory_space<vmem_shared>>
      tpu.wait_indirect_dma semaphore(%arg18 : memref<!tpu.dma_semaphore, #tpu.memory_space<semaphore_mem>>) src(%arg9 : memref<80x128xf32, #tpu.memory_space<vmem>>) dst(%dma_wait3A_187 : memref<10008x128xf32, #tpu.memory_space<vmem_shared>>)
      %dma_start3A_188 = arith.constant 8 : i32
      %dma_start3A_189 = arith.constant 0 : i32
      %dma_start3A_190 = tpu.memref_slice %arg7[%dma_start3A_188, %dma_start3A_189] : memref<16x80xi32, #tpu.memory_space<vmem>> -> memref<1x80xi32, #tpu.memory_space<vmem>>
      %dma_start3A_191 = tpu.memref_squeeze %dma_start3A_190 : memref<1x80xi32, #tpu.memory_space<vmem>> -> memref<80xi32, #tpu.memory_space<vmem>>
      %dma_start3A_192 = arith.constant 0 : i32
      %dma_start3A_193 = arith.constant 0 : i32
      %dma_start3A_194 = tpu.memref_slice %arg2[%dma_start3A_192, %dma_start3A_193] : memref<10000x128xf32, #tpu.memory_space<hbm>> -> memref<10000x128xf32, #tpu.memory_space<hbm>>
      tpu.enqueue_indirect_dma source(%dma_start3A_194 : memref<10000x128xf32, #tpu.memory_space<hbm>>) target(%arg9 : memref<80x128xf32, #tpu.memory_space<vmem>>) offsets(%dma_start3A_191 : memref<80xi32, #tpu.memory_space<vmem>>) semaphore(%arg14 : memref<!tpu.dma_semaphore, #tpu.memory_space<semaphore_mem>>)
      %dma_wait3A_195 = arith.constant 5 : i32
      %dma_wait3A_196 = arith.constant 0 : i32
      %dma_wait3A_197 = tpu.memref_slice %arg7[%dma_wait3A_195, %dma_wait3A_196] : memref<16x80xi32, #tpu.memory_space<vmem>> -> memref<1x80xi32, #tpu.memory_space<vmem>>
      %dma_wait3A_198 = tpu.memref_squeeze %dma_wait3A_197 : memref<1x80xi32, #tpu.memory_space<vmem>> -> memref<80xi32, #tpu.memory_space<vmem>>
      %dma_wait3A_199 = arith.constant 0 : i32
      %dma_wait3A_200 = arith.constant 0 : i32
      %dma_wait3A_201 = tpu.memref_slice %arg2[%dma_wait3A_199, %dma_wait3A_200] : memref<10000x128xf32, #tpu.memory_space<hbm>> -> memref<10000x128xf32, #tpu.memory_space<hbm>>
      tpu.wait_indirect_dma semaphore(%arg15 : memref<!tpu.dma_semaphore, #tpu.memory_space<semaphore_mem>>) src(%dma_wait3A_201 : memref<10000x128xf32, #tpu.memory_space<hbm>>) dst(%arg10 : memref<80x128xf32, #tpu.memory_space<vmem>>)
      %dma_start3A_202 = arith.constant 5 : i32
      %dma_start3A_203 = arith.constant 0 : i32
      %dma_start3A_204 = tpu.memref_slice %arg8[%dma_start3A_202, %dma_start3A_203] : memref<16x80xi32, #tpu.memory_space<vmem>> -> memref<1x80xi32, #tpu.memory_space<vmem>>
      %dma_start3A_205 = tpu.memref_squeeze %dma_start3A_204 : memref<1x80xi32, #tpu.memory_space<vmem>> -> memref<80xi32, #tpu.memory_space<vmem>>
      %dma_start3A_206 = arith.constant 0 : i32
      %dma_start3A_207 = arith.constant 0 : i32
      %dma_start3A_208 = tpu.memref_slice %arg13[%dma_start3A_206, %dma_start3A_207] : memref<10008x128xf32, #tpu.memory_space<vmem_shared>> -> memref<10008x128xf32, #tpu.memory_space<vmem_shared>>
      tpu.enqueue_indirect_dma source(%arg10 : memref<80x128xf32, #tpu.memory_space<vmem>>) target(%dma_start3A_208 : memref<10008x128xf32, #tpu.memory_space<vmem_shared>>) offsets(%dma_start3A_205 : memref<80xi32, #tpu.memory_space<vmem>>) semaphore(%arg19 : memref<!tpu.dma_semaphore, #tpu.memory_space<semaphore_mem>>) {add = true}
      %dma_wait3A_209 = arith.constant 5 : i32
      %dma_wait3A_210 = arith.constant 0 : i32
      %dma_wait3A_211 = tpu.memref_slice %arg8[%dma_wait3A_209, %dma_wait3A_210] : memref<16x80xi32, #tpu.memory_space<vmem>> -> memref<1x80xi32, #tpu.memory_space<vmem>>
      %dma_wait3A_212 = tpu.memref_squeeze %dma_wait3A_211 : memref<1x80xi32, #tpu.memory_space<vmem>> -> memref<80xi32, #tpu.memory_space<vmem>>
      %dma_wait3A_213 = arith.constant 0 : i32
      %dma_wait3A_214 = arith.constant 0 : i32
      %dma_wait3A_215 = tpu.memref_slice %arg13[%dma_wait3A_213, %dma_wait3A_214] : memref<10008x128xf32, #tpu.memory_space<vmem_shared>> -> memref<10008x128xf32, #tpu.memory_space<vmem_shared>>
      tpu.wait_indirect_dma semaphore(%arg19 : memref<!tpu.dma_semaphore, #tpu.memory_space<semaphore_mem>>) src(%arg10 : memref<80x128xf32, #tpu.memory_space<vmem>>) dst(%dma_wait3A_215 : memref<10008x128xf32, #tpu.memory_space<vmem_shared>>)
      %dma_start3A_216 = arith.constant 9 : i32
      %dma_start3A_217 = arith.constant 0 : i32
      %dma_start3A_218 = tpu.memref_slice %arg7[%dma_start3A_216, %dma_start3A_217] : memref<16x80xi32, #tpu.memory_space<vmem>> -> memref<1x80xi32, #tpu.memory_space<vmem>>
      %dma_start3A_219 = tpu.memref_squeeze %dma_start3A_218 : memref<1x80xi32, #tpu.memory_space<vmem>> -> memref<80xi32, #tpu.memory_space<vmem>>
      %dma_start3A_220 = arith.constant 0 : i32
      %dma_start3A_221 = arith.constant 0 : i32
      %dma_start3A_222 = tpu.memref_slice %arg2[%dma_start3A_220, %dma_start3A_221] : memref<10000x128xf32, #tpu.memory_space<hbm>> -> memref<10000x128xf32, #tpu.memory_space<hbm>>
      tpu.enqueue_indirect_dma source(%dma_start3A_222 : memref<10000x128xf32, #tpu.memory_space<hbm>>) target(%arg10 : memref<80x128xf32, #tpu.memory_space<vmem>>) offsets(%dma_start3A_219 : memref<80xi32, #tpu.memory_space<vmem>>) semaphore(%arg15 : memref<!tpu.dma_semaphore, #tpu.memory_space<semaphore_mem>>)
      %dma_wait3A_223 = arith.constant 6 : i32
      %dma_wait3A_224 = arith.constant 0 : i32
      %dma_wait3A_225 = tpu.memref_slice %arg7[%dma_wait3A_223, %dma_wait3A_224] : memref<16x80xi32, #tpu.memory_space<vmem>> -> memref<1x80xi32, #tpu.memory_space<vmem>>
      %dma_wait3A_226 = tpu.memref_squeeze %dma_wait3A_225 : memref<1x80xi32, #tpu.memory_space<vmem>> -> memref<80xi32, #tpu.memory_space<vmem>>
      %dma_wait3A_227 = arith.constant 0 : i32
      %dma_wait3A_228 = arith.constant 0 : i32
      %dma_wait3A_229 = tpu.memref_slice %arg2[%dma_wait3A_227, %dma_wait3A_228] : memref<10000x128xf32, #tpu.memory_space<hbm>> -> memref<10000x128xf32, #tpu.memory_space<hbm>>
      tpu.wait_indirect_dma semaphore(%arg16 : memref<!tpu.dma_semaphore, #tpu.memory_space<semaphore_mem>>) src(%dma_wait3A_229 : memref<10000x128xf32, #tpu.memory_space<hbm>>) dst(%arg11 : memref<80x128xf32, #tpu.memory_space<vmem>>)
      %dma_start3A_230 = arith.constant 6 : i32
      %dma_start3A_231 = arith.constant 0 : i32
      %dma_start3A_232 = tpu.memref_slice %arg8[%dma_start3A_230, %dma_start3A_231] : memref<16x80xi32, #tpu.memory_space<vmem>> -> memref<1x80xi32, #tpu.memory_space<vmem>>
      %dma_start3A_233 = tpu.memref_squeeze %dma_start3A_232 : memref<1x80xi32, #tpu.memory_space<vmem>> -> memref<80xi32, #tpu.memory_space<vmem>>
      %dma_start3A_234 = arith.constant 0 : i32
      %dma_start3A_235 = arith.constant 0 : i32
      %dma_start3A_236 = tpu.memref_slice %arg13[%dma_start3A_234, %dma_start3A_235] : memref<10008x128xf32, #tpu.memory_space<vmem_shared>> -> memref<10008x128xf32, #tpu.memory_space<vmem_shared>>
      tpu.enqueue_indirect_dma source(%arg11 : memref<80x128xf32, #tpu.memory_space<vmem>>) target(%dma_start3A_236 : memref<10008x128xf32, #tpu.memory_space<vmem_shared>>) offsets(%dma_start3A_233 : memref<80xi32, #tpu.memory_space<vmem>>) semaphore(%arg18 : memref<!tpu.dma_semaphore, #tpu.memory_space<semaphore_mem>>) {add = true}
      %dma_wait3A_237 = arith.constant 6 : i32
      %dma_wait3A_238 = arith.constant 0 : i32
      %dma_wait3A_239 = tpu.memref_slice %arg8[%dma_wait3A_237, %dma_wait3A_238] : memref<16x80xi32, #tpu.memory_space<vmem>> -> memref<1x80xi32, #tpu.memory_space<vmem>>
      %dma_wait3A_240 = tpu.memref_squeeze %dma_wait3A_239 : memref<1x80xi32, #tpu.memory_space<vmem>> -> memref<80xi32, #tpu.memory_space<vmem>>
      %dma_wait3A_241 = arith.constant 0 : i32
      %dma_wait3A_242 = arith.constant 0 : i32
      %dma_wait3A_243 = tpu.memref_slice %arg13[%dma_wait3A_241, %dma_wait3A_242] : memref<10008x128xf32, #tpu.memory_space<vmem_shared>> -> memref<10008x128xf32, #tpu.memory_space<vmem_shared>>
      tpu.wait_indirect_dma semaphore(%arg18 : memref<!tpu.dma_semaphore, #tpu.memory_space<semaphore_mem>>) src(%arg11 : memref<80x128xf32, #tpu.memory_space<vmem>>) dst(%dma_wait3A_243 : memref<10008x128xf32, #tpu.memory_space<vmem_shared>>)
      %dma_start3A_244 = arith.constant 10 : i32
      %dma_start3A_245 = arith.constant 0 : i32
      %dma_start3A_246 = tpu.memref_slice %arg7[%dma_start3A_244, %dma_start3A_245] : memref<16x80xi32, #tpu.memory_space<vmem>> -> memref<1x80xi32, #tpu.memory_space<vmem>>
      %dma_start3A_247 = tpu.memref_squeeze %dma_start3A_246 : memref<1x80xi32, #tpu.memory_space<vmem>> -> memref<80xi32, #tpu.memory_space<vmem>>
      %dma_start3A_248 = arith.constant 0 : i32
      %dma_start3A_249 = arith.constant 0 : i32
      %dma_start3A_250 = tpu.memref_slice %arg2[%dma_start3A_248, %dma_start3A_249] : memref<10000x128xf32, #tpu.memory_space<hbm>> -> memref<10000x128xf32, #tpu.memory_space<hbm>>
      tpu.enqueue_indirect_dma source(%dma_start3A_250 : memref<10000x128xf32, #tpu.memory_space<hbm>>) target(%arg11 : memref<80x128xf32, #tpu.memory_space<vmem>>) offsets(%dma_start3A_247 : memref<80xi32, #tpu.memory_space<vmem>>) semaphore(%arg16 : memref<!tpu.dma_semaphore, #tpu.memory_space<semaphore_mem>>)
      %dma_wait3A_251 = arith.constant 7 : i32
      %dma_wait3A_252 = arith.constant 0 : i32
      %dma_wait3A_253 = tpu.memref_slice %arg7[%dma_wait3A_251, %dma_wait3A_252] : memref<16x80xi32, #tpu.memory_space<vmem>> -> memref<1x80xi32, #tpu.memory_space<vmem>>
      %dma_wait3A_254 = tpu.memref_squeeze %dma_wait3A_253 : memref<1x80xi32, #tpu.memory_space<vmem>> -> memref<80xi32, #tpu.memory_space<vmem>>
      %dma_wait3A_255 = arith.constant 0 : i32
      %dma_wait3A_256 = arith.constant 0 : i32
      %dma_wait3A_257 = tpu.memref_slice %arg2[%dma_wait3A_255, %dma_wait3A_256] : memref<10000x128xf32, #tpu.memory_space<hbm>> -> memref<10000x128xf32, #tpu.memory_space<hbm>>
      tpu.wait_indirect_dma semaphore(%arg17 : memref<!tpu.dma_semaphore, #tpu.memory_space<semaphore_mem>>) src(%dma_wait3A_257 : memref<10000x128xf32, #tpu.memory_space<hbm>>) dst(%arg12 : memref<80x128xf32, #tpu.memory_space<vmem>>)
      %dma_start3A_258 = arith.constant 7 : i32
      %dma_start3A_259 = arith.constant 0 : i32
      %dma_start3A_260 = tpu.memref_slice %arg8[%dma_start3A_258, %dma_start3A_259] : memref<16x80xi32, #tpu.memory_space<vmem>> -> memref<1x80xi32, #tpu.memory_space<vmem>>
      %dma_start3A_261 = tpu.memref_squeeze %dma_start3A_260 : memref<1x80xi32, #tpu.memory_space<vmem>> -> memref<80xi32, #tpu.memory_space<vmem>>
      %dma_start3A_262 = arith.constant 0 : i32
      %dma_start3A_263 = arith.constant 0 : i32
      %dma_start3A_264 = tpu.memref_slice %arg13[%dma_start3A_262, %dma_start3A_263] : memref<10008x128xf32, #tpu.memory_space<vmem_shared>> -> memref<10008x128xf32, #tpu.memory_space<vmem_shared>>
      tpu.enqueue_indirect_dma source(%arg12 : memref<80x128xf32, #tpu.memory_space<vmem>>) target(%dma_start3A_264 : memref<10008x128xf32, #tpu.memory_space<vmem_shared>>) offsets(%dma_start3A_261 : memref<80xi32, #tpu.memory_space<vmem>>) semaphore(%arg19 : memref<!tpu.dma_semaphore, #tpu.memory_space<semaphore_mem>>) {add = true}
      %dma_wait3A_265 = arith.constant 7 : i32
      %dma_wait3A_266 = arith.constant 0 : i32
      %dma_wait3A_267 = tpu.memref_slice %arg8[%dma_wait3A_265, %dma_wait3A_266] : memref<16x80xi32, #tpu.memory_space<vmem>> -> memref<1x80xi32, #tpu.memory_space<vmem>>
      %dma_wait3A_268 = tpu.memref_squeeze %dma_wait3A_267 : memref<1x80xi32, #tpu.memory_space<vmem>> -> memref<80xi32, #tpu.memory_space<vmem>>
      %dma_wait3A_269 = arith.constant 0 : i32
      %dma_wait3A_270 = arith.constant 0 : i32
      %dma_wait3A_271 = tpu.memref_slice %arg13[%dma_wait3A_269, %dma_wait3A_270] : memref<10008x128xf32, #tpu.memory_space<vmem_shared>> -> memref<10008x128xf32, #tpu.memory_space<vmem_shared>>
      tpu.wait_indirect_dma semaphore(%arg19 : memref<!tpu.dma_semaphore, #tpu.memory_space<semaphore_mem>>) src(%arg12 : memref<80x128xf32, #tpu.memory_space<vmem>>) dst(%dma_wait3A_271 : memref<10008x128xf32, #tpu.memory_space<vmem_shared>>)
      %dma_start3A_272 = arith.constant 11 : i32
      %dma_start3A_273 = arith.constant 0 : i32
      %dma_start3A_274 = tpu.memref_slice %arg7[%dma_start3A_272, %dma_start3A_273] : memref<16x80xi32, #tpu.memory_space<vmem>> -> memref<1x80xi32, #tpu.memory_space<vmem>>
      %dma_start3A_275 = tpu.memref_squeeze %dma_start3A_274 : memref<1x80xi32, #tpu.memory_space<vmem>> -> memref<80xi32, #tpu.memory_space<vmem>>
      %dma_start3A_276 = arith.constant 0 : i32
      %dma_start3A_277 = arith.constant 0 : i32
      %dma_start3A_278 = tpu.memref_slice %arg2[%dma_start3A_276, %dma_start3A_277] : memref<10000x128xf32, #tpu.memory_space<hbm>> -> memref<10000x128xf32, #tpu.memory_space<hbm>>
      tpu.enqueue_indirect_dma source(%dma_start3A_278 : memref<10000x128xf32, #tpu.memory_space<hbm>>) target(%arg12 : memref<80x128xf32, #tpu.memory_space<vmem>>) offsets(%dma_start3A_275 : memref<80xi32, #tpu.memory_space<vmem>>) semaphore(%arg17 : memref<!tpu.dma_semaphore, #tpu.memory_space<semaphore_mem>>)
      %dma_wait3A_279 = arith.constant 8 : i32
      %dma_wait3A_280 = arith.constant 0 : i32
      %dma_wait3A_281 = tpu.memref_slice %arg7[%dma_wait3A_279, %dma_wait3A_280] : memref<16x80xi32, #tpu.memory_space<vmem>> -> memref<1x80xi32, #tpu.memory_space<vmem>>
      %dma_wait3A_282 = tpu.memref_squeeze %dma_wait3A_281 : memref<1x80xi32, #tpu.memory_space<vmem>> -> memref<80xi32, #tpu.memory_space<vmem>>
      %dma_wait3A_283 = arith.constant 0 : i32
      %dma_wait3A_284 = arith.constant 0 : i32
      %dma_wait3A_285 = tpu.memref_slice %arg2[%dma_wait3A_283, %dma_wait3A_284] : memref<10000x128xf32, #tpu.memory_space<hbm>> -> memref<10000x128xf32, #tpu.memory_space<hbm>>
      tpu.wait_indirect_dma semaphore(%arg14 : memref<!tpu.dma_semaphore, #tpu.memory_space<semaphore_mem>>) src(%dma_wait3A_285 : memref<10000x128xf32, #tpu.memory_space<hbm>>) dst(%arg9 : memref<80x128xf32, #tpu.memory_space<vmem>>)
      %dma_start3A_286 = arith.constant 8 : i32
      %dma_start3A_287 = arith.constant 0 : i32
      %dma_start3A_288 = tpu.memref_slice %arg8[%dma_start3A_286, %dma_start3A_287] : memref<16x80xi32, #tpu.memory_space<vmem>> -> memref<1x80xi32, #tpu.memory_space<vmem>>
      %dma_start3A_289 = tpu.memref_squeeze %dma_start3A_288 : memref<1x80xi32, #tpu.memory_space<vmem>> -> memref<80xi32, #tpu.memory_space<vmem>>
      %dma_start3A_290 = arith.constant 0 : i32
      %dma_start3A_291 = arith.constant 0 : i32
      %dma_start3A_292 = tpu.memref_slice %arg13[%dma_start3A_290, %dma_start3A_291] : memref<10008x128xf32, #tpu.memory_space<vmem_shared>> -> memref<10008x128xf32, #tpu.memory_space<vmem_shared>>
      tpu.enqueue_indirect_dma source(%arg9 : memref<80x128xf32, #tpu.memory_space<vmem>>) target(%dma_start3A_292 : memref<10008x128xf32, #tpu.memory_space<vmem_shared>>) offsets(%dma_start3A_289 : memref<80xi32, #tpu.memory_space<vmem>>) semaphore(%arg18 : memref<!tpu.dma_semaphore, #tpu.memory_space<semaphore_mem>>) {add = true}
      %dma_wait3A_293 = arith.constant 8 : i32
      %dma_wait3A_294 = arith.constant 0 : i32
      %dma_wait3A_295 = tpu.memref_slice %arg8[%dma_wait3A_293, %dma_wait3A_294] : memref<16x80xi32, #tpu.memory_space<vmem>> -> memref<1x80xi32, #tpu.memory_space<vmem>>
      %dma_wait3A_296 = tpu.memref_squeeze %dma_wait3A_295 : memref<1x80xi32, #tpu.memory_space<vmem>> -> memref<80xi32, #tpu.memory_space<vmem>>
      %dma_wait3A_297 = arith.constant 0 : i32
      %dma_wait3A_298 = arith.constant 0 : i32
      %dma_wait3A_299 = tpu.memref_slice %arg13[%dma_wait3A_297, %dma_wait3A_298] : memref<10008x128xf32, #tpu.memory_space<vmem_shared>> -> memref<10008x128xf32, #tpu.memory_space<vmem_shared>>
      tpu.wait_indirect_dma semaphore(%arg18 : memref<!tpu.dma_semaphore, #tpu.memory_space<semaphore_mem>>) src(%arg9 : memref<80x128xf32, #tpu.memory_space<vmem>>) dst(%dma_wait3A_299 : memref<10008x128xf32, #tpu.memory_space<vmem_shared>>)
      %dma_start3A_300 = arith.constant 12 : i32
      %dma_start3A_301 = arith.constant 0 : i32
      %dma_start3A_302 = tpu.memref_slice %arg7[%dma_start3A_300, %dma_start3A_301] : memref<16x80xi32, #tpu.memory_space<vmem>> -> memref<1x80xi32, #tpu.memory_space<vmem>>
      %dma_start3A_303 = tpu.memref_squeeze %dma_start3A_302 : memref<1x80xi32, #tpu.memory_space<vmem>> -> memref<80xi32, #tpu.memory_space<vmem>>
      %dma_start3A_304 = arith.constant 0 : i32
      %dma_start3A_305 = arith.constant 0 : i32
      %dma_start3A_306 = tpu.memref_slice %arg2[%dma_start3A_304, %dma_start3A_305] : memref<10000x128xf32, #tpu.memory_space<hbm>> -> memref<10000x128xf32, #tpu.memory_space<hbm>>
      tpu.enqueue_indirect_dma source(%dma_start3A_306 : memref<10000x128xf32, #tpu.memory_space<hbm>>) target(%arg9 : memref<80x128xf32, #tpu.memory_space<vmem>>) offsets(%dma_start3A_303 : memref<80xi32, #tpu.memory_space<vmem>>) semaphore(%arg14 : memref<!tpu.dma_semaphore, #tpu.memory_space<semaphore_mem>>)
      %dma_wait3A_307 = arith.constant 9 : i32
      %dma_wait3A_308 = arith.constant 0 : i32
      %dma_wait3A_309 = tpu.memref_slice %arg7[%dma_wait3A_307, %dma_wait3A_308] : memref<16x80xi32, #tpu.memory_space<vmem>> -> memref<1x80xi32, #tpu.memory_space<vmem>>
      %dma_wait3A_310 = tpu.memref_squeeze %dma_wait3A_309 : memref<1x80xi32, #tpu.memory_space<vmem>> -> memref<80xi32, #tpu.memory_space<vmem>>
      %dma_wait3A_311 = arith.constant 0 : i32
      %dma_wait3A_312 = arith.constant 0 : i32
      %dma_wait3A_313 = tpu.memref_slice %arg2[%dma_wait3A_311, %dma_wait3A_312] : memref<10000x128xf32, #tpu.memory_space<hbm>> -> memref<10000x128xf32, #tpu.memory_space<hbm>>
      tpu.wait_indirect_dma semaphore(%arg15 : memref<!tpu.dma_semaphore, #tpu.memory_space<semaphore_mem>>) src(%dma_wait3A_313 : memref<10000x128xf32, #tpu.memory_space<hbm>>) dst(%arg10 : memref<80x128xf32, #tpu.memory_space<vmem>>)
      %dma_start3A_314 = arith.constant 9 : i32
      %dma_start3A_315 = arith.constant 0 : i32
      %dma_start3A_316 = tpu.memref_slice %arg8[%dma_start3A_314, %dma_start3A_315] : memref<16x80xi32, #tpu.memory_space<vmem>> -> memref<1x80xi32, #tpu.memory_space<vmem>>
      %dma_start3A_317 = tpu.memref_squeeze %dma_start3A_316 : memref<1x80xi32, #tpu.memory_space<vmem>> -> memref<80xi32, #tpu.memory_space<vmem>>
      %dma_start3A_318 = arith.constant 0 : i32
      %dma_start3A_319 = arith.constant 0 : i32
      %dma_start3A_320 = tpu.memref_slice %arg13[%dma_start3A_318, %dma_start3A_319] : memref<10008x128xf32, #tpu.memory_space<vmem_shared>> -> memref<10008x128xf32, #tpu.memory_space<vmem_shared>>
      tpu.enqueue_indirect_dma source(%arg10 : memref<80x128xf32, #tpu.memory_space<vmem>>) target(%dma_start3A_320 : memref<10008x128xf32, #tpu.memory_space<vmem_shared>>) offsets(%dma_start3A_317 : memref<80xi32, #tpu.memory_space<vmem>>) semaphore(%arg19 : memref<!tpu.dma_semaphore, #tpu.memory_space<semaphore_mem>>) {add = true}
      %dma_wait3A_321 = arith.constant 9 : i32
      %dma_wait3A_322 = arith.constant 0 : i32
      %dma_wait3A_323 = tpu.memref_slice %arg8[%dma_wait3A_321, %dma_wait3A_322] : memref<16x80xi32, #tpu.memory_space<vmem>> -> memref<1x80xi32, #tpu.memory_space<vmem>>
      %dma_wait3A_324 = tpu.memref_squeeze %dma_wait3A_323 : memref<1x80xi32, #tpu.memory_space<vmem>> -> memref<80xi32, #tpu.memory_space<vmem>>
      %dma_wait3A_325 = arith.constant 0 : i32
      %dma_wait3A_326 = arith.constant 0 : i32
      %dma_wait3A_327 = tpu.memref_slice %arg13[%dma_wait3A_325, %dma_wait3A_326] : memref<10008x128xf32, #tpu.memory_space<vmem_shared>> -> memref<10008x128xf32, #tpu.memory_space<vmem_shared>>
      tpu.wait_indirect_dma semaphore(%arg19 : memref<!tpu.dma_semaphore, #tpu.memory_space<semaphore_mem>>) src(%arg10 : memref<80x128xf32, #tpu.memory_space<vmem>>) dst(%dma_wait3A_327 : memref<10008x128xf32, #tpu.memory_space<vmem_shared>>)
      %dma_start3A_328 = arith.constant 13 : i32
      %dma_start3A_329 = arith.constant 0 : i32
      %dma_start3A_330 = tpu.memref_slice %arg7[%dma_start3A_328, %dma_start3A_329] : memref<16x80xi32, #tpu.memory_space<vmem>> -> memref<1x80xi32, #tpu.memory_space<vmem>>
      %dma_start3A_331 = tpu.memref_squeeze %dma_start3A_330 : memref<1x80xi32, #tpu.memory_space<vmem>> -> memref<80xi32, #tpu.memory_space<vmem>>
      %dma_start3A_332 = arith.constant 0 : i32
      %dma_start3A_333 = arith.constant 0 : i32
      %dma_start3A_334 = tpu.memref_slice %arg2[%dma_start3A_332, %dma_start3A_333] : memref<10000x128xf32, #tpu.memory_space<hbm>> -> memref<10000x128xf32, #tpu.memory_space<hbm>>
      tpu.enqueue_indirect_dma source(%dma_start3A_334 : memref<10000x128xf32, #tpu.memory_space<hbm>>) target(%arg10 : memref<80x128xf32, #tpu.memory_space<vmem>>) offsets(%dma_start3A_331 : memref<80xi32, #tpu.memory_space<vmem>>) semaphore(%arg15 : memref<!tpu.dma_semaphore, #tpu.memory_space<semaphore_mem>>)
      %dma_wait3A_335 = arith.constant 10 : i32
      %dma_wait3A_336 = arith.constant 0 : i32
      %dma_wait3A_337 = tpu.memref_slice %arg7[%dma_wait3A_335, %dma_wait3A_336] : memref<16x80xi32, #tpu.memory_space<vmem>> -> memref<1x80xi32, #tpu.memory_space<vmem>>
      %dma_wait3A_338 = tpu.memref_squeeze %dma_wait3A_337 : memref<1x80xi32, #tpu.memory_space<vmem>> -> memref<80xi32, #tpu.memory_space<vmem>>
      %dma_wait3A_339 = arith.constant 0 : i32
      %dma_wait3A_340 = arith.constant 0 : i32
      %dma_wait3A_341 = tpu.memref_slice %arg2[%dma_wait3A_339, %dma_wait3A_340] : memref<10000x128xf32, #tpu.memory_space<hbm>> -> memref<10000x128xf32, #tpu.memory_space<hbm>>
      tpu.wait_indirect_dma semaphore(%arg16 : memref<!tpu.dma_semaphore, #tpu.memory_space<semaphore_mem>>) src(%dma_wait3A_341 : memref<10000x128xf32, #tpu.memory_space<hbm>>) dst(%arg11 : memref<80x128xf32, #tpu.memory_space<vmem>>)
      %dma_start3A_342 = arith.constant 10 : i32
      %dma_start3A_343 = arith.constant 0 : i32
      %dma_start3A_344 = tpu.memref_slice %arg8[%dma_start3A_342, %dma_start3A_343] : memref<16x80xi32, #tpu.memory_space<vmem>> -> memref<1x80xi32, #tpu.memory_space<vmem>>
      %dma_start3A_345 = tpu.memref_squeeze %dma_start3A_344 : memref<1x80xi32, #tpu.memory_space<vmem>> -> memref<80xi32, #tpu.memory_space<vmem>>
      %dma_start3A_346 = arith.constant 0 : i32
      %dma_start3A_347 = arith.constant 0 : i32
      %dma_start3A_348 = tpu.memref_slice %arg13[%dma_start3A_346, %dma_start3A_347] : memref<10008x128xf32, #tpu.memory_space<vmem_shared>> -> memref<10008x128xf32, #tpu.memory_space<vmem_shared>>
      tpu.enqueue_indirect_dma source(%arg11 : memref<80x128xf32, #tpu.memory_space<vmem>>) target(%dma_start3A_348 : memref<10008x128xf32, #tpu.memory_space<vmem_shared>>) offsets(%dma_start3A_345 : memref<80xi32, #tpu.memory_space<vmem>>) semaphore(%arg18 : memref<!tpu.dma_semaphore, #tpu.memory_space<semaphore_mem>>) {add = true}
      %dma_wait3A_349 = arith.constant 10 : i32
      %dma_wait3A_350 = arith.constant 0 : i32
      %dma_wait3A_351 = tpu.memref_slice %arg8[%dma_wait3A_349, %dma_wait3A_350] : memref<16x80xi32, #tpu.memory_space<vmem>> -> memref<1x80xi32, #tpu.memory_space<vmem>>
      %dma_wait3A_352 = tpu.memref_squeeze %dma_wait3A_351 : memref<1x80xi32, #tpu.memory_space<vmem>> -> memref<80xi32, #tpu.memory_space<vmem>>
      %dma_wait3A_353 = arith.constant 0 : i32
      %dma_wait3A_354 = arith.constant 0 : i32
      %dma_wait3A_355 = tpu.memref_slice %arg13[%dma_wait3A_353, %dma_wait3A_354] : memref<10008x128xf32, #tpu.memory_space<vmem_shared>> -> memref<10008x128xf32, #tpu.memory_space<vmem_shared>>
      tpu.wait_indirect_dma semaphore(%arg18 : memref<!tpu.dma_semaphore, #tpu.memory_space<semaphore_mem>>) src(%arg11 : memref<80x128xf32, #tpu.memory_space<vmem>>) dst(%dma_wait3A_355 : memref<10008x128xf32, #tpu.memory_space<vmem_shared>>)
      %dma_start3A_356 = arith.constant 14 : i32
      %dma_start3A_357 = arith.constant 0 : i32
      %dma_start3A_358 = tpu.memref_slice %arg7[%dma_start3A_356, %dma_start3A_357] : memref<16x80xi32, #tpu.memory_space<vmem>> -> memref<1x80xi32, #tpu.memory_space<vmem>>
      %dma_start3A_359 = tpu.memref_squeeze %dma_start3A_358 : memref<1x80xi32, #tpu.memory_space<vmem>> -> memref<80xi32, #tpu.memory_space<vmem>>
      %dma_start3A_360 = arith.constant 0 : i32
      %dma_start3A_361 = arith.constant 0 : i32
      %dma_start3A_362 = tpu.memref_slice %arg2[%dma_start3A_360, %dma_start3A_361] : memref<10000x128xf32, #tpu.memory_space<hbm>> -> memref<10000x128xf32, #tpu.memory_space<hbm>>
      tpu.enqueue_indirect_dma source(%dma_start3A_362 : memref<10000x128xf32, #tpu.memory_space<hbm>>) target(%arg11 : memref<80x128xf32, #tpu.memory_space<vmem>>) offsets(%dma_start3A_359 : memref<80xi32, #tpu.memory_space<vmem>>) semaphore(%arg16 : memref<!tpu.dma_semaphore, #tpu.memory_space<semaphore_mem>>)
      %dma_wait3A_363 = arith.constant 11 : i32
      %dma_wait3A_364 = arith.constant 0 : i32
      %dma_wait3A_365 = tpu.memref_slice %arg7[%dma_wait3A_363, %dma_wait3A_364] : memref<16x80xi32, #tpu.memory_space<vmem>> -> memref<1x80xi32, #tpu.memory_space<vmem>>
      %dma_wait3A_366 = tpu.memref_squeeze %dma_wait3A_365 : memref<1x80xi32, #tpu.memory_space<vmem>> -> memref<80xi32, #tpu.memory_space<vmem>>
      %dma_wait3A_367 = arith.constant 0 : i32
      %dma_wait3A_368 = arith.constant 0 : i32
      %dma_wait3A_369 = tpu.memref_slice %arg2[%dma_wait3A_367, %dma_wait3A_368] : memref<10000x128xf32, #tpu.memory_space<hbm>> -> memref<10000x128xf32, #tpu.memory_space<hbm>>
      tpu.wait_indirect_dma semaphore(%arg17 : memref<!tpu.dma_semaphore, #tpu.memory_space<semaphore_mem>>) src(%dma_wait3A_369 : memref<10000x128xf32, #tpu.memory_space<hbm>>) dst(%arg12 : memref<80x128xf32, #tpu.memory_space<vmem>>)
      %dma_start3A_370 = arith.constant 11 : i32
      %dma_start3A_371 = arith.constant 0 : i32
      %dma_start3A_372 = tpu.memref_slice %arg8[%dma_start3A_370, %dma_start3A_371] : memref<16x80xi32, #tpu.memory_space<vmem>> -> memref<1x80xi32, #tpu.memory_space<vmem>>
      %dma_start3A_373 = tpu.memref_squeeze %dma_start3A_372 : memref<1x80xi32, #tpu.memory_space<vmem>> -> memref<80xi32, #tpu.memory_space<vmem>>
      %dma_start3A_374 = arith.constant 0 : i32
      %dma_start3A_375 = arith.constant 0 : i32
      %dma_start3A_376 = tpu.memref_slice %arg13[%dma_start3A_374, %dma_start3A_375] : memref<10008x128xf32, #tpu.memory_space<vmem_shared>> -> memref<10008x128xf32, #tpu.memory_space<vmem_shared>>
      tpu.enqueue_indirect_dma source(%arg12 : memref<80x128xf32, #tpu.memory_space<vmem>>) target(%dma_start3A_376 : memref<10008x128xf32, #tpu.memory_space<vmem_shared>>) offsets(%dma_start3A_373 : memref<80xi32, #tpu.memory_space<vmem>>) semaphore(%arg19 : memref<!tpu.dma_semaphore, #tpu.memory_space<semaphore_mem>>) {add = true}
      %dma_wait3A_377 = arith.constant 11 : i32
      %dma_wait3A_378 = arith.constant 0 : i32
      %dma_wait3A_379 = tpu.memref_slice %arg8[%dma_wait3A_377, %dma_wait3A_378] : memref<16x80xi32, #tpu.memory_space<vmem>> -> memref<1x80xi32, #tpu.memory_space<vmem>>
      %dma_wait3A_380 = tpu.memref_squeeze %dma_wait3A_379 : memref<1x80xi32, #tpu.memory_space<vmem>> -> memref<80xi32, #tpu.memory_space<vmem>>
      %dma_wait3A_381 = arith.constant 0 : i32
      %dma_wait3A_382 = arith.constant 0 : i32
      %dma_wait3A_383 = tpu.memref_slice %arg13[%dma_wait3A_381, %dma_wait3A_382] : memref<10008x128xf32, #tpu.memory_space<vmem_shared>> -> memref<10008x128xf32, #tpu.memory_space<vmem_shared>>
      tpu.wait_indirect_dma semaphore(%arg19 : memref<!tpu.dma_semaphore, #tpu.memory_space<semaphore_mem>>) src(%arg12 : memref<80x128xf32, #tpu.memory_space<vmem>>) dst(%dma_wait3A_383 : memref<10008x128xf32, #tpu.memory_space<vmem_shared>>)
      %dma_start3A_384 = arith.constant 15 : i32
      %dma_start3A_385 = arith.constant 0 : i32
      %dma_start3A_386 = tpu.memref_slice %arg7[%dma_start3A_384, %dma_start3A_385] : memref<16x80xi32, #tpu.memory_space<vmem>> -> memref<1x80xi32, #tpu.memory_space<vmem>>
      %dma_start3A_387 = tpu.memref_squeeze %dma_start3A_386 : memref<1x80xi32, #tpu.memory_space<vmem>> -> memref<80xi32, #tpu.memory_space<vmem>>
      %dma_start3A_388 = arith.constant 0 : i32
      %dma_start3A_389 = arith.constant 0 : i32
      %dma_start3A_390 = tpu.memref_slice %arg2[%dma_start3A_388, %dma_start3A_389] : memref<10000x128xf32, #tpu.memory_space<hbm>> -> memref<10000x128xf32, #tpu.memory_space<hbm>>
      tpu.enqueue_indirect_dma source(%dma_start3A_390 : memref<10000x128xf32, #tpu.memory_space<hbm>>) target(%arg12 : memref<80x128xf32, #tpu.memory_space<vmem>>) offsets(%dma_start3A_387 : memref<80xi32, #tpu.memory_space<vmem>>) semaphore(%arg17 : memref<!tpu.dma_semaphore, #tpu.memory_space<semaphore_mem>>)
      %dma_wait3A_391 = arith.constant 12 : i32
      %dma_wait3A_392 = arith.constant 0 : i32
      %dma_wait3A_393 = tpu.memref_slice %arg7[%dma_wait3A_391, %dma_wait3A_392] : memref<16x80xi32, #tpu.memory_space<vmem>> -> memref<1x80xi32, #tpu.memory_space<vmem>>
      %dma_wait3A_394 = tpu.memref_squeeze %dma_wait3A_393 : memref<1x80xi32, #tpu.memory_space<vmem>> -> memref<80xi32, #tpu.memory_space<vmem>>
      %dma_wait3A_395 = arith.constant 0 : i32
      %dma_wait3A_396 = arith.constant 0 : i32
      %dma_wait3A_397 = tpu.memref_slice %arg2[%dma_wait3A_395, %dma_wait3A_396] : memref<10000x128xf32, #tpu.memory_space<hbm>> -> memref<10000x128xf32, #tpu.memory_space<hbm>>
      tpu.wait_indirect_dma semaphore(%arg14 : memref<!tpu.dma_semaphore, #tpu.memory_space<semaphore_mem>>) src(%dma_wait3A_397 : memref<10000x128xf32, #tpu.memory_space<hbm>>) dst(%arg9 : memref<80x128xf32, #tpu.memory_space<vmem>>)
      %dma_start3A_398 = arith.constant 12 : i32
      %dma_start3A_399 = arith.constant 0 : i32
      %dma_start3A_400 = tpu.memref_slice %arg8[%dma_start3A_398, %dma_start3A_399] : memref<16x80xi32, #tpu.memory_space<vmem>> -> memref<1x80xi32, #tpu.memory_space<vmem>>
      %dma_start3A_401 = tpu.memref_squeeze %dma_start3A_400 : memref<1x80xi32, #tpu.memory_space<vmem>> -> memref<80xi32, #tpu.memory_space<vmem>>
      %dma_start3A_402 = arith.constant 0 : i32
      %dma_start3A_403 = arith.constant 0 : i32
      %dma_start3A_404 = tpu.memref_slice %arg13[%dma_start3A_402, %dma_start3A_403] : memref<10008x128xf32, #tpu.memory_space<vmem_shared>> -> memref<10008x128xf32, #tpu.memory_space<vmem_shared>>
      tpu.enqueue_indirect_dma source(%arg9 : memref<80x128xf32, #tpu.memory_space<vmem>>) target(%dma_start3A_404 : memref<10008x128xf32, #tpu.memory_space<vmem_shared>>) offsets(%dma_start3A_401 : memref<80xi32, #tpu.memory_space<vmem>>) semaphore(%arg18 : memref<!tpu.dma_semaphore, #tpu.memory_space<semaphore_mem>>) {add = true}
      %dma_wait3A_405 = arith.constant 13 : i32
      %dma_wait3A_406 = arith.constant 0 : i32
      %dma_wait3A_407 = tpu.memref_slice %arg7[%dma_wait3A_405, %dma_wait3A_406] : memref<16x80xi32, #tpu.memory_space<vmem>> -> memref<1x80xi32, #tpu.memory_space<vmem>>
      %dma_wait3A_408 = tpu.memref_squeeze %dma_wait3A_407 : memref<1x80xi32, #tpu.memory_space<vmem>> -> memref<80xi32, #tpu.memory_space<vmem>>
      %dma_wait3A_409 = arith.constant 0 : i32
      %dma_wait3A_410 = arith.constant 0 : i32
      %dma_wait3A_411 = tpu.memref_slice %arg2[%dma_wait3A_409, %dma_wait3A_410] : memref<10000x128xf32, #tpu.memory_space<hbm>> -> memref<10000x128xf32, #tpu.memory_space<hbm>>
      tpu.wait_indirect_dma semaphore(%arg15 : memref<!tpu.dma_semaphore, #tpu.memory_space<semaphore_mem>>) src(%dma_wait3A_411 : memref<10000x128xf32, #tpu.memory_space<hbm>>) dst(%arg10 : memref<80x128xf32, #tpu.memory_space<vmem>>)
      %dma_start3A_412 = arith.constant 13 : i32
      %dma_start3A_413 = arith.constant 0 : i32
      %dma_start3A_414 = tpu.memref_slice %arg8[%dma_start3A_412, %dma_start3A_413] : memref<16x80xi32, #tpu.memory_space<vmem>> -> memref<1x80xi32, #tpu.memory_space<vmem>>
      %dma_start3A_415 = tpu.memref_squeeze %dma_start3A_414 : memref<1x80xi32, #tpu.memory_space<vmem>> -> memref<80xi32, #tpu.memory_space<vmem>>
      %dma_start3A_416 = arith.constant 0 : i32
      %dma_start3A_417 = arith.constant 0 : i32
      %dma_start3A_418 = tpu.memref_slice %arg13[%dma_start3A_416, %dma_start3A_417] : memref<10008x128xf32, #tpu.memory_space<vmem_shared>> -> memref<10008x128xf32, #tpu.memory_space<vmem_shared>>
      tpu.enqueue_indirect_dma source(%arg10 : memref<80x128xf32, #tpu.memory_space<vmem>>) target(%dma_start3A_418 : memref<10008x128xf32, #tpu.memory_space<vmem_shared>>) offsets(%dma_start3A_415 : memref<80xi32, #tpu.memory_space<vmem>>) semaphore(%arg19 : memref<!tpu.dma_semaphore, #tpu.memory_space<semaphore_mem>>) {add = true}
      %dma_wait3A_419 = arith.constant 14 : i32
      %dma_wait3A_420 = arith.constant 0 : i32
      %dma_wait3A_421 = tpu.memref_slice %arg7[%dma_wait3A_419, %dma_wait3A_420] : memref<16x80xi32, #tpu.memory_space<vmem>> -> memref<1x80xi32, #tpu.memory_space<vmem>>
      %dma_wait3A_422 = tpu.memref_squeeze %dma_wait3A_421 : memref<1x80xi32, #tpu.memory_space<vmem>> -> memref<80xi32, #tpu.memory_space<vmem>>
      %dma_wait3A_423 = arith.constant 0 : i32
      %dma_wait3A_424 = arith.constant 0 : i32
      %dma_wait3A_425 = tpu.memref_slice %arg2[%dma_wait3A_423, %dma_wait3A_424] : memref<10000x128xf32, #tpu.memory_space<hbm>> -> memref<10000x128xf32, #tpu.memory_space<hbm>>
      tpu.wait_indirect_dma semaphore(%arg16 : memref<!tpu.dma_semaphore, #tpu.memory_space<semaphore_mem>>) src(%dma_wait3A_425 : memref<10000x128xf32, #tpu.memory_space<hbm>>) dst(%arg11 : memref<80x128xf32, #tpu.memory_space<vmem>>)
      %dma_start3A_426 = arith.constant 14 : i32
      %dma_start3A_427 = arith.constant 0 : i32
      %dma_start3A_428 = tpu.memref_slice %arg8[%dma_start3A_426, %dma_start3A_427] : memref<16x80xi32, #tpu.memory_space<vmem>> -> memref<1x80xi32, #tpu.memory_space<vmem>>
      %dma_start3A_429 = tpu.memref_squeeze %dma_start3A_428 : memref<1x80xi32, #tpu.memory_space<vmem>> -> memref<80xi32, #tpu.memory_space<vmem>>
      %dma_start3A_430 = arith.constant 0 : i32
      %dma_start3A_431 = arith.constant 0 : i32
      %dma_start3A_432 = tpu.memref_slice %arg13[%dma_start3A_430, %dma_start3A_431] : memref<10008x128xf32, #tpu.memory_space<vmem_shared>> -> memref<10008x128xf32, #tpu.memory_space<vmem_shared>>
      tpu.enqueue_indirect_dma source(%arg11 : memref<80x128xf32, #tpu.memory_space<vmem>>) target(%dma_start3A_432 : memref<10008x128xf32, #tpu.memory_space<vmem_shared>>) offsets(%dma_start3A_429 : memref<80xi32, #tpu.memory_space<vmem>>) semaphore(%arg18 : memref<!tpu.dma_semaphore, #tpu.memory_space<semaphore_mem>>) {add = true}
      %dma_wait3A_433 = arith.constant 15 : i32
      %dma_wait3A_434 = arith.constant 0 : i32
      %dma_wait3A_435 = tpu.memref_slice %arg7[%dma_wait3A_433, %dma_wait3A_434] : memref<16x80xi32, #tpu.memory_space<vmem>> -> memref<1x80xi32, #tpu.memory_space<vmem>>
      %dma_wait3A_436 = tpu.memref_squeeze %dma_wait3A_435 : memref<1x80xi32, #tpu.memory_space<vmem>> -> memref<80xi32, #tpu.memory_space<vmem>>
      %dma_wait3A_437 = arith.constant 0 : i32
      %dma_wait3A_438 = arith.constant 0 : i32
      %dma_wait3A_439 = tpu.memref_slice %arg2[%dma_wait3A_437, %dma_wait3A_438] : memref<10000x128xf32, #tpu.memory_space<hbm>> -> memref<10000x128xf32, #tpu.memory_space<hbm>>
      tpu.wait_indirect_dma semaphore(%arg17 : memref<!tpu.dma_semaphore, #tpu.memory_space<semaphore_mem>>) src(%dma_wait3A_439 : memref<10000x128xf32, #tpu.memory_space<hbm>>) dst(%arg12 : memref<80x128xf32, #tpu.memory_space<vmem>>)
      %dma_start3A_440 = arith.constant 15 : i32
      %dma_start3A_441 = arith.constant 0 : i32
      %dma_start3A_442 = tpu.memref_slice %arg8[%dma_start3A_440, %dma_start3A_441] : memref<16x80xi32, #tpu.memory_space<vmem>> -> memref<1x80xi32, #tpu.memory_space<vmem>>
      %dma_start3A_443 = tpu.memref_squeeze %dma_start3A_442 : memref<1x80xi32, #tpu.memory_space<vmem>> -> memref<80xi32, #tpu.memory_space<vmem>>
      %dma_start3A_444 = arith.constant 0 : i32
      %dma_start3A_445 = arith.constant 0 : i32
      %dma_start3A_446 = tpu.memref_slice %arg13[%dma_start3A_444, %dma_start3A_445] : memref<10008x128xf32, #tpu.memory_space<vmem_shared>> -> memref<10008x128xf32, #tpu.memory_space<vmem_shared>>
      tpu.enqueue_indirect_dma source(%arg12 : memref<80x128xf32, #tpu.memory_space<vmem>>) target(%dma_start3A_446 : memref<10008x128xf32, #tpu.memory_space<vmem_shared>>) offsets(%dma_start3A_443 : memref<80xi32, #tpu.memory_space<vmem>>) semaphore(%arg19 : memref<!tpu.dma_semaphore, #tpu.memory_space<semaphore_mem>>) {add = true}
      %dma_wait3A_447 = arith.constant 12 : i32
      %dma_wait3A_448 = arith.constant 0 : i32
      %dma_wait3A_449 = tpu.memref_slice %arg8[%dma_wait3A_447, %dma_wait3A_448] : memref<16x80xi32, #tpu.memory_space<vmem>> -> memref<1x80xi32, #tpu.memory_space<vmem>>
      %dma_wait3A_450 = tpu.memref_squeeze %dma_wait3A_449 : memref<1x80xi32, #tpu.memory_space<vmem>> -> memref<80xi32, #tpu.memory_space<vmem>>
      %dma_wait3A_451 = arith.constant 0 : i32
      %dma_wait3A_452 = arith.constant 0 : i32
      %dma_wait3A_453 = tpu.memref_slice %arg13[%dma_wait3A_451, %dma_wait3A_452] : memref<10008x128xf32, #tpu.memory_space<vmem_shared>> -> memref<10008x128xf32, #tpu.memory_space<vmem_shared>>
      tpu.wait_indirect_dma semaphore(%arg18 : memref<!tpu.dma_semaphore, #tpu.memory_space<semaphore_mem>>) src(%arg9 : memref<80x128xf32, #tpu.memory_space<vmem>>) dst(%dma_wait3A_453 : memref<10008x128xf32, #tpu.memory_space<vmem_shared>>)
      %dma_wait3A_454 = arith.constant 13 : i32
      %dma_wait3A_455 = arith.constant 0 : i32
      %dma_wait3A_456 = tpu.memref_slice %arg8[%dma_wait3A_454, %dma_wait3A_455] : memref<16x80xi32, #tpu.memory_space<vmem>> -> memref<1x80xi32, #tpu.memory_space<vmem>>
      %dma_wait3A_457 = tpu.memref_squeeze %dma_wait3A_456 : memref<1x80xi32, #tpu.memory_space<vmem>> -> memref<80xi32, #tpu.memory_space<vmem>>
      %dma_wait3A_458 = arith.constant 0 : i32
      %dma_wait3A_459 = arith.constant 0 : i32
      %dma_wait3A_460 = tpu.memref_slice %arg13[%dma_wait3A_458, %dma_wait3A_459] : memref<10008x128xf32, #tpu.memory_space<vmem_shared>> -> memref<10008x128xf32, #tpu.memory_space<vmem_shared>>
      tpu.wait_indirect_dma semaphore(%arg19 : memref<!tpu.dma_semaphore, #tpu.memory_space<semaphore_mem>>) src(%arg10 : memref<80x128xf32, #tpu.memory_space<vmem>>) dst(%dma_wait3A_460 : memref<10008x128xf32, #tpu.memory_space<vmem_shared>>)
      %dma_wait3A_461 = arith.constant 14 : i32
      %dma_wait3A_462 = arith.constant 0 : i32
      %dma_wait3A_463 = tpu.memref_slice %arg8[%dma_wait3A_461, %dma_wait3A_462] : memref<16x80xi32, #tpu.memory_space<vmem>> -> memref<1x80xi32, #tpu.memory_space<vmem>>
      %dma_wait3A_464 = tpu.memref_squeeze %dma_wait3A_463 : memref<1x80xi32, #tpu.memory_space<vmem>> -> memref<80xi32, #tpu.memory_space<vmem>>
      %dma_wait3A_465 = arith.constant 0 : i32
      %dma_wait3A_466 = arith.constant 0 : i32
      %dma_wait3A_467 = tpu.memref_slice %arg13[%dma_wait3A_465, %dma_wait3A_466] : memref<10008x128xf32, #tpu.memory_space<vmem_shared>> -> memref<10008x128xf32, #tpu.memory_space<vmem_shared>>
      tpu.wait_indirect_dma semaphore(%arg18 : memref<!tpu.dma_semaphore, #tpu.memory_space<semaphore_mem>>) src(%arg11 : memref<80x128xf32, #tpu.memory_space<vmem>>) dst(%dma_wait3A_467 : memref<10008x128xf32, #tpu.memory_space<vmem_shared>>)
      %dma_wait3A_468 = arith.constant 15 : i32
      %dma_wait3A_469 = arith.constant 0 : i32
      %dma_wait3A_470 = tpu.memref_slice %arg8[%dma_wait3A_468, %dma_wait3A_469] : memref<16x80xi32, #tpu.memory_space<vmem>> -> memref<1x80xi32, #tpu.memory_space<vmem>>
      %dma_wait3A_471 = tpu.memref_squeeze %dma_wait3A_470 : memref<1x80xi32, #tpu.memory_space<vmem>> -> memref<80xi32, #tpu.memory_space<vmem>>
      %dma_wait3A_472 = arith.constant 0 : i32
      %dma_wait3A_473 = arith.constant 0 : i32
      %dma_wait3A_474 = tpu.memref_slice %arg13[%dma_wait3A_472, %dma_wait3A_473] : memref<10008x128xf32, #tpu.memory_space<vmem_shared>> -> memref<10008x128xf32, #tpu.memory_space<vmem_shared>>
      tpu.wait_indirect_dma semaphore(%arg19 : memref<!tpu.dma_semaphore, #tpu.memory_space<semaphore_mem>>) src(%arg12 : memref<80x128xf32, #tpu.memory_space<vmem>>) dst(%dma_wait3A_474 : memref<10008x128xf32, #tpu.memory_space<vmem_shared>>)
    }
    %scan3A_11 = arith.constant 8 : i32
    %barrier3A_12 = arith.constant 0 : index
    tpu.barrier barrier_id(%barrier3A_12)
    %lt3A_13 = arith.constant 15 : i32
    %lt3A_14 = arith.cmpi slt, %arg1, %lt3A_13 : i32
    %convert_element_type3A_15 = arith.extui %lt3A_14 : i1 to i32
    %cond3A_16 = arith.constant 0 : i32
    %cond3A_17 = arith.cmpi ne, %convert_element_type3A_15, %cond3A_16 : i32
    scf.if %cond3A_17 {
      %mul3A_23 = arith.constant 632 : i32
      %mul3A_24 = arith.muli %arg1, %mul3A_23 : i32
      "tpu.region"() ({
        %run_scoped3A = tpu.sem_alloc : memref<!tpu.dma_semaphore, #tpu.memory_space<semaphore_mem>>
        %dma_start3A = arith.constant 0 : i32
        %dma_start3A_25 = tpu.memref_slice %arg6[%arg0, %mul3A_24, %dma_start3A] : memref<2x10000x128xf32, #tpu.memory_space<hbm>> -> memref<1x632x128xf32, #tpu.memory_space<hbm>>
        %dma_start3A_26 = tpu.memref_squeeze %dma_start3A_25 : memref<1x632x128xf32, #tpu.memory_space<hbm>> -> memref<632x128xf32, #tpu.memory_space<hbm>>
        %dma_start3A_27 = arith.constant 0 : i32
        %dma_start3A_28 = tpu.memref_slice %arg13[%mul3A_24, %dma_start3A_27] : memref<10008x128xf32, #tpu.memory_space<vmem_shared>> -> memref<632x128xf32, #tpu.memory_space<vmem_shared>>
        tpu.enqueue_dma source(%dma_start3A_28 : memref<632x128xf32, #tpu.memory_space<vmem_shared>>) target(%dma_start3A_26 : memref<632x128xf32, #tpu.memory_space<hbm>>) target_semaphore(%run_scoped3A : memref<!tpu.dma_semaphore, #tpu.memory_space<semaphore_mem>>)
        %dma_wait3A = arith.constant 0 : i32
        %dma_wait3A_29 = tpu.memref_slice %arg6[%arg0, %mul3A_24, %dma_wait3A] : memref<2x10000x128xf32, #tpu.memory_space<hbm>> -> memref<1x632x128xf32, #tpu.memory_space<hbm>>
        %dma_wait3A_30 = tpu.memref_squeeze %dma_wait3A_29 : memref<1x632x128xf32, #tpu.memory_space<hbm>> -> memref<632x128xf32, #tpu.memory_space<hbm>>
        %dma_wait3A_31 = arith.constant 0 : i32
        %dma_wait3A_32 = tpu.memref_slice %arg13[%mul3A_24, %dma_wait3A_31] : memref<10008x128xf32, #tpu.memory_space<vmem_shared>> -> memref<632x128xf32, #tpu.memory_space<vmem_shared>>
        tpu.wait_dma2 semaphore(%run_scoped3A : memref<!tpu.dma_semaphore, #tpu.memory_space<semaphore_mem>>) src(%dma_wait3A_32 : memref<632x128xf32, #tpu.memory_space<vmem_shared>>) dst(%dma_wait3A_30 : memref<632x128xf32, #tpu.memory_space<hbm>>)
        tpu.yield
      }) : () -> ()
    } else {
    }
    %eq3A_18 = arith.constant 15 : i32
    %eq3A_19 = arith.cmpi eq, %arg1, %eq3A_18 : i32
    %convert_element_type3A_20 = arith.extui %eq3A_19 : i1 to i32
    %cond3A_21 = arith.constant 0 : i32
    %cond3A_22 = arith.cmpi ne, %convert_element_type3A_20, %cond3A_21 : i32
    scf.if %cond3A_22 {
      "tpu.region"() ({
        %run_scoped3A = tpu.sem_alloc : memref<!tpu.dma_semaphore, #tpu.memory_space<semaphore_mem>>
        %dma_start3A = arith.constant 9480 : i32
        %dma_start3A_23 = arith.constant 0 : i32
        %dma_start3A_24 = tpu.memref_slice %arg6[%arg0, %dma_start3A, %dma_start3A_23] : memref<2x10000x128xf32, #tpu.memory_space<hbm>> -> memref<1x520x128xf32, #tpu.memory_space<hbm>>
        %dma_start3A_25 = tpu.memref_squeeze %dma_start3A_24 : memref<1x520x128xf32, #tpu.memory_space<hbm>> -> memref<520x128xf32, #tpu.memory_space<hbm>>
        %dma_start3A_26 = arith.constant 9480 : i32
        %dma_start3A_27 = arith.constant 0 : i32
        %dma_start3A_28 = tpu.memref_slice %arg13[%dma_start3A_26, %dma_start3A_27] : memref<10008x128xf32, #tpu.memory_space<vmem_shared>> -> memref<520x128xf32, #tpu.memory_space<vmem_shared>>
        tpu.enqueue_dma source(%dma_start3A_28 : memref<520x128xf32, #tpu.memory_space<vmem_shared>>) target(%dma_start3A_25 : memref<520x128xf32, #tpu.memory_space<hbm>>) target_semaphore(%run_scoped3A : memref<!tpu.dma_semaphore, #tpu.memory_space<semaphore_mem>>)
        %dma_wait3A = arith.constant 9480 : i32
        %dma_wait3A_29 = arith.constant 0 : i32
        %dma_wait3A_30 = tpu.memref_slice %arg6[%arg0, %dma_wait3A, %dma_wait3A_29] : memref<2x10000x128xf32, #tpu.memory_space<hbm>> -> memref<1x520x128xf32, #tpu.memory_space<hbm>>
        %dma_wait3A_31 = tpu.memref_squeeze %dma_wait3A_30 : memref<1x520x128xf32, #tpu.memory_space<hbm>> -> memref<520x128xf32, #tpu.memory_space<hbm>>
        %dma_wait3A_32 = arith.constant 9480 : i32
        %dma_wait3A_33 = arith.constant 0 : i32
        %dma_wait3A_34 = tpu.memref_slice %arg13[%dma_wait3A_32, %dma_wait3A_33] : memref<10008x128xf32, #tpu.memory_space<vmem_shared>> -> memref<520x128xf32, #tpu.memory_space<vmem_shared>>
        tpu.wait_dma2 semaphore(%run_scoped3A : memref<!tpu.dma_semaphore, #tpu.memory_space<semaphore_mem>>) src(%dma_wait3A_34 : memref<520x128xf32, #tpu.memory_space<vmem_shared>>) dst(%dma_wait3A_31 : memref<520x128xf32, #tpu.memory_space<hbm>>)
        tpu.yield
      }) : () -> ()
    } else {
    }
    return
  }
}

module attributes {stable_mosaic.version = 14 : i64} {
  func.func @body(%arg0: memref<10000x128xf32, #tpu.memory_space<vmem>>, %arg1: memref<2x10000x128xf32, #tpu.memory_space<vmem>>, %arg2: memref<128x128xf32, #tpu.memory_space<vmem>>, %arg3: memref<10000x128xf32, #tpu.memory_space<vmem>>, %arg4: memref<10000x1xf32, #tpu.memory_space<vmem>>) attributes {dimension_semantics = [], scalar_prefetch = 0 : i64, scratch_operands = 0 : i64, tpu.core_type = #tpu.core_type<tc>} {
    %get3A = arith.constant 0 : index
    %get3A_0 = arith.constant 0 : index
    %get3A_1 = arith.constant 0 : index
    %get3A_2 = vector.load %arg1[%get3A, %get3A_0, %get3A_1] : memref<2x10000x128xf32, #tpu.memory_space<vmem>>, vector<1x10000x1xf32>
    %get3A_3 = vector.shape_cast %get3A_2 : vector<1x10000x1xf32> to vector<10000x1xf32>
    %get3A_4 = arith.constant 1 : index
    %get3A_5 = arith.constant 0 : index
    %get3A_6 = arith.constant 0 : index
    %get3A_7 = vector.load %arg1[%get3A_4, %get3A_5, %get3A_6] : memref<2x10000x128xf32, #tpu.memory_space<vmem>>, vector<1x10000x1xf32>
    %get3A_8 = vector.shape_cast %get3A_7 : vector<1x10000x1xf32> to vector<10000x1xf32>
    %add3A = arith.addf %get3A_3, %get3A_8 : vector<10000x1xf32>
    %add3A_9 = arith.constant 1.000000e+00 : f32
    %add3A_10 = vector.broadcast %add3A_9 : f32 to vector<10000x1xf32>
    %add3A_11 = arith.addf %add3A, %add3A_10 : vector<10000x1xf32>
    %rsqrt3A = math.rsqrt %add3A_11 : vector<10000x1xf32>
    %get3A_12 = arith.constant 0 : index
    %get3A_13 = arith.constant 0 : index
    %get3A_14 = vector.load %arg0[%get3A_12, %get3A_13] : memref<10000x128xf32, #tpu.memory_space<vmem>>, vector<10000x128xf32>
    %jit3A = arith.constant 0.000000e+00 : f32
    %jit3A_15 = arith.constant -1.000000e+06 : f32
    %jit3A_16 = arith.constant 1.000000e+06 : f32
    %ne3A = arith.cmpf one, %get3A_14, %get3A_14 : vector<10000x128xf32>
    %broadcast_in_dim3A = vector.broadcast %jit3A : f32 to vector<10000x128xf32>
    %select_n3A = arith.select %ne3A, %broadcast_in_dim3A, %get3A_14 : vector<10000x128xi1>, vector<10000x128xf32>
    %eq3A = arith.constant 0x7F800000 : f32
    %eq3A_17 = vector.broadcast %eq3A : f32 to vector<10000x128xf32>
    %eq3A_18 = arith.cmpf oeq, %select_n3A, %eq3A_17 : vector<10000x128xf32>
    %broadcast_in_dim3A_19 = vector.broadcast %jit3A_16 : f32 to vector<10000x128xf32>
    %select_n3A_20 = arith.select %eq3A_18, %broadcast_in_dim3A_19, %select_n3A : vector<10000x128xi1>, vector<10000x128xf32>
    %eq3A_21 = arith.constant 0xFF800000 : f32
    %eq3A_22 = vector.broadcast %eq3A_21 : f32 to vector<10000x128xf32>
    %eq3A_23 = arith.cmpf oeq, %select_n3A_20, %eq3A_22 : vector<10000x128xf32>
    %broadcast_in_dim3A_24 = vector.broadcast %jit3A_15 : f32 to vector<10000x128xf32>
    %select_n3A_25 = arith.select %eq3A_23, %broadcast_in_dim3A_24, %select_n3A_20 : vector<10000x128xi1>, vector<10000x128xf32>
    %get3A_26 = arith.constant 0 : index
    %get3A_27 = arith.constant 0 : index
    %get3A_28 = vector.load %arg2[%get3A_26, %get3A_27] : memref<128x128xf32, #tpu.memory_space<vmem>>, vector<128x128xf32>
    %dot_general3A = arith.constant dense<0.000000e+00> : vector<10000x128xf32>
    %dot_general3A_29 = tpu.matmul %select_n3A_25, %get3A_28, %dot_general3A {dimension_numbers = #tpu.dot_dimension_numbers<[1], [0], [0], [1], [0, 0, 1, 1], [], []>, transpose_lhs_hint = false} : vector<10000x128xf32>, vector<128x128xf32>, vector<10000x128xf32> -> vector<10000x128xf32>
    %mul3A = vector.broadcast %rsqrt3A : vector<10000x1xf32> to vector<10000x128xf32>
    %mul3A_30 = arith.mulf %mul3A, %dot_general3A_29 : vector<10000x128xf32>
    %swap3A = arith.constant 0 : index
    %swap3A_31 = arith.constant 0 : index
    %swap3A_32 = vector.load %arg3[%swap3A, %swap3A_31] : memref<10000x128xf32, #tpu.memory_space<vmem>>, vector<10000x128xf32>
    tpu.vector_store %arg3[%swap3A, %swap3A_31], %mul3A_30 {strides = array<i32>} : memref<10000x128xf32, #tpu.memory_space<vmem>>, vector<10000x128xf32>,
    %swap3A_33 = arith.constant 0 : index
    %swap3A_34 = arith.constant 0 : index
    %swap3A_35 = vector.load %arg4[%swap3A_33, %swap3A_34] : memref<10000x1xf32, #tpu.memory_space<vmem>>, vector<10000x1xf32>
    tpu.vector_store %arg4[%swap3A_33, %swap3A_34], %rsqrt3A {strides = array<i32>} : memref<10000x1xf32, #tpu.memory_space<vmem>>, vector<10000x1xf32>,
    return
  }
}

module attributes {stable_mosaic.version = 14 : i64} {
  func.func @body(%arg0: memref<2x10000x128xf32, #tpu.memory_space<vmem>>, %arg1: memref<10000x128xf32, #tpu.memory_space<vmem>>, %arg2: memref<10000x1xf32, #tpu.memory_space<vmem>>, %arg3: memref<128xf32, #tpu.memory_space<vmem>>, %arg4: memref<128xf32, #tpu.memory_space<vmem>>, %arg5: memref<128xf32, #tpu.memory_space<vmem>>, %arg6: memref<128x128xf32, #tpu.memory_space<vmem>>, %arg7: memref<10000x128xf32, #tpu.memory_space<vmem>>) attributes {dimension_semantics = [], scalar_prefetch = 0 : i64, scratch_operands = 0 : i64, tpu.core_type = #tpu.core_type<tc>} {
    %get3A = arith.constant 0 : index
    %get3A_0 = arith.constant 0 : index
    %get3A_1 = vector.load %arg2[%get3A, %get3A_0] : memref<10000x1xf32, #tpu.memory_space<vmem>>, vector<10000x1xf32>
    %get3A_2 = arith.constant 0 : index
    %get3A_3 = arith.constant 0 : index
    %get3A_4 = arith.constant 0 : index
    %get3A_5 = vector.load %arg0[%get3A_2, %get3A_3, %get3A_4] : memref<2x10000x128xf32, #tpu.memory_space<vmem>>, vector<1x10000x128xf32>
    %get3A_6 = vector.shape_cast %get3A_5 : vector<1x10000x128xf32> to vector<10000x128xf32>
    %get3A_7 = arith.constant 1 : index
    %get3A_8 = arith.constant 0 : index
    %get3A_9 = arith.constant 0 : index
    %get3A_10 = vector.load %arg0[%get3A_7, %get3A_8, %get3A_9] : memref<2x10000x128xf32, #tpu.memory_space<vmem>>, vector<1x10000x128xf32>
    %get3A_11 = vector.shape_cast %get3A_10 : vector<1x10000x128xf32> to vector<10000x128xf32>
    %add3A = arith.addf %get3A_6, %get3A_11 : vector<10000x128xf32>
    %get3A_12 = arith.constant 0 : index
    %get3A_13 = arith.constant 0 : index
    %get3A_14 = vector.load %arg1[%get3A_12, %get3A_13] : memref<10000x128xf32, #tpu.memory_space<vmem>>, vector<10000x128xf32>
    %add3A_15 = arith.addf %add3A, %get3A_14 : vector<10000x128xf32>
    %mul3A = vector.broadcast %get3A_1 : vector<10000x1xf32> to vector<10000x128xf32>
    %mul3A_16 = arith.mulf %mul3A, %add3A_15 : vector<10000x128xf32>
    %get3A_17 = arith.constant 0 : index
    %get3A_18 = vector.load %arg3[%get3A_17] : memref<128xf32, #tpu.memory_space<vmem>>, vector<128xf32>
    %broadcast_in_dim3A = vector.shape_cast %get3A_18 : vector<128xf32> to vector<1x128xf32>
    %add3A_19 = vector.broadcast %broadcast_in_dim3A : vector<1x128xf32> to vector<10000x128xf32>
    %add3A_20 = arith.addf %mul3A_16, %add3A_19 : vector<10000x128xf32>
    %get3A_21 = arith.constant 0 : index
    %get3A_22 = vector.load %arg4[%get3A_21] : memref<128xf32, #tpu.memory_space<vmem>>, vector<128xf32>
    %get3A_23 = arith.constant 0 : index
    %get3A_24 = vector.load %arg5[%get3A_23] : memref<128xf32, #tpu.memory_space<vmem>>, vector<128xf32>
    %reduce_sum3A = arith.constant dense<0.000000e+00> : vector<128xf32>
    %reduce_sum3A_25 = vector.multi_reduction <add>, %add3A_20, %reduce_sum3A [0] : vector<10000x128xf32> to vector<128xf32>
    %broadcast_in_dim3A_26 = vector.shape_cast %reduce_sum3A_25 : vector<128xf32> to vector<1x128xf32>
    %div3A = arith.constant 1.000000e+04 : f32
    %div3A_27 = vector.broadcast %div3A : f32 to vector<1x128xf32>
    %div3A_28 = arith.divf %broadcast_in_dim3A_26, %div3A_27 : vector<1x128xf32>
    %sub3A = vector.broadcast %div3A_28 : vector<1x128xf32> to vector<10000x128xf32>
    %sub3A_29 = arith.subf %add3A_20, %sub3A : vector<10000x128xf32>
    %mul3A_30 = arith.mulf %sub3A_29, %sub3A_29 : vector<10000x128xf32>
    %reduce_sum3A_31 = arith.constant dense<0.000000e+00> : vector<128xf32>
    %reduce_sum3A_32 = vector.multi_reduction <add>, %mul3A_30, %reduce_sum3A_31 [0] : vector<10000x128xf32> to vector<128xf32>
    %broadcast_in_dim3A_33 = vector.shape_cast %reduce_sum3A_32 : vector<128xf32> to vector<1x128xf32>
    %div3A_34 = arith.constant 1.000000e+04 : f32
    %div3A_35 = vector.broadcast %div3A_34 : f32 to vector<1x128xf32>
    %div3A_36 = arith.divf %broadcast_in_dim3A_33, %div3A_35 : vector<1x128xf32>
    %add3A_37 = arith.constant 9.99999974E-6 : f32
    %add3A_38 = vector.broadcast %add3A_37 : f32 to vector<1x128xf32>
    %add3A_39 = arith.addf %div3A_36, %add3A_38 : vector<1x128xf32>
    %rsqrt3A = math.rsqrt %add3A_39 : vector<1x128xf32>
    %mul3A_40 = vector.broadcast %rsqrt3A : vector<1x128xf32> to vector<10000x128xf32>
    %mul3A_41 = arith.mulf %sub3A_29, %mul3A_40 : vector<10000x128xf32>
    %broadcast_in_dim3A_42 = vector.shape_cast %get3A_22 : vector<128xf32> to vector<1x128xf32>
    %mul3A_43 = vector.broadcast %broadcast_in_dim3A_42 : vector<1x128xf32> to vector<10000x128xf32>
    %mul3A_44 = arith.mulf %mul3A_41, %mul3A_43 : vector<10000x128xf32>
    %broadcast_in_dim3A_45 = vector.shape_cast %get3A_24 : vector<128xf32> to vector<1x128xf32>
    %add3A_46 = vector.broadcast %broadcast_in_dim3A_45 : vector<1x128xf32> to vector<10000x128xf32>
    %add3A_47 = arith.addf %mul3A_44, %add3A_46 : vector<10000x128xf32>
    %max3A = arith.constant 0.000000e+00 : f32
    %max3A_48 = vector.broadcast %max3A : f32 to vector<10000x128xf32>
    %max3A_49 = arith.maximumf %add3A_47, %max3A_48 : vector<10000x128xf32>
    %get3A_50 = arith.constant 0 : index
    %get3A_51 = arith.constant 0 : index
    %get3A_52 = vector.load %arg6[%get3A_50, %get3A_51] : memref<128x128xf32, #tpu.memory_space<vmem>>, vector<128x128xf32>
    %dot_general3A = arith.constant dense<0.000000e+00> : vector<10000x128xf32>
    %dot_general3A_53 = tpu.matmul %max3A_49, %get3A_52, %dot_general3A {dimension_numbers = #tpu.dot_dimension_numbers<[1], [0], [0], [1], [0, 0, 1, 1], [], []>, transpose_lhs_hint = false} : vector<10000x128xf32>, vector<128x128xf32>, vector<10000x128xf32> -> vector<10000x128xf32>
    %mul3A_54 = vector.broadcast %get3A_1 : vector<10000x1xf32> to vector<10000x128xf32>
    %mul3A_55 = arith.mulf %mul3A_54, %dot_general3A_53 : vector<10000x128xf32>
    %swap3A = arith.constant 0 : index
    %swap3A_56 = arith.constant 0 : index
    %swap3A_57 = vector.load %arg7[%swap3A, %swap3A_56] : memref<10000x128xf32, #tpu.memory_space<vmem>>, vector<10000x128xf32>
    tpu.vector_store %arg7[%swap3A, %swap3A_56], %mul3A_55 {strides = array<i32>} : memref<10000x128xf32, #tpu.memory_space<vmem>>, vector<10000x128xf32>,
    return
  }
}

module attributes {stable_mosaic.version = 14 : i64} {
  func.func @body(%arg0: memref<2x10000x128xf32, #tpu.memory_space<vmem>>, %arg1: memref<10000x128xf32, #tpu.memory_space<vmem>>, %arg2: memref<10000x1xf32, #tpu.memory_space<vmem>>, %arg3: memref<128xf32, #tpu.memory_space<vmem>>, %arg4: memref<128xf32, #tpu.memory_space<vmem>>, %arg5: memref<128xf32, #tpu.memory_space<vmem>>, %arg6: memref<1x10000xi32, #tpu.memory_space<vmem>>, %arg7: memref<128x64xf32, #tpu.memory_space<vmem>>, %arg8: memref<64xf32, #tpu.memory_space<vmem>>, %arg9: memref<64x16xf32, #tpu.memory_space<vmem>>, %arg10: memref<16xf32, #tpu.memory_space<vmem>>, %arg11: memref<64x16xf32, #tpu.memory_space<vmem>>) attributes {dimension_semantics = [], scalar_prefetch = 0 : i64, scratch_operands = 0 : i64, tpu.core_type = #tpu.core_type<tc>} {
    %get3A = arith.constant 0 : index
    %get3A_0 = arith.constant 0 : index
    %get3A_1 = vector.load %arg2[%get3A, %get3A_0] : memref<10000x1xf32, #tpu.memory_space<vmem>>, vector<10000x1xf32>
    %get3A_2 = arith.constant 0 : index
    %get3A_3 = arith.constant 0 : index
    %get3A_4 = arith.constant 0 : index
    %get3A_5 = vector.load %arg0[%get3A_2, %get3A_3, %get3A_4] : memref<2x10000x128xf32, #tpu.memory_space<vmem>>, vector<1x10000x128xf32>
    %get3A_6 = vector.shape_cast %get3A_5 : vector<1x10000x128xf32> to vector<10000x128xf32>
    %get3A_7 = arith.constant 1 : index
    %get3A_8 = arith.constant 0 : index
    %get3A_9 = arith.constant 0 : index
    %get3A_10 = vector.load %arg0[%get3A_7, %get3A_8, %get3A_9] : memref<2x10000x128xf32, #tpu.memory_space<vmem>>, vector<1x10000x128xf32>
    %get3A_11 = vector.shape_cast %get3A_10 : vector<1x10000x128xf32> to vector<10000x128xf32>
    %add3A = arith.addf %get3A_6, %get3A_11 : vector<10000x128xf32>
    %get3A_12 = arith.constant 0 : index
    %get3A_13 = arith.constant 0 : index
    %get3A_14 = vector.load %arg1[%get3A_12, %get3A_13] : memref<10000x128xf32, #tpu.memory_space<vmem>>, vector<10000x128xf32>
    %add3A_15 = arith.addf %add3A, %get3A_14 : vector<10000x128xf32>
    %mul3A = vector.broadcast %get3A_1 : vector<10000x1xf32> to vector<10000x128xf32>
    %mul3A_16 = arith.mulf %mul3A, %add3A_15 : vector<10000x128xf32>
    %get3A_17 = arith.constant 0 : index
    %get3A_18 = vector.load %arg3[%get3A_17] : memref<128xf32, #tpu.memory_space<vmem>>, vector<128xf32>
    %broadcast_in_dim3A = vector.shape_cast %get3A_18 : vector<128xf32> to vector<1x128xf32>
    %add3A_19 = vector.broadcast %broadcast_in_dim3A : vector<1x128xf32> to vector<10000x128xf32>
    %add3A_20 = arith.addf %mul3A_16, %add3A_19 : vector<10000x128xf32>
    %get3A_21 = arith.constant 0 : index
    %get3A_22 = vector.load %arg4[%get3A_21] : memref<128xf32, #tpu.memory_space<vmem>>, vector<128xf32>
    %get3A_23 = arith.constant 0 : index
    %get3A_24 = vector.load %arg5[%get3A_23] : memref<128xf32, #tpu.memory_space<vmem>>, vector<128xf32>
    %reduce_sum3A = arith.constant dense<0.000000e+00> : vector<128xf32>
    %reduce_sum3A_25 = vector.multi_reduction <add>, %add3A_20, %reduce_sum3A [0] : vector<10000x128xf32> to vector<128xf32>
    %broadcast_in_dim3A_26 = vector.shape_cast %reduce_sum3A_25 : vector<128xf32> to vector<1x128xf32>
    %div3A = arith.constant 1.000000e+04 : f32
    %div3A_27 = vector.broadcast %div3A : f32 to vector<1x128xf32>
    %div3A_28 = arith.divf %broadcast_in_dim3A_26, %div3A_27 : vector<1x128xf32>
    %sub3A = vector.broadcast %div3A_28 : vector<1x128xf32> to vector<10000x128xf32>
    %sub3A_29 = arith.subf %add3A_20, %sub3A : vector<10000x128xf32>
    %mul3A_30 = arith.mulf %sub3A_29, %sub3A_29 : vector<10000x128xf32>
    %reduce_sum3A_31 = arith.constant dense<0.000000e+00> : vector<128xf32>
    %reduce_sum3A_32 = vector.multi_reduction <add>, %mul3A_30, %reduce_sum3A_31 [0] : vector<10000x128xf32> to vector<128xf32>
    %broadcast_in_dim3A_33 = vector.shape_cast %reduce_sum3A_32 : vector<128xf32> to vector<1x128xf32>
    %div3A_34 = arith.constant 1.000000e+04 : f32
    %div3A_35 = vector.broadcast %div3A_34 : f32 to vector<1x128xf32>
    %div3A_36 = arith.divf %broadcast_in_dim3A_33, %div3A_35 : vector<1x128xf32>
    %add3A_37 = arith.constant 9.99999974E-6 : f32
    %add3A_38 = vector.broadcast %add3A_37 : f32 to vector<1x128xf32>
    %add3A_39 = arith.addf %div3A_36, %add3A_38 : vector<1x128xf32>
    %rsqrt3A = math.rsqrt %add3A_39 : vector<1x128xf32>
    %mul3A_40 = vector.broadcast %rsqrt3A : vector<1x128xf32> to vector<10000x128xf32>
    %mul3A_41 = arith.mulf %sub3A_29, %mul3A_40 : vector<10000x128xf32>
    %broadcast_in_dim3A_42 = vector.shape_cast %get3A_22 : vector<128xf32> to vector<1x128xf32>
    %mul3A_43 = vector.broadcast %broadcast_in_dim3A_42 : vector<1x128xf32> to vector<10000x128xf32>
    %mul3A_44 = arith.mulf %mul3A_41, %mul3A_43 : vector<10000x128xf32>
    %broadcast_in_dim3A_45 = vector.shape_cast %get3A_24 : vector<128xf32> to vector<1x128xf32>
    %add3A_46 = vector.broadcast %broadcast_in_dim3A_45 : vector<1x128xf32> to vector<10000x128xf32>
    %add3A_47 = arith.addf %mul3A_44, %add3A_46 : vector<10000x128xf32>
    %max3A = arith.constant 0.000000e+00 : f32
    %max3A_48 = vector.broadcast %max3A : f32 to vector<10000x128xf32>
    %max3A_49 = arith.maximumf %add3A_47, %max3A_48 : vector<10000x128xf32>
    %iota3A = tpu.iota {dimensions = array<i32: 0>} : vector<64x1xi32>
    %get3A_50 = arith.constant 0 : index
    %get3A_51 = arith.constant 0 : index
    %get3A_52 = vector.load %arg6[%get3A_50, %get3A_51] : memref<1x10000xi32, #tpu.memory_space<vmem>>, vector<1x10000xi32>
    %eq3A = vector.broadcast %iota3A : vector<64x1xi32> to vector<64x10000xi32>
    %eq3A_53 = vector.broadcast %get3A_52 : vector<1x10000xi32> to vector<64x10000xi32>
    %eq3A_54 = arith.cmpi eq, %eq3A, %eq3A_53 : vector<64x10000xi32>
    %convert_element_type3A = arith.extui %eq3A_54 : vector<64x10000xi1> to vector<64x10000xi32>
    %convert_element_type3A_55 = arith.sitofp %convert_element_type3A : vector<64x10000xi32> to vector<64x10000xf32>
    %dot_general3A = arith.constant dense<0.000000e+00> : vector<64x128xf32>
    %dot_general3A_56 = tpu.matmul %convert_element_type3A_55, %max3A_49, %dot_general3A {dimension_numbers = #tpu.dot_dimension_numbers<[1], [0], [0], [1], [0, 0, 1, 1], [], []>, transpose_lhs_hint = false} : vector<64x10000xf32>, vector<10000x128xf32>, vector<64x128xf32> -> vector<64x128xf32>
    %reduce_sum3A_57 = arith.constant dense<0.000000e+00> : vector<64xf32>
    %reduce_sum3A_58 = vector.multi_reduction <add>, %convert_element_type3A_55, %reduce_sum3A_57 [1] : vector<64x10000xf32> to vector<64xf32>
    %broadcast_in_dim3A_59 = vector.shape_cast %reduce_sum3A_58 : vector<64xf32> to vector<64x1xf32>
    %max3A_60 = arith.constant 1.000000e+00 : f32
    %max3A_61 = vector.broadcast %max3A_60 : f32 to vector<64x1xf32>
    %max3A_62 = arith.maximumf %broadcast_in_dim3A_59, %max3A_61 : vector<64x1xf32>
    %div3A_63 = vector.broadcast %max3A_62 : vector<64x1xf32> to vector<64x128xf32>
    %div3A_64 = arith.divf %dot_general3A_56, %div3A_63 : vector<64x128xf32>
    %get3A_65 = arith.constant 0 : index
    %get3A_66 = arith.constant 0 : index
    %get3A_67 = vector.load %arg7[%get3A_65, %get3A_66] : memref<128x64xf32, #tpu.memory_space<vmem>>, vector<128x64xf32>
    %dot_general3A_68 = arith.constant dense<0.000000e+00> : vector<64x64xf32>
    %dot_general3A_69 = tpu.matmul %div3A_64, %get3A_67, %dot_general3A_68 {dimension_numbers = #tpu.dot_dimension_numbers<[1], [0], [0], [1], [0, 0, 1, 1], [], []>, transpose_lhs_hint = false} : vector<64x128xf32>, vector<128x64xf32>, vector<64x64xf32> -> vector<64x64xf32>
    %get3A_70 = arith.constant 0 : index
    %get3A_71 = vector.load %arg8[%get3A_70] : memref<64xf32, #tpu.memory_space<vmem>>, vector<64xf32>
    %broadcast_in_dim3A_72 = vector.shape_cast %get3A_71 : vector<64xf32> to vector<1x64xf32>
    %add3A_73 = vector.broadcast %broadcast_in_dim3A_72 : vector<1x64xf32> to vector<64x64xf32>
    %add3A_74 = arith.addf %dot_general3A_69, %add3A_73 : vector<64x64xf32>
    %max3A_75 = arith.constant 0.000000e+00 : f32
    %max3A_76 = vector.broadcast %max3A_75 : f32 to vector<64x64xf32>
    %max3A_77 = arith.maximumf %add3A_74, %max3A_76 : vector<64x64xf32>
    %get3A_78 = arith.constant 0 : index
    %get3A_79 = arith.constant 0 : index
    %get3A_80 = vector.load %arg9[%get3A_78, %get3A_79] : memref<64x16xf32, #tpu.memory_space<vmem>>, vector<64x16xf32>
    %dot_general3A_81 = arith.constant dense<0.000000e+00> : vector<64x16xf32>
    %dot_general3A_82 = tpu.matmul %max3A_77, %get3A_80, %dot_general3A_81 {dimension_numbers = #tpu.dot_dimension_numbers<[1], [0], [0], [1], [0, 0, 1, 1], [], []>, transpose_lhs_hint = false} : vector<64x64xf32>, vector<64x16xf32>, vector<64x16xf32> -> vector<64x16xf32>
    %get3A_83 = arith.constant 0 : index
    %get3A_84 = vector.load %arg10[%get3A_83] : memref<16xf32, #tpu.memory_space<vmem>>, vector<16xf32>
    %broadcast_in_dim3A_85 = vector.shape_cast %get3A_84 : vector<16xf32> to vector<1x16xf32>
    %add3A_86 = vector.broadcast %broadcast_in_dim3A_85 : vector<1x16xf32> to vector<64x16xf32>
    %add3A_87 = arith.addf %dot_general3A_82, %add3A_86 : vector<64x16xf32>
    %swap3A = arith.constant 0 : index
    %swap3A_88 = arith.constant 0 : index
    %swap3A_89 = vector.load %arg11[%swap3A, %swap3A_88] : memref<64x16xf32, #tpu.memory_space<vmem>>, vector<64x16xf32>
    tpu.vector_store %arg11[%swap3A, %swap3A_88], %add3A_87 {strides = array<i32>} : memref<64x16xf32, #tpu.memory_space<vmem>>, vector<64x16xf32>,
    return
  }
}

</mosaic_0001>

<sc_bundles>
// kernel: kernel.10.cloned.1.call-start
scs
__scs_entry_jumppad:
0x0: {  	(pc) =	sbr.rel $0x88, $3  }
0x1: {  	(tag) =	ssettag $0x0;
	lr =	simm.s32 $0x1  }
0x2: {  	[smem:$0x3F8E] =	sst lr;
	_ =	strace $0xD0000000  }
0x3: {  	_ = 	snop  }
0x4: {  	_ = 	snop  }
0x5: {  	_ = 	snop  }
0x6: {  	_ = 	snop  }
0x7: {  	_ = 	snop  }
__scs_overlays_trampoline_lowered:
0x8: {  	[smem:$0x3F9D] =	sst s0  }
0x9: {  	[smem:$0x3F9E] =	sst s1  }
0xa: {  	[smem:$0x3F9F] =	sst s2  }
0xb: {  	[smem:$0x3FA0] =	sst s3  }
0xc: {  	[smem:$0x3FA1] =	sst s4  }
0xd: {  	[smem:$0x3FA2] =	sst s5  }
0xe: {  	[smem:$0x3FA3] =	sst s6  }
0xf: {  	[smem:$0x3FA4] =	sst s7  }
0x10: {  	[smem:$0x3FA5] =	sst s8  }
0x11: {  	[smem:$0x3FA6] =	sst s9;
	s0 =	simm.s32 @!p0 $0x0  }
0x12: {  	s1 =	sld [smem:$0x3F8C];
	s0 =	simm.s32 @p0 $0x1  }
0x13: {  	[smem:$0x3FA7] =	sst s0;
	s0 =	simm.s32 @!p1 $0x0  }
0x14: {  	s2 =	sld [smem:$0x3F8B];
	s0 =	simm.s32 @p1 $0x1  }
0x15: {  	[smem:$0x3FA8] =	sst s0;
	s0 =	simm.s32 @!p2 $0x0  }
0x16: {  	s3 =	sld [smem:$0x3FDB];
	s0 =	simm.s32 @p2 $0x1  }
0x17: {  	s4 =	simm.s32 $0x1BF5;
	[smem:$0x3FAA] =	sst s0  }
0x18: {  	s0 =	sld [smem:$0x3F8D];
	_ =	swait.ge [sflag:s4], $0x0  }
0x19: {  	s7 =	sld [smem:$0x3F8E]  }
0x1a: {  	s8 =	sadd.s32 $0xFFFFE003, lr  }
0x1b: {  	s9 =	sadd.s32 $0xFFFFFEF7, lr;
	s5 =	simm.s32 $0xFFFFFFFF;
	p2 =	slt.u32 s8, $0xFFFFF086  }
0x1c: {  	p1 =	slt.u32 s9, $0xF7A;
	s5 =	simm.s32 @!p2 $0x0  }
0x1d: {  	s5 =	simm.s32 @p1 $0x1;
	p0 =	seq.s32 s7, s2  }
0x1e: {  	s7 =	smul.u32 @!p0 $0xF7A, s2;
	p2 =	seq.s32 @!p0 s5, $0x0  }
0x1f: {  	s9 =	smul.u32 $0xF7A, s1;
	s8 =	simm.s32 @!p0 $0x1BF5;
	p2 =	por !p2, p0  }
0x20: {  	[sflag:s8] =	ssyncset.s32 @!p0 $0xFFFFF086;
	s6 =	sadd.s32 @!p0 s3, s7;
	s7 =	simm.s32 @!p0 $0x108  }
0x21: {  	s3 =	sadd.s32 s3, s9;
	s6 =	sadd.s32 @!p0 $0x88, s6;
	s7 =	simm.s32 @p2 $0x1082  }
0x22: {  	[simem:s7], [sflag:s8] =	dma.local @!p0 [hbm:s6], $0xF7A  }
0x23: {  	s9 =	sor.u32 $0xD0000000, s2;
	s6 =	simm.s32 $0x108;
	_ =	swait.ge @!p0 [sflag:s8], $0x0  }
0x24: {  	s3 =	sadd.s32 $0x88, s3;
	s6 =	simm.s32 @!p1 $0x1082;
	[sflag:s4] =	ssyncset.s32 $0xFFFFF086  }
0x25: {  	[simem:s6], [sflag:s4] =	dma.local [hbm:s3], $0xF7A  }
0x26: {  	[smem:$0x3F8E] =	sst s1;
	(tag) =	ssettag s2;
	_ =	strace s9  }
0x27: {  	s1 =	sld [smem:$0x3F9E]  }
0x28: {  	s2 =	sld [smem:$0x3F9F]  }
0x29: {  	s4 =	sld [smem:$0x3FA1]  }
0x2a: {  	p0 =	seq.s32 s5, $0x0;
	s5 =	sld [smem:$0x3FA2]  }
0x2b: {  	s6 =	sld [smem:$0x3FA3]  }
0x2c: {  	s7 =	sld [smem:$0x3FA4]  }
0x2d: {  	s3 =	simm.s32 $0x108;
	s8 =	sld [smem:$0x3FA5]  }
0x2e: {  	s3 =	simm.s32 @!p0 $0x1082;
	s9 =	sld [smem:$0x3FA6]  }
0x2f: {  	lr =	sadd.s32 s0, s3;
	s0 =	sld [smem:$0x3F9D]  }
0x30: {  	s3 =	sld [smem:$0x3FA0]  }
0x31: {  	[smem:$0x3FA9] =	sst s10  }
0x32: {  	s10 =	sld [smem:$0x3FA7];
	_ =	sdelay $0x3  }
0x33: {  	p0 =	seq.s32 s10, $0x1;
	s10 =	sld [smem:$0x3FA9];
	_ =	sdelay $0x3  }
0x34: {  	[smem:$0x3FA9] =	sst s10  }
0x35: {  	s10 =	sld [smem:$0x3FA8];
	_ =	sdelay $0x3  }
0x36: {  	p1 =	seq.s32 s10, $0x1;
	s10 =	sld [smem:$0x3FA9];
	_ =	sdelay $0x3  }
0x37: {  	[smem:$0x3FA9] =	sst s10  }
0x38: {  	s10 =	sld [smem:$0x3FAA]  }
0x39: {  	_ = 	snop;
	(pc) =	sbr.ind lr, $3  }
0x3a: {  	_ = 	snop  }
0x3b: {  	_ = 	snop  }
0x3c: {  	p2 =	seq.s32 s10, $0x1;
	s10 =	sld [smem:$0x3FA9]  }
0x3d: {  	_ =	shalt  }
0x3e: {  	_ =	shalt  }
0x3f: {  	_ =	shalt  }
0x40: {  	_ =	shalt  }
0x41: {  	_ =	shalt  }
0x42: {  	_ =	shalt  }
0x43: {  	_ =	shalt  }
0x44: {  	_ =	shalt  }
0x45: {  	_ =	shalt  }
0x46: {  	_ =	shalt  }
0x47: {  	_ =	shalt  }
0x48: {  	_ =	shalt  }
0x49: {  	_ =	shalt  }
0x4a: {  	_ =	shalt  }
0x4b: {  	_ =	shalt  }
0x4c: {  	_ =	shalt  }
0x4d: {  	_ =	shalt  }
0x4e: {  	_ =	shalt  }
0x4f: {  	_ =	shalt  }
0x50: {  	_ =	shalt  }
0x51: {  	_ =	shalt  }
0x52: {  	_ =	shalt  }
0x53: {  	_ =	shalt  }
0x54: {  	_ =	shalt  }
0x55: {  	_ =	shalt  }
0x56: {  	_ =	shalt  }
0x57: {  	_ =	shalt  }
0x58: {  	_ =	shalt  }
0x59: {  	_ =	shalt  }
0x5a: {  	_ =	shalt  }
0x5b: {  	_ =	shalt  }
0x5c: {  	_ =	shalt  }
0x5d: {  	_ =	shalt  }
0x5e: {  	_ =	shalt  }
0x5f: {  	_ =	shalt  }
0x60: {  	_ =	shalt  }
0x61: {  	_ =	shalt  }
0x62: {  	_ =	shalt  }
0x63: {  	_ =	shalt  }
0x64: {  	_ =	shalt  }
0x65: {  	_ =	shalt  }
0x66: {  	_ =	shalt  }
0x67: {  	_ =	shalt  }
0x68: {  	_ =	shalt  }
0x69: {  	_ =	shalt  }
0x6a: {  	_ =	shalt  }
0x6b: {  	_ =	shalt  }
0x6c: {  	_ =	shalt  }
0x6d: {  	_ =	shalt  }
0x6e: {  	_ =	shalt  }
0x6f: {  	_ =	shalt  }
0x70: {  	_ =	shalt  }
0x71: {  	_ =	shalt  }
0x72: {  	_ =	shalt  }
0x73: {  	_ =	shalt  }
0x74: {  	_ =	shalt  }
0x75: {  	_ =	shalt  }
0x76: {  	_ =	shalt  }
0x77: {  	_ =	shalt  }
0x78: {  	_ =	shalt  }
0x79: {  	_ =	shalt  }
0x7a: {  	_ =	shalt  }
0x7b: {  	_ =	shalt  }
0x7c: {  	_ =	shalt  }
0x7d: {  	_ =	shalt  }
0x7e: {  	_ =	shalt  }
0x7f: {  	_ =	shalt  }
0x80: {  	_ =	shalt  }
0x81: {  	_ =	shalt  }
0x82: {  	_ =	shalt  }
0x83: {  	_ =	shalt  }
0x84: {  	_ =	shalt  }
0x85: {  	_ =	shalt  }
0x86: {  	_ =	shalt  }
0x87: {  	_ =	shalt  }
.Lfunc_end0:
.L_simem_size_0:
called_computation_lowered:
.L_overlay_start_0:
0x88: {  	s2 =	sld [smem:$0x3FD9]  }
0x89: {  	s3 =	sld [smem:$0x3FFE];
	_ =	sdelay $0x1  }
0x8a: {  	s1 =	srdreg.scid  }
0x8b: {  	s0 =	sand.u32 $0x1, s1  }
0x8c: {  	s16 =	sshll.u32 s0, $0xA;
	s2 =	sadd.s32 s3, s2  }
0x8d: {  	s2 =	sadd.s32 s2, s16  }
0x8e: {  	[smem:$0x3FB5] =	sst s2  }
0x8f: {  	_ = 	snop  }
0x90: {  	(tm) =	ssettm $0x1  }
0x91: {  	s17 =	sld [smem:$0x3FFB];
	_ =	sdelay $0x3  }
0x92: {  	_ =	strace s17  }
0x93: {  	s2 =	sld [smem:$0x3FFC];
	_ =	sdelay $0x3  }
0x94: {  	_ =	strace s2  }
0x95: {  	s2 =	sld [smem:$0x3FFD];
	_ =	sdelay $0x3  }
0x96: {  	_ =	strace s2  }
0x97: {  	_ =	strace $0x8FFFFFFF  }
0x98: {  	s18 =	sld [smem:$0x3FDB];
	_ =	sdelay $0x1  }
0x99: {  	s19 =	simm.s32 $_scs_section_size  }
0x9a: {  	s4 =	simm.s32 $_size__tile_overlayer_lowered;
	s5 =	simm.s32 $_tile_overlayer_lowered  }
0x9b: {  	s22 =	simm.s32 $0x1BFF;
	s21 =	sshll.u32 s5, $0x1;
	s2 =	sadd.s32 s19, s18  }
0x9c: {  	s6 =	simm.s32 $0x0;
	s20 =	sshll.u32 s4, $0x1;
	s4 =	sadd.s32 s21, s2  }
0x9d: {  	[timem:s6], [sflag:s22] =	dma.local [hbm:s4], s20  }
0x9e: {  	_ =	swait.ge [sflag:s22], s20  }
0x9f: {  	s3 =	ssub.s32 $0x0, s20;
	[sflag:s22] =	ssyncset.done $0x0  }
0xa0: {  	[sflag:s22] =	ssyncadd.s32 s3;
	_ =	sdelay $0x1  }
0xa1: {  	s23 =	simm.s32 $0x1B8B  }
0xa2: {  	_ =	swait.ge [sflag:s23], $0x1  }
0xa3: {  	[sflag:s23] =	ssyncset.done $0x0  }
0xa4: {  	s25 =	simm.s32 $0x1B8E;
	s24 =	sld [smem:$0x3FFE];
	[sflag:s23] =	ssyncadd.s32 $0xFFFFFFFF  }
0xa5: {  	s26 =	simm.s32 $execute0_lowered;
	[smem:$0x3FD2] =	sst s25  }
0xa6: {  	s4 =	sshll.u32 s26, $0x1;
	_ =	strace $0x80000046;
	[dreg:$0x1] =	wrdreg $0xFFFFFFFF  }
0xa7: {  	s28 =	simm.s32 $_size_execute0_lowered;
	s2 =	sadd.s32 s2, s4;
	[dreg:$0x0] =	wrdreg $0x0  }
0xa8: {  	s4 =	sshll.u32 s28, $0x1;
	[dreg:$0x2] =	wrdreg s2  }
0xa9: {  	[dreg:$0x3] =	wrdreg s4  }
0xaa: {  	[dreg:$0x4] =	wrdreg $0xC0  }
0xab: {  	_ =	task [dreg:s6], $0x5FFFF  }
0xac: {  	[dreg:$0x1] =	wrdreg $0xFFFFFFFF  }
0xad: {  	[dreg:$0x0] =	wrdreg $0x60  }
0xae: {  	[dreg:$0x2] =	wrdreg s24  }
0xaf: {  	[dreg:$0x3] =	wrdreg $0x68000  }
0xb0: {  	[dreg:$0x4] =	wrdreg $0x9  }
0xb1: {  	_ =	task.clear_ibuf [dreg:s6], $0x5FFFF;
	_ =	strace $0x90000046  }
0xb2: {  	s29 =	simm.s32 $0x9;
	_ =	strace $0x80000048  }
0xb3: {  	_ =	swait.ge [sflag:s29], $0x1  }
0xb4: {  	[sflag:s29] =	ssyncadd.s32 $0xFFFFFFFF  }
0xb5: {  	_ =	strace $0x90000048  }
0xb6: {  	_ =	sfence  }
0xb7: {  	s30 =	sld [smem:$0x0];
	_ =	sdelay $0x2  }
0xb8: {  	s31 =	sshll.u32 s1, $0xD;
	s1 =	sshrl.u32 s1, $0x2  }
0xb9: {  	s3 =	sand.u32 $0x4000, s31;
	s1 =	sadd.s32 s1, s30  }
0xba: {  	s0 =	sor.u32 s3, s0;
	s1 =	sshll.u32 s1, $0x11  }
0xbb: {  	s0 =	sor.u32 s1, s0  }
0xbc: {  	s0 =	sadd.s32 $0x8F2B, s0  }
0xbd: {  	[sflag:s0] =	ssyncadd.remote.s32 $0x1  }
0xbe: {  	_ =	sfence.sel $0xFFFF  }
0xbf: {  	[dreg:$0x0] =	wrdreg $0xFFFFFFFF;
	(pc) =	sbr.abs _section_cstart, $3  }
0xc0: {  	[dreg:$0x1] =	wrdreg $0xFFFFFFFF  }
0xc1: {  	_ =	task.clear_ibuf [dreg:s6], $0x2FFFF;
	_ =	strace $0x9FFFFFFF  }
0xc2: {  	(tm) =	ssettm $0x7FFFFFFF  }
0xc3: {  	_ =	shalt  }
tec
execute0_lowered:
.L_overlay_start_1:
0x0: {  	(tag) =	ssettag $0x1  }
0x1: {  	s7 =	rddreg [dreg:$0x0]  }
0x2: {  	s1 =	rddreg [dreg:$0x1]  }
0x3: {  	s0 =	rddreg [dreg:$0x2]  }
0x4: {  	s2 =	srdreg.scid;
	s3 =	simm.s32 $0x0;
	s17 =	simm.s32 $0x0  }
0x5: {  	s5 =	sand.u32 $0x1, s2;
	s2 =	stileid.u32;
	[smem:$0x7FF] =	sst s3  }
0x6: {  	s10 =	sadd.s32 $0x3C000, s7;
	s14 =	sadd.s32 $0x128400, s1;
	s6 =	smul.u32 $0x2780, s2  }
0x7: {  	s4 =	sshll.u32 s5, $0xB;
	_ =	strace $0x80000047;
	s12 =	smul.u32 $0x4F000, s2  }
0x8: {  	s9 =	ssub.s32 $0x2, s5;
	s25 =	sshll.u32 s2, $0xC;
	s13 =	smul.u32 $0x138800, s5  }
0x9: {  	s29 =	smul.u32 $0x13C00, s2;
	p0 =	seq.s32 s2, $0xF;
	s8 =	sadd.s32 s4, s7  }
0xa: {  	s4 =	sadd.s32 $0x3BA00, s7;
	s11 =	sshrl.u32 s9, $0x1;
	s16 =	sshll.u32 @!p0 s2, $0x6  }
0xb: {  	s6 =	sadd.s32 s6, s7;
	s11 =	ssub.s32 s9, s11;
	s26 =	sadd.s32 s25, s8  }
0xc: {  	s28 =	sshrl.u32 s12, $0x2;
	s30 =	sadd.s32 s29, s13;
	s31 =	sshrl.u32 s13, $0x3  }
0xd: {  	s7 =	sadd.s32 $0x39880, s7;
	s12 =	simm.s32 $0x4000;
	s13 =	sshrl.u32 @p0 s14, $0x3  }
0xe: {  	s14 =	sor.u32 @!p0 $0x1C01, s16;
	s16 =	simm.s32 $0x50;
	s5 =	sadd.s32 $0x4800, s26  }
0xf: {  	s15 =	sadd.s32 s28, s1;
	s8 =	sshrl.u32 s30, $0x3;
	s9 =	sadd.s32 s10, s31  }
0x10: {  	s6 =	sadd.s32 $0x14800, s6;
	s8 =	sadd.s32 s10, s8;
	s9 =	sadd.s32 $0x25080, s9  }
0x11: {  	s10 =	smax.u32 s11, $0x1;
	s11 =	simm.s32 $0x1;
	s15 =	sshrl.u32 @!p0 s15, $0x3  }
.LBB2_1:
0x12: {  	[tilespmem:s3], [sflag:$0x1] =	stream.linear.gather [hbm4b:s5+s3], $0x3E80, $0x38;
	[tilespmem:$0x1A080] =	vst v63  }
0x13: {  	_ =	swait.ge [sflag:s11], $0x3E80  }
0x14: {  	[sflag:s11] =	ssyncset.done $0x0  }
0x15: {  	[sflag:s11] =	ssyncadd.s32 $0xFFFFC180  }
0x16: {  	[tilespmem:s12], [sflag:$0x1] =	stream.linear.gather [hbm4b:s4+s3], $0x2800, $0x38;
	[tilespmem:$0x1A080] =	vst v63  }
0x17: {  	_ =	swait.ge [sflag:s11], $0x2800  }
0x18: {  	[sflag:s11] =	ssyncset.done $0x0  }
0x19: {  	s18 =	simm.s32 @p0 $0x1FC1;
	[sflag:s11] =	ssyncadd.s32 $0xFFFFD800  }
0x1a: {  	[spmem:s13], [sflag:s18] =	dma.local @p0 [hbm:s7], $0x2080  }
0x1b: {  	s18 =	simm.s32 @p0 $0x1  }
0x1c: {  	_ =	swait.ge @p0 [sflag:s18], $0x2080  }
0x1d: {  	[sflag:s18] =	ssyncset.done @p0 $0x0  }
0x1e: {  	[sflag:s18] =	ssyncadd.s32 @p0 $0xFFFFDF80;
	s18 =	simm.s32 @!p0 $0x1  }
0x1f: {  	[spmem:s15], [sflag:s14] =	dma.local @!p0 [hbm:s6], $0x2780  }
0x20: {  	_ =	swait.ge @!p0 [sflag:s18], $0x2780  }
0x21: {  	[sflag:s18] =	ssyncset.done @!p0 $0x0  }
0x22: {  	[sflag:s18] =	ssyncadd.s32 @!p0 $0xFFFFD880  }
0x23: {  	s31 =	simm.s32 $0x0;
	[bflag:$0x0] =	sbarrier.arrive $0xFFFF  }
0x24: {  	[spmem:s1] =	stream.indirect.scatter.add.f32 [tilespmem:s12], [sflag:$0x1], $0x80, s31, s16, $0xb8;
	[tilespmem:$0x1A080] =	vst v63  }
0x25: {  	_ =	swait.ge [sflag:s11], $0x2800  }
0x26: {  	s18 =	simm.s32 $0x200;
	[sflag:s11] =	ssyncset.done $0x0  }
.LBB2_2:
0x27: {  	s19 =	sshra.s32 s18, $0x2;
	[sflag:s11] =	ssyncadd.s32 $0xFFFFD800;
	p1 =	sne.s32 s18, $0xF800  }
0x28: {  	[spmem:s1] =	stream.indirect.scatter.add.f32 [tilespmem:s12], [sflag:$0x1], $0x80, s19, s16, $0xb8;
	[tilespmem:$0x1A080] =	vst v63  }
.Ltmp0:
0x29: {  	_ = 	snop;
	(pc) =	sbr.rel @p1 .LBB2_2-.Ltmp0, $4  }
0x2a: {  	_ = 	snop  }
0x2b: {  	s18 =	sadd.s32 $0x200, s18  }
0x2c: {  	_ =	swait.ge [sflag:s11], $0x2800  }
0x2d: {  	[sflag:s11] =	ssyncset.done $0x0  }
0x2e: {  	[sflag:s11] =	ssyncadd.s32 $0xFFFFD800  }
0x2f: {  	s18 =	simm.s32 @p0 $0x1FC1;
	[bflag:$0x0] =	sbarrier.arrive $0xFFFF  }
0x30: {  	[hbm:s9], [sflag:s18] =	dma.local @p0 [spmem:s13], $0x2080  }
0x31: {  	s18 =	simm.s32 @p0 $0x1  }
0x32: {  	s17 =	sadd.s32 $0x1, s17;
	_ =	swait.ge @p0 [sflag:s18], $0x2080  }
0x33: {  	p1 =	sne.s32 s17, s10;
	[sflag:s18] =	ssyncset.done @p0 $0x0  }
.Ltmp1:
0x34: {  	[sflag:s18] =	ssyncadd.s32 @p0 $0xFFFFDF80;
	s18 =	simm.s32 @!p0 $0x1;
	(pc) =	sbr.rel @p1 .LBB2_1-.Ltmp1, $4  }
0x35: {  	[hbm:s8], [sflag:s14] =	dma.local @!p0 [spmem:s15], $0x2780  }
0x36: {  	_ =	swait.ge @!p0 [sflag:s18], $0x2780  }
0x37: {  	[sflag:s18] =	ssyncset.done @!p0 $0x0  }
0x38: {  	[sflag:s18] =	ssyncadd.s32 @!p0 $0xFFFFD880  }
0x39: {  	_ =	sfence.sel $0x180000  }
0x3a: {  	[bflag:$0x0] =	sbarrier.arrive $0xFFFF  }
0x3b: {  	p0 =	sne.s32 s2, $0x0;
	_ =	strace $0x90000047  }
0x3c: {  	s0 =	sadd.s32 @!p0 $0x100000, s0;
	[bflag:$0x2] =	sbarrier.arrive $0xFFFF  }
0x3d: {  	[sflag:s0] =	ssyncadd.tile.s32 @!p0 $0x1;
	_ =	shalt  }
.Lfunc_end2:
_tile_overlayer_lowered:
.L_overlay_start_2:
0x3e: {  	(tag) =	ssettag $0x2  }
0x3f: {  	s0 =	rddreg [dreg:$0x0];
	s2 =	stileid.u32  }
0x40: {  	s1 =	rddreg [dreg:$0x1];
	p0 =	sne.s32 s2, $0x0  }
0x41: {  	s3 =	rddreg [dreg:$0x2];
	[bflag:$0x3] =	sbarrier.arrive $0xFFFF;
	s2 =	simm.s32 @!p0 $0x1C01  }
0x42: {  	[timem:s3], [sflag:s2] =	dma.local @!p0 [hbm:s0], s1  }
0x43: {  	s0 =	simm.s32 @!p0 $0x1  }
0x44: {  	_ =	swait.ge @!p0 [sflag:s0], s1  }
0x45: {  	s1 =	ssub.s32 @!p0 $0x0, s1;
	[sflag:s0] =	ssyncset.done @!p0 $0x0  }
0x46: {  	[sflag:s0] =	ssyncadd.s32 @!p0 s1  }
0x47: {  	[bflag:$0x3] =	sbarrier.arrive $0xFFFF  }
0x48: {  	_ =	shalt  }

// kernel: kernel.13.cloned.1.call-start
scs
__scs_entry_jumppad:
0x0: {  	(pc) =	sbr.rel $0x88, $3  }
0x1: {  	(tag) =	ssettag $0x0;
	lr =	simm.s32 $0x1  }
0x2: {  	[smem:$0x3F8E] =	sst lr;
	_ =	strace $0xD0000000  }
0x3: {  	_ = 	snop  }
0x4: {  	_ = 	snop  }
0x5: {  	_ = 	snop  }
0x6: {  	_ = 	snop  }
0x7: {  	_ = 	snop  }
__scs_overlays_trampoline_lowered:
0x8: {  	[smem:$0x3F9D] =	sst s0  }
0x9: {  	[smem:$0x3F9E] =	sst s1  }
0xa: {  	[smem:$0x3F9F] =	sst s2  }
0xb: {  	[smem:$0x3FA0] =	sst s3  }
0xc: {  	[smem:$0x3FA1] =	sst s4  }
0xd: {  	[smem:$0x3FA2] =	sst s5  }
0xe: {  	[smem:$0x3FA3] =	sst s6  }
0xf: {  	[smem:$0x3FA4] =	sst s7  }
0x10: {  	[smem:$0x3FA5] =	sst s8  }
0x11: {  	[smem:$0x3FA6] =	sst s9;
	s0 =	simm.s32 @!p0 $0x0  }
0x12: {  	s1 =	sld [smem:$0x3F8C];
	s0 =	simm.s32 @p0 $0x1  }
0x13: {  	[smem:$0x3FA7] =	sst s0;
	s0 =	simm.s32 @!p1 $0x0  }
0x14: {  	s2 =	sld [smem:$0x3F8B];
	s0 =	simm.s32 @p1 $0x1  }
0x15: {  	[smem:$0x3FA8] =	sst s0;
	s0 =	simm.s32 @!p2 $0x0  }
0x16: {  	s3 =	sld [smem:$0x3FDB];
	s0 =	simm.s32 @p2 $0x1  }
0x17: {  	s4 =	simm.s32 $0x1BF5;
	[smem:$0x3FAA] =	sst s0  }
0x18: {  	s0 =	sld [smem:$0x3F8D];
	_ =	swait.ge [sflag:s4], $0x0  }
0x19: {  	s7 =	sld [smem:$0x3F8E]  }
0x1a: {  	s8 =	sadd.s32 $0xFFFFE003, lr  }
0x1b: {  	s9 =	sadd.s32 $0xFFFFFEF7, lr;
	s5 =	simm.s32 $0xFFFFFFFF;
	p2 =	slt.u32 s8, $0xFFFFF086  }
0x1c: {  	p1 =	slt.u32 s9, $0xF7A;
	s5 =	simm.s32 @!p2 $0x0  }
0x1d: {  	s5 =	simm.s32 @p1 $0x1;
	p0 =	seq.s32 s7, s2  }
0x1e: {  	s7 =	smul.u32 @!p0 $0xF7A, s2;
	p2 =	seq.s32 @!p0 s5, $0x0  }
0x1f: {  	s9 =	smul.u32 $0xF7A, s1;
	s8 =	simm.s32 @!p0 $0x1BF5;
	p2 =	por !p2, p0  }
0x20: {  	[sflag:s8] =	ssyncset.s32 @!p0 $0xFFFFF086;
	s6 =	sadd.s32 @!p0 s3, s7;
	s7 =	simm.s32 @!p0 $0x108  }
0x21: {  	s3 =	sadd.s32 s3, s9;
	s6 =	sadd.s32 @!p0 $0x88, s6;
	s7 =	simm.s32 @p2 $0x1082  }
0x22: {  	[simem:s7], [sflag:s8] =	dma.local @!p0 [hbm:s6], $0xF7A  }
0x23: {  	s9 =	sor.u32 $0xD0000000, s2;
	s6 =	simm.s32 $0x108;
	_ =	swait.ge @!p0 [sflag:s8], $0x0  }
0x24: {  	s3 =	sadd.s32 $0x88, s3;
	s6 =	simm.s32 @!p1 $0x1082;
	[sflag:s4] =	ssyncset.s32 $0xFFFFF086  }
0x25: {  	[simem:s6], [sflag:s4] =	dma.local [hbm:s3], $0xF7A  }
0x26: {  	[smem:$0x3F8E] =	sst s1;
	(tag) =	ssettag s2;
	_ =	strace s9  }
0x27: {  	s1 =	sld [smem:$0x3F9E]  }
0x28: {  	s2 =	sld [smem:$0x3F9F]  }
0x29: {  	s4 =	sld [smem:$0x3FA1]  }
0x2a: {  	p0 =	seq.s32 s5, $0x0;
	s5 =	sld [smem:$0x3FA2]  }
0x2b: {  	s6 =	sld [smem:$0x3FA3]  }
0x2c: {  	s7 =	sld [smem:$0x3FA4]  }
0x2d: {  	s3 =	simm.s32 $0x108;
	s8 =	sld [smem:$0x3FA5]  }
0x2e: {  	s3 =	simm.s32 @!p0 $0x1082;
	s9 =	sld [smem:$0x3FA6]  }
0x2f: {  	lr =	sadd.s32 s0, s3;
	s0 =	sld [smem:$0x3F9D]  }
0x30: {  	s3 =	sld [smem:$0x3FA0]  }
0x31: {  	[smem:$0x3FA9] =	sst s10  }
0x32: {  	s10 =	sld [smem:$0x3FA7];
	_ =	sdelay $0x3  }
0x33: {  	p0 =	seq.s32 s10, $0x1;
	s10 =	sld [smem:$0x3FA9];
	_ =	sdelay $0x3  }
0x34: {  	[smem:$0x3FA9] =	sst s10  }
0x35: {  	s10 =	sld [smem:$0x3FA8];
	_ =	sdelay $0x3  }
0x36: {  	p1 =	seq.s32 s10, $0x1;
	s10 =	sld [smem:$0x3FA9];
	_ =	sdelay $0x3  }
0x37: {  	[smem:$0x3FA9] =	sst s10  }
0x38: {  	s10 =	sld [smem:$0x3FAA]  }
0x39: {  	_ = 	snop;
	(pc) =	sbr.ind lr, $3  }
0x3a: {  	_ = 	snop  }
0x3b: {  	_ = 	snop  }
0x3c: {  	p2 =	seq.s32 s10, $0x1;
	s10 =	sld [smem:$0x3FA9]  }
0x3d: {  	_ =	shalt  }
0x3e: {  	_ =	shalt  }
0x3f: {  	_ =	shalt  }
0x40: {  	_ =	shalt  }
0x41: {  	_ =	shalt  }
0x42: {  	_ =	shalt  }
0x43: {  	_ =	shalt  }
0x44: {  	_ =	shalt  }
0x45: {  	_ =	shalt  }
0x46: {  	_ =	shalt  }
0x47: {  	_ =	shalt  }
0x48: {  	_ =	shalt  }
0x49: {  	_ =	shalt  }
0x4a: {  	_ =	shalt  }
0x4b: {  	_ =	shalt  }
0x4c: {  	_ =	shalt  }
0x4d: {  	_ =	shalt  }
0x4e: {  	_ =	shalt  }
0x4f: {  	_ =	shalt  }
0x50: {  	_ =	shalt  }
0x51: {  	_ =	shalt  }
0x52: {  	_ =	shalt  }
0x53: {  	_ =	shalt  }
0x54: {  	_ =	shalt  }
0x55: {  	_ =	shalt  }
0x56: {  	_ =	shalt  }
0x57: {  	_ =	shalt  }
0x58: {  	_ =	shalt  }
0x59: {  	_ =	shalt  }
0x5a: {  	_ =	shalt  }
0x5b: {  	_ =	shalt  }
0x5c: {  	_ =	shalt  }
0x5d: {  	_ =	shalt  }
0x5e: {  	_ =	shalt  }
0x5f: {  	_ =	shalt  }
0x60: {  	_ =	shalt  }
0x61: {  	_ =	shalt  }
0x62: {  	_ =	shalt  }
0x63: {  	_ =	shalt  }
0x64: {  	_ =	shalt  }
0x65: {  	_ =	shalt  }
0x66: {  	_ =	shalt  }
0x67: {  	_ =	shalt  }
0x68: {  	_ =	shalt  }
0x69: {  	_ =	shalt  }
0x6a: {  	_ =	shalt  }
0x6b: {  	_ =	shalt  }
0x6c: {  	_ =	shalt  }
0x6d: {  	_ =	shalt  }
0x6e: {  	_ =	shalt  }
0x6f: {  	_ =	shalt  }
0x70: {  	_ =	shalt  }
0x71: {  	_ =	shalt  }
0x72: {  	_ =	shalt  }
0x73: {  	_ =	shalt  }
0x74: {  	_ =	shalt  }
0x75: {  	_ =	shalt  }
0x76: {  	_ =	shalt  }
0x77: {  	_ =	shalt  }
0x78: {  	_ =	shalt  }
0x79: {  	_ =	shalt  }
0x7a: {  	_ =	shalt  }
0x7b: {  	_ =	shalt  }
0x7c: {  	_ =	shalt  }
0x7d: {  	_ =	shalt  }
0x7e: {  	_ =	shalt  }
0x7f: {  	_ =	shalt  }
0x80: {  	_ =	shalt  }
0x81: {  	_ =	shalt  }
0x82: {  	_ =	shalt  }
0x83: {  	_ =	shalt  }
0x84: {  	_ =	shalt  }
0x85: {  	_ =	shalt  }
0x86: {  	_ =	shalt  }
0x87: {  	_ =	shalt  }
.Lfunc_end0:
.L_simem_size_0:
called_computation.1_lowered:
.L_overlay_start_0:
0x88: {  	s2 =	sld [smem:$0x3FD9]  }
0x89: {  	s3 =	sld [smem:$0x3FFE];
	_ =	sdelay $0x1  }
0x8a: {  	s1 =	srdreg.scid  }
0x8b: {  	s0 =	sand.u32 $0x1, s1  }
0x8c: {  	s16 =	sshll.u32 s0, $0xA;
	s2 =	sadd.s32 s3, s2  }
0x8d: {  	s2 =	sadd.s32 s2, s16  }
0x8e: {  	[smem:$0x3FB5] =	sst s2  }
0x8f: {  	_ = 	snop  }
0x90: {  	(tm) =	ssettm $0x1  }
0x91: {  	s17 =	sld [smem:$0x3FFB];
	_ =	sdelay $0x3  }
0x92: {  	_ =	strace s17  }
0x93: {  	s2 =	sld [smem:$0x3FFC];
	_ =	sdelay $0x3  }
0x94: {  	_ =	strace s2  }
0x95: {  	s2 =	sld [smem:$0x3FFD];
	_ =	sdelay $0x3  }
0x96: {  	_ =	strace s2  }
0x97: {  	_ =	strace $0x8FFFFFFF  }
0x98: {  	s18 =	sld [smem:$0x3FDB];
	_ =	sdelay $0x1  }
0x99: {  	s19 =	simm.s32 $_scs_section_size  }
0x9a: {  	s4 =	simm.s32 $_size__tile_overlayer_lowered;
	s5 =	simm.s32 $_tile_overlayer_lowered  }
0x9b: {  	s22 =	simm.s32 $0x1BFF;
	s21 =	sshll.u32 s5, $0x1;
	s2 =	sadd.s32 s19, s18  }
0x9c: {  	s6 =	simm.s32 $0x0;
	s20 =	sshll.u32 s4, $0x1;
	s4 =	sadd.s32 s21, s2  }
0x9d: {  	[timem:s6], [sflag:s22] =	dma.local [hbm:s4], s20  }
0x9e: {  	_ =	swait.ge [sflag:s22], s20  }
0x9f: {  	s3 =	ssub.s32 $0x0, s20;
	[sflag:s22] =	ssyncset.done $0x0  }
0xa0: {  	[sflag:s22] =	ssyncadd.s32 s3;
	_ =	sdelay $0x1  }
0xa1: {  	s23 =	simm.s32 $0x1B8B  }
0xa2: {  	_ =	swait.ge [sflag:s23], $0x1  }
0xa3: {  	[sflag:s23] =	ssyncset.done $0x0  }
0xa4: {  	s25 =	simm.s32 $0x1B8E;
	s24 =	sld [smem:$0x3FFE];
	[sflag:s23] =	ssyncadd.s32 $0xFFFFFFFF  }
0xa5: {  	s26 =	simm.s32 $execute0_lowered;
	[smem:$0x3FD2] =	sst s25  }
0xa6: {  	s4 =	sshll.u32 s26, $0x1;
	_ =	strace $0x80000049;
	[dreg:$0x1] =	wrdreg $0xFFFFFFFF  }
0xa7: {  	s28 =	simm.s32 $_size_execute0_lowered;
	s2 =	sadd.s32 s2, s4;
	[dreg:$0x0] =	wrdreg $0x0  }
0xa8: {  	s4 =	sshll.u32 s28, $0x1;
	[dreg:$0x2] =	wrdreg s2  }
0xa9: {  	[dreg:$0x3] =	wrdreg s4  }
0xaa: {  	[dreg:$0x4] =	wrdreg $0xC0  }
0xab: {  	_ =	task [dreg:s6], $0x5FFFF  }
0xac: {  	[dreg:$0x1] =	wrdreg $0xFFFFFFFF  }
0xad: {  	[dreg:$0x0] =	wrdreg $0x60  }
0xae: {  	[dreg:$0x2] =	wrdreg s24  }
0xaf: {  	[dreg:$0x3] =	wrdreg $0xB0000  }
0xb0: {  	[dreg:$0x4] =	wrdreg $0x9  }
0xb1: {  	_ =	task.clear_ibuf [dreg:s6], $0x5FFFF;
	_ =	strace $0x90000049  }
0xb2: {  	s29 =	simm.s32 $0x9;
	_ =	strace $0x8000004B  }
0xb3: {  	_ =	swait.ge [sflag:s29], $0x1  }
0xb4: {  	[sflag:s29] =	ssyncadd.s32 $0xFFFFFFFF  }
0xb5: {  	_ =	strace $0x9000004B  }
0xb6: {  	_ =	sfence  }
0xb7: {  	s30 =	sld [smem:$0x0];
	_ =	sdelay $0x2  }
0xb8: {  	s31 =	sshll.u32 s1, $0xD;
	s1 =	sshrl.u32 s1, $0x2  }
0xb9: {  	s3 =	sand.u32 $0x4000, s31;
	s1 =	sadd.s32 s1, s30  }
0xba: {  	s0 =	sor.u32 s3, s0;
	s1 =	sshll.u32 s1, $0x11  }
0xbb: {  	s0 =	sor.u32 s1, s0  }
0xbc: {  	s0 =	sadd.s32 $0x8F2B, s0  }
0xbd: {  	[sflag:s0] =	ssyncadd.remote.s32 $0x1  }
0xbe: {  	_ =	sfence.sel $0xFFFF  }
0xbf: {  	[dreg:$0x0] =	wrdreg $0xFFFFFFFF;
	(pc) =	sbr.abs _section_cstart, $3  }
0xc0: {  	[dreg:$0x1] =	wrdreg $0xFFFFFFFF  }
0xc1: {  	_ =	task.clear_ibuf [dreg:s6], $0x2FFFF;
	_ =	strace $0x9FFFFFFF  }
0xc2: {  	(tm) =	ssettm $0x7FFFFFFF  }
0xc3: {  	_ =	shalt  }
tec
execute0_lowered:
.L_overlay_start_1:
0x0: {  	(tag) =	ssettag $0x1  }
0x1: {  	s0 =	rddreg [dreg:$0x0]  }
0x2: {  	s1 =	rddreg [dreg:$0x1];
	s3 =	simm.s32 $0x0;
	s13 =	stileid.u32  }
0x3: {  	s6 =	srdreg.scid;
	s14 =	simm.s32 $0x100;
	s16 =	simm.s32 $0x180  }
0x4: {  	s17 =	simm.s32 $0x200;
	s18 =	simm.s32 $0x880;
	s19 =	simm.s32 $0x280  }
0x5: {  	s20 =	simm.s32 $0x900;
	s21 =	simm.s32 $0x300;
	s22 =	simm.s32 $0x980  }
0x6: {  	s23 =	simm.s32 $0x380;
	s28 =	simm.s32 $0xC80;
	[smem:$0x7FF] =	sst s3  }
0x7: {  	s29 =	simm.s32 $0x680;
	_ =	strace $0x8000004A;
	[dreg:$0x6] =	wrdreg s14  }
0x8: {  	s30 =	simm.s32 $0xD00;
	s31 =	simm.s32 $0x700;
	[dreg:$0x7] =	wrdreg s16  }
0x9: {  	s4 =	sadd.s32 $0x3BA00, s0;
	s5 =	smul.u32 $0x2780, s13;
	[dreg:$0x8] =	wrdreg s17  }
0xa: {  	s2 =	sshll.u32 s13, $0xC;
	s7 =	smul.u32 $0x4F000, s13;
	[dreg:$0x9] =	wrdreg s18  }
0xb: {  	s6 =	sand.u32 $0x1, s6;
	s11 =	smul.u32 $0x13C00, s13;
	[dreg:$0xa] =	wrdreg s19  }
0xc: {  	s12 =	sadd.s32 $0xAA200, s0;
	p0 =	seq.s32 s13, $0xF;
	[dreg:$0xb] =	wrdreg s20  }
0xd: {  	s2 =	sadd.s32 s2, s0;
	s8 =	ssub.s32 $0x2, s6;
	[dreg:$0xc] =	wrdreg s21  }
0xe: {  	s9 =	smul.u32 $0x138800, s6;
	s24 =	sshll.u32 s6, $0xB;
	[dreg:$0xd] =	wrdreg s22  }
0xf: {  	s14 =	simm.s32 $0x800;
	[dreg:$0xe] =	wrdreg s23;
	s16 =	simm.s32 $0x1000  }
0x10: {  	s17 =	simm.s32 $0x3800;
	s18 =	simm.s32 $0x6000;
	s19 =	simm.s32 $0x8800  }
0x11: {  	s20 =	simm.s32 $0x1;
	s21 =	simm.s32 $0x5;
	s22 =	simm.s32 $0x2  }
0x12: {  	s23 =	simm.s32 $0x6;
	s5 =	sadd.s32 s5, s0;
	s0 =	sadd.s32 $0x39880, s0  }
0x13: {  	s2 =	sadd.s32 s24, s2;
	s24 =	simm.s32 $0xA00;
	[dreg:$0x19] =	wrdreg s0  }
0x14: {  	s10 =	sshrl.u32 s8, $0x1;
	s5 =	sadd.s32 $0x14800, s5;
	[dreg:$0xf] =	wrdreg s24  }
0x15: {  	s8 =	ssub.s32 s8, s10;
	[dreg:$0x18] =	wrdreg s5;
	s5 =	sadd.s32 $0x8A200, s2  }
0x16: {  	s25 =	sadd.s32 s11, s9;
	s15 =	smax.u32 s8, $0x1;
	[dreg:$0x3] =	wrdreg s5  }
0x17: {  	s6 =	sshrl.u32 s25, $0x3;
	s25 =	simm.s32 $0x400;
	[dreg:$0x1c] =	wrdreg s15  }
0x18: {  	s7 =	sshrl.u32 s7, $0x2;
	s8 =	simm.s32 $0x580;
	[dreg:$0x10] =	wrdreg s25  }
0x19: {  	s7 =	sadd.s32 s7, s1;
	s26 =	sadd.s32 s12, s6;
	[dreg:$0x16] =	wrdreg s8  }
0x1a: {  	s6 =	sshrl.u32 s9, $0x3;
	s9 =	sadd.s32 $0x9A200, s2;
	[dreg:$0x1a] =	wrdreg s26  }
0x1b: {  	s10 =	sadd.s32 $0x128400, s1;
	s5 =	simm.s32 $0xB00;
	[dreg:$0x4] =	wrdreg s9  }
0x1c: {  	s11 =	sadd.s32 s12, s6;
	s12 =	simm.s32 $0x80;
	[dreg:$0x13] =	wrdreg s5  }
0x1d: {  	s24 =	simm.s32 $0x3;
	s26 =	simm.s32 $0xA80;
	[dreg:$0x5] =	wrdreg s12  }
0x1e: {  	s0 =	simm.s32 $0xD80;
	s6 =	simm.s32 $0x500;
	[dreg:$0x11] =	wrdreg s26  }
0x1f: {  	s15 =	simm.s32 $0x50;
	s9 =	simm.s32 $0xC00;
	[dreg:$0x14] =	wrdreg s6  }
0x20: {  	s25 =	simm.s32 $0x4;
	s2 =	sadd.s32 $0x25080, s11;
	[dreg:$0x17] =	wrdreg s9  }
0x21: {  	s12 =	sshrl.u32 @p0 s10, $0x3;
	s10 =	simm.s32 $0x0;
	[dreg:$0x1b] =	wrdreg s2  }
0x22: {  	s8 =	simm.s32 $0xF80;
	s2 =	sshll.u32 @!p0 s13, $0x6;
	[smem:$0x7FD] =	sst s10  }
0x23: {  	[dreg:$0x1d] =	wrdreg s12;
	s11 =	sor.u32 @!p0 $0x1C07, s2;
	s2 =	sshrl.u32 @!p0 s7, $0x3  }
0x24: {  	s5 =	simm.s32 $0xE00;
	s7 =	simm.s32 $0xB80;
	[dreg:$0x1f] =	wrdreg s2  }
0x25: {  	s26 =	simm.s32 $0x600;
	s6 =	simm.s32 $0xE80;
	[dreg:$0x15] =	wrdreg s7  }
0x26: {  	s13 =	simm.s32 $0x7;
	s2 =	simm.s32 $0x480;
	[dreg:$0x1e] =	wrdreg s11  }
0x27: {  	s7 =	simm.s32 $0xF00;
	[dreg:$0x12] =	wrdreg s2;
	s2 =	simm.s32 $0x780  }
.LBB2_1:
0x28: {  	s10 =	simm.s32 @p0 $0x1FC7;
	s9 =	rddreg [dreg:$0x19]  }
0x29: {  	[spmem:s12], [sflag:s10] =	dma.local @p0 [hbm:s9], $0x2080  }
0x2a: {  	s10 =	simm.s32 @p0 $0x7  }
0x2b: {  	_ =	swait.ge @p0 [sflag:s10], $0x2080  }
0x2c: {  	[sflag:s10] =	ssyncset.done @p0 $0x0;
	s9 =	rddreg [dreg:$0x18]  }
0x2d: {  	[sflag:s10] =	ssyncadd.s32 @p0 $0xFFFFDF80;
	s10 =	rddreg [dreg:$0x1f]  }
0x2e: {  	[spmem:s10], [sflag:s11] =	dma.local @!p0 [hbm:s9], $0x2780  }
0x2f: {  	s10 =	simm.s32 @!p0 $0x7  }
0x30: {  	_ =	swait.ge @!p0 [sflag:s10], $0x2780  }
0x31: {  	[sflag:s10] =	ssyncset.done @!p0 $0x0  }
0x32: {  	[sflag:s10] =	ssyncadd.s32 @!p0 $0xFFFFD880  }
0x33: {  	[bflag:$0x0] =	sbarrier.arrive $0xFFFF  }
0x34: {  	s12 =	rddreg [dreg:$0x4]  }
0x35: {  	s10 =	sadd.s32 $0x0, s12  }
0x36: {  	[tilespmem:s3], [sflag:$0x7] =	stream.linear.gather [hbm4b:s10+s3], $0x800, $0x38;
	[tilespmem:$0x1E8C0] =	vst v63  }
0x37: {  	_ =	swait.ge [sflag:s13], $0x800  }
0x38: {  	s9 =	rddreg [dreg:$0x3];
	[sflag:s13] =	ssyncset.done $0x0  }
0x39: {  	[sflag:s13] =	ssyncadd.s32 $0xFFFFF800;
	s10 =	sadd.s32 $0x0, s9  }
0x3a: {  	[tilespmem:s14], [sflag:$0x7] =	stream.linear.gather [hbm4b:s10+s3], $0x800, $0x38;
	[tilespmem:$0x1E8C0] =	vst v63  }
0x3b: {  	_ =	swait.ge [sflag:s13], $0x800  }
0x3c: {  	[sflag:s13] =	ssyncset.done $0x0  }
0x3d: {  	[sflag:s13] =	ssyncadd.s32 $0xFFFFF800  }
0x3e: {  	[tilespmem:s16], [sflag:$0x1] =	stream.indirect.gather [hbm4b:s4+s15], $0x80, s3, s15, $0xb8;
	[tilespmem:$0x1E8C0] =	vst v63  }
0x3f: {  	s11 =	rddreg [dreg:$0x5]  }
0x40: {  	[tilespmem:s17], [sflag:$0x2] =	stream.indirect.gather [hbm4b:s4+s15], $0x80, s11, s15, $0xb8;
	[tilespmem:$0x1E8C0] =	vst v63  }
0x41: {  	s12 =	rddreg [dreg:$0x6]  }
0x42: {  	[tilespmem:s18], [sflag:$0x3] =	stream.indirect.gather [hbm4b:s4+s15], $0x80, s12, s15, $0xb8;
	[tilespmem:$0x1E8C0] =	vst v63  }
0x43: {  	s9 =	rddreg [dreg:$0x7]  }
0x44: {  	[tilespmem:s19], [sflag:$0x4] =	stream.indirect.gather [hbm4b:s4+s15], $0x80, s9, s15, $0xb8;
	[tilespmem:$0x1E8C0] =	vst v63  }
0x45: {  	_ =	swait.ge [sflag:s20], $0x2800  }
0x46: {  	[sflag:s20] =	ssyncset.done $0x0  }
0x47: {  	[sflag:s20] =	ssyncadd.s32 $0xFFFFD800  }
0x48: {  	[spmem:s1] =	stream.indirect.scatter.add.f32 [tilespmem:s16], [sflag:$0x5], $0x80, s14, s15, $0xb8;
	[tilespmem:$0x1E8C0] =	vst v63  }
0x49: {  	_ =	swait.ge [sflag:s21], $0x2800  }
0x4a: {  	[sflag:s21] =	ssyncset.done $0x0  }
0x4b: {  	s12 =	rddreg [dreg:$0x8];
	[sflag:s21] =	ssyncadd.s32 $0xFFFFD800  }
0x4c: {  	[tilespmem:s16], [sflag:$0x1] =	stream.indirect.gather [hbm4b:s4+s15], $0x80, s12, s15, $0xb8;
	[tilespmem:$0x1E8C0] =	vst v63  }
0x4d: {  	_ =	swait.ge [sflag:s22], $0x2800  }
0x4e: {  	[sflag:s22] =	ssyncset.done $0x0  }
0x4f: {  	s9 =	rddreg [dreg:$0x9];
	[sflag:s22] =	ssyncadd.s32 $0xFFFFD800  }
0x50: {  	[spmem:s1] =	stream.indirect.scatter.add.f32 [tilespmem:s17], [sflag:$0x6], $0x80, s9, s15, $0xb8;
	[tilespmem:$0x1E8C0] =	vst v63  }
0x51: {  	_ =	swait.ge [sflag:s23], $0x2800  }
0x52: {  	[sflag:s23] =	ssyncset.done $0x0  }
0x53: {  	s11 =	rddreg [dreg:$0xa];
	[sflag:s23] =	ssyncadd.s32 $0xFFFFD800  }
0x54: {  	[tilespmem:s17], [sflag:$0x2] =	stream.indirect.gather [hbm4b:s4+s15], $0x80, s11, s15, $0xb8;
	[tilespmem:$0x1E8C0] =	vst v63  }
0x55: {  	_ =	swait.ge [sflag:s24], $0x2800  }
0x56: {  	[sflag:s24] =	ssyncset.done $0x0  }
0x57: {  	s12 =	rddreg [dreg:$0xb];
	[sflag:s24] =	ssyncadd.s32 $0xFFFFD800  }
0x58: {  	[spmem:s1] =	stream.indirect.scatter.add.f32 [tilespmem:s18], [sflag:$0x5], $0x80, s12, s15, $0xb8;
	[tilespmem:$0x1E8C0] =	vst v63  }
0x59: {  	_ =	swait.ge [sflag:s21], $0x2800  }
0x5a: {  	[sflag:s21] =	ssyncset.done $0x0  }
0x5b: {  	s9 =	rddreg [dreg:$0xc];
	[sflag:s21] =	ssyncadd.s32 $0xFFFFD800  }
0x5c: {  	[tilespmem:s18], [sflag:$0x3] =	stream.indirect.gather [hbm4b:s4+s15], $0x80, s9, s15, $0xb8;
	[tilespmem:$0x1E8C0] =	vst v63  }
0x5d: {  	_ =	swait.ge [sflag:s25], $0x2800  }
0x5e: {  	[sflag:s25] =	ssyncset.done $0x0  }
0x5f: {  	s11 =	rddreg [dreg:$0xd];
	[sflag:s25] =	ssyncadd.s32 $0xFFFFD800  }
0x60: {  	[spmem:s1] =	stream.indirect.scatter.add.f32 [tilespmem:s19], [sflag:$0x6], $0x80, s11, s15, $0xb8;
	[tilespmem:$0x1E8C0] =	vst v63  }
0x61: {  	_ =	swait.ge [sflag:s23], $0x2800  }
0x62: {  	[sflag:s23] =	ssyncset.done $0x0  }
0x63: {  	s12 =	rddreg [dreg:$0xe];
	[sflag:s23] =	ssyncadd.s32 $0xFFFFD800  }
0x64: {  	[tilespmem:s19], [sflag:$0x4] =	stream.indirect.gather [hbm4b:s4+s15], $0x80, s12, s15, $0xb8;
	[tilespmem:$0x1E8C0] =	vst v63  }
0x65: {  	_ =	swait.ge [sflag:s20], $0x2800  }
0x66: {  	[sflag:s20] =	ssyncset.done $0x0  }
0x67: {  	s9 =	rddreg [dreg:$0xf];
	[sflag:s20] =	ssyncadd.s32 $0xFFFFD800  }
0x68: {  	[spmem:s1] =	stream.indirect.scatter.add.f32 [tilespmem:s16], [sflag:$0x5], $0x80, s9, s15, $0xb8;
	[tilespmem:$0x1E8C0] =	vst v63  }
0x69: {  	_ =	swait.ge [sflag:s21], $0x2800  }
0x6a: {  	[sflag:s21] =	ssyncset.done $0x0  }
0x6b: {  	s11 =	rddreg [dreg:$0x10];
	[sflag:s21] =	ssyncadd.s32 $0xFFFFD800  }
0x6c: {  	[tilespmem:s16], [sflag:$0x1] =	stream.indirect.gather [hbm4b:s4+s15], $0x80, s11, s15, $0xb8;
	[tilespmem:$0x1E8C0] =	vst v63  }
0x6d: {  	_ =	swait.ge [sflag:s22], $0x2800  }
0x6e: {  	[sflag:s22] =	ssyncset.done $0x0  }
0x6f: {  	s12 =	rddreg [dreg:$0x11];
	[sflag:s22] =	ssyncadd.s32 $0xFFFFD800  }
0x70: {  	[spmem:s1] =	stream.indirect.scatter.add.f32 [tilespmem:s17], [sflag:$0x6], $0x80, s12, s15, $0xb8;
	[tilespmem:$0x1E8C0] =	vst v63  }
0x71: {  	_ =	swait.ge [sflag:s23], $0x2800  }
0x72: {  	[sflag:s23] =	ssyncset.done $0x0  }
0x73: {  	s9 =	rddreg [dreg:$0x12];
	[sflag:s23] =	ssyncadd.s32 $0xFFFFD800  }
0x74: {  	[tilespmem:s17], [sflag:$0x2] =	stream.indirect.gather [hbm4b:s4+s15], $0x80, s9, s15, $0xb8;
	[tilespmem:$0x1E8C0] =	vst v63  }
0x75: {  	_ =	swait.ge [sflag:s24], $0x2800  }
0x76: {  	[sflag:s24] =	ssyncset.done $0x0  }
0x77: {  	s11 =	rddreg [dreg:$0x13];
	[sflag:s24] =	ssyncadd.s32 $0xFFFFD800  }
0x78: {  	[spmem:s1] =	stream.indirect.scatter.add.f32 [tilespmem:s18], [sflag:$0x5], $0x80, s11, s15, $0xb8;
	[tilespmem:$0x1E8C0] =	vst v63  }
0x79: {  	_ =	swait.ge [sflag:s21], $0x2800  }
0x7a: {  	[sflag:s21] =	ssyncset.done $0x0  }
0x7b: {  	s12 =	rddreg [dreg:$0x14];
	[sflag:s21] =	ssyncadd.s32 $0xFFFFD800  }
0x7c: {  	[tilespmem:s18], [sflag:$0x3] =	stream.indirect.gather [hbm4b:s4+s15], $0x80, s12, s15, $0xb8;
	[tilespmem:$0x1E8C0] =	vst v63  }
0x7d: {  	_ =	swait.ge [sflag:s25], $0x2800  }
0x7e: {  	[sflag:s25] =	ssyncset.done $0x0  }
0x7f: {  	s9 =	rddreg [dreg:$0x15];
	[sflag:s25] =	ssyncadd.s32 $0xFFFFD800  }
0x80: {  	[spmem:s1] =	stream.indirect.scatter.add.f32 [tilespmem:s19], [sflag:$0x6], $0x80, s9, s15, $0xb8;
	[tilespmem:$0x1E8C0] =	vst v63  }
0x81: {  	_ =	swait.ge [sflag:s23], $0x2800  }
0x82: {  	[sflag:s23] =	ssyncset.done $0x0  }
0x83: {  	s11 =	rddreg [dreg:$0x16];
	[sflag:s23] =	ssyncadd.s32 $0xFFFFD800  }
0x84: {  	[tilespmem:s19], [sflag:$0x4] =	stream.indirect.gather [hbm4b:s4+s15], $0x80, s11, s15, $0xb8;
	[tilespmem:$0x1E8C0] =	vst v63  }
0x85: {  	_ =	swait.ge [sflag:s20], $0x2800  }
0x86: {  	[sflag:s20] =	ssyncset.done $0x0  }
0x87: {  	s12 =	rddreg [dreg:$0x17];
	[sflag:s20] =	ssyncadd.s32 $0xFFFFD800  }
0x88: {  	[spmem:s1] =	stream.indirect.scatter.add.f32 [tilespmem:s16], [sflag:$0x5], $0x80, s12, s15, $0xb8;
	[tilespmem:$0x1E8C0] =	vst v63  }
0x89: {  	_ =	swait.ge [sflag:s21], $0x2800  }
0x8a: {  	[sflag:s21] =	ssyncset.done $0x0  }
0x8b: {  	[sflag:s21] =	ssyncadd.s32 $0xFFFFD800  }
0x8c: {  	[tilespmem:s16], [sflag:$0x1] =	stream.indirect.gather [hbm4b:s4+s15], $0x80, s26, s15, $0xb8;
	[tilespmem:$0x1E8C0] =	vst v63  }
0x8d: {  	_ =	swait.ge [sflag:s22], $0x2800  }
0x8e: {  	[sflag:s22] =	ssyncset.done $0x0  }
0x8f: {  	[sflag:s22] =	ssyncadd.s32 $0xFFFFD800  }
0x90: {  	[spmem:s1] =	stream.indirect.scatter.add.f32 [tilespmem:s17], [sflag:$0x6], $0x80, s28, s15, $0xb8;
	[tilespmem:$0x1E8C0] =	vst v63  }
0x91: {  	_ =	swait.ge [sflag:s23], $0x2800  }
0x92: {  	[sflag:s23] =	ssyncset.done $0x0  }
0x93: {  	[sflag:s23] =	ssyncadd.s32 $0xFFFFD800  }
0x94: {  	[tilespmem:s17], [sflag:$0x2] =	stream.indirect.gather [hbm4b:s4+s15], $0x80, s29, s15, $0xb8;
	[tilespmem:$0x1E8C0] =	vst v63  }
0x95: {  	_ =	swait.ge [sflag:s24], $0x2800  }
0x96: {  	[sflag:s24] =	ssyncset.done $0x0  }
0x97: {  	[sflag:s24] =	ssyncadd.s32 $0xFFFFD800  }
0x98: {  	[spmem:s1] =	stream.indirect.scatter.add.f32 [tilespmem:s18], [sflag:$0x5], $0x80, s30, s15, $0xb8;
	[tilespmem:$0x1E8C0] =	vst v63  }
0x99: {  	_ =	swait.ge [sflag:s21], $0x2800  }
0x9a: {  	[sflag:s21] =	ssyncset.done $0x0  }
0x9b: {  	[sflag:s21] =	ssyncadd.s32 $0xFFFFD800  }
0x9c: {  	[tilespmem:s18], [sflag:$0x3] =	stream.indirect.gather [hbm4b:s4+s15], $0x80, s31, s15, $0xb8;
	[tilespmem:$0x1E8C0] =	vst v63  }
0x9d: {  	_ =	swait.ge [sflag:s25], $0x2800  }
0x9e: {  	[sflag:s25] =	ssyncset.done $0x0  }
0x9f: {  	[sflag:s25] =	ssyncadd.s32 $0xFFFFD800  }
0xa0: {  	[spmem:s1] =	stream.indirect.scatter.add.f32 [tilespmem:s19], [sflag:$0x6], $0x80, s0, s15, $0xb8;
	[tilespmem:$0x1E8C0] =	vst v63  }
0xa1: {  	_ =	swait.ge [sflag:s23], $0x2800  }
0xa2: {  	[sflag:s23] =	ssyncset.done $0x0  }
0xa3: {  	[sflag:s23] =	ssyncadd.s32 $0xFFFFD800  }
0xa4: {  	[tilespmem:s19], [sflag:$0x4] =	stream.indirect.gather [hbm4b:s4+s15], $0x80, s2, s15, $0xb8;
	[tilespmem:$0x1E8C0] =	vst v63  }
0xa5: {  	_ =	swait.ge [sflag:s20], $0x2800  }
0xa6: {  	[sflag:s20] =	ssyncset.done $0x0  }
0xa7: {  	[sflag:s20] =	ssyncadd.s32 $0xFFFFD800  }
0xa8: {  	[spmem:s1] =	stream.indirect.scatter.add.f32 [tilespmem:s16], [sflag:$0x5], $0x80, s5, s15, $0xb8;
	[tilespmem:$0x1E8C0] =	vst v63  }
0xa9: {  	_ =	swait.ge [sflag:s22], $0x2800  }
0xaa: {  	[sflag:s22] =	ssyncset.done $0x0  }
0xab: {  	[sflag:s22] =	ssyncadd.s32 $0xFFFFD800  }
0xac: {  	[spmem:s1] =	stream.indirect.scatter.add.f32 [tilespmem:s17], [sflag:$0x6], $0x80, s6, s15, $0xb8;
	[tilespmem:$0x1E8C0] =	vst v63  }
0xad: {  	_ =	swait.ge [sflag:s24], $0x2800  }
0xae: {  	[sflag:s24] =	ssyncset.done $0x0  }
0xaf: {  	[sflag:s24] =	ssyncadd.s32 $0xFFFFD800  }
0xb0: {  	[spmem:s1] =	stream.indirect.scatter.add.f32 [tilespmem:s18], [sflag:$0x5], $0x80, s7, s15, $0xb8;
	[tilespmem:$0x1E8C0] =	vst v63  }
0xb1: {  	_ =	swait.ge [sflag:s25], $0x2800  }
0xb2: {  	[sflag:s25] =	ssyncset.done $0x0  }
0xb3: {  	[sflag:s25] =	ssyncadd.s32 $0xFFFFD800  }
0xb4: {  	[spmem:s1] =	stream.indirect.scatter.add.f32 [tilespmem:s19], [sflag:$0x6], $0x80, s8, s15, $0xb8;
	[tilespmem:$0x1E8C0] =	vst v63  }
0xb5: {  	_ =	swait.ge [sflag:s21], $0x2800  }
0xb6: {  	[sflag:s21] =	ssyncset.done $0x0  }
0xb7: {  	[sflag:s21] =	ssyncadd.s32 $0xFFFFD800  }
0xb8: {  	_ =	swait.ge [sflag:s23], $0x2800  }
0xb9: {  	[sflag:s23] =	ssyncset.done $0x0  }
0xba: {  	[sflag:s23] =	ssyncadd.s32 $0xFFFFD800  }
0xbb: {  	_ =	swait.ge [sflag:s21], $0x2800  }
0xbc: {  	[sflag:s21] =	ssyncset.done $0x0  }
0xbd: {  	[sflag:s21] =	ssyncadd.s32 $0xFFFFD800  }
0xbe: {  	s10 =	simm.s32 $0x100;
	_ =	swait.ge [sflag:s23], $0x2800  }
0xbf: {  	s11 =	simm.s32 $0x200;
	s12 =	rddreg [dreg:$0x4];
	[sflag:s23] =	ssyncset.done $0x0  }
.LBB2_2:
0xc0: {  	[sflag:s23] =	ssyncadd.s32 $0xFFFFD800;
	s12 =	sadd.s32 s10, s12  }
0xc1: {  	[tilespmem:s3], [sflag:$0x7] =	stream.linear.gather [hbm4b:s12+s3], $0x800, $0x38;
	[tilespmem:$0x1E8C0] =	vst v63  }
0xc2: {  	_ =	swait.ge [sflag:s13], $0x800  }
0xc3: {  	s12 =	rddreg [dreg:$0x3];
	[sflag:s13] =	ssyncset.done $0x0  }
0xc4: {  	[sflag:s13] =	ssyncadd.s32 $0xFFFFF800;
	s12 =	sadd.s32 s10, s12  }
0xc5: {  	[tilespmem:s14], [sflag:$0x7] =	stream.linear.gather [hbm4b:s12+s3], $0x800, $0x38;
	[tilespmem:$0x1E8C0] =	vst v63  }
0xc6: {  	_ =	swait.ge [sflag:s13], $0x800  }
0xc7: {  	[sflag:s13] =	ssyncset.done $0x0  }
0xc8: {  	s9 =	smov.u32 s11;
	[sflag:s13] =	ssyncadd.s32 $0xFFFFF800  }
0xc9: {  	[tilespmem:s16], [sflag:$0x1] =	stream.indirect.gather [hbm4b:s4+s15], $0x80, s3, s15, $0xb8;
	[tilespmem:$0x1E8C0] =	vst v63  }
0xca: {  	s10 =	smov.u32 s9;
	s9 =	rddreg [dreg:$0x5]  }
0xcb: {  	[tilespmem:s17], [sflag:$0x2] =	stream.indirect.gather [hbm4b:s4+s15], $0x80, s9, s15, $0xb8;
	[tilespmem:$0x1E8C0] =	vst v63  }
0xcc: {  	s12 =	rddreg [dreg:$0x6]  }
0xcd: {  	[tilespmem:s18], [sflag:$0x3] =	stream.indirect.gather [hbm4b:s4+s15], $0x80, s12, s15, $0xb8;
	[tilespmem:$0x1E8C0] =	vst v63  }
0xce: {  	s9 =	rddreg [dreg:$0x7]  }
0xcf: {  	[tilespmem:s19], [sflag:$0x4] =	stream.indirect.gather [hbm4b:s4+s15], $0x80, s9, s15, $0xb8;
	[tilespmem:$0x1E8C0] =	vst v63  }
0xd0: {  	_ =	swait.ge [sflag:s20], $0x2800  }
0xd1: {  	[sflag:s20] =	ssyncset.done $0x0  }
0xd2: {  	[sflag:s20] =	ssyncadd.s32 $0xFFFFD800  }
0xd3: {  	[spmem:s1] =	stream.indirect.scatter.add.f32 [tilespmem:s16], [sflag:$0x5], $0x80, s14, s15, $0xb8;
	[tilespmem:$0x1E8C0] =	vst v63  }
0xd4: {  	_ =	swait.ge [sflag:s21], $0x2800  }
0xd5: {  	[sflag:s21] =	ssyncset.done $0x0  }
0xd6: {  	s12 =	rddreg [dreg:$0x8];
	[sflag:s21] =	ssyncadd.s32 $0xFFFFD800  }
0xd7: {  	[tilespmem:s16], [sflag:$0x1] =	stream.indirect.gather [hbm4b:s4+s15], $0x80, s12, s15, $0xb8;
	[tilespmem:$0x1E8C0] =	vst v63  }
0xd8: {  	_ =	swait.ge [sflag:s22], $0x2800  }
0xd9: {  	[sflag:s22] =	ssyncset.done $0x0  }
0xda: {  	s12 =	rddreg [dreg:$0x9];
	[sflag:s22] =	ssyncadd.s32 $0xFFFFD800  }
0xdb: {  	[spmem:s1] =	stream.indirect.scatter.add.f32 [tilespmem:s17], [sflag:$0x6], $0x80, s12, s15, $0xb8;
	[tilespmem:$0x1E8C0] =	vst v63  }
0xdc: {  	_ =	swait.ge [sflag:s23], $0x2800  }
0xdd: {  	[sflag:s23] =	ssyncset.done $0x0  }
0xde: {  	s12 =	rddreg [dreg:$0xa];
	[sflag:s23] =	ssyncadd.s32 $0xFFFFD800  }
0xdf: {  	[tilespmem:s17], [sflag:$0x2] =	stream.indirect.gather [hbm4b:s4+s15], $0x80, s12, s15, $0xb8;
	[tilespmem:$0x1E8C0] =	vst v63  }
0xe0: {  	_ =	swait.ge [sflag:s24], $0x2800  }
0xe1: {  	[sflag:s24] =	ssyncset.done $0x0  }
0xe2: {  	s12 =	rddreg [dreg:$0xb];
	[sflag:s24] =	ssyncadd.s32 $0xFFFFD800  }
0xe3: {  	[spmem:s1] =	stream.indirect.scatter.add.f32 [tilespmem:s18], [sflag:$0x5], $0x80, s12, s15, $0xb8;
	[tilespmem:$0x1E8C0] =	vst v63  }
0xe4: {  	_ =	swait.ge [sflag:s21], $0x2800  }
0xe5: {  	[sflag:s21] =	ssyncset.done $0x0  }
0xe6: {  	s12 =	rddreg [dreg:$0xc];
	[sflag:s21] =	ssyncadd.s32 $0xFFFFD800  }
0xe7: {  	[tilespmem:s18], [sflag:$0x3] =	stream.indirect.gather [hbm4b:s4+s15], $0x80, s12, s15, $0xb8;
	[tilespmem:$0x1E8C0] =	vst v63  }
0xe8: {  	_ =	swait.ge [sflag:s25], $0x2800  }
0xe9: {  	[sflag:s25] =	ssyncset.done $0x0  }
0xea: {  	s12 =	rddreg [dreg:$0xd];
	[sflag:s25] =	ssyncadd.s32 $0xFFFFD800  }
0xeb: {  	[spmem:s1] =	stream.indirect.scatter.add.f32 [tilespmem:s19], [sflag:$0x6], $0x80, s12, s15, $0xb8;
	[tilespmem:$0x1E8C0] =	vst v63  }
0xec: {  	_ =	swait.ge [sflag:s23], $0x2800  }
0xed: {  	[sflag:s23] =	ssyncset.done $0x0  }
0xee: {  	s12 =	rddreg [dreg:$0xe];
	[sflag:s23] =	ssyncadd.s32 $0xFFFFD800  }
0xef: {  	[tilespmem:s19], [sflag:$0x4] =	stream.indirect.gather [hbm4b:s4+s15], $0x80, s12, s15, $0xb8;
	[tilespmem:$0x1E8C0] =	vst v63  }
0xf0: {  	_ =	swait.ge [sflag:s20], $0x2800  }
0xf1: {  	[sflag:s20] =	ssyncset.done $0x0  }
0xf2: {  	s12 =	rddreg [dreg:$0xf];
	[sflag:s20] =	ssyncadd.s32 $0xFFFFD800  }
0xf3: {  	[spmem:s1] =	stream.indirect.scatter.add.f32 [tilespmem:s16], [sflag:$0x5], $0x80, s12, s15, $0xb8;
	[tilespmem:$0x1E8C0] =	vst v63  }
0xf4: {  	_ =	swait.ge [sflag:s21], $0x2800  }
0xf5: {  	[sflag:s21] =	ssyncset.done $0x0  }
0xf6: {  	s12 =	rddreg [dreg:$0x10];
	[sflag:s21] =	ssyncadd.s32 $0xFFFFD800  }
0xf7: {  	[tilespmem:s16], [sflag:$0x1] =	stream.indirect.gather [hbm4b:s4+s15], $0x80, s12, s15, $0xb8;
	[tilespmem:$0x1E8C0] =	vst v63  }
0xf8: {  	_ =	swait.ge [sflag:s22], $0x2800  }
0xf9: {  	[sflag:s22] =	ssyncset.done $0x0  }
0xfa: {  	s12 =	rddreg [dreg:$0x11];
	[sflag:s22] =	ssyncadd.s32 $0xFFFFD800  }
0xfb: {  	[spmem:s1] =	stream.indirect.scatter.add.f32 [tilespmem:s17], [sflag:$0x6], $0x80, s12, s15, $0xb8;
	[tilespmem:$0x1E8C0] =	vst v63  }
0xfc: {  	_ =	swait.ge [sflag:s23], $0x2800  }
0xfd: {  	[sflag:s23] =	ssyncset.done $0x0  }
0xfe: {  	s12 =	rddreg [dreg:$0x12];
	[sflag:s23] =	ssyncadd.s32 $0xFFFFD800  }
0xff: {  	[tilespmem:s17], [sflag:$0x2] =	stream.indirect.gather [hbm4b:s4+s15], $0x80, s12, s15, $0xb8;
	[tilespmem:$0x1E8C0] =	vst v63  }
0x100: {  	_ =	swait.ge [sflag:s24], $0x2800  }
0x101: {  	[sflag:s24] =	ssyncset.done $0x0  }
0x102: {  	s12 =	rddreg [dreg:$0x13];
	[sflag:s24] =	ssyncadd.s32 $0xFFFFD800  }
0x103: {  	[spmem:s1] =	stream.indirect.scatter.add.f32 [tilespmem:s18], [sflag:$0x5], $0x80, s12, s15, $0xb8;
	[tilespmem:$0x1E8C0] =	vst v63  }
0x104: {  	_ =	swait.ge [sflag:s21], $0x2800  }
0x105: {  	[sflag:s21] =	ssyncset.done $0x0  }
0x106: {  	s12 =	rddreg [dreg:$0x14];
	[sflag:s21] =	ssyncadd.s32 $0xFFFFD800  }
0x107: {  	[tilespmem:s18], [sflag:$0x3] =	stream.indirect.gather [hbm4b:s4+s15], $0x80, s12, s15, $0xb8;
	[tilespmem:$0x1E8C0] =	vst v63  }
0x108: {  	_ =	swait.ge [sflag:s25], $0x2800  }
0x109: {  	[sflag:s25] =	ssyncset.done $0x0  }
0x10a: {  	s12 =	rddreg [dreg:$0x15];
	[sflag:s25] =	ssyncadd.s32 $0xFFFFD800  }
0x10b: {  	[spmem:s1] =	stream.indirect.scatter.add.f32 [tilespmem:s19], [sflag:$0x6], $0x80, s12, s15, $0xb8;
	[tilespmem:$0x1E8C0] =	vst v63  }
0x10c: {  	_ =	swait.ge [sflag:s23], $0x2800  }
0x10d: {  	[sflag:s23] =	ssyncset.done $0x0  }
0x10e: {  	s12 =	rddreg [dreg:$0x16];
	[sflag:s23] =	ssyncadd.s32 $0xFFFFD800  }
0x10f: {  	[tilespmem:s19], [sflag:$0x4] =	stream.indirect.gather [hbm4b:s4+s15], $0x80, s12, s15, $0xb8;
	[tilespmem:$0x1E8C0] =	vst v63  }
0x110: {  	_ =	swait.ge [sflag:s20], $0x2800  }
0x111: {  	[sflag:s20] =	ssyncset.done $0x0  }
0x112: {  	s12 =	rddreg [dreg:$0x17];
	[sflag:s20] =	ssyncadd.s32 $0xFFFFD800  }
0x113: {  	[spmem:s1] =	stream.indirect.scatter.add.f32 [tilespmem:s16], [sflag:$0x5], $0x80, s12, s15, $0xb8;
	[tilespmem:$0x1E8C0] =	vst v63  }
0x114: {  	_ =	swait.ge [sflag:s21], $0x2800  }
0x115: {  	[sflag:s21] =	ssyncset.done $0x0  }
0x116: {  	[sflag:s21] =	ssyncadd.s32 $0xFFFFD800  }
0x117: {  	[tilespmem:s16], [sflag:$0x1] =	stream.indirect.gather [hbm4b:s4+s15], $0x80, s26, s15, $0xb8;
	[tilespmem:$0x1E8C0] =	vst v63  }
0x118: {  	_ =	swait.ge [sflag:s22], $0x2800  }
0x119: {  	[sflag:s22] =	ssyncset.done $0x0  }
0x11a: {  	[sflag:s22] =	ssyncadd.s32 $0xFFFFD800  }
0x11b: {  	[spmem:s1] =	stream.indirect.scatter.add.f32 [tilespmem:s17], [sflag:$0x6], $0x80, s28, s15, $0xb8;
	[tilespmem:$0x1E8C0] =	vst v63  }
0x11c: {  	_ =	swait.ge [sflag:s23], $0x2800  }
0x11d: {  	[sflag:s23] =	ssyncset.done $0x0  }
0x11e: {  	[sflag:s23] =	ssyncadd.s32 $0xFFFFD800  }
0x11f: {  	[tilespmem:s17], [sflag:$0x2] =	stream.indirect.gather [hbm4b:s4+s15], $0x80, s29, s15, $0xb8;
	[tilespmem:$0x1E8C0] =	vst v63  }
0x120: {  	_ =	swait.ge [sflag:s24], $0x2800  }
0x121: {  	[sflag:s24] =	ssyncset.done $0x0  }
0x122: {  	[sflag:s24] =	ssyncadd.s32 $0xFFFFD800  }
0x123: {  	[spmem:s1] =	stream.indirect.scatter.add.f32 [tilespmem:s18], [sflag:$0x5], $0x80, s30, s15, $0xb8;
	[tilespmem:$0x1E8C0] =	vst v63  }
0x124: {  	_ =	swait.ge [sflag:s21], $0x2800  }
0x125: {  	[sflag:s21] =	ssyncset.done $0x0  }
0x126: {  	[sflag:s21] =	ssyncadd.s32 $0xFFFFD800  }
0x127: {  	[tilespmem:s18], [sflag:$0x3] =	stream.indirect.gather [hbm4b:s4+s15], $0x80, s31, s15, $0xb8;
	[tilespmem:$0x1E8C0] =	vst v63  }
0x128: {  	_ =	swait.ge [sflag:s25], $0x2800  }
0x129: {  	[sflag:s25] =	ssyncset.done $0x0  }
0x12a: {  	[sflag:s25] =	ssyncadd.s32 $0xFFFFD800  }
0x12b: {  	[spmem:s1] =	stream.indirect.scatter.add.f32 [tilespmem:s19], [sflag:$0x6], $0x80, s0, s15, $0xb8;
	[tilespmem:$0x1E8C0] =	vst v63  }
0x12c: {  	_ =	swait.ge [sflag:s23], $0x2800  }
0x12d: {  	[sflag:s23] =	ssyncset.done $0x0  }
0x12e: {  	[sflag:s23] =	ssyncadd.s32 $0xFFFFD800  }
0x12f: {  	[tilespmem:s19], [sflag:$0x4] =	stream.indirect.gather [hbm4b:s4+s15], $0x80, s2, s15, $0xb8;
	[tilespmem:$0x1E8C0] =	vst v63  }
0x130: {  	_ =	swait.ge [sflag:s20], $0x2800  }
0x131: {  	[sflag:s20] =	ssyncset.done $0x0  }
0x132: {  	[sflag:s20] =	ssyncadd.s32 $0xFFFFD800  }
0x133: {  	[spmem:s1] =	stream.indirect.scatter.add.f32 [tilespmem:s16], [sflag:$0x5], $0x80, s5, s15, $0xb8;
	[tilespmem:$0x1E8C0] =	vst v63  }
0x134: {  	_ =	swait.ge [sflag:s22], $0x2800  }
0x135: {  	[sflag:s22] =	ssyncset.done $0x0  }
0x136: {  	[sflag:s22] =	ssyncadd.s32 $0xFFFFD800  }
0x137: {  	[spmem:s1] =	stream.indirect.scatter.add.f32 [tilespmem:s17], [sflag:$0x6], $0x80, s6, s15, $0xb8;
	[tilespmem:$0x1E8C0] =	vst v63  }
0x138: {  	_ =	swait.ge [sflag:s24], $0x2800  }
0x139: {  	[sflag:s24] =	ssyncset.done $0x0  }
0x13a: {  	[sflag:s24] =	ssyncadd.s32 $0xFFFFD800  }
0x13b: {  	[spmem:s1] =	stream.indirect.scatter.add.f32 [tilespmem:s18], [sflag:$0x5], $0x80, s7, s15, $0xb8;
	[tilespmem:$0x1E8C0] =	vst v63  }
0x13c: {  	_ =	swait.ge [sflag:s25], $0x2800  }
0x13d: {  	[sflag:s25] =	ssyncset.done $0x0  }
0x13e: {  	[sflag:s25] =	ssyncadd.s32 $0xFFFFD800  }
0x13f: {  	[spmem:s1] =	stream.indirect.scatter.add.f32 [tilespmem:s19], [sflag:$0x6], $0x80, s8, s15, $0xb8;
	[tilespmem:$0x1E8C0] =	vst v63  }
0x140: {  	_ =	swait.ge [sflag:s21], $0x2800  }
0x141: {  	[sflag:s21] =	ssyncset.done $0x0  }
0x142: {  	[sflag:s21] =	ssyncadd.s32 $0xFFFFD800  }
0x143: {  	_ =	swait.ge [sflag:s23], $0x2800  }
0x144: {  	[sflag:s23] =	ssyncset.done $0x0  }
0x145: {  	p1 =	sne.s32 s11, $0x700;
	[sflag:s23] =	ssyncadd.s32 $0xFFFFD800  }
.Ltmp0:
0x146: {  	_ =	swait.ge [sflag:s21], $0x2800;
	(pc) =	sbr.rel @p1 .LBB2_2-.Ltmp0, $4  }
0x147: {  	[sflag:s21] =	ssyncset.done $0x0  }
0x148: {  	[sflag:s21] =	ssyncadd.s32 $0xFFFFD800  }
0x149: {  	_ =	swait.ge [sflag:s23], $0x2800  }
0x14a: {  	s11 =	sadd.s32 $0x100, s11;
	s12 =	rddreg [dreg:$0x4];
	[sflag:s23] =	ssyncset.done $0x0  }
0x14b: {  	[sflag:s23] =	ssyncadd.s32 $0xFFFFD800;
	s9 =	sadd.s32 s10, s12  }
0x14c: {  	[tilespmem:s3], [sflag:$0x7] =	stream.linear.gather [hbm4b:s9+s3], $0x800, $0x38;
	[tilespmem:$0x1E8C0] =	vst v63  }
0x14d: {  	_ =	swait.ge [sflag:s13], $0x800  }
0x14e: {  	s12 =	rddreg [dreg:$0x3];
	[sflag:s13] =	ssyncset.done $0x0  }
0x14f: {  	[sflag:s13] =	ssyncadd.s32 $0xFFFFF800;
	s9 =	sadd.s32 s10, s12  }
0x150: {  	[tilespmem:s14], [sflag:$0x7] =	stream.linear.gather [hbm4b:s9+s3], $0x800, $0x38;
	[tilespmem:$0x1E8C0] =	vst v63  }
0x151: {  	_ =	swait.ge [sflag:s13], $0x800  }
0x152: {  	[sflag:s13] =	ssyncset.done $0x0  }
0x153: {  	[sflag:s13] =	ssyncadd.s32 $0xFFFFF800  }
0x154: {  	[tilespmem:s16], [sflag:$0x1] =	stream.indirect.gather [hbm4b:s4+s15], $0x80, s3, s15, $0xb8;
	[tilespmem:$0x1E8C0] =	vst v63  }
0x155: {  	s11 =	rddreg [dreg:$0x5]  }
0x156: {  	[tilespmem:s17], [sflag:$0x2] =	stream.indirect.gather [hbm4b:s4+s15], $0x80, s11, s15, $0xb8;
	[tilespmem:$0x1E8C0] =	vst v63  }
0x157: {  	s12 =	rddreg [dreg:$0x6]  }
0x158: {  	[tilespmem:s18], [sflag:$0x3] =	stream.indirect.gather [hbm4b:s4+s15], $0x80, s12, s15, $0xb8;
	[tilespmem:$0x1E8C0] =	vst v63  }
0x159: {  	s11 =	rddreg [dreg:$0x7]  }
0x15a: {  	[tilespmem:s19], [sflag:$0x4] =	stream.indirect.gather [hbm4b:s4+s15], $0x80, s11, s15, $0xb8;
	[tilespmem:$0x1E8C0] =	vst v63  }
0x15b: {  	_ =	swait.ge [sflag:s20], $0x2800  }
0x15c: {  	[sflag:s20] =	ssyncset.done $0x0  }
0x15d: {  	[sflag:s20] =	ssyncadd.s32 $0xFFFFD800  }
0x15e: {  	[spmem:s1] =	stream.indirect.scatter.add.f32 [tilespmem:s16], [sflag:$0x5], $0x80, s14, s15, $0xb8;
	[tilespmem:$0x1E8C0] =	vst v63  }
0x15f: {  	_ =	swait.ge [sflag:s21], $0x2800  }
0x160: {  	[sflag:s21] =	ssyncset.done $0x0  }
0x161: {  	s12 =	rddreg [dreg:$0x8];
	[sflag:s21] =	ssyncadd.s32 $0xFFFFD800  }
0x162: {  	[tilespmem:s16], [sflag:$0x1] =	stream.indirect.gather [hbm4b:s4+s15], $0x80, s12, s15, $0xb8;
	[tilespmem:$0x1E8C0] =	vst v63  }
0x163: {  	_ =	swait.ge [sflag:s22], $0x2800  }
0x164: {  	[sflag:s22] =	ssyncset.done $0x0  }
0x165: {  	s10 =	rddreg [dreg:$0x9];
	[sflag:s22] =	ssyncadd.s32 $0xFFFFD800  }
0x166: {  	[spmem:s1] =	stream.indirect.scatter.add.f32 [tilespmem:s17], [sflag:$0x6], $0x80, s10, s15, $0xb8;
	[tilespmem:$0x1E8C0] =	vst v63  }
0x167: {  	_ =	swait.ge [sflag:s23], $0x2800  }
0x168: {  	[sflag:s23] =	ssyncset.done $0x0  }
0x169: {  	s11 =	rddreg [dreg:$0xa];
	[sflag:s23] =	ssyncadd.s32 $0xFFFFD800  }
0x16a: {  	[tilespmem:s17], [sflag:$0x2] =	stream.indirect.gather [hbm4b:s4+s15], $0x80, s11, s15, $0xb8;
	[tilespmem:$0x1E8C0] =	vst v63  }
0x16b: {  	_ =	swait.ge [sflag:s24], $0x2800  }
0x16c: {  	[sflag:s24] =	ssyncset.done $0x0  }
0x16d: {  	s12 =	rddreg [dreg:$0xb];
	[sflag:s24] =	ssyncadd.s32 $0xFFFFD800  }
0x16e: {  	[spmem:s1] =	stream.indirect.scatter.add.f32 [tilespmem:s18], [sflag:$0x5], $0x80, s12, s15, $0xb8;
	[tilespmem:$0x1E8C0] =	vst v63  }
0x16f: {  	_ =	swait.ge [sflag:s21], $0x2800  }
0x170: {  	[sflag:s21] =	ssyncset.done $0x0  }
0x171: {  	s10 =	rddreg [dreg:$0xc];
	[sflag:s21] =	ssyncadd.s32 $0xFFFFD800  }
0x172: {  	[tilespmem:s18], [sflag:$0x3] =	stream.indirect.gather [hbm4b:s4+s15], $0x80, s10, s15, $0xb8;
	[tilespmem:$0x1E8C0] =	vst v63  }
0x173: {  	_ =	swait.ge [sflag:s25], $0x2800  }
0x174: {  	[sflag:s25] =	ssyncset.done $0x0  }
0x175: {  	s11 =	rddreg [dreg:$0xd];
	[sflag:s25] =	ssyncadd.s32 $0xFFFFD800  }
0x176: {  	[spmem:s1] =	stream.indirect.scatter.add.f32 [tilespmem:s19], [sflag:$0x6], $0x80, s11, s15, $0xb8;
	[tilespmem:$0x1E8C0] =	vst v63  }
0x177: {  	_ =	swait.ge [sflag:s23], $0x2800  }
0x178: {  	[sflag:s23] =	ssyncset.done $0x0  }
0x179: {  	s12 =	rddreg [dreg:$0xe];
	[sflag:s23] =	ssyncadd.s32 $0xFFFFD800  }
0x17a: {  	[tilespmem:s19], [sflag:$0x4] =	stream.indirect.gather [hbm4b:s4+s15], $0x80, s12, s15, $0xb8;
	[tilespmem:$0x1E8C0] =	vst v63  }
0x17b: {  	_ =	swait.ge [sflag:s20], $0x2800  }
0x17c: {  	[sflag:s20] =	ssyncset.done $0x0  }
0x17d: {  	s10 =	rddreg [dreg:$0xf];
	[sflag:s20] =	ssyncadd.s32 $0xFFFFD800  }
0x17e: {  	[spmem:s1] =	stream.indirect.scatter.add.f32 [tilespmem:s16], [sflag:$0x5], $0x80, s10, s15, $0xb8;
	[tilespmem:$0x1E8C0] =	vst v63  }
0x17f: {  	_ =	swait.ge [sflag:s21], $0x2800  }
0x180: {  	[sflag:s21] =	ssyncset.done $0x0  }
0x181: {  	s11 =	rddreg [dreg:$0x10];
	[sflag:s21] =	ssyncadd.s32 $0xFFFFD800  }
0x182: {  	[tilespmem:s16], [sflag:$0x1] =	stream.indirect.gather [hbm4b:s4+s15], $0x80, s11, s15, $0xb8;
	[tilespmem:$0x1E8C0] =	vst v63  }
0x183: {  	_ =	swait.ge [sflag:s22], $0x2800  }
0x184: {  	[sflag:s22] =	ssyncset.done $0x0  }
0x185: {  	s12 =	rddreg [dreg:$0x11];
	[sflag:s22] =	ssyncadd.s32 $0xFFFFD800  }
0x186: {  	[spmem:s1] =	stream.indirect.scatter.add.f32 [tilespmem:s17], [sflag:$0x6], $0x80, s12, s15, $0xb8;
	[tilespmem:$0x1E8C0] =	vst v63  }
0x187: {  	_ =	swait.ge [sflag:s23], $0x2800  }
0x188: {  	[sflag:s23] =	ssyncset.done $0x0  }
0x189: {  	s10 =	rddreg [dreg:$0x12];
	[sflag:s23] =	ssyncadd.s32 $0xFFFFD800  }
0x18a: {  	[tilespmem:s17], [sflag:$0x2] =	stream.indirect.gather [hbm4b:s4+s15], $0x80, s10, s15, $0xb8;
	[tilespmem:$0x1E8C0] =	vst v63  }
0x18b: {  	_ =	swait.ge [sflag:s24], $0x2800  }
0x18c: {  	[sflag:s24] =	ssyncset.done $0x0  }
0x18d: {  	s11 =	rddreg [dreg:$0x13];
	[sflag:s24] =	ssyncadd.s32 $0xFFFFD800  }
0x18e: {  	[spmem:s1] =	stream.indirect.scatter.add.f32 [tilespmem:s18], [sflag:$0x5], $0x80, s11, s15, $0xb8;
	[tilespmem:$0x1E8C0] =	vst v63  }
0x18f: {  	_ =	swait.ge [sflag:s21], $0x2800  }
0x190: {  	[sflag:s21] =	ssyncset.done $0x0  }
0x191: {  	s12 =	rddreg [dreg:$0x14];
	[sflag:s21] =	ssyncadd.s32 $0xFFFFD800  }
0x192: {  	[tilespmem:s18], [sflag:$0x3] =	stream.indirect.gather [hbm4b:s4+s15], $0x80, s12, s15, $0xb8;
	[tilespmem:$0x1E8C0] =	vst v63  }
0x193: {  	_ =	swait.ge [sflag:s25], $0x2800  }
0x194: {  	[sflag:s25] =	ssyncset.done $0x0  }
0x195: {  	s10 =	rddreg [dreg:$0x15];
	[sflag:s25] =	ssyncadd.s32 $0xFFFFD800  }
0x196: {  	[spmem:s1] =	stream.indirect.scatter.add.f32 [tilespmem:s19], [sflag:$0x6], $0x80, s10, s15, $0xb8;
	[tilespmem:$0x1E8C0] =	vst v63  }
0x197: {  	_ =	swait.ge [sflag:s23], $0x2800  }
0x198: {  	[sflag:s23] =	ssyncset.done $0x0  }
0x199: {  	s11 =	rddreg [dreg:$0x16];
	[sflag:s23] =	ssyncadd.s32 $0xFFFFD800  }
0x19a: {  	[tilespmem:s19], [sflag:$0x4] =	stream.indirect.gather [hbm4b:s4+s15], $0x80, s11, s15, $0xb8;
	[tilespmem:$0x1E8C0] =	vst v63  }
0x19b: {  	_ =	swait.ge [sflag:s20], $0x2800  }
0x19c: {  	[sflag:s20] =	ssyncset.done $0x0  }
0x19d: {  	s12 =	rddreg [dreg:$0x17];
	[sflag:s20] =	ssyncadd.s32 $0xFFFFD800  }
0x19e: {  	[spmem:s1] =	stream.indirect.scatter.add.f32 [tilespmem:s16], [sflag:$0x5], $0x80, s12, s15, $0xb8;
	[tilespmem:$0x1E8C0] =	vst v63  }
0x19f: {  	_ =	swait.ge [sflag:s21], $0x2800  }
0x1a0: {  	[sflag:s21] =	ssyncset.done $0x0  }
0x1a1: {  	[sflag:s21] =	ssyncadd.s32 $0xFFFFD800  }
0x1a2: {  	[tilespmem:s16], [sflag:$0x1] =	stream.indirect.gather [hbm4b:s4+s15], $0x80, s26, s15, $0xb8;
	[tilespmem:$0x1E8C0] =	vst v63  }
0x1a3: {  	_ =	swait.ge [sflag:s22], $0x2800  }
0x1a4: {  	[sflag:s22] =	ssyncset.done $0x0  }
0x1a5: {  	[sflag:s22] =	ssyncadd.s32 $0xFFFFD800  }
0x1a6: {  	[spmem:s1] =	stream.indirect.scatter.add.f32 [tilespmem:s17], [sflag:$0x6], $0x80, s28, s15, $0xb8;
	[tilespmem:$0x1E8C0] =	vst v63  }
0x1a7: {  	_ =	swait.ge [sflag:s23], $0x2800  }
0x1a8: {  	[sflag:s23] =	ssyncset.done $0x0  }
0x1a9: {  	[sflag:s23] =	ssyncadd.s32 $0xFFFFD800  }
0x1aa: {  	[tilespmem:s17], [sflag:$0x2] =	stream.indirect.gather [hbm4b:s4+s15], $0x80, s29, s15, $0xb8;
	[tilespmem:$0x1E8C0] =	vst v63  }
0x1ab: {  	_ =	swait.ge [sflag:s24], $0x2800  }
0x1ac: {  	[sflag:s24] =	ssyncset.done $0x0  }
0x1ad: {  	[sflag:s24] =	ssyncadd.s32 $0xFFFFD800  }
0x1ae: {  	[spmem:s1] =	stream.indirect.scatter.add.f32 [tilespmem:s18], [sflag:$0x5], $0x80, s30, s15, $0xb8;
	[tilespmem:$0x1E8C0] =	vst v63  }
0x1af: {  	_ =	swait.ge [sflag:s21], $0x2800  }
0x1b0: {  	[sflag:s21] =	ssyncset.done $0x0  }
0x1b1: {  	[sflag:s21] =	ssyncadd.s32 $0xFFFFD800  }
0x1b2: {  	[tilespmem:s18], [sflag:$0x3] =	stream.indirect.gather [hbm4b:s4+s15], $0x80, s31, s15, $0xb8;
	[tilespmem:$0x1E8C0] =	vst v63  }
0x1b3: {  	_ =	swait.ge [sflag:s25], $0x2800  }
0x1b4: {  	[sflag:s25] =	ssyncset.done $0x0  }
0x1b5: {  	[sflag:s25] =	ssyncadd.s32 $0xFFFFD800  }
0x1b6: {  	[spmem:s1] =	stream.indirect.scatter.add.f32 [tilespmem:s19], [sflag:$0x6], $0x80, s0, s15, $0xb8;
	[tilespmem:$0x1E8C0] =	vst v63  }
0x1b7: {  	_ =	swait.ge [sflag:s23], $0x2800  }
0x1b8: {  	[sflag:s23] =	ssyncset.done $0x0  }
0x1b9: {  	[sflag:s23] =	ssyncadd.s32 $0xFFFFD800  }
0x1ba: {  	[tilespmem:s19], [sflag:$0x4] =	stream.indirect.gather [hbm4b:s4+s15], $0x80, s2, s15, $0xb8;
	[tilespmem:$0x1E8C0] =	vst v63  }
0x1bb: {  	_ =	swait.ge [sflag:s20], $0x2800  }
0x1bc: {  	[sflag:s20] =	ssyncset.done $0x0  }
0x1bd: {  	[sflag:s20] =	ssyncadd.s32 $0xFFFFD800  }
0x1be: {  	[spmem:s1] =	stream.indirect.scatter.add.f32 [tilespmem:s16], [sflag:$0x5], $0x80, s5, s15, $0xb8;
	[tilespmem:$0x1E8C0] =	vst v63  }
0x1bf: {  	_ =	swait.ge [sflag:s22], $0x2800  }
0x1c0: {  	[sflag:s22] =	ssyncset.done $0x0  }
0x1c1: {  	[sflag:s22] =	ssyncadd.s32 $0xFFFFD800  }
0x1c2: {  	[spmem:s1] =	stream.indirect.scatter.add.f32 [tilespmem:s17], [sflag:$0x6], $0x80, s6, s15, $0xb8;
	[tilespmem:$0x1E8C0] =	vst v63  }
0x1c3: {  	_ =	swait.ge [sflag:s24], $0x2800  }
0x1c4: {  	[sflag:s24] =	ssyncset.done $0x0  }
0x1c5: {  	[sflag:s24] =	ssyncadd.s32 $0xFFFFD800  }
0x1c6: {  	[spmem:s1] =	stream.indirect.scatter.add.f32 [tilespmem:s18], [sflag:$0x5], $0x80, s7, s15, $0xb8;
	[tilespmem:$0x1E8C0] =	vst v63  }
0x1c7: {  	_ =	swait.ge [sflag:s25], $0x2800  }
0x1c8: {  	[sflag:s25] =	ssyncset.done $0x0  }
0x1c9: {  	[sflag:s25] =	ssyncadd.s32 $0xFFFFD800  }
0x1ca: {  	[spmem:s1] =	stream.indirect.scatter.add.f32 [tilespmem:s19], [sflag:$0x6], $0x80, s8, s15, $0xb8;
	[tilespmem:$0x1E8C0] =	vst v63  }
0x1cb: {  	_ =	swait.ge [sflag:s21], $0x2800  }
0x1cc: {  	[sflag:s21] =	ssyncset.done $0x0  }
0x1cd: {  	[sflag:s21] =	ssyncadd.s32 $0xFFFFD800  }
0x1ce: {  	_ =	swait.ge [sflag:s23], $0x2800  }
0x1cf: {  	[sflag:s23] =	ssyncset.done $0x0  }
0x1d0: {  	[sflag:s23] =	ssyncadd.s32 $0xFFFFD800  }
0x1d1: {  	_ =	swait.ge [sflag:s21], $0x2800  }
0x1d2: {  	[sflag:s21] =	ssyncset.done $0x0  }
0x1d3: {  	[sflag:s21] =	ssyncadd.s32 $0xFFFFD800  }
0x1d4: {  	_ =	swait.ge [sflag:s23], $0x2800  }
0x1d5: {  	[sflag:s23] =	ssyncset.done $0x0  }
0x1d6: {  	[sflag:s23] =	ssyncadd.s32 $0xFFFFD800  }
0x1d7: {  	[bflag:$0x0] =	sbarrier.arrive $0xFFFF  }
0x1d8: {  	s10 =	rddreg [dreg:$0x1b]  }
0x1d9: {  	s9 =	simm.s32 @p0 $0x1FC7;
	s11 =	rddreg [dreg:$0x1d]  }
0x1da: {  	[hbm:s10], [sflag:s9] =	dma.local @p0 [spmem:s11], $0x2080  }
0x1db: {  	s9 =	simm.s32 @p0 $0x7  }
0x1dc: {  	_ =	swait.ge @p0 [sflag:s9], $0x2080  }
0x1dd: {  	s11 =	rddreg [dreg:$0x1e]  }
0x1de: {  	[sflag:s9] =	ssyncset.done @p0 $0x0;
	s10 =	rddreg [dreg:$0x1f]  }
0x1df: {  	[sflag:s9] =	ssyncadd.s32 @p0 $0xFFFFDF80;
	s9 =	rddreg [dreg:$0x1a]  }
0x1e0: {  	[hbm:s9], [sflag:s11] =	dma.local @!p0 [spmem:s10], $0x2780  }
0x1e1: {  	s9 =	simm.s32 @!p0 $0x7  }
0x1e2: {  	_ =	swait.ge @!p0 [sflag:s9], $0x2780  }
0x1e3: {  	s10 =	sld [smem:$0x7FD];
	_ =	sdelay $0x2  }
0x1e4: {  	s12 =	sadd.s32 $0x1, s10;
	s10 =	rddreg [dreg:$0x1c]  }
0x1e5: {  	p1 =	sne.s32 s12, s10  }
.Ltmp1:
0x1e6: {  	_ = 	snop;
	(pc) =	sbr.rel @p1 .LBB2_1-.Ltmp1, $3  }
0x1e7: {  	_ =	sdelay $0x1  }
0x1e8: {  	[sflag:s9] =	ssyncset.done @!p0 $0x0;
	[smem:$0x7FD] =	sst s12  }
0x1e9: {  	[sflag:s9] =	ssyncadd.s32 @!p0 $0xFFFFD880;
	s12 =	rddreg [dreg:$0x1d]  }
0x1ea: {  	_ =	sfence.sel $0x180000  }
0x1eb: {  	[bflag:$0x0] =	sbarrier.arrive $0xFFFF  }
0x1ec: {  	_ =	strace $0x9000004A  }
0x1ed: {  	s0 =	stileid.u32;
	[bflag:$0x2] =	sbarrier.arrive $0xFFFF  }
0x1ee: {  	p0 =	sne.s32 s0, $0x0;
	s0 =	rddreg [dreg:$0x2]  }
0x1ef: {  	s0 =	sadd.s32 @!p0 $0x100000, s0  }
0x1f0: {  	[sflag:s0] =	ssyncadd.tile.s32 @!p0 $0x1;
	_ =	shalt  }
.Lfunc_end2:
_tile_overlayer_lowered:
.L_overlay_start_2:
0x1f1: {  	(tag) =	ssettag $0x2  }
0x1f2: {  	s0 =	rddreg [dreg:$0x0];
	s2 =	stileid.u32  }
0x1f3: {  	s1 =	rddreg [dreg:$0x1];
	p0 =	sne.s32 s2, $0x0  }
0x1f4: {  	s3 =	rddreg [dreg:$0x2];
	[bflag:$0x3] =	sbarrier.arrive $0xFFFF;
	s2 =	simm.s32 @!p0 $0x1C07  }
0x1f5: {  	[timem:s3], [sflag:s2] =	dma.local @!p0 [hbm:s0], s1  }
0x1f6: {  	s0 =	simm.s32 @!p0 $0x7  }
0x1f7: {  	_ =	swait.ge @!p0 [sflag:s0], s1  }
0x1f8: {  	s1 =	ssub.s32 @!p0 $0x0, s1;
	[sflag:s0] =	ssyncset.done @!p0 $0x0  }
0x1f9: {  	[sflag:s0] =	ssyncadd.s32 @!p0 s1  }
0x1fa: {  	[bflag:$0x3] =	sbarrier.arrive $0xFFFF  }
0x1fb: {  	_ =	shalt  }

// kernel: kernel.16.cloned.1.call-start
scs
__scs_entry_jumppad:
0x0: {  	(pc) =	sbr.rel $0x88, $3  }
0x1: {  	(tag) =	ssettag $0x0;
	lr =	simm.s32 $0x1  }
0x2: {  	[smem:$0x3F8E] =	sst lr;
	_ =	strace $0xD0000000  }
0x3: {  	_ = 	snop  }
0x4: {  	_ = 	snop  }
0x5: {  	_ = 	snop  }
0x6: {  	_ = 	snop  }
0x7: {  	_ = 	snop  }
__scs_overlays_trampoline_lowered:
0x8: {  	[smem:$0x3F9D] =	sst s0  }
0x9: {  	[smem:$0x3F9E] =	sst s1  }
0xa: {  	[smem:$0x3F9F] =	sst s2  }
0xb: {  	[smem:$0x3FA0] =	sst s3  }
0xc: {  	[smem:$0x3FA1] =	sst s4  }
0xd: {  	[smem:$0x3FA2] =	sst s5  }
0xe: {  	[smem:$0x3FA3] =	sst s6  }
0xf: {  	[smem:$0x3FA4] =	sst s7  }
0x10: {  	[smem:$0x3FA5] =	sst s8  }
0x11: {  	[smem:$0x3FA6] =	sst s9;
	s0 =	simm.s32 @!p0 $0x0  }
0x12: {  	s1 =	sld [smem:$0x3F8C];
	s0 =	simm.s32 @p0 $0x1  }
0x13: {  	[smem:$0x3FA7] =	sst s0;
	s0 =	simm.s32 @!p1 $0x0  }
0x14: {  	s2 =	sld [smem:$0x3F8B];
	s0 =	simm.s32 @p1 $0x1  }
0x15: {  	[smem:$0x3FA8] =	sst s0;
	s0 =	simm.s32 @!p2 $0x0  }
0x16: {  	s3 =	sld [smem:$0x3FDB];
	s0 =	simm.s32 @p2 $0x1  }
0x17: {  	s4 =	simm.s32 $0x1BF5;
	[smem:$0x3FAA] =	sst s0  }
0x18: {  	s0 =	sld [smem:$0x3F8D];
	_ =	swait.ge [sflag:s4], $0x0  }
0x19: {  	s7 =	sld [smem:$0x3F8E]  }
0x1a: {  	s8 =	sadd.s32 $0xFFFFE003, lr  }
0x1b: {  	s9 =	sadd.s32 $0xFFFFFEF7, lr;
	s5 =	simm.s32 $0xFFFFFFFF;
	p2 =	slt.u32 s8, $0xFFFFF086  }
0x1c: {  	p1 =	slt.u32 s9, $0xF7A;
	s5 =	simm.s32 @!p2 $0x0  }
0x1d: {  	s5 =	simm.s32 @p1 $0x1;
	p0 =	seq.s32 s7, s2  }
0x1e: {  	s7 =	smul.u32 @!p0 $0xF7A, s2;
	p2 =	seq.s32 @!p0 s5, $0x0  }
0x1f: {  	s9 =	smul.u32 $0xF7A, s1;
	s8 =	simm.s32 @!p0 $0x1BF5;
	p2 =	por !p2, p0  }
0x20: {  	[sflag:s8] =	ssyncset.s32 @!p0 $0xFFFFF086;
	s6 =	sadd.s32 @!p0 s3, s7;
	s7 =	simm.s32 @!p0 $0x108  }
0x21: {  	s3 =	sadd.s32 s3, s9;
	s6 =	sadd.s32 @!p0 $0x88, s6;
	s7 =	simm.s32 @p2 $0x1082  }
0x22: {  	[simem:s7], [sflag:s8] =	dma.local @!p0 [hbm:s6], $0xF7A  }
0x23: {  	s9 =	sor.u32 $0xD0000000, s2;
	s6 =	simm.s32 $0x108;
	_ =	swait.ge @!p0 [sflag:s8], $0x0  }
0x24: {  	s3 =	sadd.s32 $0x88, s3;
	s6 =	simm.s32 @!p1 $0x1082;
	[sflag:s4] =	ssyncset.s32 $0xFFFFF086  }
0x25: {  	[simem:s6], [sflag:s4] =	dma.local [hbm:s3], $0xF7A  }
0x26: {  	[smem:$0x3F8E] =	sst s1;
	(tag) =	ssettag s2;
	_ =	strace s9  }
0x27: {  	s1 =	sld [smem:$0x3F9E]  }
0x28: {  	s2 =	sld [smem:$0x3F9F]  }
0x29: {  	s4 =	sld [smem:$0x3FA1]  }
0x2a: {  	p0 =	seq.s32 s5, $0x0;
	s5 =	sld [smem:$0x3FA2]  }
0x2b: {  	s6 =	sld [smem:$0x3FA3]  }
0x2c: {  	s7 =	sld [smem:$0x3FA4]  }
0x2d: {  	s3 =	simm.s32 $0x108;
	s8 =	sld [smem:$0x3FA5]  }
0x2e: {  	s3 =	simm.s32 @!p0 $0x1082;
	s9 =	sld [smem:$0x3FA6]  }
0x2f: {  	lr =	sadd.s32 s0, s3;
	s0 =	sld [smem:$0x3F9D]  }
0x30: {  	s3 =	sld [smem:$0x3FA0]  }
0x31: {  	[smem:$0x3FA9] =	sst s10  }
0x32: {  	s10 =	sld [smem:$0x3FA7];
	_ =	sdelay $0x3  }
0x33: {  	p0 =	seq.s32 s10, $0x1;
	s10 =	sld [smem:$0x3FA9];
	_ =	sdelay $0x3  }
0x34: {  	[smem:$0x3FA9] =	sst s10  }
0x35: {  	s10 =	sld [smem:$0x3FA8];
	_ =	sdelay $0x3  }
0x36: {  	p1 =	seq.s32 s10, $0x1;
	s10 =	sld [smem:$0x3FA9];
	_ =	sdelay $0x3  }
0x37: {  	[smem:$0x3FA9] =	sst s10  }
0x38: {  	s10 =	sld [smem:$0x3FAA]  }
0x39: {  	_ = 	snop;
	(pc) =	sbr.ind lr, $3  }
0x3a: {  	_ = 	snop  }
0x3b: {  	_ = 	snop  }
0x3c: {  	p2 =	seq.s32 s10, $0x1;
	s10 =	sld [smem:$0x3FA9]  }
0x3d: {  	_ =	shalt  }
0x3e: {  	_ =	shalt  }
0x3f: {  	_ =	shalt  }
0x40: {  	_ =	shalt  }
0x41: {  	_ =	shalt  }
0x42: {  	_ =	shalt  }
0x43: {  	_ =	shalt  }
0x44: {  	_ =	shalt  }
0x45: {  	_ =	shalt  }
0x46: {  	_ =	shalt  }
0x47: {  	_ =	shalt  }
0x48: {  	_ =	shalt  }
0x49: {  	_ =	shalt  }
0x4a: {  	_ =	shalt  }
0x4b: {  	_ =	shalt  }
0x4c: {  	_ =	shalt  }
0x4d: {  	_ =	shalt  }
0x4e: {  	_ =	shalt  }
0x4f: {  	_ =	shalt  }
0x50: {  	_ =	shalt  }
0x51: {  	_ =	shalt  }
0x52: {  	_ =	shalt  }
0x53: {  	_ =	shalt  }
0x54: {  	_ =	shalt  }
0x55: {  	_ =	shalt  }
0x56: {  	_ =	shalt  }
0x57: {  	_ =	shalt  }
0x58: {  	_ =	shalt  }
0x59: {  	_ =	shalt  }
0x5a: {  	_ =	shalt  }
0x5b: {  	_ =	shalt  }
0x5c: {  	_ =	shalt  }
0x5d: {  	_ =	shalt  }
0x5e: {  	_ =	shalt  }
0x5f: {  	_ =	shalt  }
0x60: {  	_ =	shalt  }
0x61: {  	_ =	shalt  }
0x62: {  	_ =	shalt  }
0x63: {  	_ =	shalt  }
0x64: {  	_ =	shalt  }
0x65: {  	_ =	shalt  }
0x66: {  	_ =	shalt  }
0x67: {  	_ =	shalt  }
0x68: {  	_ =	shalt  }
0x69: {  	_ =	shalt  }
0x6a: {  	_ =	shalt  }
0x6b: {  	_ =	shalt  }
0x6c: {  	_ =	shalt  }
0x6d: {  	_ =	shalt  }
0x6e: {  	_ =	shalt  }
0x6f: {  	_ =	shalt  }
0x70: {  	_ =	shalt  }
0x71: {  	_ =	shalt  }
0x72: {  	_ =	shalt  }
0x73: {  	_ =	shalt  }
0x74: {  	_ =	shalt  }
0x75: {  	_ =	shalt  }
0x76: {  	_ =	shalt  }
0x77: {  	_ =	shalt  }
0x78: {  	_ =	shalt  }
0x79: {  	_ =	shalt  }
0x7a: {  	_ =	shalt  }
0x7b: {  	_ =	shalt  }
0x7c: {  	_ =	shalt  }
0x7d: {  	_ =	shalt  }
0x7e: {  	_ =	shalt  }
0x7f: {  	_ =	shalt  }
0x80: {  	_ =	shalt  }
0x81: {  	_ =	shalt  }
0x82: {  	_ =	shalt  }
0x83: {  	_ =	shalt  }
0x84: {  	_ =	shalt  }
0x85: {  	_ =	shalt  }
0x86: {  	_ =	shalt  }
0x87: {  	_ =	shalt  }
.Lfunc_end0:
.L_simem_size_0:
called_computation.2_lowered:
.L_overlay_start_0:
0x88: {  	s2 =	sld [smem:$0x3FD9]  }
0x89: {  	s3 =	sld [smem:$0x3FFE];
	_ =	sdelay $0x1  }
0x8a: {  	s1 =	srdreg.scid  }
0x8b: {  	s0 =	sand.u32 $0x1, s1  }
0x8c: {  	s16 =	sshll.u32 s0, $0xA;
	s2 =	sadd.s32 s3, s2  }
0x8d: {  	s2 =	sadd.s32 s2, s16  }
0x8e: {  	[smem:$0x3FB5] =	sst s2  }
0x8f: {  	_ = 	snop  }
0x90: {  	(tm) =	ssettm $0x1  }
0x91: {  	s17 =	sld [smem:$0x3FFB];
	_ =	sdelay $0x3  }
0x92: {  	_ =	strace s17  }
0x93: {  	s2 =	sld [smem:$0x3FFC];
	_ =	sdelay $0x3  }
0x94: {  	_ =	strace s2  }
0x95: {  	s2 =	sld [smem:$0x3FFD];
	_ =	sdelay $0x3  }
0x96: {  	_ =	strace s2  }
0x97: {  	_ =	strace $0x8FFFFFFF  }
0x98: {  	s18 =	sld [smem:$0x3FDB];
	_ =	sdelay $0x1  }
0x99: {  	s19 =	simm.s32 $_scs_section_size  }
0x9a: {  	s4 =	simm.s32 $_size__tile_overlayer_lowered;
	s5 =	simm.s32 $_tile_overlayer_lowered  }
0x9b: {  	s22 =	simm.s32 $0x1BFF;
	s21 =	sshll.u32 s5, $0x1;
	s2 =	sadd.s32 s19, s18  }
0x9c: {  	s6 =	simm.s32 $0x0;
	s20 =	sshll.u32 s4, $0x1;
	s4 =	sadd.s32 s21, s2  }
0x9d: {  	[timem:s6], [sflag:s22] =	dma.local [hbm:s4], s20  }
0x9e: {  	_ =	swait.ge [sflag:s22], s20  }
0x9f: {  	s3 =	ssub.s32 $0x0, s20;
	[sflag:s22] =	ssyncset.done $0x0  }
0xa0: {  	[sflag:s22] =	ssyncadd.s32 s3;
	_ =	sdelay $0x1  }
0xa1: {  	s23 =	simm.s32 $0x1B8B  }
0xa2: {  	_ =	swait.ge [sflag:s23], $0x1  }
0xa3: {  	[sflag:s23] =	ssyncset.done $0x0  }
0xa4: {  	s25 =	simm.s32 $0x1B8E;
	s24 =	sld [smem:$0x3FFE];
	[sflag:s23] =	ssyncadd.s32 $0xFFFFFFFF  }
0xa5: {  	s26 =	simm.s32 $execute0_lowered;
	[smem:$0x3FD2] =	sst s25  }
0xa6: {  	s4 =	sshll.u32 s26, $0x1;
	_ =	strace $0x8000004C;
	[dreg:$0x1] =	wrdreg $0xFFFFFFFF  }
0xa7: {  	s28 =	simm.s32 $_size_execute0_lowered;
	s2 =	sadd.s32 s2, s4;
	[dreg:$0x0] =	wrdreg $0x0  }
0xa8: {  	s4 =	sshll.u32 s28, $0x1;
	[dreg:$0x2] =	wrdreg s2  }
0xa9: {  	[dreg:$0x3] =	wrdreg s4  }
0xaa: {  	[dreg:$0x4] =	wrdreg $0xC0  }
0xab: {  	_ =	task [dreg:s6], $0x5FFFF  }
0xac: {  	[dreg:$0x1] =	wrdreg $0xFFFFFFFF  }
0xad: {  	[dreg:$0x0] =	wrdreg $0x60  }
0xae: {  	[dreg:$0x2] =	wrdreg s24  }
0xaf: {  	[dreg:$0x3] =	wrdreg $0xB0000  }
0xb0: {  	[dreg:$0x4] =	wrdreg $0x9  }
0xb1: {  	_ =	task.clear_ibuf [dreg:s6], $0x5FFFF;
	_ =	strace $0x9000004C  }
0xb2: {  	s29 =	simm.s32 $0x9;
	_ =	strace $0x8000004E  }
0xb3: {  	_ =	swait.ge [sflag:s29], $0x1  }
0xb4: {  	[sflag:s29] =	ssyncadd.s32 $0xFFFFFFFF  }
0xb5: {  	_ =	strace $0x9000004E  }
0xb6: {  	_ =	sfence  }
0xb7: {  	s30 =	sld [smem:$0x0];
	_ =	sdelay $0x2  }
0xb8: {  	s31 =	sshll.u32 s1, $0xD;
	s1 =	sshrl.u32 s1, $0x2  }
0xb9: {  	s3 =	sand.u32 $0x4000, s31;
	s1 =	sadd.s32 s1, s30  }
0xba: {  	s0 =	sor.u32 s3, s0;
	s1 =	sshll.u32 s1, $0x11  }
0xbb: {  	s0 =	sor.u32 s1, s0  }
0xbc: {  	s0 =	sadd.s32 $0x8F2B, s0  }
0xbd: {  	[sflag:s0] =	ssyncadd.remote.s32 $0x1  }
0xbe: {  	_ =	sfence.sel $0xFFFF  }
0xbf: {  	[dreg:$0x0] =	wrdreg $0xFFFFFFFF;
	(pc) =	sbr.abs _section_cstart, $3  }
0xc0: {  	[dreg:$0x1] =	wrdreg $0xFFFFFFFF  }
0xc1: {  	_ =	task.clear_ibuf [dreg:s6], $0x2FFFF;
	_ =	strace $0x9FFFFFFF  }
0xc2: {  	(tm) =	ssettm $0x7FFFFFFF  }
0xc3: {  	_ =	shalt  }
tec
execute0_lowered:
.L_overlay_start_1:
0x0: {  	(tag) =	ssettag $0x1  }
0x1: {  	s0 =	rddreg [dreg:$0x0]  }
0x2: {  	s1 =	rddreg [dreg:$0x1];
	s3 =	simm.s32 $0x0;
	s13 =	stileid.u32  }
0x3: {  	s6 =	srdreg.scid;
	s14 =	simm.s32 $0x100;
	s16 =	simm.s32 $0x180  }
0x4: {  	s17 =	simm.s32 $0x200;
	s18 =	simm.s32 $0x880;
	s19 =	simm.s32 $0x280  }
0x5: {  	s20 =	simm.s32 $0x900;
	s21 =	simm.s32 $0x300;
	s22 =	simm.s32 $0x980  }
0x6: {  	s23 =	simm.s32 $0x380;
	s28 =	simm.s32 $0xC80;
	[smem:$0x7FF] =	sst s3  }
0x7: {  	s29 =	simm.s32 $0x680;
	_ =	strace $0x8000004D;
	[dreg:$0x6] =	wrdreg s14  }
0x8: {  	s30 =	simm.s32 $0xD00;
	s31 =	simm.s32 $0x700;
	[dreg:$0x7] =	wrdreg s16  }
0x9: {  	s4 =	sadd.s32 $0x3BA00, s0;
	s5 =	smul.u32 $0x2780, s13;
	[dreg:$0x8] =	wrdreg s17  }
0xa: {  	s2 =	sshll.u32 s13, $0xC;
	s7 =	smul.u32 $0x4F000, s13;
	[dreg:$0x9] =	wrdreg s18  }
0xb: {  	s6 =	sand.u32 $0x1, s6;
	s11 =	smul.u32 $0x13C00, s13;
	[dreg:$0xa] =	wrdreg s19  }
0xc: {  	s12 =	sadd.s32 $0xAA200, s0;
	p0 =	seq.s32 s13, $0xF;
	[dreg:$0xb] =	wrdreg s20  }
0xd: {  	s2 =	sadd.s32 s2, s0;
	s8 =	ssub.s32 $0x2, s6;
	[dreg:$0xc] =	wrdreg s21  }
0xe: {  	s9 =	smul.u32 $0x138800, s6;
	s24 =	sshll.u32 s6, $0xB;
	[dreg:$0xd] =	wrdreg s22  }
0xf: {  	s14 =	simm.s32 $0x800;
	[dreg:$0xe] =	wrdreg s23;
	s16 =	simm.s32 $0x1000  }
0x10: {  	s17 =	simm.s32 $0x3800;
	s18 =	simm.s32 $0x6000;
	s19 =	simm.s32 $0x8800  }
0x11: {  	s20 =	simm.s32 $0x1;
	s21 =	simm.s32 $0x5;
	s22 =	simm.s32 $0x2  }
0x12: {  	s23 =	simm.s32 $0x6;
	s5 =	sadd.s32 s5, s0;
	s0 =	sadd.s32 $0x39880, s0  }
0x13: {  	s2 =	sadd.s32 s24, s2;
	s24 =	simm.s32 $0xA00;
	[dreg:$0x19] =	wrdreg s0  }
0x14: {  	s10 =	sshrl.u32 s8, $0x1;
	s5 =	sadd.s32 $0x14800, s5;
	[dreg:$0xf] =	wrdreg s24  }
0x15: {  	s8 =	ssub.s32 s8, s10;
	[dreg:$0x18] =	wrdreg s5;
	s5 =	sadd.s32 $0x8A200, s2  }
0x16: {  	s25 =	sadd.s32 s11, s9;
	s15 =	smax.u32 s8, $0x1;
	[dreg:$0x3] =	wrdreg s5  }
0x17: {  	s6 =	sshrl.u32 s25, $0x3;
	s25 =	simm.s32 $0x400;
	[dreg:$0x1c] =	wrdreg s15  }
0x18: {  	s7 =	sshrl.u32 s7, $0x2;
	s8 =	simm.s32 $0x580;
	[dreg:$0x10] =	wrdreg s25  }
0x19: {  	s7 =	sadd.s32 s7, s1;
	s26 =	sadd.s32 s12, s6;
	[dreg:$0x16] =	wrdreg s8  }
0x1a: {  	s6 =	sshrl.u32 s9, $0x3;
	s9 =	sadd.s32 $0x9A200, s2;
	[dreg:$0x1a] =	wrdreg s26  }
0x1b: {  	s10 =	sadd.s32 $0x128400, s1;
	s5 =	simm.s32 $0xB00;
	[dreg:$0x4] =	wrdreg s9  }
0x1c: {  	s11 =	sadd.s32 s12, s6;
	s12 =	simm.s32 $0x80;
	[dreg:$0x13] =	wrdreg s5  }
0x1d: {  	s24 =	simm.s32 $0x3;
	s26 =	simm.s32 $0xA80;
	[dreg:$0x5] =	wrdreg s12  }
0x1e: {  	s0 =	simm.s32 $0xD80;
	s6 =	simm.s32 $0x500;
	[dreg:$0x11] =	wrdreg s26  }
0x1f: {  	s15 =	simm.s32 $0x50;
	s9 =	simm.s32 $0xC00;
	[dreg:$0x14] =	wrdreg s6  }
0x20: {  	s25 =	simm.s32 $0x4;
	s2 =	sadd.s32 $0x25080, s11;
	[dreg:$0x17] =	wrdreg s9  }
0x21: {  	s12 =	sshrl.u32 @p0 s10, $0x3;
	s10 =	simm.s32 $0x0;
	[dreg:$0x1b] =	wrdreg s2  }
0x22: {  	s8 =	simm.s32 $0xF80;
	s2 =	sshll.u32 @!p0 s13, $0x6;
	[smem:$0x7FD] =	sst s10  }
0x23: {  	[dreg:$0x1d] =	wrdreg s12;
	s11 =	sor.u32 @!p0 $0x1C07, s2;
	s2 =	sshrl.u32 @!p0 s7, $0x3  }
0x24: {  	s5 =	simm.s32 $0xE00;
	s7 =	simm.s32 $0xB80;
	[dreg:$0x1f] =	wrdreg s2  }
0x25: {  	s26 =	simm.s32 $0x600;
	s6 =	simm.s32 $0xE80;
	[dreg:$0x15] =	wrdreg s7  }
0x26: {  	s13 =	simm.s32 $0x7;
	s2 =	simm.s32 $0x480;
	[dreg:$0x1e] =	wrdreg s11  }
0x27: {  	s7 =	simm.s32 $0xF00;
	[dreg:$0x12] =	wrdreg s2;
	s2 =	simm.s32 $0x780  }
.LBB2_1:
0x28: {  	s10 =	simm.s32 @p0 $0x1FC7;
	s9 =	rddreg [dreg:$0x19]  }
0x29: {  	[spmem:s12], [sflag:s10] =	dma.local @p0 [hbm:s9], $0x2080  }
0x2a: {  	s10 =	simm.s32 @p0 $0x7  }
0x2b: {  	_ =	swait.ge @p0 [sflag:s10], $0x2080  }
0x2c: {  	[sflag:s10] =	ssyncset.done @p0 $0x0;
	s9 =	rddreg [dreg:$0x18]  }
0x2d: {  	[sflag:s10] =	ssyncadd.s32 @p0 $0xFFFFDF80;
	s10 =	rddreg [dreg:$0x1f]  }
0x2e: {  	[spmem:s10], [sflag:s11] =	dma.local @!p0 [hbm:s9], $0x2780  }
0x2f: {  	s10 =	simm.s32 @!p0 $0x7  }
0x30: {  	_ =	swait.ge @!p0 [sflag:s10], $0x2780  }
0x31: {  	[sflag:s10] =	ssyncset.done @!p0 $0x0  }
0x32: {  	[sflag:s10] =	ssyncadd.s32 @!p0 $0xFFFFD880  }
0x33: {  	[bflag:$0x0] =	sbarrier.arrive $0xFFFF  }
0x34: {  	s12 =	rddreg [dreg:$0x4]  }
0x35: {  	s10 =	sadd.s32 $0x0, s12  }
0x36: {  	[tilespmem:s3], [sflag:$0x7] =	stream.linear.gather [hbm4b:s10+s3], $0x800, $0x38;
	[tilespmem:$0x1E8C0] =	vst v63  }
0x37: {  	_ =	swait.ge [sflag:s13], $0x800  }
0x38: {  	s9 =	rddreg [dreg:$0x3];
	[sflag:s13] =	ssyncset.done $0x0  }
0x39: {  	[sflag:s13] =	ssyncadd.s32 $0xFFFFF800;
	s10 =	sadd.s32 $0x0, s9  }
0x3a: {  	[tilespmem:s14], [sflag:$0x7] =	stream.linear.gather [hbm4b:s10+s3], $0x800, $0x38;
	[tilespmem:$0x1E8C0] =	vst v63  }
0x3b: {  	_ =	swait.ge [sflag:s13], $0x800  }
0x3c: {  	[sflag:s13] =	ssyncset.done $0x0  }
0x3d: {  	[sflag:s13] =	ssyncadd.s32 $0xFFFFF800  }
0x3e: {  	[tilespmem:s16], [sflag:$0x1] =	stream.indirect.gather [hbm4b:s4+s15], $0x80, s3, s15, $0xb8;
	[tilespmem:$0x1E8C0] =	vst v63  }
0x3f: {  	s11 =	rddreg [dreg:$0x5]  }
0x40: {  	[tilespmem:s17], [sflag:$0x2] =	stream.indirect.gather [hbm4b:s4+s15], $0x80, s11, s15, $0xb8;
	[tilespmem:$0x1E8C0] =	vst v63  }
0x41: {  	s12 =	rddreg [dreg:$0x6]  }
0x42: {  	[tilespmem:s18], [sflag:$0x3] =	stream.indirect.gather [hbm4b:s4+s15], $0x80, s12, s15, $0xb8;
	[tilespmem:$0x1E8C0] =	vst v63  }
0x43: {  	s9 =	rddreg [dreg:$0x7]  }
0x44: {  	[tilespmem:s19], [sflag:$0x4] =	stream.indirect.gather [hbm4b:s4+s15], $0x80, s9, s15, $0xb8;
	[tilespmem:$0x1E8C0] =	vst v63  }
0x45: {  	_ =	swait.ge [sflag:s20], $0x2800  }
0x46: {  	[sflag:s20] =	ssyncset.done $0x0  }
0x47: {  	[sflag:s20] =	ssyncadd.s32 $0xFFFFD800  }
0x48: {  	[spmem:s1] =	stream.indirect.scatter.add.f32 [tilespmem:s16], [sflag:$0x5], $0x80, s14, s15, $0xb8;
	[tilespmem:$0x1E8C0] =	vst v63  }
0x49: {  	_ =	swait.ge [sflag:s21], $0x2800  }
0x4a: {  	[sflag:s21] =	ssyncset.done $0x0  }
0x4b: {  	s12 =	rddreg [dreg:$0x8];
	[sflag:s21] =	ssyncadd.s32 $0xFFFFD800  }
0x4c: {  	[tilespmem:s16], [sflag:$0x1] =	stream.indirect.gather [hbm4b:s4+s15], $0x80, s12, s15, $0xb8;
	[tilespmem:$0x1E8C0] =	vst v63  }
0x4d: {  	_ =	swait.ge [sflag:s22], $0x2800  }
0x4e: {  	[sflag:s22] =	ssyncset.done $0x0  }
0x4f: {  	s9 =	rddreg [dreg:$0x9];
	[sflag:s22] =	ssyncadd.s32 $0xFFFFD800  }
0x50: {  	[spmem:s1] =	stream.indirect.scatter.add.f32 [tilespmem:s17], [sflag:$0x6], $0x80, s9, s15, $0xb8;
	[tilespmem:$0x1E8C0] =	vst v63  }
0x51: {  	_ =	swait.ge [sflag:s23], $0x2800  }
0x52: {  	[sflag:s23] =	ssyncset.done $0x0  }
0x53: {  	s11 =	rddreg [dreg:$0xa];
	[sflag:s23] =	ssyncadd.s32 $0xFFFFD800  }
0x54: {  	[tilespmem:s17], [sflag:$0x2] =	stream.indirect.gather [hbm4b:s4+s15], $0x80, s11, s15, $0xb8;
	[tilespmem:$0x1E8C0] =	vst v63  }
0x55: {  	_ =	swait.ge [sflag:s24], $0x2800  }
0x56: {  	[sflag:s24] =	ssyncset.done $0x0  }
0x57: {  	s12 =	rddreg [dreg:$0xb];
	[sflag:s24] =	ssyncadd.s32 $0xFFFFD800  }
0x58: {  	[spmem:s1] =	stream.indirect.scatter.add.f32 [tilespmem:s18], [sflag:$0x5], $0x80, s12, s15, $0xb8;
	[tilespmem:$0x1E8C0] =	vst v63  }
0x59: {  	_ =	swait.ge [sflag:s21], $0x2800  }
0x5a: {  	[sflag:s21] =	ssyncset.done $0x0  }
0x5b: {  	s9 =	rddreg [dreg:$0xc];
	[sflag:s21] =	ssyncadd.s32 $0xFFFFD800  }
0x5c: {  	[tilespmem:s18], [sflag:$0x3] =	stream.indirect.gather [hbm4b:s4+s15], $0x80, s9, s15, $0xb8;
	[tilespmem:$0x1E8C0] =	vst v63  }
0x5d: {  	_ =	swait.ge [sflag:s25], $0x2800  }
0x5e: {  	[sflag:s25] =	ssyncset.done $0x0  }
0x5f: {  	s11 =	rddreg [dreg:$0xd];
	[sflag:s25] =	ssyncadd.s32 $0xFFFFD800  }
0x60: {  	[spmem:s1] =	stream.indirect.scatter.add.f32 [tilespmem:s19], [sflag:$0x6], $0x80, s11, s15, $0xb8;
	[tilespmem:$0x1E8C0] =	vst v63  }
0x61: {  	_ =	swait.ge [sflag:s23], $0x2800  }
0x62: {  	[sflag:s23] =	ssyncset.done $0x0  }
0x63: {  	s12 =	rddreg [dreg:$0xe];
	[sflag:s23] =	ssyncadd.s32 $0xFFFFD800  }
0x64: {  	[tilespmem:s19], [sflag:$0x4] =	stream.indirect.gather [hbm4b:s4+s15], $0x80, s12, s15, $0xb8;
	[tilespmem:$0x1E8C0] =	vst v63  }
0x65: {  	_ =	swait.ge [sflag:s20], $0x2800  }
0x66: {  	[sflag:s20] =	ssyncset.done $0x0  }
0x67: {  	s9 =	rddreg [dreg:$0xf];
	[sflag:s20] =	ssyncadd.s32 $0xFFFFD800  }
0x68: {  	[spmem:s1] =	stream.indirect.scatter.add.f32 [tilespmem:s16], [sflag:$0x5], $0x80, s9, s15, $0xb8;
	[tilespmem:$0x1E8C0] =	vst v63  }
0x69: {  	_ =	swait.ge [sflag:s21], $0x2800  }
0x6a: {  	[sflag:s21] =	ssyncset.done $0x0  }
0x6b: {  	s11 =	rddreg [dreg:$0x10];
	[sflag:s21] =	ssyncadd.s32 $0xFFFFD800  }
0x6c: {  	[tilespmem:s16], [sflag:$0x1] =	stream.indirect.gather [hbm4b:s4+s15], $0x80, s11, s15, $0xb8;
	[tilespmem:$0x1E8C0] =	vst v63  }
0x6d: {  	_ =	swait.ge [sflag:s22], $0x2800  }
0x6e: {  	[sflag:s22] =	ssyncset.done $0x0  }
0x6f: {  	s12 =	rddreg [dreg:$0x11];
	[sflag:s22] =	ssyncadd.s32 $0xFFFFD800  }
0x70: {  	[spmem:s1] =	stream.indirect.scatter.add.f32 [tilespmem:s17], [sflag:$0x6], $0x80, s12, s15, $0xb8;
	[tilespmem:$0x1E8C0] =	vst v63  }
0x71: {  	_ =	swait.ge [sflag:s23], $0x2800  }
0x72: {  	[sflag:s23] =	ssyncset.done $0x0  }
0x73: {  	s9 =	rddreg [dreg:$0x12];
	[sflag:s23] =	ssyncadd.s32 $0xFFFFD800  }
0x74: {  	[tilespmem:s17], [sflag:$0x2] =	stream.indirect.gather [hbm4b:s4+s15], $0x80, s9, s15, $0xb8;
	[tilespmem:$0x1E8C0] =	vst v63  }
0x75: {  	_ =	swait.ge [sflag:s24], $0x2800  }
0x76: {  	[sflag:s24] =	ssyncset.done $0x0  }
0x77: {  	s11 =	rddreg [dreg:$0x13];
	[sflag:s24] =	ssyncadd.s32 $0xFFFFD800  }
0x78: {  	[spmem:s1] =	stream.indirect.scatter.add.f32 [tilespmem:s18], [sflag:$0x5], $0x80, s11, s15, $0xb8;
	[tilespmem:$0x1E8C0] =	vst v63  }
0x79: {  	_ =	swait.ge [sflag:s21], $0x2800  }
0x7a: {  	[sflag:s21] =	ssyncset.done $0x0  }
0x7b: {  	s12 =	rddreg [dreg:$0x14];
	[sflag:s21] =	ssyncadd.s32 $0xFFFFD800  }
0x7c: {  	[tilespmem:s18], [sflag:$0x3] =	stream.indirect.gather [hbm4b:s4+s15], $0x80, s12, s15, $0xb8;
	[tilespmem:$0x1E8C0] =	vst v63  }
0x7d: {  	_ =	swait.ge [sflag:s25], $0x2800  }
0x7e: {  	[sflag:s25] =	ssyncset.done $0x0  }
0x7f: {  	s9 =	rddreg [dreg:$0x15];
	[sflag:s25] =	ssyncadd.s32 $0xFFFFD800  }
0x80: {  	[spmem:s1] =	stream.indirect.scatter.add.f32 [tilespmem:s19], [sflag:$0x6], $0x80, s9, s15, $0xb8;
	[tilespmem:$0x1E8C0] =	vst v63  }
0x81: {  	_ =	swait.ge [sflag:s23], $0x2800  }
0x82: {  	[sflag:s23] =	ssyncset.done $0x0  }
0x83: {  	s11 =	rddreg [dreg:$0x16];
	[sflag:s23] =	ssyncadd.s32 $0xFFFFD800  }
0x84: {  	[tilespmem:s19], [sflag:$0x4] =	stream.indirect.gather [hbm4b:s4+s15], $0x80, s11, s15, $0xb8;
	[tilespmem:$0x1E8C0] =	vst v63  }
0x85: {  	_ =	swait.ge [sflag:s20], $0x2800  }
0x86: {  	[sflag:s20] =	ssyncset.done $0x0  }
0x87: {  	s12 =	rddreg [dreg:$0x17];
	[sflag:s20] =	ssyncadd.s32 $0xFFFFD800  }
0x88: {  	[spmem:s1] =	stream.indirect.scatter.add.f32 [tilespmem:s16], [sflag:$0x5], $0x80, s12, s15, $0xb8;
	[tilespmem:$0x1E8C0] =	vst v63  }
0x89: {  	_ =	swait.ge [sflag:s21], $0x2800  }
0x8a: {  	[sflag:s21] =	ssyncset.done $0x0  }
0x8b: {  	[sflag:s21] =	ssyncadd.s32 $0xFFFFD800  }
0x8c: {  	[tilespmem:s16], [sflag:$0x1] =	stream.indirect.gather [hbm4b:s4+s15], $0x80, s26, s15, $0xb8;
	[tilespmem:$0x1E8C0] =	vst v63  }
0x8d: {  	_ =	swait.ge [sflag:s22], $0x2800  }
0x8e: {  	[sflag:s22] =	ssyncset.done $0x0  }
0x8f: {  	[sflag:s22] =	ssyncadd.s32 $0xFFFFD800  }
0x90: {  	[spmem:s1] =	stream.indirect.scatter.add.f32 [tilespmem:s17], [sflag:$0x6], $0x80, s28, s15, $0xb8;
	[tilespmem:$0x1E8C0] =	vst v63  }
0x91: {  	_ =	swait.ge [sflag:s23], $0x2800  }
0x92: {  	[sflag:s23] =	ssyncset.done $0x0  }
0x93: {  	[sflag:s23] =	ssyncadd.s32 $0xFFFFD800  }
0x94: {  	[tilespmem:s17], [sflag:$0x2] =	stream.indirect.gather [hbm4b:s4+s15], $0x80, s29, s15, $0xb8;
	[tilespmem:$0x1E8C0] =	vst v63  }
0x95: {  	_ =	swait.ge [sflag:s24], $0x2800  }
0x96: {  	[sflag:s24] =	ssyncset.done $0x0  }
0x97: {  	[sflag:s24] =	ssyncadd.s32 $0xFFFFD800  }
0x98: {  	[spmem:s1] =	stream.indirect.scatter.add.f32 [tilespmem:s18], [sflag:$0x5], $0x80, s30, s15, $0xb8;
	[tilespmem:$0x1E8C0] =	vst v63  }
0x99: {  	_ =	swait.ge [sflag:s21], $0x2800  }
0x9a: {  	[sflag:s21] =	ssyncset.done $0x0  }
0x9b: {  	[sflag:s21] =	ssyncadd.s32 $0xFFFFD800  }
0x9c: {  	[tilespmem:s18], [sflag:$0x3] =	stream.indirect.gather [hbm4b:s4+s15], $0x80, s31, s15, $0xb8;
	[tilespmem:$0x1E8C0] =	vst v63  }
0x9d: {  	_ =	swait.ge [sflag:s25], $0x2800  }
0x9e: {  	[sflag:s25] =	ssyncset.done $0x0  }
0x9f: {  	[sflag:s25] =	ssyncadd.s32 $0xFFFFD800  }
0xa0: {  	[spmem:s1] =	stream.indirect.scatter.add.f32 [tilespmem:s19], [sflag:$0x6], $0x80, s0, s15, $0xb8;
	[tilespmem:$0x1E8C0] =	vst v63  }
0xa1: {  	_ =	swait.ge [sflag:s23], $0x2800  }
0xa2: {  	[sflag:s23] =	ssyncset.done $0x0  }
0xa3: {  	[sflag:s23] =	ssyncadd.s32 $0xFFFFD800  }
0xa4: {  	[tilespmem:s19], [sflag:$0x4] =	stream.indirect.gather [hbm4b:s4+s15], $0x80, s2, s15, $0xb8;
	[tilespmem:$0x1E8C0] =	vst v63  }
0xa5: {  	_ =	swait.ge [sflag:s20], $0x2800  }
0xa6: {  	[sflag:s20] =	ssyncset.done $0x0  }
0xa7: {  	[sflag:s20] =	ssyncadd.s32 $0xFFFFD800  }
0xa8: {  	[spmem:s1] =	stream.indirect.scatter.add.f32 [tilespmem:s16], [sflag:$0x5], $0x80, s5, s15, $0xb8;
	[tilespmem:$0x1E8C0] =	vst v63  }
0xa9: {  	_ =	swait.ge [sflag:s22], $0x2800  }
0xaa: {  	[sflag:s22] =	ssyncset.done $0x0  }
0xab: {  	[sflag:s22] =	ssyncadd.s32 $0xFFFFD800  }
0xac: {  	[spmem:s1] =	stream.indirect.scatter.add.f32 [tilespmem:s17], [sflag:$0x6], $0x80, s6, s15, $0xb8;
	[tilespmem:$0x1E8C0] =	vst v63  }
0xad: {  	_ =	swait.ge [sflag:s24], $0x2800  }
0xae: {  	[sflag:s24] =	ssyncset.done $0x0  }
0xaf: {  	[sflag:s24] =	ssyncadd.s32 $0xFFFFD800  }
0xb0: {  	[spmem:s1] =	stream.indirect.scatter.add.f32 [tilespmem:s18], [sflag:$0x5], $0x80, s7, s15, $0xb8;
	[tilespmem:$0x1E8C0] =	vst v63  }
0xb1: {  	_ =	swait.ge [sflag:s25], $0x2800  }
0xb2: {  	[sflag:s25] =	ssyncset.done $0x0  }
0xb3: {  	[sflag:s25] =	ssyncadd.s32 $0xFFFFD800  }
0xb4: {  	[spmem:s1] =	stream.indirect.scatter.add.f32 [tilespmem:s19], [sflag:$0x6], $0x80, s8, s15, $0xb8;
	[tilespmem:$0x1E8C0] =	vst v63  }
0xb5: {  	_ =	swait.ge [sflag:s21], $0x2800  }
0xb6: {  	[sflag:s21] =	ssyncset.done $0x0  }
0xb7: {  	[sflag:s21] =	ssyncadd.s32 $0xFFFFD800  }
0xb8: {  	_ =	swait.ge [sflag:s23], $0x2800  }
0xb9: {  	[sflag:s23] =	ssyncset.done $0x0  }
0xba: {  	[sflag:s23] =	ssyncadd.s32 $0xFFFFD800  }
0xbb: {  	_ =	swait.ge [sflag:s21], $0x2800  }
0xbc: {  	[sflag:s21] =	ssyncset.done $0x0  }
0xbd: {  	[sflag:s21] =	ssyncadd.s32 $0xFFFFD800  }
0xbe: {  	s10 =	simm.s32 $0x100;
	_ =	swait.ge [sflag:s23], $0x2800  }
0xbf: {  	s11 =	simm.s32 $0x200;
	s12 =	rddreg [dreg:$0x4];
	[sflag:s23] =	ssyncset.done $0x0  }
.LBB2_2:
0xc0: {  	[sflag:s23] =	ssyncadd.s32 $0xFFFFD800;
	s12 =	sadd.s32 s10, s12  }
0xc1: {  	[tilespmem:s3], [sflag:$0x7] =	stream.linear.gather [hbm4b:s12+s3], $0x800, $0x38;
	[tilespmem:$0x1E8C0] =	vst v63  }
0xc2: {  	_ =	swait.ge [sflag:s13], $0x800  }
0xc3: {  	s12 =	rddreg [dreg:$0x3];
	[sflag:s13] =	ssyncset.done $0x0  }
0xc4: {  	[sflag:s13] =	ssyncadd.s32 $0xFFFFF800;
	s12 =	sadd.s32 s10, s12  }
0xc5: {  	[tilespmem:s14], [sflag:$0x7] =	stream.linear.gather [hbm4b:s12+s3], $0x800, $0x38;
	[tilespmem:$0x1E8C0] =	vst v63  }
0xc6: {  	_ =	swait.ge [sflag:s13], $0x800  }
0xc7: {  	[sflag:s13] =	ssyncset.done $0x0  }
0xc8: {  	s9 =	smov.u32 s11;
	[sflag:s13] =	ssyncadd.s32 $0xFFFFF800  }
0xc9: {  	[tilespmem:s16], [sflag:$0x1] =	stream.indirect.gather [hbm4b:s4+s15], $0x80, s3, s15, $0xb8;
	[tilespmem:$0x1E8C0] =	vst v63  }
0xca: {  	s10 =	smov.u32 s9;
	s9 =	rddreg [dreg:$0x5]  }
0xcb: {  	[tilespmem:s17], [sflag:$0x2] =	stream.indirect.gather [hbm4b:s4+s15], $0x80, s9, s15, $0xb8;
	[tilespmem:$0x1E8C0] =	vst v63  }
0xcc: {  	s12 =	rddreg [dreg:$0x6]  }
0xcd: {  	[tilespmem:s18], [sflag:$0x3] =	stream.indirect.gather [hbm4b:s4+s15], $0x80, s12, s15, $0xb8;
	[tilespmem:$0x1E8C0] =	vst v63  }
0xce: {  	s9 =	rddreg [dreg:$0x7]  }
0xcf: {  	[tilespmem:s19], [sflag:$0x4] =	stream.indirect.gather [hbm4b:s4+s15], $0x80, s9, s15, $0xb8;
	[tilespmem:$0x1E8C0] =	vst v63  }
0xd0: {  	_ =	swait.ge [sflag:s20], $0x2800  }
0xd1: {  	[sflag:s20] =	ssyncset.done $0x0  }
0xd2: {  	[sflag:s20] =	ssyncadd.s32 $0xFFFFD800  }
0xd3: {  	[spmem:s1] =	stream.indirect.scatter.add.f32 [tilespmem:s16], [sflag:$0x5], $0x80, s14, s15, $0xb8;
	[tilespmem:$0x1E8C0] =	vst v63  }
0xd4: {  	_ =	swait.ge [sflag:s21], $0x2800  }
0xd5: {  	[sflag:s21] =	ssyncset.done $0x0  }
0xd6: {  	s12 =	rddreg [dreg:$0x8];
	[sflag:s21] =	ssyncadd.s32 $0xFFFFD800  }
0xd7: {  	[tilespmem:s16], [sflag:$0x1] =	stream.indirect.gather [hbm4b:s4+s15], $0x80, s12, s15, $0xb8;
	[tilespmem:$0x1E8C0] =	vst v63  }
0xd8: {  	_ =	swait.ge [sflag:s22], $0x2800  }
0xd9: {  	[sflag:s22] =	ssyncset.done $0x0  }
0xda: {  	s12 =	rddreg [dreg:$0x9];
	[sflag:s22] =	ssyncadd.s32 $0xFFFFD800  }
0xdb: {  	[spmem:s1] =	stream.indirect.scatter.add.f32 [tilespmem:s17], [sflag:$0x6], $0x80, s12, s15, $0xb8;
	[tilespmem:$0x1E8C0] =	vst v63  }
0xdc: {  	_ =	swait.ge [sflag:s23], $0x2800  }
0xdd: {  	[sflag:s23] =	ssyncset.done $0x0  }
0xde: {  	s12 =	rddreg [dreg:$0xa];
	[sflag:s23] =	ssyncadd.s32 $0xFFFFD800  }
0xdf: {  	[tilespmem:s17], [sflag:$0x2] =	stream.indirect.gather [hbm4b:s4+s15], $0x80, s12, s15, $0xb8;
	[tilespmem:$0x1E8C0] =	vst v63  }
0xe0: {  	_ =	swait.ge [sflag:s24], $0x2800  }
0xe1: {  	[sflag:s24] =	ssyncset.done $0x0  }
0xe2: {  	s12 =	rddreg [dreg:$0xb];
	[sflag:s24] =	ssyncadd.s32 $0xFFFFD800  }
0xe3: {  	[spmem:s1] =	stream.indirect.scatter.add.f32 [tilespmem:s18], [sflag:$0x5], $0x80, s12, s15, $0xb8;
	[tilespmem:$0x1E8C0] =	vst v63  }
0xe4: {  	_ =	swait.ge [sflag:s21], $0x2800  }
0xe5: {  	[sflag:s21] =	ssyncset.done $0x0  }
0xe6: {  	s12 =	rddreg [dreg:$0xc];
	[sflag:s21] =	ssyncadd.s32 $0xFFFFD800  }
0xe7: {  	[tilespmem:s18], [sflag:$0x3] =	stream.indirect.gather [hbm4b:s4+s15], $0x80, s12, s15, $0xb8;
	[tilespmem:$0x1E8C0] =	vst v63  }
0xe8: {  	_ =	swait.ge [sflag:s25], $0x2800  }
0xe9: {  	[sflag:s25] =	ssyncset.done $0x0  }
0xea: {  	s12 =	rddreg [dreg:$0xd];
	[sflag:s25] =	ssyncadd.s32 $0xFFFFD800  }
0xeb: {  	[spmem:s1] =	stream.indirect.scatter.add.f32 [tilespmem:s19], [sflag:$0x6], $0x80, s12, s15, $0xb8;
	[tilespmem:$0x1E8C0] =	vst v63  }
0xec: {  	_ =	swait.ge [sflag:s23], $0x2800  }
0xed: {  	[sflag:s23] =	ssyncset.done $0x0  }
0xee: {  	s12 =	rddreg [dreg:$0xe];
	[sflag:s23] =	ssyncadd.s32 $0xFFFFD800  }
0xef: {  	[tilespmem:s19], [sflag:$0x4] =	stream.indirect.gather [hbm4b:s4+s15], $0x80, s12, s15, $0xb8;
	[tilespmem:$0x1E8C0] =	vst v63  }
0xf0: {  	_ =	swait.ge [sflag:s20], $0x2800  }
0xf1: {  	[sflag:s20] =	ssyncset.done $0x0  }
0xf2: {  	s12 =	rddreg [dreg:$0xf];
	[sflag:s20] =	ssyncadd.s32 $0xFFFFD800  }
0xf3: {  	[spmem:s1] =	stream.indirect.scatter.add.f32 [tilespmem:s16], [sflag:$0x5], $0x80, s12, s15, $0xb8;
	[tilespmem:$0x1E8C0] =	vst v63  }
0xf4: {  	_ =	swait.ge [sflag:s21], $0x2800  }
0xf5: {  	[sflag:s21] =	ssyncset.done $0x0  }
0xf6: {  	s12 =	rddreg [dreg:$0x10];
	[sflag:s21] =	ssyncadd.s32 $0xFFFFD800  }
0xf7: {  	[tilespmem:s16], [sflag:$0x1] =	stream.indirect.gather [hbm4b:s4+s15], $0x80, s12, s15, $0xb8;
	[tilespmem:$0x1E8C0] =	vst v63  }
0xf8: {  	_ =	swait.ge [sflag:s22], $0x2800  }
0xf9: {  	[sflag:s22] =	ssyncset.done $0x0  }
0xfa: {  	s12 =	rddreg [dreg:$0x11];
	[sflag:s22] =	ssyncadd.s32 $0xFFFFD800  }
0xfb: {  	[spmem:s1] =	stream.indirect.scatter.add.f32 [tilespmem:s17], [sflag:$0x6], $0x80, s12, s15, $0xb8;
	[tilespmem:$0x1E8C0] =	vst v63  }
0xfc: {  	_ =	swait.ge [sflag:s23], $0x2800  }
0xfd: {  	[sflag:s23] =	ssyncset.done $0x0  }
0xfe: {  	s12 =	rddreg [dreg:$0x12];
	[sflag:s23] =	ssyncadd.s32 $0xFFFFD800  }
0xff: {  	[tilespmem:s17], [sflag:$0x2] =	stream.indirect.gather [hbm4b:s4+s15], $0x80, s12, s15, $0xb8;
	[tilespmem:$0x1E8C0] =	vst v63  }
0x100: {  	_ =	swait.ge [sflag:s24], $0x2800  }
0x101: {  	[sflag:s24] =	ssyncset.done $0x0  }
0x102: {  	s12 =	rddreg [dreg:$0x13];
	[sflag:s24] =	ssyncadd.s32 $0xFFFFD800  }
0x103: {  	[spmem:s1] =	stream.indirect.scatter.add.f32 [tilespmem:s18], [sflag:$0x5], $0x80, s12, s15, $0xb8;
	[tilespmem:$0x1E8C0] =	vst v63  }
0x104: {  	_ =	swait.ge [sflag:s21], $0x2800  }
0x105: {  	[sflag:s21] =	ssyncset.done $0x0  }
0x106: {  	s12 =	rddreg [dreg:$0x14];
	[sflag:s21] =	ssyncadd.s32 $0xFFFFD800  }
0x107: {  	[tilespmem:s18], [sflag:$0x3] =	stream.indirect.gather [hbm4b:s4+s15], $0x80, s12, s15, $0xb8;
	[tilespmem:$0x1E8C0] =	vst v63  }
0x108: {  	_ =	swait.ge [sflag:s25], $0x2800  }
0x109: {  	[sflag:s25] =	ssyncset.done $0x0  }
0x10a: {  	s12 =	rddreg [dreg:$0x15];
	[sflag:s25] =	ssyncadd.s32 $0xFFFFD800  }
0x10b: {  	[spmem:s1] =	stream.indirect.scatter.add.f32 [tilespmem:s19], [sflag:$0x6], $0x80, s12, s15, $0xb8;
	[tilespmem:$0x1E8C0] =	vst v63  }
0x10c: {  	_ =	swait.ge [sflag:s23], $0x2800  }
0x10d: {  	[sflag:s23] =	ssyncset.done $0x0  }
0x10e: {  	s12 =	rddreg [dreg:$0x16];
	[sflag:s23] =	ssyncadd.s32 $0xFFFFD800  }
0x10f: {  	[tilespmem:s19], [sflag:$0x4] =	stream.indirect.gather [hbm4b:s4+s15], $0x80, s12, s15, $0xb8;
	[tilespmem:$0x1E8C0] =	vst v63  }
0x110: {  	_ =	swait.ge [sflag:s20], $0x2800  }
0x111: {  	[sflag:s20] =	ssyncset.done $0x0  }
0x112: {  	s12 =	rddreg [dreg:$0x17];
	[sflag:s20] =	ssyncadd.s32 $0xFFFFD800  }
0x113: {  	[spmem:s1] =	stream.indirect.scatter.add.f32 [tilespmem:s16], [sflag:$0x5], $0x80, s12, s15, $0xb8;
	[tilespmem:$0x1E8C0] =	vst v63  }
0x114: {  	_ =	swait.ge [sflag:s21], $0x2800  }
0x115: {  	[sflag:s21] =	ssyncset.done $0x0  }
0x116: {  	[sflag:s21] =	ssyncadd.s32 $0xFFFFD800  }
0x117: {  	[tilespmem:s16], [sflag:$0x1] =	stream.indirect.gather [hbm4b:s4+s15], $0x80, s26, s15, $0xb8;
	[tilespmem:$0x1E8C0] =	vst v63  }
0x118: {  	_ =	swait.ge [sflag:s22], $0x2800  }
0x119: {  	[sflag:s22] =	ssyncset.done $0x0  }
0x11a: {  	[sflag:s22] =	ssyncadd.s32 $0xFFFFD800  }
0x11b: {  	[spmem:s1] =	stream.indirect.scatter.add.f32 [tilespmem:s17], [sflag:$0x6], $0x80, s28, s15, $0xb8;
	[tilespmem:$0x1E8C0] =	vst v63  }
0x11c: {  	_ =	swait.ge [sflag:s23], $0x2800  }
0x11d: {  	[sflag:s23] =	ssyncset.done $0x0  }
0x11e: {  	[sflag:s23] =	ssyncadd.s32 $0xFFFFD800  }
0x11f: {  	[tilespmem:s17], [sflag:$0x2] =	stream.indirect.gather [hbm4b:s4+s15], $0x80, s29, s15, $0xb8;
	[tilespmem:$0x1E8C0] =	vst v63  }
0x120: {  	_ =	swait.ge [sflag:s24], $0x2800  }
0x121: {  	[sflag:s24] =	ssyncset.done $0x0  }
0x122: {  	[sflag:s24] =	ssyncadd.s32 $0xFFFFD800  }
0x123: {  	[spmem:s1] =	stream.indirect.scatter.add.f32 [tilespmem:s18], [sflag:$0x5], $0x80, s30, s15, $0xb8;
	[tilespmem:$0x1E8C0] =	vst v63  }
0x124: {  	_ =	swait.ge [sflag:s21], $0x2800  }
0x125: {  	[sflag:s21] =	ssyncset.done $0x0  }
0x126: {  	[sflag:s21] =	ssyncadd.s32 $0xFFFFD800  }
0x127: {  	[tilespmem:s18], [sflag:$0x3] =	stream.indirect.gather [hbm4b:s4+s15], $0x80, s31, s15, $0xb8;
	[tilespmem:$0x1E8C0] =	vst v63  }
0x128: {  	_ =	swait.ge [sflag:s25], $0x2800  }
0x129: {  	[sflag:s25] =	ssyncset.done $0x0  }
0x12a: {  	[sflag:s25] =	ssyncadd.s32 $0xFFFFD800  }
0x12b: {  	[spmem:s1] =	stream.indirect.scatter.add.f32 [tilespmem:s19], [sflag:$0x6], $0x80, s0, s15, $0xb8;
	[tilespmem:$0x1E8C0] =	vst v63  }
0x12c: {  	_ =	swait.ge [sflag:s23], $0x2800  }
0x12d: {  	[sflag:s23] =	ssyncset.done $0x0  }
0x12e: {  	[sflag:s23] =	ssyncadd.s32 $0xFFFFD800  }
0x12f: {  	[tilespmem:s19], [sflag:$0x4] =	stream.indirect.gather [hbm4b:s4+s15], $0x80, s2, s15, $0xb8;
	[tilespmem:$0x1E8C0] =	vst v63  }
0x130: {  	_ =	swait.ge [sflag:s20], $0x2800  }
0x131: {  	[sflag:s20] =	ssyncset.done $0x0  }
0x132: {  	[sflag:s20] =	ssyncadd.s32 $0xFFFFD800  }
0x133: {  	[spmem:s1] =	stream.indirect.scatter.add.f32 [tilespmem:s16], [sflag:$0x5], $0x80, s5, s15, $0xb8;
	[tilespmem:$0x1E8C0] =	vst v63  }
0x134: {  	_ =	swait.ge [sflag:s22], $0x2800  }
0x135: {  	[sflag:s22] =	ssyncset.done $0x0  }
0x136: {  	[sflag:s22] =	ssyncadd.s32 $0xFFFFD800  }
0x137: {  	[spmem:s1] =	stream.indirect.scatter.add.f32 [tilespmem:s17], [sflag:$0x6], $0x80, s6, s15, $0xb8;
	[tilespmem:$0x1E8C0] =	vst v63  }
0x138: {  	_ =	swait.ge [sflag:s24], $0x2800  }
0x139: {  	[sflag:s24] =	ssyncset.done $0x0  }
0x13a: {  	[sflag:s24] =	ssyncadd.s32 $0xFFFFD800  }
0x13b: {  	[spmem:s1] =	stream.indirect.scatter.add.f32 [tilespmem:s18], [sflag:$0x5], $0x80, s7, s15, $0xb8;
	[tilespmem:$0x1E8C0] =	vst v63  }
0x13c: {  	_ =	swait.ge [sflag:s25], $0x2800  }
0x13d: {  	[sflag:s25] =	ssyncset.done $0x0  }
0x13e: {  	[sflag:s25] =	ssyncadd.s32 $0xFFFFD800  }
0x13f: {  	[spmem:s1] =	stream.indirect.scatter.add.f32 [tilespmem:s19], [sflag:$0x6], $0x80, s8, s15, $0xb8;
	[tilespmem:$0x1E8C0] =	vst v63  }
0x140: {  	_ =	swait.ge [sflag:s21], $0x2800  }
0x141: {  	[sflag:s21] =	ssyncset.done $0x0  }
0x142: {  	[sflag:s21] =	ssyncadd.s32 $0xFFFFD800  }
0x143: {  	_ =	swait.ge [sflag:s23], $0x2800  }
0x144: {  	[sflag:s23] =	ssyncset.done $0x0  }
0x145: {  	p1 =	sne.s32 s11, $0x700;
	[sflag:s23] =	ssyncadd.s32 $0xFFFFD800  }
.Ltmp0:
0x146: {  	_ =	swait.ge [sflag:s21], $0x2800;
	(pc) =	sbr.rel @p1 .LBB2_2-.Ltmp0, $4  }
0x147: {  	[sflag:s21] =	ssyncset.done $0x0  }
0x148: {  	[sflag:s21] =	ssyncadd.s32 $0xFFFFD800  }
0x149: {  	_ =	swait.ge [sflag:s23], $0x2800  }
0x14a: {  	s11 =	sadd.s32 $0x100, s11;
	s12 =	rddreg [dreg:$0x4];
	[sflag:s23] =	ssyncset.done $0x0  }
0x14b: {  	[sflag:s23] =	ssyncadd.s32 $0xFFFFD800;
	s9 =	sadd.s32 s10, s12  }
0x14c: {  	[tilespmem:s3], [sflag:$0x7] =	stream.linear.gather [hbm4b:s9+s3], $0x800, $0x38;
	[tilespmem:$0x1E8C0] =	vst v63  }
0x14d: {  	_ =	swait.ge [sflag:s13], $0x800  }
0x14e: {  	s12 =	rddreg [dreg:$0x3];
	[sflag:s13] =	ssyncset.done $0x0  }
0x14f: {  	[sflag:s13] =	ssyncadd.s32 $0xFFFFF800;
	s9 =	sadd.s32 s10, s12  }
0x150: {  	[tilespmem:s14], [sflag:$0x7] =	stream.linear.gather [hbm4b:s9+s3], $0x800, $0x38;
	[tilespmem:$0x1E8C0] =	vst v63  }
0x151: {  	_ =	swait.ge [sflag:s13], $0x800  }
0x152: {  	[sflag:s13] =	ssyncset.done $0x0  }
0x153: {  	[sflag:s13] =	ssyncadd.s32 $0xFFFFF800  }
0x154: {  	[tilespmem:s16], [sflag:$0x1] =	stream.indirect.gather [hbm4b:s4+s15], $0x80, s3, s15, $0xb8;
	[tilespmem:$0x1E8C0] =	vst v63  }
0x155: {  	s11 =	rddreg [dreg:$0x5]  }
0x156: {  	[tilespmem:s17], [sflag:$0x2] =	stream.indirect.gather [hbm4b:s4+s15], $0x80, s11, s15, $0xb8;
	[tilespmem:$0x1E8C0] =	vst v63  }
0x157: {  	s12 =	rddreg [dreg:$0x6]  }
0x158: {  	[tilespmem:s18], [sflag:$0x3] =	stream.indirect.gather [hbm4b:s4+s15], $0x80, s12, s15, $0xb8;
	[tilespmem:$0x1E8C0] =	vst v63  }
0x159: {  	s11 =	rddreg [dreg:$0x7]  }
0x15a: {  	[tilespmem:s19], [sflag:$0x4] =	stream.indirect.gather [hbm4b:s4+s15], $0x80, s11, s15, $0xb8;
	[tilespmem:$0x1E8C0] =	vst v63  }
0x15b: {  	_ =	swait.ge [sflag:s20], $0x2800  }
0x15c: {  	[sflag:s20] =	ssyncset.done $0x0  }
0x15d: {  	[sflag:s20] =	ssyncadd.s32 $0xFFFFD800  }
0x15e: {  	[spmem:s1] =	stream.indirect.scatter.add.f32 [tilespmem:s16], [sflag:$0x5], $0x80, s14, s15, $0xb8;
	[tilespmem:$0x1E8C0] =	vst v63  }
0x15f: {  	_ =	swait.ge [sflag:s21], $0x2800  }
0x160: {  	[sflag:s21] =	ssyncset.done $0x0  }
0x161: {  	s12 =	rddreg [dreg:$0x8];
	[sflag:s21] =	ssyncadd.s32 $0xFFFFD800  }
0x162: {  	[tilespmem:s16], [sflag:$0x1] =	stream.indirect.gather [hbm4b:s4+s15], $0x80, s12, s15, $0xb8;
	[tilespmem:$0x1E8C0] =	vst v63  }
0x163: {  	_ =	swait.ge [sflag:s22], $0x2800  }
0x164: {  	[sflag:s22] =	ssyncset.done $0x0  }
0x165: {  	s10 =	rddreg [dreg:$0x9];
	[sflag:s22] =	ssyncadd.s32 $0xFFFFD800  }
0x166: {  	[spmem:s1] =	stream.indirect.scatter.add.f32 [tilespmem:s17], [sflag:$0x6], $0x80, s10, s15, $0xb8;
	[tilespmem:$0x1E8C0] =	vst v63  }
0x167: {  	_ =	swait.ge [sflag:s23], $0x2800  }
0x168: {  	[sflag:s23] =	ssyncset.done $0x0  }
0x169: {  	s11 =	rddreg [dreg:$0xa];
	[sflag:s23] =	ssyncadd.s32 $0xFFFFD800  }
0x16a: {  	[tilespmem:s17], [sflag:$0x2] =	stream.indirect.gather [hbm4b:s4+s15], $0x80, s11, s15, $0xb8;
	[tilespmem:$0x1E8C0] =	vst v63  }
0x16b: {  	_ =	swait.ge [sflag:s24], $0x2800  }
0x16c: {  	[sflag:s24] =	ssyncset.done $0x0  }
0x16d: {  	s12 =	rddreg [dreg:$0xb];
	[sflag:s24] =	ssyncadd.s32 $0xFFFFD800  }
0x16e: {  	[spmem:s1] =	stream.indirect.scatter.add.f32 [tilespmem:s18], [sflag:$0x5], $0x80, s12, s15, $0xb8;
	[tilespmem:$0x1E8C0] =	vst v63  }
0x16f: {  	_ =	swait.ge [sflag:s21], $0x2800  }
0x170: {  	[sflag:s21] =	ssyncset.done $0x0  }
0x171: {  	s10 =	rddreg [dreg:$0xc];
	[sflag:s21] =	ssyncadd.s32 $0xFFFFD800  }
0x172: {  	[tilespmem:s18], [sflag:$0x3] =	stream.indirect.gather [hbm4b:s4+s15], $0x80, s10, s15, $0xb8;
	[tilespmem:$0x1E8C0] =	vst v63  }
0x173: {  	_ =	swait.ge [sflag:s25], $0x2800  }
0x174: {  	[sflag:s25] =	ssyncset.done $0x0  }
0x175: {  	s11 =	rddreg [dreg:$0xd];
	[sflag:s25] =	ssyncadd.s32 $0xFFFFD800  }
0x176: {  	[spmem:s1] =	stream.indirect.scatter.add.f32 [tilespmem:s19], [sflag:$0x6], $0x80, s11, s15, $0xb8;
	[tilespmem:$0x1E8C0] =	vst v63  }
0x177: {  	_ =	swait.ge [sflag:s23], $0x2800  }
0x178: {  	[sflag:s23] =	ssyncset.done $0x0  }
0x179: {  	s12 =	rddreg [dreg:$0xe];
	[sflag:s23] =	ssyncadd.s32 $0xFFFFD800  }
0x17a: {  	[tilespmem:s19], [sflag:$0x4] =	stream.indirect.gather [hbm4b:s4+s15], $0x80, s12, s15, $0xb8;
	[tilespmem:$0x1E8C0] =	vst v63  }
0x17b: {  	_ =	swait.ge [sflag:s20], $0x2800  }
0x17c: {  	[sflag:s20] =	ssyncset.done $0x0  }
0x17d: {  	s10 =	rddreg [dreg:$0xf];
	[sflag:s20] =	ssyncadd.s32 $0xFFFFD800  }
0x17e: {  	[spmem:s1] =	stream.indirect.scatter.add.f32 [tilespmem:s16], [sflag:$0x5], $0x80, s10, s15, $0xb8;
	[tilespmem:$0x1E8C0] =	vst v63  }
0x17f: {  	_ =	swait.ge [sflag:s21], $0x2800  }
0x180: {  	[sflag:s21] =	ssyncset.done $0x0  }
0x181: {  	s11 =	rddreg [dreg:$0x10];
	[sflag:s21] =	ssyncadd.s32 $0xFFFFD800  }
0x182: {  	[tilespmem:s16], [sflag:$0x1] =	stream.indirect.gather [hbm4b:s4+s15], $0x80, s11, s15, $0xb8;
	[tilespmem:$0x1E8C0] =	vst v63  }
0x183: {  	_ =	swait.ge [sflag:s22], $0x2800  }
0x184: {  	[sflag:s22] =	ssyncset.done $0x0  }
0x185: {  	s12 =	rddreg [dreg:$0x11];
	[sflag:s22] =	ssyncadd.s32 $0xFFFFD800  }
0x186: {  	[spmem:s1] =	stream.indirect.scatter.add.f32 [tilespmem:s17], [sflag:$0x6], $0x80, s12, s15, $0xb8;
	[tilespmem:$0x1E8C0] =	vst v63  }
0x187: {  	_ =	swait.ge [sflag:s23], $0x2800  }
0x188: {  	[sflag:s23] =	ssyncset.done $0x0  }
0x189: {  	s10 =	rddreg [dreg:$0x12];
	[sflag:s23] =	ssyncadd.s32 $0xFFFFD800  }
0x18a: {  	[tilespmem:s17], [sflag:$0x2] =	stream.indirect.gather [hbm4b:s4+s15], $0x80, s10, s15, $0xb8;
	[tilespmem:$0x1E8C0] =	vst v63  }
0x18b: {  	_ =	swait.ge [sflag:s24], $0x2800  }
0x18c: {  	[sflag:s24] =	ssyncset.done $0x0  }
0x18d: {  	s11 =	rddreg [dreg:$0x13];
	[sflag:s24] =	ssyncadd.s32 $0xFFFFD800  }
0x18e: {  	[spmem:s1] =	stream.indirect.scatter.add.f32 [tilespmem:s18], [sflag:$0x5], $0x80, s11, s15, $0xb8;
	[tilespmem:$0x1E8C0] =	vst v63  }
0x18f: {  	_ =	swait.ge [sflag:s21], $0x2800  }
0x190: {  	[sflag:s21] =	ssyncset.done $0x0  }
0x191: {  	s12 =	rddreg [dreg:$0x14];
	[sflag:s21] =	ssyncadd.s32 $0xFFFFD800  }
0x192: {  	[tilespmem:s18], [sflag:$0x3] =	stream.indirect.gather [hbm4b:s4+s15], $0x80, s12, s15, $0xb8;
	[tilespmem:$0x1E8C0] =	vst v63  }
0x193: {  	_ =	swait.ge [sflag:s25], $0x2800  }
0x194: {  	[sflag:s25] =	ssyncset.done $0x0  }
0x195: {  	s10 =	rddreg [dreg:$0x15];
	[sflag:s25] =	ssyncadd.s32 $0xFFFFD800  }
0x196: {  	[spmem:s1] =	stream.indirect.scatter.add.f32 [tilespmem:s19], [sflag:$0x6], $0x80, s10, s15, $0xb8;
	[tilespmem:$0x1E8C0] =	vst v63  }
0x197: {  	_ =	swait.ge [sflag:s23], $0x2800  }
0x198: {  	[sflag:s23] =	ssyncset.done $0x0  }
0x199: {  	s11 =	rddreg [dreg:$0x16];
	[sflag:s23] =	ssyncadd.s32 $0xFFFFD800  }
0x19a: {  	[tilespmem:s19], [sflag:$0x4] =	stream.indirect.gather [hbm4b:s4+s15], $0x80, s11, s15, $0xb8;
	[tilespmem:$0x1E8C0] =	vst v63  }
0x19b: {  	_ =	swait.ge [sflag:s20], $0x2800  }
0x19c: {  	[sflag:s20] =	ssyncset.done $0x0  }
0x19d: {  	s12 =	rddreg [dreg:$0x17];
	[sflag:s20] =	ssyncadd.s32 $0xFFFFD800  }
0x19e: {  	[spmem:s1] =	stream.indirect.scatter.add.f32 [tilespmem:s16], [sflag:$0x5], $0x80, s12, s15, $0xb8;
	[tilespmem:$0x1E8C0] =	vst v63  }
0x19f: {  	_ =	swait.ge [sflag:s21], $0x2800  }
0x1a0: {  	[sflag:s21] =	ssyncset.done $0x0  }
0x1a1: {  	[sflag:s21] =	ssyncadd.s32 $0xFFFFD800  }
0x1a2: {  	[tilespmem:s16], [sflag:$0x1] =	stream.indirect.gather [hbm4b:s4+s15], $0x80, s26, s15, $0xb8;
	[tilespmem:$0x1E8C0] =	vst v63  }
0x1a3: {  	_ =	swait.ge [sflag:s22], $0x2800  }
0x1a4: {  	[sflag:s22] =	ssyncset.done $0x0  }
0x1a5: {  	[sflag:s22] =	ssyncadd.s32 $0xFFFFD800  }
0x1a6: {  	[spmem:s1] =	stream.indirect.scatter.add.f32 [tilespmem:s17], [sflag:$0x6], $0x80, s28, s15, $0xb8;
	[tilespmem:$0x1E8C0] =	vst v63  }
0x1a7: {  	_ =	swait.ge [sflag:s23], $0x2800  }
0x1a8: {  	[sflag:s23] =	ssyncset.done $0x0  }
0x1a9: {  	[sflag:s23] =	ssyncadd.s32 $0xFFFFD800  }
0x1aa: {  	[tilespmem:s17], [sflag:$0x2] =	stream.indirect.gather [hbm4b:s4+s15], $0x80, s29, s15, $0xb8;
	[tilespmem:$0x1E8C0] =	vst v63  }
0x1ab: {  	_ =	swait.ge [sflag:s24], $0x2800  }
0x1ac: {  	[sflag:s24] =	ssyncset.done $0x0  }
0x1ad: {  	[sflag:s24] =	ssyncadd.s32 $0xFFFFD800  }
0x1ae: {  	[spmem:s1] =	stream.indirect.scatter.add.f32 [tilespmem:s18], [sflag:$0x5], $0x80, s30, s15, $0xb8;
	[tilespmem:$0x1E8C0] =	vst v63  }
0x1af: {  	_ =	swait.ge [sflag:s21], $0x2800  }
0x1b0: {  	[sflag:s21] =	ssyncset.done $0x0  }
0x1b1: {  	[sflag:s21] =	ssyncadd.s32 $0xFFFFD800  }
0x1b2: {  	[tilespmem:s18], [sflag:$0x3] =	stream.indirect.gather [hbm4b:s4+s15], $0x80, s31, s15, $0xb8;
	[tilespmem:$0x1E8C0] =	vst v63  }
0x1b3: {  	_ =	swait.ge [sflag:s25], $0x2800  }
0x1b4: {  	[sflag:s25] =	ssyncset.done $0x0  }
0x1b5: {  	[sflag:s25] =	ssyncadd.s32 $0xFFFFD800  }
0x1b6: {  	[spmem:s1] =	stream.indirect.scatter.add.f32 [tilespmem:s19], [sflag:$0x6], $0x80, s0, s15, $0xb8;
	[tilespmem:$0x1E8C0] =	vst v63  }
0x1b7: {  	_ =	swait.ge [sflag:s23], $0x2800  }
0x1b8: {  	[sflag:s23] =	ssyncset.done $0x0  }
0x1b9: {  	[sflag:s23] =	ssyncadd.s32 $0xFFFFD800  }
0x1ba: {  	[tilespmem:s19], [sflag:$0x4] =	stream.indirect.gather [hbm4b:s4+s15], $0x80, s2, s15, $0xb8;
	[tilespmem:$0x1E8C0] =	vst v63  }
0x1bb: {  	_ =	swait.ge [sflag:s20], $0x2800  }
0x1bc: {  	[sflag:s20] =	ssyncset.done $0x0  }
0x1bd: {  	[sflag:s20] =	ssyncadd.s32 $0xFFFFD800  }
0x1be: {  	[spmem:s1] =	stream.indirect.scatter.add.f32 [tilespmem:s16], [sflag:$0x5], $0x80, s5, s15, $0xb8;
	[tilespmem:$0x1E8C0] =	vst v63  }
0x1bf: {  	_ =	swait.ge [sflag:s22], $0x2800  }
0x1c0: {  	[sflag:s22] =	ssyncset.done $0x0  }
0x1c1: {  	[sflag:s22] =	ssyncadd.s32 $0xFFFFD800  }
0x1c2: {  	[spmem:s1] =	stream.indirect.scatter.add.f32 [tilespmem:s17], [sflag:$0x6], $0x80, s6, s15, $0xb8;
	[tilespmem:$0x1E8C0] =	vst v63  }
0x1c3: {  	_ =	swait.ge [sflag:s24], $0x2800  }
0x1c4: {  	[sflag:s24] =	ssyncset.done $0x0  }
0x1c5: {  	[sflag:s24] =	ssyncadd.s32 $0xFFFFD800  }
0x1c6: {  	[spmem:s1] =	stream.indirect.scatter.add.f32 [tilespmem:s18], [sflag:$0x5], $0x80, s7, s15, $0xb8;
	[tilespmem:$0x1E8C0] =	vst v63  }
0x1c7: {  	_ =	swait.ge [sflag:s25], $0x2800  }
0x1c8: {  	[sflag:s25] =	ssyncset.done $0x0  }
0x1c9: {  	[sflag:s25] =	ssyncadd.s32 $0xFFFFD800  }
0x1ca: {  	[spmem:s1] =	stream.indirect.scatter.add.f32 [tilespmem:s19], [sflag:$0x6], $0x80, s8, s15, $0xb8;
	[tilespmem:$0x1E8C0] =	vst v63  }
0x1cb: {  	_ =	swait.ge [sflag:s21], $0x2800  }
0x1cc: {  	[sflag:s21] =	ssyncset.done $0x0  }
0x1cd: {  	[sflag:s21] =	ssyncadd.s32 $0xFFFFD800  }
0x1ce: {  	_ =	swait.ge [sflag:s23], $0x2800  }
0x1cf: {  	[sflag:s23] =	ssyncset.done $0x0  }
0x1d0: {  	[sflag:s23] =	ssyncadd.s32 $0xFFFFD800  }
0x1d1: {  	_ =	swait.ge [sflag:s21], $0x2800  }
0x1d2: {  	[sflag:s21] =	ssyncset.done $0x0  }
0x1d3: {  	[sflag:s21] =	ssyncadd.s32 $0xFFFFD800  }
0x1d4: {  	_ =	swait.ge [sflag:s23], $0x2800  }
0x1d5: {  	[sflag:s23] =	ssyncset.done $0x0  }
0x1d6: {  	[sflag:s23] =	ssyncadd.s32 $0xFFFFD800  }
0x1d7: {  	[bflag:$0x0] =	sbarrier.arrive $0xFFFF  }
0x1d8: {  	s10 =	rddreg [dreg:$0x1b]  }
0x1d9: {  	s9 =	simm.s32 @p0 $0x1FC7;
	s11 =	rddreg [dreg:$0x1d]  }
0x1da: {  	[hbm:s10], [sflag:s9] =	dma.local @p0 [spmem:s11], $0x2080  }
0x1db: {  	s9 =	simm.s32 @p0 $0x7  }
0x1dc: {  	_ =	swait.ge @p0 [sflag:s9], $0x2080  }
0x1dd: {  	s11 =	rddreg [dreg:$0x1e]  }
0x1de: {  	[sflag:s9] =	ssyncset.done @p0 $0x0;
	s10 =	rddreg [dreg:$0x1f]  }
0x1df: {  	[sflag:s9] =	ssyncadd.s32 @p0 $0xFFFFDF80;
	s9 =	rddreg [dreg:$0x1a]  }
0x1e0: {  	[hbm:s9], [sflag:s11] =	dma.local @!p0 [spmem:s10], $0x2780  }
0x1e1: {  	s9 =	simm.s32 @!p0 $0x7  }
0x1e2: {  	_ =	swait.ge @!p0 [sflag:s9], $0x2780  }
0x1e3: {  	s10 =	sld [smem:$0x7FD];
	_ =	sdelay $0x2  }
0x1e4: {  	s12 =	sadd.s32 $0x1, s10;
	s10 =	rddreg [dreg:$0x1c]  }
0x1e5: {  	p1 =	sne.s32 s12, s10  }
.Ltmp1:
0x1e6: {  	_ = 	snop;
	(pc) =	sbr.rel @p1 .LBB2_1-.Ltmp1, $3  }
0x1e7: {  	_ =	sdelay $0x1  }
0x1e8: {  	[sflag:s9] =	ssyncset.done @!p0 $0x0;
	[smem:$0x7FD] =	sst s12  }
0x1e9: {  	[sflag:s9] =	ssyncadd.s32 @!p0 $0xFFFFD880;
	s12 =	rddreg [dreg:$0x1d]  }
0x1ea: {  	_ =	sfence.sel $0x180000  }
0x1eb: {  	[bflag:$0x0] =	sbarrier.arrive $0xFFFF  }
0x1ec: {  	_ =	strace $0x9000004D  }
0x1ed: {  	s0 =	stileid.u32;
	[bflag:$0x2] =	sbarrier.arrive $0xFFFF  }
0x1ee: {  	p0 =	sne.s32 s0, $0x0;
	s0 =	rddreg [dreg:$0x2]  }
0x1ef: {  	s0 =	sadd.s32 @!p0 $0x100000, s0  }
0x1f0: {  	[sflag:s0] =	ssyncadd.tile.s32 @!p0 $0x1;
	_ =	shalt  }
.Lfunc_end2:
_tile_overlayer_lowered:
.L_overlay_start_2:
0x1f1: {  	(tag) =	ssettag $0x2  }
0x1f2: {  	s0 =	rddreg [dreg:$0x0];
	s2 =	stileid.u32  }
0x1f3: {  	s1 =	rddreg [dreg:$0x1];
	p0 =	sne.s32 s2, $0x0  }
0x1f4: {  	s3 =	rddreg [dreg:$0x2];
	[bflag:$0x3] =	sbarrier.arrive $0xFFFF;
	s2 =	simm.s32 @!p0 $0x1C07  }
0x1f5: {  	[timem:s3], [sflag:s2] =	dma.local @!p0 [hbm:s0], s1  }
0x1f6: {  	s0 =	simm.s32 @!p0 $0x7  }
0x1f7: {  	_ =	swait.ge @!p0 [sflag:s0], s1  }
0x1f8: {  	s1 =	ssub.s32 @!p0 $0x0, s1;
	[sflag:s0] =	ssyncset.done @!p0 $0x0  }
0x1f9: {  	[sflag:s0] =	ssyncadd.s32 @!p0 s1  }
0x1fa: {  	[bflag:$0x3] =	sbarrier.arrive $0xFFFF  }
0x1fb: {  	_ =	shalt  }

// kernel: kernel.19.cloned.1.call-start
scs
__scs_entry_jumppad:
0x0: {  	(pc) =	sbr.rel $0x88, $3  }
0x1: {  	(tag) =	ssettag $0x0;
	lr =	simm.s32 $0x1  }
0x2: {  	[smem:$0x3F8E] =	sst lr;
	_ =	strace $0xD0000000  }
0x3: {  	_ = 	snop  }
0x4: {  	_ = 	snop  }
0x5: {  	_ = 	snop  }
0x6: {  	_ = 	snop  }
0x7: {  	_ = 	snop  }
__scs_overlays_trampoline_lowered:
0x8: {  	[smem:$0x3F9D] =	sst s0  }
0x9: {  	[smem:$0x3F9E] =	sst s1  }
0xa: {  	[smem:$0x3F9F] =	sst s2  }
0xb: {  	[smem:$0x3FA0] =	sst s3  }
0xc: {  	[smem:$0x3FA1] =	sst s4  }
0xd: {  	[smem:$0x3FA2] =	sst s5  }
0xe: {  	[smem:$0x3FA3] =	sst s6  }
0xf: {  	[smem:$0x3FA4] =	sst s7  }
0x10: {  	[smem:$0x3FA5] =	sst s8  }
0x11: {  	[smem:$0x3FA6] =	sst s9;
	s0 =	simm.s32 @!p0 $0x0  }
0x12: {  	s1 =	sld [smem:$0x3F8C];
	s0 =	simm.s32 @p0 $0x1  }
0x13: {  	[smem:$0x3FA7] =	sst s0;
	s0 =	simm.s32 @!p1 $0x0  }
0x14: {  	s2 =	sld [smem:$0x3F8B];
	s0 =	simm.s32 @p1 $0x1  }
0x15: {  	[smem:$0x3FA8] =	sst s0;
	s0 =	simm.s32 @!p2 $0x0  }
0x16: {  	s3 =	sld [smem:$0x3FDB];
	s0 =	simm.s32 @p2 $0x1  }
0x17: {  	s4 =	simm.s32 $0x1BF5;
	[smem:$0x3FAA] =	sst s0  }
0x18: {  	s0 =	sld [smem:$0x3F8D];
	_ =	swait.ge [sflag:s4], $0x0  }
0x19: {  	s7 =	sld [smem:$0x3F8E]  }
0x1a: {  	s8 =	sadd.s32 $0xFFFFE003, lr  }
0x1b: {  	s9 =	sadd.s32 $0xFFFFFEF7, lr;
	s5 =	simm.s32 $0xFFFFFFFF;
	p2 =	slt.u32 s8, $0xFFFFF086  }
0x1c: {  	p1 =	slt.u32 s9, $0xF7A;
	s5 =	simm.s32 @!p2 $0x0  }
0x1d: {  	s5 =	simm.s32 @p1 $0x1;
	p0 =	seq.s32 s7, s2  }
0x1e: {  	s7 =	smul.u32 @!p0 $0xF7A, s2;
	p2 =	seq.s32 @!p0 s5, $0x0  }
0x1f: {  	s9 =	smul.u32 $0xF7A, s1;
	s8 =	simm.s32 @!p0 $0x1BF5;
	p2 =	por !p2, p0  }
0x20: {  	[sflag:s8] =	ssyncset.s32 @!p0 $0xFFFFF086;
	s6 =	sadd.s32 @!p0 s3, s7;
	s7 =	simm.s32 @!p0 $0x108  }
0x21: {  	s3 =	sadd.s32 s3, s9;
	s6 =	sadd.s32 @!p0 $0x88, s6;
	s7 =	simm.s32 @p2 $0x1082  }
0x22: {  	[simem:s7], [sflag:s8] =	dma.local @!p0 [hbm:s6], $0xF7A  }
0x23: {  	s9 =	sor.u32 $0xD0000000, s2;
	s6 =	simm.s32 $0x108;
	_ =	swait.ge @!p0 [sflag:s8], $0x0  }
0x24: {  	s3 =	sadd.s32 $0x88, s3;
	s6 =	simm.s32 @!p1 $0x1082;
	[sflag:s4] =	ssyncset.s32 $0xFFFFF086  }
0x25: {  	[simem:s6], [sflag:s4] =	dma.local [hbm:s3], $0xF7A  }
0x26: {  	[smem:$0x3F8E] =	sst s1;
	(tag) =	ssettag s2;
	_ =	strace s9  }
0x27: {  	s1 =	sld [smem:$0x3F9E]  }
0x28: {  	s2 =	sld [smem:$0x3F9F]  }
0x29: {  	s4 =	sld [smem:$0x3FA1]  }
0x2a: {  	p0 =	seq.s32 s5, $0x0;
	s5 =	sld [smem:$0x3FA2]  }
0x2b: {  	s6 =	sld [smem:$0x3FA3]  }
0x2c: {  	s7 =	sld [smem:$0x3FA4]  }
0x2d: {  	s3 =	simm.s32 $0x108;
	s8 =	sld [smem:$0x3FA5]  }
0x2e: {  	s3 =	simm.s32 @!p0 $0x1082;
	s9 =	sld [smem:$0x3FA6]  }
0x2f: {  	lr =	sadd.s32 s0, s3;
	s0 =	sld [smem:$0x3F9D]  }
0x30: {  	s3 =	sld [smem:$0x3FA0]  }
0x31: {  	[smem:$0x3FA9] =	sst s10  }
0x32: {  	s10 =	sld [smem:$0x3FA7];
	_ =	sdelay $0x3  }
0x33: {  	p0 =	seq.s32 s10, $0x1;
	s10 =	sld [smem:$0x3FA9];
	_ =	sdelay $0x3  }
0x34: {  	[smem:$0x3FA9] =	sst s10  }
0x35: {  	s10 =	sld [smem:$0x3FA8];
	_ =	sdelay $0x3  }
0x36: {  	p1 =	seq.s32 s10, $0x1;
	s10 =	sld [smem:$0x3FA9];
	_ =	sdelay $0x3  }
0x37: {  	[smem:$0x3FA9] =	sst s10  }
0x38: {  	s10 =	sld [smem:$0x3FAA]  }
0x39: {  	_ = 	snop;
	(pc) =	sbr.ind lr, $3  }
0x3a: {  	_ = 	snop  }
0x3b: {  	_ = 	snop  }
0x3c: {  	p2 =	seq.s32 s10, $0x1;
	s10 =	sld [smem:$0x3FA9]  }
0x3d: {  	_ =	shalt  }
0x3e: {  	_ =	shalt  }
0x3f: {  	_ =	shalt  }
0x40: {  	_ =	shalt  }
0x41: {  	_ =	shalt  }
0x42: {  	_ =	shalt  }
0x43: {  	_ =	shalt  }
0x44: {  	_ =	shalt  }
0x45: {  	_ =	shalt  }
0x46: {  	_ =	shalt  }
0x47: {  	_ =	shalt  }
0x48: {  	_ =	shalt  }
0x49: {  	_ =	shalt  }
0x4a: {  	_ =	shalt  }
0x4b: {  	_ =	shalt  }
0x4c: {  	_ =	shalt  }
0x4d: {  	_ =	shalt  }
0x4e: {  	_ =	shalt  }
0x4f: {  	_ =	shalt  }
0x50: {  	_ =	shalt  }
0x51: {  	_ =	shalt  }
0x52: {  	_ =	shalt  }
0x53: {  	_ =	shalt  }
0x54: {  	_ =	shalt  }
0x55: {  	_ =	shalt  }
0x56: {  	_ =	shalt  }
0x57: {  	_ =	shalt  }
0x58: {  	_ =	shalt  }
0x59: {  	_ =	shalt  }
0x5a: {  	_ =	shalt  }
0x5b: {  	_ =	shalt  }
0x5c: {  	_ =	shalt  }
0x5d: {  	_ =	shalt  }
0x5e: {  	_ =	shalt  }
0x5f: {  	_ =	shalt  }
0x60: {  	_ =	shalt  }
0x61: {  	_ =	shalt  }
0x62: {  	_ =	shalt  }
0x63: {  	_ =	shalt  }
0x64: {  	_ =	shalt  }
0x65: {  	_ =	shalt  }
0x66: {  	_ =	shalt  }
0x67: {  	_ =	shalt  }
0x68: {  	_ =	shalt  }
0x69: {  	_ =	shalt  }
0x6a: {  	_ =	shalt  }
0x6b: {  	_ =	shalt  }
0x6c: {  	_ =	shalt  }
0x6d: {  	_ =	shalt  }
0x6e: {  	_ =	shalt  }
0x6f: {  	_ =	shalt  }
0x70: {  	_ =	shalt  }
0x71: {  	_ =	shalt  }
0x72: {  	_ =	shalt  }
0x73: {  	_ =	shalt  }
0x74: {  	_ =	shalt  }
0x75: {  	_ =	shalt  }
0x76: {  	_ =	shalt  }
0x77: {  	_ =	shalt  }
0x78: {  	_ =	shalt  }
0x79: {  	_ =	shalt  }
0x7a: {  	_ =	shalt  }
0x7b: {  	_ =	shalt  }
0x7c: {  	_ =	shalt  }
0x7d: {  	_ =	shalt  }
0x7e: {  	_ =	shalt  }
0x7f: {  	_ =	shalt  }
0x80: {  	_ =	shalt  }
0x81: {  	_ =	shalt  }
0x82: {  	_ =	shalt  }
0x83: {  	_ =	shalt  }
0x84: {  	_ =	shalt  }
0x85: {  	_ =	shalt  }
0x86: {  	_ =	shalt  }
0x87: {  	_ =	shalt  }
.Lfunc_end0:
.L_simem_size_0:
called_computation.3_lowered:
.L_overlay_start_0:
0x88: {  	s2 =	sld [smem:$0x3FD9]  }
0x89: {  	s3 =	sld [smem:$0x3FFE];
	_ =	sdelay $0x1  }
0x8a: {  	s1 =	srdreg.scid  }
0x8b: {  	s0 =	sand.u32 $0x1, s1  }
0x8c: {  	s16 =	sshll.u32 s0, $0xA;
	s2 =	sadd.s32 s3, s2  }
0x8d: {  	s2 =	sadd.s32 s2, s16  }
0x8e: {  	[smem:$0x3FB5] =	sst s2  }
0x8f: {  	_ = 	snop  }
0x90: {  	(tm) =	ssettm $0x1  }
0x91: {  	s17 =	sld [smem:$0x3FFB];
	_ =	sdelay $0x3  }
0x92: {  	_ =	strace s17  }
0x93: {  	s2 =	sld [smem:$0x3FFC];
	_ =	sdelay $0x3  }
0x94: {  	_ =	strace s2  }
0x95: {  	s2 =	sld [smem:$0x3FFD];
	_ =	sdelay $0x3  }
0x96: {  	_ =	strace s2  }
0x97: {  	_ =	strace $0x8FFFFFFF  }
0x98: {  	s18 =	sld [smem:$0x3FDB];
	_ =	sdelay $0x1  }
0x99: {  	s19 =	simm.s32 $_scs_section_size  }
0x9a: {  	s4 =	simm.s32 $_size__tile_overlayer_lowered;
	s5 =	simm.s32 $_tile_overlayer_lowered  }
0x9b: {  	s22 =	simm.s32 $0x1BFF;
	s21 =	sshll.u32 s5, $0x1;
	s2 =	sadd.s32 s19, s18  }
0x9c: {  	s6 =	simm.s32 $0x0;
	s20 =	sshll.u32 s4, $0x1;
	s4 =	sadd.s32 s21, s2  }
0x9d: {  	[timem:s6], [sflag:s22] =	dma.local [hbm:s4], s20  }
0x9e: {  	_ =	swait.ge [sflag:s22], s20  }
0x9f: {  	s3 =	ssub.s32 $0x0, s20;
	[sflag:s22] =	ssyncset.done $0x0  }
0xa0: {  	[sflag:s22] =	ssyncadd.s32 s3;
	_ =	sdelay $0x1  }
0xa1: {  	s23 =	simm.s32 $0x1B8B  }
0xa2: {  	_ =	swait.ge [sflag:s23], $0x1  }
0xa3: {  	[sflag:s23] =	ssyncset.done $0x0  }
0xa4: {  	s25 =	simm.s32 $0x1B8E;
	s24 =	sld [smem:$0x3FFE];
	[sflag:s23] =	ssyncadd.s32 $0xFFFFFFFF  }
0xa5: {  	s26 =	simm.s32 $execute0_lowered;
	[smem:$0x3FD2] =	sst s25  }
0xa6: {  	s4 =	sshll.u32 s26, $0x1;
	_ =	strace $0x8000004F;
	[dreg:$0x1] =	wrdreg $0xFFFFFFFF  }
0xa7: {  	s28 =	simm.s32 $_size_execute0_lowered;
	s2 =	sadd.s32 s2, s4;
	[dreg:$0x0] =	wrdreg $0x0  }
0xa8: {  	s4 =	sshll.u32 s28, $0x1;
	[dreg:$0x2] =	wrdreg s2  }
0xa9: {  	[dreg:$0x3] =	wrdreg s4  }
0xaa: {  	[dreg:$0x4] =	wrdreg $0xC0  }
0xab: {  	_ =	task [dreg:s6], $0x5FFFF  }
0xac: {  	[dreg:$0x1] =	wrdreg $0xFFFFFFFF  }
0xad: {  	[dreg:$0x0] =	wrdreg $0x60  }
0xae: {  	[dreg:$0x2] =	wrdreg s24  }
0xaf: {  	[dreg:$0x3] =	wrdreg $0xB0000  }
0xb0: {  	[dreg:$0x4] =	wrdreg $0x9  }
0xb1: {  	_ =	task.clear_ibuf [dreg:s6], $0x5FFFF;
	_ =	strace $0x9000004F  }
0xb2: {  	s29 =	simm.s32 $0x9;
	_ =	strace $0x80000051  }
0xb3: {  	_ =	swait.ge [sflag:s29], $0x1  }
0xb4: {  	[sflag:s29] =	ssyncadd.s32 $0xFFFFFFFF  }
0xb5: {  	_ =	strace $0x90000051  }
0xb6: {  	_ =	sfence  }
0xb7: {  	s30 =	sld [smem:$0x0];
	_ =	sdelay $0x2  }
0xb8: {  	s31 =	sshll.u32 s1, $0xD;
	s1 =	sshrl.u32 s1, $0x2  }
0xb9: {  	s3 =	sand.u32 $0x4000, s31;
	s1 =	sadd.s32 s1, s30  }
0xba: {  	s0 =	sor.u32 s3, s0;
	s1 =	sshll.u32 s1, $0x11  }
0xbb: {  	s0 =	sor.u32 s1, s0  }
0xbc: {  	s0 =	sadd.s32 $0x8F2B, s0  }
0xbd: {  	[sflag:s0] =	ssyncadd.remote.s32 $0x1  }
0xbe: {  	_ =	sfence.sel $0xFFFF  }
0xbf: {  	[dreg:$0x0] =	wrdreg $0xFFFFFFFF;
	(pc) =	sbr.abs _section_cstart, $3  }
0xc0: {  	[dreg:$0x1] =	wrdreg $0xFFFFFFFF  }
0xc1: {  	_ =	task.clear_ibuf [dreg:s6], $0x2FFFF;
	_ =	strace $0x9FFFFFFF  }
0xc2: {  	(tm) =	ssettm $0x7FFFFFFF  }
0xc3: {  	_ =	shalt  }
tec
execute0_lowered:
.L_overlay_start_1:
0x0: {  	(tag) =	ssettag $0x1  }
0x1: {  	s0 =	rddreg [dreg:$0x0]  }
0x2: {  	s1 =	rddreg [dreg:$0x1];
	s3 =	simm.s32 $0x0;
	s13 =	stileid.u32  }
0x3: {  	s6 =	srdreg.scid;
	s14 =	simm.s32 $0x100;
	s16 =	simm.s32 $0x180  }
0x4: {  	s17 =	simm.s32 $0x200;
	s18 =	simm.s32 $0x880;
	s19 =	simm.s32 $0x280  }
0x5: {  	s20 =	simm.s32 $0x900;
	s21 =	simm.s32 $0x300;
	s22 =	simm.s32 $0x980  }
0x6: {  	s23 =	simm.s32 $0x380;
	s28 =	simm.s32 $0xC80;
	[smem:$0x7FF] =	sst s3  }
0x7: {  	s29 =	simm.s32 $0x680;
	_ =	strace $0x80000050;
	[dreg:$0x6] =	wrdreg s14  }
0x8: {  	s30 =	simm.s32 $0xD00;
	s31 =	simm.s32 $0x700;
	[dreg:$0x7] =	wrdreg s16  }
0x9: {  	s4 =	sadd.s32 $0x3BA00, s0;
	s5 =	smul.u32 $0x2780, s13;
	[dreg:$0x8] =	wrdreg s17  }
0xa: {  	s2 =	sshll.u32 s13, $0xC;
	s7 =	smul.u32 $0x4F000, s13;
	[dreg:$0x9] =	wrdreg s18  }
0xb: {  	s6 =	sand.u32 $0x1, s6;
	s11 =	smul.u32 $0x13C00, s13;
	[dreg:$0xa] =	wrdreg s19  }
0xc: {  	s12 =	sadd.s32 $0xAA200, s0;
	p0 =	seq.s32 s13, $0xF;
	[dreg:$0xb] =	wrdreg s20  }
0xd: {  	s2 =	sadd.s32 s2, s0;
	s8 =	ssub.s32 $0x2, s6;
	[dreg:$0xc] =	wrdreg s21  }
0xe: {  	s9 =	smul.u32 $0x138800, s6;
	s24 =	sshll.u32 s6, $0xB;
	[dreg:$0xd] =	wrdreg s22  }
0xf: {  	s14 =	simm.s32 $0x800;
	[dreg:$0xe] =	wrdreg s23;
	s16 =	simm.s32 $0x1000  }
0x10: {  	s17 =	simm.s32 $0x3800;
	s18 =	simm.s32 $0x6000;
	s19 =	simm.s32 $0x8800  }
0x11: {  	s20 =	simm.s32 $0x1;
	s21 =	simm.s32 $0x5;
	s22 =	simm.s32 $0x2  }
0x12: {  	s23 =	simm.s32 $0x6;
	s5 =	sadd.s32 s5, s0;
	s0 =	sadd.s32 $0x39880, s0  }
0x13: {  	s2 =	sadd.s32 s24, s2;
	s24 =	simm.s32 $0xA00;
	[dreg:$0x19] =	wrdreg s0  }
0x14: {  	s10 =	sshrl.u32 s8, $0x1;
	s5 =	sadd.s32 $0x14800, s5;
	[dreg:$0xf] =	wrdreg s24  }
0x15: {  	s8 =	ssub.s32 s8, s10;
	[dreg:$0x18] =	wrdreg s5;
	s5 =	sadd.s32 $0x8A200, s2  }
0x16: {  	s25 =	sadd.s32 s11, s9;
	s15 =	smax.u32 s8, $0x1;
	[dreg:$0x3] =	wrdreg s5  }
0x17: {  	s6 =	sshrl.u32 s25, $0x3;
	s25 =	simm.s32 $0x400;
	[dreg:$0x1c] =	wrdreg s15  }
0x18: {  	s7 =	sshrl.u32 s7, $0x2;
	s8 =	simm.s32 $0x580;
	[dreg:$0x10] =	wrdreg s25  }
0x19: {  	s7 =	sadd.s32 s7, s1;
	s26 =	sadd.s32 s12, s6;
	[dreg:$0x16] =	wrdreg s8  }
0x1a: {  	s6 =	sshrl.u32 s9, $0x3;
	s9 =	sadd.s32 $0x9A200, s2;
	[dreg:$0x1a] =	wrdreg s26  }
0x1b: {  	s10 =	sadd.s32 $0x128400, s1;
	s5 =	simm.s32 $0xB00;
	[dreg:$0x4] =	wrdreg s9  }
0x1c: {  	s11 =	sadd.s32 s12, s6;
	s12 =	simm.s32 $0x80;
	[dreg:$0x13] =	wrdreg s5  }
0x1d: {  	s24 =	simm.s32 $0x3;
	s26 =	simm.s32 $0xA80;
	[dreg:$0x5] =	wrdreg s12  }
0x1e: {  	s0 =	simm.s32 $0xD80;
	s6 =	simm.s32 $0x500;
	[dreg:$0x11] =	wrdreg s26  }
0x1f: {  	s15 =	simm.s32 $0x50;
	s9 =	simm.s32 $0xC00;
	[dreg:$0x14] =	wrdreg s6  }
0x20: {  	s25 =	simm.s32 $0x4;
	s2 =	sadd.s32 $0x25080, s11;
	[dreg:$0x17] =	wrdreg s9  }
0x21: {  	s12 =	sshrl.u32 @p0 s10, $0x3;
	s10 =	simm.s32 $0x0;
	[dreg:$0x1b] =	wrdreg s2  }
0x22: {  	s8 =	simm.s32 $0xF80;
	s2 =	sshll.u32 @!p0 s13, $0x6;
	[smem:$0x7FD] =	sst s10  }
0x23: {  	[dreg:$0x1d] =	wrdreg s12;
	s11 =	sor.u32 @!p0 $0x1C07, s2;
	s2 =	sshrl.u32 @!p0 s7, $0x3  }
0x24: {  	s5 =	simm.s32 $0xE00;
	s7 =	simm.s32 $0xB80;
	[dreg:$0x1f] =	wrdreg s2  }
0x25: {  	s26 =	simm.s32 $0x600;
	s6 =	simm.s32 $0xE80;
	[dreg:$0x15] =	wrdreg s7  }
0x26: {  	s13 =	simm.s32 $0x7;
	s2 =	simm.s32 $0x480;
	[dreg:$0x1e] =	wrdreg s11  }
0x27: {  	s7 =	simm.s32 $0xF00;
	[dreg:$0x12] =	wrdreg s2;
	s2 =	simm.s32 $0x780  }
.LBB2_1:
0x28: {  	s10 =	simm.s32 @p0 $0x1FC7;
	s9 =	rddreg [dreg:$0x19]  }
0x29: {  	[spmem:s12], [sflag:s10] =	dma.local @p0 [hbm:s9], $0x2080  }
0x2a: {  	s10 =	simm.s32 @p0 $0x7  }
0x2b: {  	_ =	swait.ge @p0 [sflag:s10], $0x2080  }
0x2c: {  	[sflag:s10] =	ssyncset.done @p0 $0x0;
	s9 =	rddreg [dreg:$0x18]  }
0x2d: {  	[sflag:s10] =	ssyncadd.s32 @p0 $0xFFFFDF80;
	s10 =	rddreg [dreg:$0x1f]  }
0x2e: {  	[spmem:s10], [sflag:s11] =	dma.local @!p0 [hbm:s9], $0x2780  }
0x2f: {  	s10 =	simm.s32 @!p0 $0x7  }
0x30: {  	_ =	swait.ge @!p0 [sflag:s10], $0x2780  }
0x31: {  	[sflag:s10] =	ssyncset.done @!p0 $0x0  }
0x32: {  	[sflag:s10] =	ssyncadd.s32 @!p0 $0xFFFFD880  }
0x33: {  	[bflag:$0x0] =	sbarrier.arrive $0xFFFF  }
0x34: {  	s12 =	rddreg [dreg:$0x4]  }
0x35: {  	s10 =	sadd.s32 $0x0, s12  }
0x36: {  	[tilespmem:s3], [sflag:$0x7] =	stream.linear.gather [hbm4b:s10+s3], $0x800, $0x38;
	[tilespmem:$0x1E8C0] =	vst v63  }
0x37: {  	_ =	swait.ge [sflag:s13], $0x800  }
0x38: {  	s9 =	rddreg [dreg:$0x3];
	[sflag:s13] =	ssyncset.done $0x0  }
0x39: {  	[sflag:s13] =	ssyncadd.s32 $0xFFFFF800;
	s10 =	sadd.s32 $0x0, s9  }
0x3a: {  	[tilespmem:s14], [sflag:$0x7] =	stream.linear.gather [hbm4b:s10+s3], $0x800, $0x38;
	[tilespmem:$0x1E8C0] =	vst v63  }
0x3b: {  	_ =	swait.ge [sflag:s13], $0x800  }
0x3c: {  	[sflag:s13] =	ssyncset.done $0x0  }
0x3d: {  	[sflag:s13] =	ssyncadd.s32 $0xFFFFF800  }
0x3e: {  	[tilespmem:s16], [sflag:$0x1] =	stream.indirect.gather [hbm4b:s4+s15], $0x80, s3, s15, $0xb8;
	[tilespmem:$0x1E8C0] =	vst v63  }
0x3f: {  	s11 =	rddreg [dreg:$0x5]  }
0x40: {  	[tilespmem:s17], [sflag:$0x2] =	stream.indirect.gather [hbm4b:s4+s15], $0x80, s11, s15, $0xb8;
	[tilespmem:$0x1E8C0] =	vst v63  }
0x41: {  	s12 =	rddreg [dreg:$0x6]  }
0x42: {  	[tilespmem:s18], [sflag:$0x3] =	stream.indirect.gather [hbm4b:s4+s15], $0x80, s12, s15, $0xb8;
	[tilespmem:$0x1E8C0] =	vst v63  }
0x43: {  	s9 =	rddreg [dreg:$0x7]  }
0x44: {  	[tilespmem:s19], [sflag:$0x4] =	stream.indirect.gather [hbm4b:s4+s15], $0x80, s9, s15, $0xb8;
	[tilespmem:$0x1E8C0] =	vst v63  }
0x45: {  	_ =	swait.ge [sflag:s20], $0x2800  }
0x46: {  	[sflag:s20] =	ssyncset.done $0x0  }
0x47: {  	[sflag:s20] =	ssyncadd.s32 $0xFFFFD800  }
0x48: {  	[spmem:s1] =	stream.indirect.scatter.add.f32 [tilespmem:s16], [sflag:$0x5], $0x80, s14, s15, $0xb8;
	[tilespmem:$0x1E8C0] =	vst v63  }
0x49: {  	_ =	swait.ge [sflag:s21], $0x2800  }
0x4a: {  	[sflag:s21] =	ssyncset.done $0x0  }
0x4b: {  	s12 =	rddreg [dreg:$0x8];
	[sflag:s21] =	ssyncadd.s32 $0xFFFFD800  }
0x4c: {  	[tilespmem:s16], [sflag:$0x1] =	stream.indirect.gather [hbm4b:s4+s15], $0x80, s12, s15, $0xb8;
	[tilespmem:$0x1E8C0] =	vst v63  }
0x4d: {  	_ =	swait.ge [sflag:s22], $0x2800  }
0x4e: {  	[sflag:s22] =	ssyncset.done $0x0  }
0x4f: {  	s9 =	rddreg [dreg:$0x9];
	[sflag:s22] =	ssyncadd.s32 $0xFFFFD800  }
0x50: {  	[spmem:s1] =	stream.indirect.scatter.add.f32 [tilespmem:s17], [sflag:$0x6], $0x80, s9, s15, $0xb8;
	[tilespmem:$0x1E8C0] =	vst v63  }
0x51: {  	_ =	swait.ge [sflag:s23], $0x2800  }
0x52: {  	[sflag:s23] =	ssyncset.done $0x0  }
0x53: {  	s11 =	rddreg [dreg:$0xa];
	[sflag:s23] =	ssyncadd.s32 $0xFFFFD800  }
0x54: {  	[tilespmem:s17], [sflag:$0x2] =	stream.indirect.gather [hbm4b:s4+s15], $0x80, s11, s15, $0xb8;
	[tilespmem:$0x1E8C0] =	vst v63  }
0x55: {  	_ =	swait.ge [sflag:s24], $0x2800  }
0x56: {  	[sflag:s24] =	ssyncset.done $0x0  }
0x57: {  	s12 =	rddreg [dreg:$0xb];
	[sflag:s24] =	ssyncadd.s32 $0xFFFFD800  }
0x58: {  	[spmem:s1] =	stream.indirect.scatter.add.f32 [tilespmem:s18], [sflag:$0x5], $0x80, s12, s15, $0xb8;
	[tilespmem:$0x1E8C0] =	vst v63  }
0x59: {  	_ =	swait.ge [sflag:s21], $0x2800  }
0x5a: {  	[sflag:s21] =	ssyncset.done $0x0  }
0x5b: {  	s9 =	rddreg [dreg:$0xc];
	[sflag:s21] =	ssyncadd.s32 $0xFFFFD800  }
0x5c: {  	[tilespmem:s18], [sflag:$0x3] =	stream.indirect.gather [hbm4b:s4+s15], $0x80, s9, s15, $0xb8;
	[tilespmem:$0x1E8C0] =	vst v63  }
0x5d: {  	_ =	swait.ge [sflag:s25], $0x2800  }
0x5e: {  	[sflag:s25] =	ssyncset.done $0x0  }
0x5f: {  	s11 =	rddreg [dreg:$0xd];
	[sflag:s25] =	ssyncadd.s32 $0xFFFFD800  }
0x60: {  	[spmem:s1] =	stream.indirect.scatter.add.f32 [tilespmem:s19], [sflag:$0x6], $0x80, s11, s15, $0xb8;
	[tilespmem:$0x1E8C0] =	vst v63  }
0x61: {  	_ =	swait.ge [sflag:s23], $0x2800  }
0x62: {  	[sflag:s23] =	ssyncset.done $0x0  }
0x63: {  	s12 =	rddreg [dreg:$0xe];
	[sflag:s23] =	ssyncadd.s32 $0xFFFFD800  }
0x64: {  	[tilespmem:s19], [sflag:$0x4] =	stream.indirect.gather [hbm4b:s4+s15], $0x80, s12, s15, $0xb8;
	[tilespmem:$0x1E8C0] =	vst v63  }
0x65: {  	_ =	swait.ge [sflag:s20], $0x2800  }
0x66: {  	[sflag:s20] =	ssyncset.done $0x0  }
0x67: {  	s9 =	rddreg [dreg:$0xf];
	[sflag:s20] =	ssyncadd.s32 $0xFFFFD800  }
0x68: {  	[spmem:s1] =	stream.indirect.scatter.add.f32 [tilespmem:s16], [sflag:$0x5], $0x80, s9, s15, $0xb8;
	[tilespmem:$0x1E8C0] =	vst v63  }
0x69: {  	_ =	swait.ge [sflag:s21], $0x2800  }
0x6a: {  	[sflag:s21] =	ssyncset.done $0x0  }
0x6b: {  	s11 =	rddreg [dreg:$0x10];
	[sflag:s21] =	ssyncadd.s32 $0xFFFFD800  }
0x6c: {  	[tilespmem:s16], [sflag:$0x1] =	stream.indirect.gather [hbm4b:s4+s15], $0x80, s11, s15, $0xb8;
	[tilespmem:$0x1E8C0] =	vst v63  }
0x6d: {  	_ =	swait.ge [sflag:s22], $0x2800  }
0x6e: {  	[sflag:s22] =	ssyncset.done $0x0  }
0x6f: {  	s12 =	rddreg [dreg:$0x11];
	[sflag:s22] =	ssyncadd.s32 $0xFFFFD800  }
0x70: {  	[spmem:s1] =	stream.indirect.scatter.add.f32 [tilespmem:s17], [sflag:$0x6], $0x80, s12, s15, $0xb8;
	[tilespmem:$0x1E8C0] =	vst v63  }
0x71: {  	_ =	swait.ge [sflag:s23], $0x2800  }
0x72: {  	[sflag:s23] =	ssyncset.done $0x0  }
0x73: {  	s9 =	rddreg [dreg:$0x12];
	[sflag:s23] =	ssyncadd.s32 $0xFFFFD800  }
0x74: {  	[tilespmem:s17], [sflag:$0x2] =	stream.indirect.gather [hbm4b:s4+s15], $0x80, s9, s15, $0xb8;
	[tilespmem:$0x1E8C0] =	vst v63  }
0x75: {  	_ =	swait.ge [sflag:s24], $0x2800  }
0x76: {  	[sflag:s24] =	ssyncset.done $0x0  }
0x77: {  	s11 =	rddreg [dreg:$0x13];
	[sflag:s24] =	ssyncadd.s32 $0xFFFFD800  }
0x78: {  	[spmem:s1] =	stream.indirect.scatter.add.f32 [tilespmem:s18], [sflag:$0x5], $0x80, s11, s15, $0xb8;
	[tilespmem:$0x1E8C0] =	vst v63  }
0x79: {  	_ =	swait.ge [sflag:s21], $0x2800  }
0x7a: {  	[sflag:s21] =	ssyncset.done $0x0  }
0x7b: {  	s12 =	rddreg [dreg:$0x14];
	[sflag:s21] =	ssyncadd.s32 $0xFFFFD800  }
0x7c: {  	[tilespmem:s18], [sflag:$0x3] =	stream.indirect.gather [hbm4b:s4+s15], $0x80, s12, s15, $0xb8;
	[tilespmem:$0x1E8C0] =	vst v63  }
0x7d: {  	_ =	swait.ge [sflag:s25], $0x2800  }
0x7e: {  	[sflag:s25] =	ssyncset.done $0x0  }
0x7f: {  	s9 =	rddreg [dreg:$0x15];
	[sflag:s25] =	ssyncadd.s32 $0xFFFFD800  }
0x80: {  	[spmem:s1] =	stream.indirect.scatter.add.f32 [tilespmem:s19], [sflag:$0x6], $0x80, s9, s15, $0xb8;
	[tilespmem:$0x1E8C0] =	vst v63  }
0x81: {  	_ =	swait.ge [sflag:s23], $0x2800  }
0x82: {  	[sflag:s23] =	ssyncset.done $0x0  }
0x83: {  	s11 =	rddreg [dreg:$0x16];
	[sflag:s23] =	ssyncadd.s32 $0xFFFFD800  }
0x84: {  	[tilespmem:s19], [sflag:$0x4] =	stream.indirect.gather [hbm4b:s4+s15], $0x80, s11, s15, $0xb8;
	[tilespmem:$0x1E8C0] =	vst v63  }
0x85: {  	_ =	swait.ge [sflag:s20], $0x2800  }
0x86: {  	[sflag:s20] =	ssyncset.done $0x0  }
0x87: {  	s12 =	rddreg [dreg:$0x17];
	[sflag:s20] =	ssyncadd.s32 $0xFFFFD800  }
0x88: {  	[spmem:s1] =	stream.indirect.scatter.add.f32 [tilespmem:s16], [sflag:$0x5], $0x80, s12, s15, $0xb8;
	[tilespmem:$0x1E8C0] =	vst v63  }
0x89: {  	_ =	swait.ge [sflag:s21], $0x2800  }
0x8a: {  	[sflag:s21] =	ssyncset.done $0x0  }
0x8b: {  	[sflag:s21] =	ssyncadd.s32 $0xFFFFD800  }
0x8c: {  	[tilespmem:s16], [sflag:$0x1] =	stream.indirect.gather [hbm4b:s4+s15], $0x80, s26, s15, $0xb8;
	[tilespmem:$0x1E8C0] =	vst v63  }
0x8d: {  	_ =	swait.ge [sflag:s22], $0x2800  }
0x8e: {  	[sflag:s22] =	ssyncset.done $0x0  }
0x8f: {  	[sflag:s22] =	ssyncadd.s32 $0xFFFFD800  }
0x90: {  	[spmem:s1] =	stream.indirect.scatter.add.f32 [tilespmem:s17], [sflag:$0x6], $0x80, s28, s15, $0xb8;
	[tilespmem:$0x1E8C0] =	vst v63  }
0x91: {  	_ =	swait.ge [sflag:s23], $0x2800  }
0x92: {  	[sflag:s23] =	ssyncset.done $0x0  }
0x93: {  	[sflag:s23] =	ssyncadd.s32 $0xFFFFD800  }
0x94: {  	[tilespmem:s17], [sflag:$0x2] =	stream.indirect.gather [hbm4b:s4+s15], $0x80, s29, s15, $0xb8;
	[tilespmem:$0x1E8C0] =	vst v63  }
0x95: {  	_ =	swait.ge [sflag:s24], $0x2800  }
0x96: {  	[sflag:s24] =	ssyncset.done $0x0  }
0x97: {  	[sflag:s24] =	ssyncadd.s32 $0xFFFFD800  }
0x98: {  	[spmem:s1] =	stream.indirect.scatter.add.f32 [tilespmem:s18], [sflag:$0x5], $0x80, s30, s15, $0xb8;
	[tilespmem:$0x1E8C0] =	vst v63  }
0x99: {  	_ =	swait.ge [sflag:s21], $0x2800  }
0x9a: {  	[sflag:s21] =	ssyncset.done $0x0  }
0x9b: {  	[sflag:s21] =	ssyncadd.s32 $0xFFFFD800  }
0x9c: {  	[tilespmem:s18], [sflag:$0x3] =	stream.indirect.gather [hbm4b:s4+s15], $0x80, s31, s15, $0xb8;
	[tilespmem:$0x1E8C0] =	vst v63  }
0x9d: {  	_ =	swait.ge [sflag:s25], $0x2800  }
0x9e: {  	[sflag:s25] =	ssyncset.done $0x0  }
0x9f: {  	[sflag:s25] =	ssyncadd.s32 $0xFFFFD800  }
0xa0: {  	[spmem:s1] =	stream.indirect.scatter.add.f32 [tilespmem:s19], [sflag:$0x6], $0x80, s0, s15, $0xb8;
	[tilespmem:$0x1E8C0] =	vst v63  }
0xa1: {  	_ =	swait.ge [sflag:s23], $0x2800  }
0xa2: {  	[sflag:s23] =	ssyncset.done $0x0  }
0xa3: {  	[sflag:s23] =	ssyncadd.s32 $0xFFFFD800  }
0xa4: {  	[tilespmem:s19], [sflag:$0x4] =	stream.indirect.gather [hbm4b:s4+s15], $0x80, s2, s15, $0xb8;
	[tilespmem:$0x1E8C0] =	vst v63  }
0xa5: {  	_ =	swait.ge [sflag:s20], $0x2800  }
0xa6: {  	[sflag:s20] =	ssyncset.done $0x0  }
0xa7: {  	[sflag:s20] =	ssyncadd.s32 $0xFFFFD800  }
0xa8: {  	[spmem:s1] =	stream.indirect.scatter.add.f32 [tilespmem:s16], [sflag:$0x5], $0x80, s5, s15, $0xb8;
	[tilespmem:$0x1E8C0] =	vst v63  }
0xa9: {  	_ =	swait.ge [sflag:s22], $0x2800  }
0xaa: {  	[sflag:s22] =	ssyncset.done $0x0  }
0xab: {  	[sflag:s22] =	ssyncadd.s32 $0xFFFFD800  }
0xac: {  	[spmem:s1] =	stream.indirect.scatter.add.f32 [tilespmem:s17], [sflag:$0x6], $0x80, s6, s15, $0xb8;
	[tilespmem:$0x1E8C0] =	vst v63  }
0xad: {  	_ =	swait.ge [sflag:s24], $0x2800  }
0xae: {  	[sflag:s24] =	ssyncset.done $0x0  }
0xaf: {  	[sflag:s24] =	ssyncadd.s32 $0xFFFFD800  }
0xb0: {  	[spmem:s1] =	stream.indirect.scatter.add.f32 [tilespmem:s18], [sflag:$0x5], $0x80, s7, s15, $0xb8;
	[tilespmem:$0x1E8C0] =	vst v63  }
0xb1: {  	_ =	swait.ge [sflag:s25], $0x2800  }
0xb2: {  	[sflag:s25] =	ssyncset.done $0x0  }
0xb3: {  	[sflag:s25] =	ssyncadd.s32 $0xFFFFD800  }
0xb4: {  	[spmem:s1] =	stream.indirect.scatter.add.f32 [tilespmem:s19], [sflag:$0x6], $0x80, s8, s15, $0xb8;
	[tilespmem:$0x1E8C0] =	vst v63  }
0xb5: {  	_ =	swait.ge [sflag:s21], $0x2800  }
0xb6: {  	[sflag:s21] =	ssyncset.done $0x0  }
0xb7: {  	[sflag:s21] =	ssyncadd.s32 $0xFFFFD800  }
0xb8: {  	_ =	swait.ge [sflag:s23], $0x2800  }
0xb9: {  	[sflag:s23] =	ssyncset.done $0x0  }
0xba: {  	[sflag:s23] =	ssyncadd.s32 $0xFFFFD800  }
0xbb: {  	_ =	swait.ge [sflag:s21], $0x2800  }
0xbc: {  	[sflag:s21] =	ssyncset.done $0x0  }
0xbd: {  	[sflag:s21] =	ssyncadd.s32 $0xFFFFD800  }
0xbe: {  	s10 =	simm.s32 $0x100;
	_ =	swait.ge [sflag:s23], $0x2800  }
0xbf: {  	s11 =	simm.s32 $0x200;
	s12 =	rddreg [dreg:$0x4];
	[sflag:s23] =	ssyncset.done $0x0  }
.LBB2_2:
0xc0: {  	[sflag:s23] =	ssyncadd.s32 $0xFFFFD800;
	s12 =	sadd.s32 s10, s12  }
0xc1: {  	[tilespmem:s3], [sflag:$0x7] =	stream.linear.gather [hbm4b:s12+s3], $0x800, $0x38;
	[tilespmem:$0x1E8C0] =	vst v63  }
0xc2: {  	_ =	swait.ge [sflag:s13], $0x800  }
0xc3: {  	s12 =	rddreg [dreg:$0x3];
	[sflag:s13] =	ssyncset.done $0x0  }
0xc4: {  	[sflag:s13] =	ssyncadd.s32 $0xFFFFF800;
	s12 =	sadd.s32 s10, s12  }
0xc5: {  	[tilespmem:s14], [sflag:$0x7] =	stream.linear.gather [hbm4b:s12+s3], $0x800, $0x38;
	[tilespmem:$0x1E8C0] =	vst v63  }
0xc6: {  	_ =	swait.ge [sflag:s13], $0x800  }
0xc7: {  	[sflag:s13] =	ssyncset.done $0x0  }
0xc8: {  	s9 =	smov.u32 s11;
	[sflag:s13] =	ssyncadd.s32 $0xFFFFF800  }
0xc9: {  	[tilespmem:s16], [sflag:$0x1] =	stream.indirect.gather [hbm4b:s4+s15], $0x80, s3, s15, $0xb8;
	[tilespmem:$0x1E8C0] =	vst v63  }
0xca: {  	s10 =	smov.u32 s9;
	s9 =	rddreg [dreg:$0x5]  }
0xcb: {  	[tilespmem:s17], [sflag:$0x2] =	stream.indirect.gather [hbm4b:s4+s15], $0x80, s9, s15, $0xb8;
	[tilespmem:$0x1E8C0] =	vst v63  }
0xcc: {  	s12 =	rddreg [dreg:$0x6]  }
0xcd: {  	[tilespmem:s18], [sflag:$0x3] =	stream.indirect.gather [hbm4b:s4+s15], $0x80, s12, s15, $0xb8;
	[tilespmem:$0x1E8C0] =	vst v63  }
0xce: {  	s9 =	rddreg [dreg:$0x7]  }
0xcf: {  	[tilespmem:s19], [sflag:$0x4] =	stream.indirect.gather [hbm4b:s4+s15], $0x80, s9, s15, $0xb8;
	[tilespmem:$0x1E8C0] =	vst v63  }
0xd0: {  	_ =	swait.ge [sflag:s20], $0x2800  }
0xd1: {  	[sflag:s20] =	ssyncset.done $0x0  }
0xd2: {  	[sflag:s20] =	ssyncadd.s32 $0xFFFFD800  }
0xd3: {  	[spmem:s1] =	stream.indirect.scatter.add.f32 [tilespmem:s16], [sflag:$0x5], $0x80, s14, s15, $0xb8;
	[tilespmem:$0x1E8C0] =	vst v63  }
0xd4: {  	_ =	swait.ge [sflag:s21], $0x2800  }
0xd5: {  	[sflag:s21] =	ssyncset.done $0x0  }
0xd6: {  	s12 =	rddreg [dreg:$0x8];
	[sflag:s21] =	ssyncadd.s32 $0xFFFFD800  }
0xd7: {  	[tilespmem:s16], [sflag:$0x1] =	stream.indirect.gather [hbm4b:s4+s15], $0x80, s12, s15, $0xb8;
	[tilespmem:$0x1E8C0] =	vst v63  }
0xd8: {  	_ =	swait.ge [sflag:s22], $0x2800  }
0xd9: {  	[sflag:s22] =	ssyncset.done $0x0  }
0xda: {  	s12 =	rddreg [dreg:$0x9];
	[sflag:s22] =	ssyncadd.s32 $0xFFFFD800  }
0xdb: {  	[spmem:s1] =	stream.indirect.scatter.add.f32 [tilespmem:s17], [sflag:$0x6], $0x80, s12, s15, $0xb8;
	[tilespmem:$0x1E8C0] =	vst v63  }
0xdc: {  	_ =	swait.ge [sflag:s23], $0x2800  }
0xdd: {  	[sflag:s23] =	ssyncset.done $0x0  }
0xde: {  	s12 =	rddreg [dreg:$0xa];
	[sflag:s23] =	ssyncadd.s32 $0xFFFFD800  }
0xdf: {  	[tilespmem:s17], [sflag:$0x2] =	stream.indirect.gather [hbm4b:s4+s15], $0x80, s12, s15, $0xb8;
	[tilespmem:$0x1E8C0] =	vst v63  }
0xe0: {  	_ =	swait.ge [sflag:s24], $0x2800  }
0xe1: {  	[sflag:s24] =	ssyncset.done $0x0  }
0xe2: {  	s12 =	rddreg [dreg:$0xb];
	[sflag:s24] =	ssyncadd.s32 $0xFFFFD800  }
0xe3: {  	[spmem:s1] =	stream.indirect.scatter.add.f32 [tilespmem:s18], [sflag:$0x5], $0x80, s12, s15, $0xb8;
	[tilespmem:$0x1E8C0] =	vst v63  }
0xe4: {  	_ =	swait.ge [sflag:s21], $0x2800  }
0xe5: {  	[sflag:s21] =	ssyncset.done $0x0  }
0xe6: {  	s12 =	rddreg [dreg:$0xc];
	[sflag:s21] =	ssyncadd.s32 $0xFFFFD800  }
0xe7: {  	[tilespmem:s18], [sflag:$0x3] =	stream.indirect.gather [hbm4b:s4+s15], $0x80, s12, s15, $0xb8;
	[tilespmem:$0x1E8C0] =	vst v63  }
0xe8: {  	_ =	swait.ge [sflag:s25], $0x2800  }
0xe9: {  	[sflag:s25] =	ssyncset.done $0x0  }
0xea: {  	s12 =	rddreg [dreg:$0xd];
	[sflag:s25] =	ssyncadd.s32 $0xFFFFD800  }
0xeb: {  	[spmem:s1] =	stream.indirect.scatter.add.f32 [tilespmem:s19], [sflag:$0x6], $0x80, s12, s15, $0xb8;
	[tilespmem:$0x1E8C0] =	vst v63  }
0xec: {  	_ =	swait.ge [sflag:s23], $0x2800  }
0xed: {  	[sflag:s23] =	ssyncset.done $0x0  }
0xee: {  	s12 =	rddreg [dreg:$0xe];
	[sflag:s23] =	ssyncadd.s32 $0xFFFFD800  }
0xef: {  	[tilespmem:s19], [sflag:$0x4] =	stream.indirect.gather [hbm4b:s4+s15], $0x80, s12, s15, $0xb8;
	[tilespmem:$0x1E8C0] =	vst v63  }
0xf0: {  	_ =	swait.ge [sflag:s20], $0x2800  }
0xf1: {  	[sflag:s20] =	ssyncset.done $0x0  }
0xf2: {  	s12 =	rddreg [dreg:$0xf];
	[sflag:s20] =	ssyncadd.s32 $0xFFFFD800  }
0xf3: {  	[spmem:s1] =	stream.indirect.scatter.add.f32 [tilespmem:s16], [sflag:$0x5], $0x80, s12, s15, $0xb8;
	[tilespmem:$0x1E8C0] =	vst v63  }
0xf4: {  	_ =	swait.ge [sflag:s21], $0x2800  }
0xf5: {  	[sflag:s21] =	ssyncset.done $0x0  }
0xf6: {  	s12 =	rddreg [dreg:$0x10];
	[sflag:s21] =	ssyncadd.s32 $0xFFFFD800  }
0xf7: {  	[tilespmem:s16], [sflag:$0x1] =	stream.indirect.gather [hbm4b:s4+s15], $0x80, s12, s15, $0xb8;
	[tilespmem:$0x1E8C0] =	vst v63  }
0xf8: {  	_ =	swait.ge [sflag:s22], $0x2800  }
0xf9: {  	[sflag:s22] =	ssyncset.done $0x0  }
0xfa: {  	s12 =	rddreg [dreg:$0x11];
	[sflag:s22] =	ssyncadd.s32 $0xFFFFD800  }
0xfb: {  	[spmem:s1] =	stream.indirect.scatter.add.f32 [tilespmem:s17], [sflag:$0x6], $0x80, s12, s15, $0xb8;
	[tilespmem:$0x1E8C0] =	vst v63  }
0xfc: {  	_ =	swait.ge [sflag:s23], $0x2800  }
0xfd: {  	[sflag:s23] =	ssyncset.done $0x0  }
0xfe: {  	s12 =	rddreg [dreg:$0x12];
	[sflag:s23] =	ssyncadd.s32 $0xFFFFD800  }
0xff: {  	[tilespmem:s17], [sflag:$0x2] =	stream.indirect.gather [hbm4b:s4+s15], $0x80, s12, s15, $0xb8;
	[tilespmem:$0x1E8C0] =	vst v63  }
0x100: {  	_ =	swait.ge [sflag:s24], $0x2800  }
0x101: {  	[sflag:s24] =	ssyncset.done $0x0  }
0x102: {  	s12 =	rddreg [dreg:$0x13];
	[sflag:s24] =	ssyncadd.s32 $0xFFFFD800  }
0x103: {  	[spmem:s1] =	stream.indirect.scatter.add.f32 [tilespmem:s18], [sflag:$0x5], $0x80, s12, s15, $0xb8;
	[tilespmem:$0x1E8C0] =	vst v63  }
0x104: {  	_ =	swait.ge [sflag:s21], $0x2800  }
0x105: {  	[sflag:s21] =	ssyncset.done $0x0  }
0x106: {  	s12 =	rddreg [dreg:$0x14];
	[sflag:s21] =	ssyncadd.s32 $0xFFFFD800  }
0x107: {  	[tilespmem:s18], [sflag:$0x3] =	stream.indirect.gather [hbm4b:s4+s15], $0x80, s12, s15, $0xb8;
	[tilespmem:$0x1E8C0] =	vst v63  }
0x108: {  	_ =	swait.ge [sflag:s25], $0x2800  }
0x109: {  	[sflag:s25] =	ssyncset.done $0x0  }
0x10a: {  	s12 =	rddreg [dreg:$0x15];
	[sflag:s25] =	ssyncadd.s32 $0xFFFFD800  }
0x10b: {  	[spmem:s1] =	stream.indirect.scatter.add.f32 [tilespmem:s19], [sflag:$0x6], $0x80, s12, s15, $0xb8;
	[tilespmem:$0x1E8C0] =	vst v63  }
0x10c: {  	_ =	swait.ge [sflag:s23], $0x2800  }
0x10d: {  	[sflag:s23] =	ssyncset.done $0x0  }
0x10e: {  	s12 =	rddreg [dreg:$0x16];
	[sflag:s23] =	ssyncadd.s32 $0xFFFFD800  }
0x10f: {  	[tilespmem:s19], [sflag:$0x4] =	stream.indirect.gather [hbm4b:s4+s15], $0x80, s12, s15, $0xb8;
	[tilespmem:$0x1E8C0] =	vst v63  }
0x110: {  	_ =	swait.ge [sflag:s20], $0x2800  }
0x111: {  	[sflag:s20] =	ssyncset.done $0x0  }
0x112: {  	s12 =	rddreg [dreg:$0x17];
	[sflag:s20] =	ssyncadd.s32 $0xFFFFD800  }
0x113: {  	[spmem:s1] =	stream.indirect.scatter.add.f32 [tilespmem:s16], [sflag:$0x5], $0x80, s12, s15, $0xb8;
	[tilespmem:$0x1E8C0] =	vst v63  }
0x114: {  	_ =	swait.ge [sflag:s21], $0x2800  }
0x115: {  	[sflag:s21] =	ssyncset.done $0x0  }
0x116: {  	[sflag:s21] =	ssyncadd.s32 $0xFFFFD800  }
0x117: {  	[tilespmem:s16], [sflag:$0x1] =	stream.indirect.gather [hbm4b:s4+s15], $0x80, s26, s15, $0xb8;
	[tilespmem:$0x1E8C0] =	vst v63  }
0x118: {  	_ =	swait.ge [sflag:s22], $0x2800  }
0x119: {  	[sflag:s22] =	ssyncset.done $0x0  }
0x11a: {  	[sflag:s22] =	ssyncadd.s32 $0xFFFFD800  }
0x11b: {  	[spmem:s1] =	stream.indirect.scatter.add.f32 [tilespmem:s17], [sflag:$0x6], $0x80, s28, s15, $0xb8;
	[tilespmem:$0x1E8C0] =	vst v63  }
0x11c: {  	_ =	swait.ge [sflag:s23], $0x2800  }
0x11d: {  	[sflag:s23] =	ssyncset.done $0x0  }
0x11e: {  	[sflag:s23] =	ssyncadd.s32 $0xFFFFD800  }
0x11f: {  	[tilespmem:s17], [sflag:$0x2] =	stream.indirect.gather [hbm4b:s4+s15], $0x80, s29, s15, $0xb8;
	[tilespmem:$0x1E8C0] =	vst v63  }
0x120: {  	_ =	swait.ge [sflag:s24], $0x2800  }
0x121: {  	[sflag:s24] =	ssyncset.done $0x0  }
0x122: {  	[sflag:s24] =	ssyncadd.s32 $0xFFFFD800  }
0x123: {  	[spmem:s1] =	stream.indirect.scatter.add.f32 [tilespmem:s18], [sflag:$0x5], $0x80, s30, s15, $0xb8;
	[tilespmem:$0x1E8C0] =	vst v63  }
0x124: {  	_ =	swait.ge [sflag:s21], $0x2800  }
0x125: {  	[sflag:s21] =	ssyncset.done $0x0  }
0x126: {  	[sflag:s21] =	ssyncadd.s32 $0xFFFFD800  }
0x127: {  	[tilespmem:s18], [sflag:$0x3] =	stream.indirect.gather [hbm4b:s4+s15], $0x80, s31, s15, $0xb8;
	[tilespmem:$0x1E8C0] =	vst v63  }
0x128: {  	_ =	swait.ge [sflag:s25], $0x2800  }
0x129: {  	[sflag:s25] =	ssyncset.done $0x0  }
0x12a: {  	[sflag:s25] =	ssyncadd.s32 $0xFFFFD800  }
0x12b: {  	[spmem:s1] =	stream.indirect.scatter.add.f32 [tilespmem:s19], [sflag:$0x6], $0x80, s0, s15, $0xb8;
	[tilespmem:$0x1E8C0] =	vst v63  }
0x12c: {  	_ =	swait.ge [sflag:s23], $0x2800  }
0x12d: {  	[sflag:s23] =	ssyncset.done $0x0  }
0x12e: {  	[sflag:s23] =	ssyncadd.s32 $0xFFFFD800  }
0x12f: {  	[tilespmem:s19], [sflag:$0x4] =	stream.indirect.gather [hbm4b:s4+s15], $0x80, s2, s15, $0xb8;
	[tilespmem:$0x1E8C0] =	vst v63  }
0x130: {  	_ =	swait.ge [sflag:s20], $0x2800  }
0x131: {  	[sflag:s20] =	ssyncset.done $0x0  }
0x132: {  	[sflag:s20] =	ssyncadd.s32 $0xFFFFD800  }
0x133: {  	[spmem:s1] =	stream.indirect.scatter.add.f32 [tilespmem:s16], [sflag:$0x5], $0x80, s5, s15, $0xb8;
	[tilespmem:$0x1E8C0] =	vst v63  }
0x134: {  	_ =	swait.ge [sflag:s22], $0x2800  }
0x135: {  	[sflag:s22] =	ssyncset.done $0x0  }
0x136: {  	[sflag:s22] =	ssyncadd.s32 $0xFFFFD800  }
0x137: {  	[spmem:s1] =	stream.indirect.scatter.add.f32 [tilespmem:s17], [sflag:$0x6], $0x80, s6, s15, $0xb8;
	[tilespmem:$0x1E8C0] =	vst v63  }
0x138: {  	_ =	swait.ge [sflag:s24], $0x2800  }
0x139: {  	[sflag:s24] =	ssyncset.done $0x0  }
0x13a: {  	[sflag:s24] =	ssyncadd.s32 $0xFFFFD800  }
0x13b: {  	[spmem:s1] =	stream.indirect.scatter.add.f32 [tilespmem:s18], [sflag:$0x5], $0x80, s7, s15, $0xb8;
	[tilespmem:$0x1E8C0] =	vst v63  }
0x13c: {  	_ =	swait.ge [sflag:s25], $0x2800  }
0x13d: {  	[sflag:s25] =	ssyncset.done $0x0  }
0x13e: {  	[sflag:s25] =	ssyncadd.s32 $0xFFFFD800  }
0x13f: {  	[spmem:s1] =	stream.indirect.scatter.add.f32 [tilespmem:s19], [sflag:$0x6], $0x80, s8, s15, $0xb8;
	[tilespmem:$0x1E8C0] =	vst v63  }
0x140: {  	_ =	swait.ge [sflag:s21], $0x2800  }
0x141: {  	[sflag:s21] =	ssyncset.done $0x0  }
0x142: {  	[sflag:s21] =	ssyncadd.s32 $0xFFFFD800  }
0x143: {  	_ =	swait.ge [sflag:s23], $0x2800  }
0x144: {  	[sflag:s23] =	ssyncset.done $0x0  }
0x145: {  	p1 =	sne.s32 s11, $0x700;
	[sflag:s23] =	ssyncadd.s32 $0xFFFFD800  }
.Ltmp0:
0x146: {  	_ =	swait.ge [sflag:s21], $0x2800;
	(pc) =	sbr.rel @p1 .LBB2_2-.Ltmp0, $4  }
0x147: {  	[sflag:s21] =	ssyncset.done $0x0  }
0x148: {  	[sflag:s21] =	ssyncadd.s32 $0xFFFFD800  }
0x149: {  	_ =	swait.ge [sflag:s23], $0x2800  }
0x14a: {  	s11 =	sadd.s32 $0x100, s11;
	s12 =	rddreg [dreg:$0x4];
	[sflag:s23] =	ssyncset.done $0x0  }
0x14b: {  	[sflag:s23] =	ssyncadd.s32 $0xFFFFD800;
	s9 =	sadd.s32 s10, s12  }
0x14c: {  	[tilespmem:s3], [sflag:$0x7] =	stream.linear.gather [hbm4b:s9+s3], $0x800, $0x38;
	[tilespmem:$0x1E8C0] =	vst v63  }
0x14d: {  	_ =	swait.ge [sflag:s13], $0x800  }
0x14e: {  	s12 =	rddreg [dreg:$0x3];
	[sflag:s13] =	ssyncset.done $0x0  }
0x14f: {  	[sflag:s13] =	ssyncadd.s32 $0xFFFFF800;
	s9 =	sadd.s32 s10, s12  }
0x150: {  	[tilespmem:s14], [sflag:$0x7] =	stream.linear.gather [hbm4b:s9+s3], $0x800, $0x38;
	[tilespmem:$0x1E8C0] =	vst v63  }
0x151: {  	_ =	swait.ge [sflag:s13], $0x800  }
0x152: {  	[sflag:s13] =	ssyncset.done $0x0  }
0x153: {  	[sflag:s13] =	ssyncadd.s32 $0xFFFFF800  }
0x154: {  	[tilespmem:s16], [sflag:$0x1] =	stream.indirect.gather [hbm4b:s4+s15], $0x80, s3, s15, $0xb8;
	[tilespmem:$0x1E8C0] =	vst v63  }
0x155: {  	s11 =	rddreg [dreg:$0x5]  }
0x156: {  	[tilespmem:s17], [sflag:$0x2] =	stream.indirect.gather [hbm4b:s4+s15], $0x80, s11, s15, $0xb8;
	[tilespmem:$0x1E8C0] =	vst v63  }
0x157: {  	s12 =	rddreg [dreg:$0x6]  }
0x158: {  	[tilespmem:s18], [sflag:$0x3] =	stream.indirect.gather [hbm4b:s4+s15], $0x80, s12, s15, $0xb8;
	[tilespmem:$0x1E8C0] =	vst v63  }
0x159: {  	s11 =	rddreg [dreg:$0x7]  }
0x15a: {  	[tilespmem:s19], [sflag:$0x4] =	stream.indirect.gather [hbm4b:s4+s15], $0x80, s11, s15, $0xb8;
	[tilespmem:$0x1E8C0] =	vst v63  }
0x15b: {  	_ =	swait.ge [sflag:s20], $0x2800  }
0x15c: {  	[sflag:s20] =	ssyncset.done $0x0  }
0x15d: {  	[sflag:s20] =	ssyncadd.s32 $0xFFFFD800  }
0x15e: {  	[spmem:s1] =	stream.indirect.scatter.add.f32 [tilespmem:s16], [sflag:$0x5], $0x80, s14, s15, $0xb8;
	[tilespmem:$0x1E8C0] =	vst v63  }
0x15f: {  	_ =	swait.ge [sflag:s21], $0x2800  }
0x160: {  	[sflag:s21] =	ssyncset.done $0x0  }
0x161: {  	s12 =	rddreg [dreg:$0x8];
	[sflag:s21] =	ssyncadd.s32 $0xFFFFD800  }
0x162: {  	[tilespmem:s16], [sflag:$0x1] =	stream.indirect.gather [hbm4b:s4+s15], $0x80, s12, s15, $0xb8;
	[tilespmem:$0x1E8C0] =	vst v63  }
0x163: {  	_ =	swait.ge [sflag:s22], $0x2800  }
0x164: {  	[sflag:s22] =	ssyncset.done $0x0  }
0x165: {  	s10 =	rddreg [dreg:$0x9];
	[sflag:s22] =	ssyncadd.s32 $0xFFFFD800  }
0x166: {  	[spmem:s1] =	stream.indirect.scatter.add.f32 [tilespmem:s17], [sflag:$0x6], $0x80, s10, s15, $0xb8;
	[tilespmem:$0x1E8C0] =	vst v63  }
0x167: {  	_ =	swait.ge [sflag:s23], $0x2800  }
0x168: {  	[sflag:s23] =	ssyncset.done $0x0  }
0x169: {  	s11 =	rddreg [dreg:$0xa];
	[sflag:s23] =	ssyncadd.s32 $0xFFFFD800  }
0x16a: {  	[tilespmem:s17], [sflag:$0x2] =	stream.indirect.gather [hbm4b:s4+s15], $0x80, s11, s15, $0xb8;
	[tilespmem:$0x1E8C0] =	vst v63  }
0x16b: {  	_ =	swait.ge [sflag:s24], $0x2800  }
0x16c: {  	[sflag:s24] =	ssyncset.done $0x0  }
0x16d: {  	s12 =	rddreg [dreg:$0xb];
	[sflag:s24] =	ssyncadd.s32 $0xFFFFD800  }
0x16e: {  	[spmem:s1] =	stream.indirect.scatter.add.f32 [tilespmem:s18], [sflag:$0x5], $0x80, s12, s15, $0xb8;
	[tilespmem:$0x1E8C0] =	vst v63  }
0x16f: {  	_ =	swait.ge [sflag:s21], $0x2800  }
0x170: {  	[sflag:s21] =	ssyncset.done $0x0  }
0x171: {  	s10 =	rddreg [dreg:$0xc];
	[sflag:s21] =	ssyncadd.s32 $0xFFFFD800  }
0x172: {  	[tilespmem:s18], [sflag:$0x3] =	stream.indirect.gather [hbm4b:s4+s15], $0x80, s10, s15, $0xb8;
	[tilespmem:$0x1E8C0] =	vst v63  }
0x173: {  	_ =	swait.ge [sflag:s25], $0x2800  }
0x174: {  	[sflag:s25] =	ssyncset.done $0x0  }
0x175: {  	s11 =	rddreg [dreg:$0xd];
	[sflag:s25] =	ssyncadd.s32 $0xFFFFD800  }
0x176: {  	[spmem:s1] =	stream.indirect.scatter.add.f32 [tilespmem:s19], [sflag:$0x6], $0x80, s11, s15, $0xb8;
	[tilespmem:$0x1E8C0] =	vst v63  }
0x177: {  	_ =	swait.ge [sflag:s23], $0x2800  }
0x178: {  	[sflag:s23] =	ssyncset.done $0x0  }
0x179: {  	s12 =	rddreg [dreg:$0xe];
	[sflag:s23] =	ssyncadd.s32 $0xFFFFD800  }
0x17a: {  	[tilespmem:s19], [sflag:$0x4] =	stream.indirect.gather [hbm4b:s4+s15], $0x80, s12, s15, $0xb8;
	[tilespmem:$0x1E8C0] =	vst v63  }
0x17b: {  	_ =	swait.ge [sflag:s20], $0x2800  }
0x17c: {  	[sflag:s20] =	ssyncset.done $0x0  }
0x17d: {  	s10 =	rddreg [dreg:$0xf];
	[sflag:s20] =	ssyncadd.s32 $0xFFFFD800  }
0x17e: {  	[spmem:s1] =	stream.indirect.scatter.add.f32 [tilespmem:s16], [sflag:$0x5], $0x80, s10, s15, $0xb8;
	[tilespmem:$0x1E8C0] =	vst v63  }
0x17f: {  	_ =	swait.ge [sflag:s21], $0x2800  }
0x180: {  	[sflag:s21] =	ssyncset.done $0x0  }
0x181: {  	s11 =	rddreg [dreg:$0x10];
	[sflag:s21] =	ssyncadd.s32 $0xFFFFD800  }
0x182: {  	[tilespmem:s16], [sflag:$0x1] =	stream.indirect.gather [hbm4b:s4+s15], $0x80, s11, s15, $0xb8;
	[tilespmem:$0x1E8C0] =	vst v63  }
0x183: {  	_ =	swait.ge [sflag:s22], $0x2800  }
0x184: {  	[sflag:s22] =	ssyncset.done $0x0  }
0x185: {  	s12 =	rddreg [dreg:$0x11];
	[sflag:s22] =	ssyncadd.s32 $0xFFFFD800  }
0x186: {  	[spmem:s1] =	stream.indirect.scatter.add.f32 [tilespmem:s17], [sflag:$0x6], $0x80, s12, s15, $0xb8;
	[tilespmem:$0x1E8C0] =	vst v63  }
0x187: {  	_ =	swait.ge [sflag:s23], $0x2800  }
0x188: {  	[sflag:s23] =	ssyncset.done $0x0  }
0x189: {  	s10 =	rddreg [dreg:$0x12];
	[sflag:s23] =	ssyncadd.s32 $0xFFFFD800  }
0x18a: {  	[tilespmem:s17], [sflag:$0x2] =	stream.indirect.gather [hbm4b:s4+s15], $0x80, s10, s15, $0xb8;
	[tilespmem:$0x1E8C0] =	vst v63  }
0x18b: {  	_ =	swait.ge [sflag:s24], $0x2800  }
0x18c: {  	[sflag:s24] =	ssyncset.done $0x0  }
0x18d: {  	s11 =	rddreg [dreg:$0x13];
	[sflag:s24] =	ssyncadd.s32 $0xFFFFD800  }
0x18e: {  	[spmem:s1] =	stream.indirect.scatter.add.f32 [tilespmem:s18], [sflag:$0x5], $0x80, s11, s15, $0xb8;
	[tilespmem:$0x1E8C0] =	vst v63  }
0x18f: {  	_ =	swait.ge [sflag:s21], $0x2800  }
0x190: {  	[sflag:s21] =	ssyncset.done $0x0  }
0x191: {  	s12 =	rddreg [dreg:$0x14];
	[sflag:s21] =	ssyncadd.s32 $0xFFFFD800  }
0x192: {  	[tilespmem:s18], [sflag:$0x3] =	stream.indirect.gather [hbm4b:s4+s15], $0x80, s12, s15, $0xb8;
	[tilespmem:$0x1E8C0] =	vst v63  }
0x193: {  	_ =	swait.ge [sflag:s25], $0x2800  }
0x194: {  	[sflag:s25] =	ssyncset.done $0x0  }
0x195: {  	s10 =	rddreg [dreg:$0x15];
	[sflag:s25] =	ssyncadd.s32 $0xFFFFD800  }
0x196: {  	[spmem:s1] =	stream.indirect.scatter.add.f32 [tilespmem:s19], [sflag:$0x6], $0x80, s10, s15, $0xb8;
	[tilespmem:$0x1E8C0] =	vst v63  }
0x197: {  	_ =	swait.ge [sflag:s23], $0x2800  }
0x198: {  	[sflag:s23] =	ssyncset.done $0x0  }
0x199: {  	s11 =	rddreg [dreg:$0x16];
	[sflag:s23] =	ssyncadd.s32 $0xFFFFD800  }
0x19a: {  	[tilespmem:s19], [sflag:$0x4] =	stream.indirect.gather [hbm4b:s4+s15], $0x80, s11, s15, $0xb8;
	[tilespmem:$0x1E8C0] =	vst v63  }
0x19b: {  	_ =	swait.ge [sflag:s20], $0x2800  }
0x19c: {  	[sflag:s20] =	ssyncset.done $0x0  }
0x19d: {  	s12 =	rddreg [dreg:$0x17];
	[sflag:s20] =	ssyncadd.s32 $0xFFFFD800  }
0x19e: {  	[spmem:s1] =	stream.indirect.scatter.add.f32 [tilespmem:s16], [sflag:$0x5], $0x80, s12, s15, $0xb8;
	[tilespmem:$0x1E8C0] =	vst v63  }
0x19f: {  	_ =	swait.ge [sflag:s21], $0x2800  }
0x1a0: {  	[sflag:s21] =	ssyncset.done $0x0  }
0x1a1: {  	[sflag:s21] =	ssyncadd.s32 $0xFFFFD800  }
0x1a2: {  	[tilespmem:s16], [sflag:$0x1] =	stream.indirect.gather [hbm4b:s4+s15], $0x80, s26, s15, $0xb8;
	[tilespmem:$0x1E8C0] =	vst v63  }
0x1a3: {  	_ =	swait.ge [sflag:s22], $0x2800  }
0x1a4: {  	[sflag:s22] =	ssyncset.done $0x0  }
0x1a5: {  	[sflag:s22] =	ssyncadd.s32 $0xFFFFD800  }
0x1a6: {  	[spmem:s1] =	stream.indirect.scatter.add.f32 [tilespmem:s17], [sflag:$0x6], $0x80, s28, s15, $0xb8;
	[tilespmem:$0x1E8C0] =	vst v63  }
0x1a7: {  	_ =	swait.ge [sflag:s23], $0x2800  }
0x1a8: {  	[sflag:s23] =	ssyncset.done $0x0  }
0x1a9: {  	[sflag:s23] =	ssyncadd.s32 $0xFFFFD800  }
0x1aa: {  	[tilespmem:s17], [sflag:$0x2] =	stream.indirect.gather [hbm4b:s4+s15], $0x80, s29, s15, $0xb8;
	[tilespmem:$0x1E8C0] =	vst v63  }
0x1ab: {  	_ =	swait.ge [sflag:s24], $0x2800  }
0x1ac: {  	[sflag:s24] =	ssyncset.done $0x0  }
0x1ad: {  	[sflag:s24] =	ssyncadd.s32 $0xFFFFD800  }
0x1ae: {  	[spmem:s1] =	stream.indirect.scatter.add.f32 [tilespmem:s18], [sflag:$0x5], $0x80, s30, s15, $0xb8;
	[tilespmem:$0x1E8C0] =	vst v63  }
0x1af: {  	_ =	swait.ge [sflag:s21], $0x2800  }
0x1b0: {  	[sflag:s21] =	ssyncset.done $0x0  }
0x1b1: {  	[sflag:s21] =	ssyncadd.s32 $0xFFFFD800  }
0x1b2: {  	[tilespmem:s18], [sflag:$0x3] =	stream.indirect.gather [hbm4b:s4+s15], $0x80, s31, s15, $0xb8;
	[tilespmem:$0x1E8C0] =	vst v63  }
0x1b3: {  	_ =	swait.ge [sflag:s25], $0x2800  }
0x1b4: {  	[sflag:s25] =	ssyncset.done $0x0  }
0x1b5: {  	[sflag:s25] =	ssyncadd.s32 $0xFFFFD800  }
0x1b6: {  	[spmem:s1] =	stream.indirect.scatter.add.f32 [tilespmem:s19], [sflag:$0x6], $0x80, s0, s15, $0xb8;
	[tilespmem:$0x1E8C0] =	vst v63  }
0x1b7: {  	_ =	swait.ge [sflag:s23], $0x2800  }
0x1b8: {  	[sflag:s23] =	ssyncset.done $0x0  }
0x1b9: {  	[sflag:s23] =	ssyncadd.s32 $0xFFFFD800  }
0x1ba: {  	[tilespmem:s19], [sflag:$0x4] =	stream.indirect.gather [hbm4b:s4+s15], $0x80, s2, s15, $0xb8;
	[tilespmem:$0x1E8C0] =	vst v63  }
0x1bb: {  	_ =	swait.ge [sflag:s20], $0x2800  }
0x1bc: {  	[sflag:s20] =	ssyncset.done $0x0  }
0x1bd: {  	[sflag:s20] =	ssyncadd.s32 $0xFFFFD800  }
0x1be: {  	[spmem:s1] =	stream.indirect.scatter.add.f32 [tilespmem:s16], [sflag:$0x5], $0x80, s5, s15, $0xb8;
	[tilespmem:$0x1E8C0] =	vst v63  }
0x1bf: {  	_ =	swait.ge [sflag:s22], $0x2800  }
0x1c0: {  	[sflag:s22] =	ssyncset.done $0x0  }
0x1c1: {  	[sflag:s22] =	ssyncadd.s32 $0xFFFFD800  }
0x1c2: {  	[spmem:s1] =	stream.indirect.scatter.add.f32 [tilespmem:s17], [sflag:$0x6], $0x80, s6, s15, $0xb8;
	[tilespmem:$0x1E8C0] =	vst v63  }
0x1c3: {  	_ =	swait.ge [sflag:s24], $0x2800  }
0x1c4: {  	[sflag:s24] =	ssyncset.done $0x0  }
0x1c5: {  	[sflag:s24] =	ssyncadd.s32 $0xFFFFD800  }
0x1c6: {  	[spmem:s1] =	stream.indirect.scatter.add.f32 [tilespmem:s18], [sflag:$0x5], $0x80, s7, s15, $0xb8;
	[tilespmem:$0x1E8C0] =	vst v63  }
0x1c7: {  	_ =	swait.ge [sflag:s25], $0x2800  }
0x1c8: {  	[sflag:s25] =	ssyncset.done $0x0  }
0x1c9: {  	[sflag:s25] =	ssyncadd.s32 $0xFFFFD800  }
0x1ca: {  	[spmem:s1] =	stream.indirect.scatter.add.f32 [tilespmem:s19], [sflag:$0x6], $0x80, s8, s15, $0xb8;
	[tilespmem:$0x1E8C0] =	vst v63  }
0x1cb: {  	_ =	swait.ge [sflag:s21], $0x2800  }
0x1cc: {  	[sflag:s21] =	ssyncset.done $0x0  }
0x1cd: {  	[sflag:s21] =	ssyncadd.s32 $0xFFFFD800  }
0x1ce: {  	_ =	swait.ge [sflag:s23], $0x2800  }
0x1cf: {  	[sflag:s23] =	ssyncset.done $0x0  }
0x1d0: {  	[sflag:s23] =	ssyncadd.s32 $0xFFFFD800  }
0x1d1: {  	_ =	swait.ge [sflag:s21], $0x2800  }
0x1d2: {  	[sflag:s21] =	ssyncset.done $0x0  }
0x1d3: {  	[sflag:s21] =	ssyncadd.s32 $0xFFFFD800  }
0x1d4: {  	_ =	swait.ge [sflag:s23], $0x2800  }
0x1d5: {  	[sflag:s23] =	ssyncset.done $0x0  }
0x1d6: {  	[sflag:s23] =	ssyncadd.s32 $0xFFFFD800  }
0x1d7: {  	[bflag:$0x0] =	sbarrier.arrive $0xFFFF  }
0x1d8: {  	s10 =	rddreg [dreg:$0x1b]  }
0x1d9: {  	s9 =	simm.s32 @p0 $0x1FC7;
	s11 =	rddreg [dreg:$0x1d]  }
0x1da: {  	[hbm:s10], [sflag:s9] =	dma.local @p0 [spmem:s11], $0x2080  }
0x1db: {  	s9 =	simm.s32 @p0 $0x7  }
0x1dc: {  	_ =	swait.ge @p0 [sflag:s9], $0x2080  }
0x1dd: {  	s11 =	rddreg [dreg:$0x1e]  }
0x1de: {  	[sflag:s9] =	ssyncset.done @p0 $0x0;
	s10 =	rddreg [dreg:$0x1f]  }
0x1df: {  	[sflag:s9] =	ssyncadd.s32 @p0 $0xFFFFDF80;
	s9 =	rddreg [dreg:$0x1a]  }
0x1e0: {  	[hbm:s9], [sflag:s11] =	dma.local @!p0 [spmem:s10], $0x2780  }
0x1e1: {  	s9 =	simm.s32 @!p0 $0x7  }
0x1e2: {  	_ =	swait.ge @!p0 [sflag:s9], $0x2780  }
0x1e3: {  	s10 =	sld [smem:$0x7FD];
	_ =	sdelay $0x2  }
0x1e4: {  	s12 =	sadd.s32 $0x1, s10;
	s10 =	rddreg [dreg:$0x1c]  }
0x1e5: {  	p1 =	sne.s32 s12, s10  }
.Ltmp1:
0x1e6: {  	_ = 	snop;
	(pc) =	sbr.rel @p1 .LBB2_1-.Ltmp1, $3  }
0x1e7: {  	_ =	sdelay $0x1  }
0x1e8: {  	[sflag:s9] =	ssyncset.done @!p0 $0x0;
	[smem:$0x7FD] =	sst s12  }
0x1e9: {  	[sflag:s9] =	ssyncadd.s32 @!p0 $0xFFFFD880;
	s12 =	rddreg [dreg:$0x1d]  }
0x1ea: {  	_ =	sfence.sel $0x180000  }
0x1eb: {  	[bflag:$0x0] =	sbarrier.arrive $0xFFFF  }
0x1ec: {  	_ =	strace $0x90000050  }
0x1ed: {  	s0 =	stileid.u32;
	[bflag:$0x2] =	sbarrier.arrive $0xFFFF  }
0x1ee: {  	p0 =	sne.s32 s0, $0x0;
	s0 =	rddreg [dreg:$0x2]  }
0x1ef: {  	s0 =	sadd.s32 @!p0 $0x100000, s0  }
0x1f0: {  	[sflag:s0] =	ssyncadd.tile.s32 @!p0 $0x1;
	_ =	shalt  }
.Lfunc_end2:
_tile_overlayer_lowered:
.L_overlay_start_2:
0x1f1: {  	(tag) =	ssettag $0x2  }
0x1f2: {  	s0 =	rddreg [dreg:$0x0];
	s2 =	stileid.u32  }
0x1f3: {  	s1 =	rddreg [dreg:$0x1];
	p0 =	sne.s32 s2, $0x0  }
0x1f4: {  	s3 =	rddreg [dreg:$0x2];
	[bflag:$0x3] =	sbarrier.arrive $0xFFFF;
	s2 =	simm.s32 @!p0 $0x1C07  }
0x1f5: {  	[timem:s3], [sflag:s2] =	dma.local @!p0 [hbm:s0], s1  }
0x1f6: {  	s0 =	simm.s32 @!p0 $0x7  }
0x1f7: {  	_ =	swait.ge @!p0 [sflag:s0], s1  }
0x1f8: {  	s1 =	ssub.s32 @!p0 $0x0, s1;
	[sflag:s0] =	ssyncset.done @!p0 $0x0  }
0x1f9: {  	[sflag:s0] =	ssyncadd.s32 @!p0 s1  }
0x1fa: {  	[bflag:$0x3] =	sbarrier.arrive $0xFFFF  }
0x1fb: {  	_ =	shalt  }

</sc_bundles>
